<compile_context>
chip_gen: v7x
topology: tpu7x:2x2x1
jax: 0.10.2.dev20260603
libtpu: 0.0.44.dev20260713+nightly
codegen_flags: <defaults>
</compile_context>

<pallas_src>
import functools

import jax
import jax.numpy as jnp
from jax import lax
from jax.experimental import pallas as pl
from jax.experimental.pallas import tpu as pltpu
from jax.experimental.pallas import tpu_sc as plsc

B, F, L, V, D, H = 1024, 33, 20, 100000, 16, 256

NC, NS = 2, 16
NW = NC * NS
PAIRS = B * F
PPW = PAIRS // NW
PPC = 6
CHUNK = PPC * L
NCHUNKS = PPW // PPC
NBUF = 4


def _pool_body(idx_hbm, tables_hbm, out_hbm, idx_v, rows_v, out_v,
               *sems):
    wid = lax.axis_index("s") * NC + lax.axis_index("c")
    pltpu.sync_copy(idx_hbm.at[wid], idx_v)

    for b in range(NBUF):
        pltpu.async_copy(tables_hbm.at[idx_v.at[b]], rows_v.at[b], sems[b])

    def body(g, carry):
        for b in range(NBUF):
            c = g * NBUF + b
            pltpu.make_async_copy(
                tables_hbm.at[idx_v.at[c]], rows_v.at[b], sems[b]
            ).wait()
            for p in range(PPC):
                acc = rows_v[b, p * L, :]
                for j in range(1, L):
                    acc = acc + rows_v[b, p * L + j, :]
                out_v[c * PPC + p, :] = acc * (1.0 / L)
            nxt = c + NBUF

            @pl.when(nxt < NCHUNKS)
            def _():
                pltpu.async_copy(
                    tables_hbm.at[idx_v.at[nxt]], rows_v.at[b], sems[b]
                )

        return carry

    lax.fori_loop(0, NCHUNKS // NBUF, body, 0)
    pltpu.sync_copy(out_v, out_hbm.at[pl.ds(wid * PPW, PPW)])


@functools.cache
def _pool_kernel():
    return functools.partial(
        pl.kernel,
        out_type=jax.ShapeDtypeStruct((PAIRS, D), jnp.float32),
        mesh=plsc.VectorSubcoreMesh(
            core_axis_name="c", subcore_axis_name="s",
            num_cores=NC, num_subcores=NS,
        ),
        compiler_params=pltpu.CompilerParams(use_tc_tiling_on_sc=False),
        scratch_types=[
            pltpu.VMEM((NCHUNKS, CHUNK), jnp.int32),
            pltpu.VMEM((NBUF, CHUNK, D), jnp.float32),
            pltpu.VMEM((PPW, D), jnp.float32),
        ] + [pltpu.SemaphoreType.DMA] * NBUF,
    )(_pool_body)


VCHUNK = 16384
NVC = 7
VSTRIDE = NVC * VCHUNK
KW = VCHUNK // 8


def _transpose_body(src_ref, dst_ref):
    x = src_ref[0]
    xbig = jnp.concatenate(
        [x[:, KW * k:KW * (k + 1)] for k in range(8)], axis=0
    )
    dst_ref[:] = jnp.transpose(xbig, (1, 0))


def _transpose_table(tables_t):
    return pl.pallas_call(
        _transpose_body,
        grid=(F, NVC),
        in_specs=[pl.BlockSpec((1, D, VCHUNK), lambda f, c: (f, 0, c))],
        out_specs=pl.BlockSpec((VCHUNK // 8, 128), lambda f, c: (f * NVC + c, 0)),
        out_shape=jax.ShapeDtypeStruct((F * NVC * VCHUNK // 8, 128), jnp.float32),
    )(tables_t)


def _mlp_body(dense_ref, pooled_ref, w1d_ref, w1s_ref, b1_ref, w2_ref, b2_ref,
              out_ref):
    h = jnp.dot(pooled_ref[:], w1s_ref[:],
                preferred_element_type=jnp.float32,
                precision=lax.Precision.HIGHEST)
    df = dense_ref[:] * jnp.float32(D)
    for k in range(3):
        h = h + df[:, k:k + 1] * w1d_ref[k:k + 1, :]
    h = jnp.maximum(h + b1_ref[:], 0.0)
    o = jnp.sum(h * w2_ref[:], axis=1, keepdims=True) + b2_ref[:]
    m = jnp.max(o)
    e = jnp.exp(o - m)
    out_ref[:] = e / jnp.sum(e)


def kernel(dense, sparse_idx, tables, W1, b1, W2, b2):
    vv = sparse_idx.astype(jnp.int32)
    c = vv >> 14
    t = vv & (VCHUNK - 1)
    k = t // KW
    r = t % KW
    f_ids = jnp.arange(F, dtype=jnp.int32)[None, :, None]
    gr = ((f_ids * NVC + c) * KW + r) * 8 + k
    flat_idx = gr.reshape(NW, NCHUNKS, CHUNK)
    tables_t = jnp.transpose(tables, (0, 2, 1))
    tables_flat = _transpose_table(tables_t).reshape(F * VSTRIDE, D)

    pooled = _pool_kernel()(flat_idx, tables_flat)
    pooled = pooled.reshape(B, F * D)

    out = pl.pallas_call(
        _mlp_body,
        out_shape=jax.ShapeDtypeStruct((B, 1), jnp.float32),
    )(dense, pooled, W1[:3], W1[3:], b1.reshape(1, H), W2.reshape(1, H),
      b2.reshape(1, 1))
    return out

# --- scband reference (transcript-rebuilt; emitter-appended) ---
"""Pipeline reference for scband-simple-nn-472446402661 (READ-ONLY COPY).

The authoritative reference and input builder live on the scoring server;
editing this copy changes nothing except your own understanding.
"""

import jax, jax.numpy as jnp
import numpy as np

B, F, L, V, D, H = 1024, 33, 20, 100000, 16, 256

def setup_inputs(seed: int = 0) -> dict:
    key = jax.random.key(seed)
    ks = jax.random.split(key, 6)
    dense = jax.random.uniform(ks[0], (B, 3), dtype=jnp.float32)
    sparse_idx = jax.random.randint(ks[1], (B, F, L), 0, V)
    tables = jax.random.normal(ks[2], (F, V, D), dtype=jnp.float32) * 0.01
    W1 = jax.random.normal(ks[3], (3 + F * D, H), dtype=jnp.float32) * 0.02
    b1 = jnp.zeros((H,), dtype=jnp.float32)
    W2 = jax.random.normal(ks[4], (H, 1), dtype=jnp.float32) * 0.02
    b2 = jnp.zeros((1,), dtype=jnp.float32)
    return {"dense": dense, "sparse_idx": sparse_idx, "tables": tables,
            "W1": W1, "b1": b1, "W2": W2, "b2": b2}

def reference(dense, sparse_idx, tables, W1, b1, W2, b2):
    # Dense features scaled by embedding_size (as in original forward)
    dense_feat = dense * float(D)
    # Per-field embedding lookup: tables[f, idx[b,f,l]] -> [B, F, L, D]
    field_ids = jnp.arange(F)[None, :, None]
    emb = tables[field_ids, sparse_idx]
    # Average over the items of each field (np.average in original)
    pooled = jnp.mean(emb, axis=2)  # [B, F, D]
    # 'input.extend(...)' -> concatenation of dense scalars and field embeddings
    feat = jnp.concatenate([dense_feat, pooled.reshape(B, F * D)], axis=1)
    h = jnp.maximum(feat @ W1 + b1, 0.0)
    out = h @ W2 + b2  # [B, 1]
    return jax.nn.softmax(out, axis=0)

if __name__ == "__main__":
    import jax
    _d = setup_inputs()
    print(jax.jit(kernel)(*tuple(_d.values())))

</pallas_src>

<mosaic_0001>
#map = affine_map<(d0, d1) -> (0, 0, 0)>
#map1 = affine_map<(d0, d1) -> (0, 0)>
module attributes {stable_mosaic.version = 14 : i64} {
  func.func @_pool_body(%arg0: i32, %arg1: i32, %arg2: memref<32x176x120xi32, #tpu.memory_space<hbm>>, %arg3: memref<3784704x16xf32, #tpu.memory_space<hbm>>, %arg4: memref<33792x16xf32, #tpu.memory_space<hbm>>, %arg5: memref<176x120xi32, #tpu.memory_space<vmem>>, %arg6: memref<4x120x16xf32, #tpu.memory_space<vmem>>, %arg7: memref<1056x16xf32, #tpu.memory_space<vmem>>, %arg8: memref<!tpu.dma_semaphore, #tpu.memory_space<semaphore_mem>>, %arg9: memref<!tpu.dma_semaphore, #tpu.memory_space<semaphore_mem>>, %arg10: memref<!tpu.dma_semaphore, #tpu.memory_space<semaphore_mem>>, %arg11: memref<!tpu.dma_semaphore, #tpu.memory_space<semaphore_mem>>) attributes {dimension_semantics = [#tpu.dimension_semantics<core_parallel>, #tpu.dimension_semantics<subcore_parallel>], iteration_bounds = array<i64: 2, 16>, scalar_prefetch = 0 : i64, scratch_operands = 7 : i64, tpu.core_type = #tpu.core_type<sc_vector_subcore>, window_params = [{transform_indices = #map}, {transform_indices = #map1}, {transform_indices = #map1}]} {
    %mul3A = arith.constant 2 : i32
    %mul3A_0 = arith.muli %arg1, %mul3A : i32
    %add3A = arith.addi %mul3A_0, %arg0 : i32
    "tpu.region"() ({
      %run_scoped3A = tpu.sem_alloc : memref<!tpu.dma_semaphore, #tpu.memory_space<semaphore_mem>>
      %dma_start3A_55 = arith.constant 0 : i32
      %dma_start3A_56 = arith.constant 0 : i32
      %dma_start3A_57 = tpu.memref_slice %arg2[%add3A, %dma_start3A_55, %dma_start3A_56] : memref<32x176x120xi32, #tpu.memory_space<hbm>> -> memref<1x176x120xi32, #tpu.memory_space<hbm>>
      %dma_start3A_58 = tpu.memref_squeeze %dma_start3A_57 : memref<1x176x120xi32, #tpu.memory_space<hbm>> -> memref<176x120xi32, #tpu.memory_space<hbm>>
      %dma_start3A_59 = arith.constant 0 : i32
      %dma_start3A_60 = arith.constant 0 : i32
      %dma_start3A_61 = tpu.memref_slice %arg2[%add3A, %dma_start3A_59, %dma_start3A_60] : memref<32x176x120xi32, #tpu.memory_space<hbm>> -> memref<1x176x120xi32, #tpu.memory_space<hbm>>
      %dma_start3A_62 = tpu.memref_squeeze %dma_start3A_61 : memref<1x176x120xi32, #tpu.memory_space<hbm>> -> memref<176x120xi32, #tpu.memory_space<hbm>>
      tpu.enqueue_dma source(%dma_start3A_62 : memref<176x120xi32, #tpu.memory_space<hbm>>) target(%arg5 : memref<176x120xi32, #tpu.memory_space<vmem>>) target_semaphore(%run_scoped3A : memref<!tpu.dma_semaphore, #tpu.memory_space<semaphore_mem>>)
      %dma_wait3A = arith.constant 0 : i32
      %dma_wait3A_63 = arith.constant 0 : i32
      %dma_wait3A_64 = tpu.memref_slice %arg2[%add3A, %dma_wait3A, %dma_wait3A_63] : memref<32x176x120xi32, #tpu.memory_space<hbm>> -> memref<1x176x120xi32, #tpu.memory_space<hbm>>
      %dma_wait3A_65 = tpu.memref_squeeze %dma_wait3A_64 : memref<1x176x120xi32, #tpu.memory_space<hbm>> -> memref<176x120xi32, #tpu.memory_space<hbm>>
      %dma_wait3A_66 = arith.constant 0 : i32
      %dma_wait3A_67 = arith.constant 0 : i32
      %dma_wait3A_68 = tpu.memref_slice %arg2[%add3A, %dma_wait3A_66, %dma_wait3A_67] : memref<32x176x120xi32, #tpu.memory_space<hbm>> -> memref<1x176x120xi32, #tpu.memory_space<hbm>>
      %dma_wait3A_69 = tpu.memref_squeeze %dma_wait3A_68 : memref<1x176x120xi32, #tpu.memory_space<hbm>> -> memref<176x120xi32, #tpu.memory_space<hbm>>
      tpu.wait_dma2 semaphore(%run_scoped3A : memref<!tpu.dma_semaphore, #tpu.memory_space<semaphore_mem>>) src(%dma_wait3A_69 : memref<176x120xi32, #tpu.memory_space<hbm>>) dst(%arg5 : memref<176x120xi32, #tpu.memory_space<vmem>>)
      tpu.yield
    }) : () -> ()
    %dma_start3A = arith.constant 0 : i32
    %dma_start3A_1 = arith.constant 0 : i32
    %dma_start3A_2 = arith.constant 0 : i32
    %dma_start3A_3 = arith.constant 0 : i32
    %dma_start3A_4 = tpu.memref_slice %arg6[%dma_start3A_1, %dma_start3A_2, %dma_start3A_3] : memref<4x120x16xf32, #tpu.memory_space<vmem>> -> memref<1x120x16xf32, #tpu.memory_space<vmem>>
    %dma_start3A_5 = tpu.memref_squeeze %dma_start3A_4 : memref<1x120x16xf32, #tpu.memory_space<vmem>> -> memref<120x16xf32, #tpu.memory_space<vmem>>
    %dma_start3A_6 = arith.constant 0 : i32
    %dma_start3A_7 = tpu.memref_slice %arg5[%dma_start3A, %dma_start3A_6] : memref<176x120xi32, #tpu.memory_space<vmem>> -> memref<1x120xi32, #tpu.memory_space<vmem>>
    %dma_start3A_8 = tpu.memref_squeeze %dma_start3A_7 : memref<1x120xi32, #tpu.memory_space<vmem>> -> memref<120xi32, #tpu.memory_space<vmem>>
    %dma_start3A_9 = arith.constant 0 : i32
    %dma_start3A_10 = arith.constant 0 : i32
    %dma_start3A_11 = tpu.memref_slice %arg3[%dma_start3A_9, %dma_start3A_10] : memref<3784704x16xf32, #tpu.memory_space<hbm>> -> memref<3784704x16xf32, #tpu.memory_space<hbm>>
    tpu.enqueue_indirect_dma source(%dma_start3A_11 : memref<3784704x16xf32, #tpu.memory_space<hbm>>) target(%dma_start3A_5 : memref<120x16xf32, #tpu.memory_space<vmem>>) offsets(%dma_start3A_8 : memref<120xi32, #tpu.memory_space<vmem>>) semaphore(%arg8 : memref<!tpu.dma_semaphore, #tpu.memory_space<semaphore_mem>>)
    %dma_start3A_12 = arith.constant 1 : i32
    %dma_start3A_13 = arith.constant 1 : i32
    %dma_start3A_14 = arith.constant 0 : i32
    %dma_start3A_15 = arith.constant 0 : i32
    %dma_start3A_16 = tpu.memref_slice %arg6[%dma_start3A_13, %dma_start3A_14, %dma_start3A_15] : memref<4x120x16xf32, #tpu.memory_space<vmem>> -> memref<1x120x16xf32, #tpu.memory_space<vmem>>
    %dma_start3A_17 = tpu.memref_squeeze %dma_start3A_16 : memref<1x120x16xf32, #tpu.memory_space<vmem>> -> memref<120x16xf32, #tpu.memory_space<vmem>>
    %dma_start3A_18 = arith.constant 0 : i32
    %dma_start3A_19 = tpu.memref_slice %arg5[%dma_start3A_12, %dma_start3A_18] : memref<176x120xi32, #tpu.memory_space<vmem>> -> memref<1x120xi32, #tpu.memory_space<vmem>>
    %dma_start3A_20 = tpu.memref_squeeze %dma_start3A_19 : memref<1x120xi32, #tpu.memory_space<vmem>> -> memref<120xi32, #tpu.memory_space<vmem>>
    %dma_start3A_21 = arith.constant 0 : i32
    %dma_start3A_22 = arith.constant 0 : i32
    %dma_start3A_23 = tpu.memref_slice %arg3[%dma_start3A_21, %dma_start3A_22] : memref<3784704x16xf32, #tpu.memory_space<hbm>> -> memref<3784704x16xf32, #tpu.memory_space<hbm>>
    tpu.enqueue_indirect_dma source(%dma_start3A_23 : memref<3784704x16xf32, #tpu.memory_space<hbm>>) target(%dma_start3A_17 : memref<120x16xf32, #tpu.memory_space<vmem>>) offsets(%dma_start3A_20 : memref<120xi32, #tpu.memory_space<vmem>>) semaphore(%arg9 : memref<!tpu.dma_semaphore, #tpu.memory_space<semaphore_mem>>)
    %dma_start3A_24 = arith.constant 2 : i32
    %dma_start3A_25 = arith.constant 2 : i32
    %dma_start3A_26 = arith.constant 0 : i32
    %dma_start3A_27 = arith.constant 0 : i32
    %dma_start3A_28 = tpu.memref_slice %arg6[%dma_start3A_25, %dma_start3A_26, %dma_start3A_27] : memref<4x120x16xf32, #tpu.memory_space<vmem>> -> memref<1x120x16xf32, #tpu.memory_space<vmem>>
    %dma_start3A_29 = tpu.memref_squeeze %dma_start3A_28 : memref<1x120x16xf32, #tpu.memory_space<vmem>> -> memref<120x16xf32, #tpu.memory_space<vmem>>
    %dma_start3A_30 = arith.constant 0 : i32
    %dma_start3A_31 = tpu.memref_slice %arg5[%dma_start3A_24, %dma_start3A_30] : memref<176x120xi32, #tpu.memory_space<vmem>> -> memref<1x120xi32, #tpu.memory_space<vmem>>
    %dma_start3A_32 = tpu.memref_squeeze %dma_start3A_31 : memref<1x120xi32, #tpu.memory_space<vmem>> -> memref<120xi32, #tpu.memory_space<vmem>>
    %dma_start3A_33 = arith.constant 0 : i32
    %dma_start3A_34 = arith.constant 0 : i32
    %dma_start3A_35 = tpu.memref_slice %arg3[%dma_start3A_33, %dma_start3A_34] : memref<3784704x16xf32, #tpu.memory_space<hbm>> -> memref<3784704x16xf32, #tpu.memory_space<hbm>>
    tpu.enqueue_indirect_dma source(%dma_start3A_35 : memref<3784704x16xf32, #tpu.memory_space<hbm>>) target(%dma_start3A_29 : memref<120x16xf32, #tpu.memory_space<vmem>>) offsets(%dma_start3A_32 : memref<120xi32, #tpu.memory_space<vmem>>) semaphore(%arg10 : memref<!tpu.dma_semaphore, #tpu.memory_space<semaphore_mem>>)
    %dma_start3A_36 = arith.constant 3 : i32
    %dma_start3A_37 = arith.constant 3 : i32
    %dma_start3A_38 = arith.constant 0 : i32
    %dma_start3A_39 = arith.constant 0 : i32
    %dma_start3A_40 = tpu.memref_slice %arg6[%dma_start3A_37, %dma_start3A_38, %dma_start3A_39] : memref<4x120x16xf32, #tpu.memory_space<vmem>> -> memref<1x120x16xf32, #tpu.memory_space<vmem>>
    %dma_start3A_41 = tpu.memref_squeeze %dma_start3A_40 : memref<1x120x16xf32, #tpu.memory_space<vmem>> -> memref<120x16xf32, #tpu.memory_space<vmem>>
    %dma_start3A_42 = arith.constant 0 : i32
    %dma_start3A_43 = tpu.memref_slice %arg5[%dma_start3A_36, %dma_start3A_42] : memref<176x120xi32, #tpu.memory_space<vmem>> -> memref<1x120xi32, #tpu.memory_space<vmem>>
    %dma_start3A_44 = tpu.memref_squeeze %dma_start3A_43 : memref<1x120xi32, #tpu.memory_space<vmem>> -> memref<120xi32, #tpu.memory_space<vmem>>
    %dma_start3A_45 = arith.constant 0 : i32
    %dma_start3A_46 = arith.constant 0 : i32
    %dma_start3A_47 = tpu.memref_slice %arg3[%dma_start3A_45, %dma_start3A_46] : memref<3784704x16xf32, #tpu.memory_space<hbm>> -> memref<3784704x16xf32, #tpu.memory_space<hbm>>
    tpu.enqueue_indirect_dma source(%dma_start3A_47 : memref<3784704x16xf32, #tpu.memory_space<hbm>>) target(%dma_start3A_41 : memref<120x16xf32, #tpu.memory_space<vmem>>) offsets(%dma_start3A_44 : memref<120xi32, #tpu.memory_space<vmem>>) semaphore(%arg11 : memref<!tpu.dma_semaphore, #tpu.memory_space<semaphore_mem>>)
    %scan3A = arith.constant 0 : i32
    %scan3A_48 = arith.constant 0 : i32
    %scan3A_49 = arith.constant 44 : i32
    %scan3A_50 = arith.addi %scan3A_48, %scan3A_49 : i32
    %scan3A_51 = arith.constant 1 : i32
    scf.for %scan3A_55 = %scan3A_48 to %scan3A_50 step %scan3A_51  : i32 {
      %mul3A_56 = arith.constant 4 : i32
      %mul3A_57 = arith.muli %scan3A_55, %mul3A_56 : i32
      %add3A_58 = arith.constant 0 : i32
      %add3A_59 = arith.addi %mul3A_57, %add3A_58 : i32
      %dma_wait3A = arith.constant 0 : i32
      %dma_wait3A_60 = arith.constant 0 : i32
      %dma_wait3A_61 = arith.constant 0 : i32
      %dma_wait3A_62 = tpu.memref_slice %arg6[%dma_wait3A, %dma_wait3A_60, %dma_wait3A_61] : memref<4x120x16xf32, #tpu.memory_space<vmem>> -> memref<1x120x16xf32, #tpu.memory_space<vmem>>
      %dma_wait3A_63 = tpu.memref_squeeze %dma_wait3A_62 : memref<1x120x16xf32, #tpu.memory_space<vmem>> -> memref<120x16xf32, #tpu.memory_space<vmem>>
      %dma_wait3A_64 = arith.constant 0 : i32
      %dma_wait3A_65 = tpu.memref_slice %arg5[%add3A_59, %dma_wait3A_64] : memref<176x120xi32, #tpu.memory_space<vmem>> -> memref<1x120xi32, #tpu.memory_space<vmem>>
      %dma_wait3A_66 = tpu.memref_squeeze %dma_wait3A_65 : memref<1x120xi32, #tpu.memory_space<vmem>> -> memref<120xi32, #tpu.memory_space<vmem>>
      %dma_wait3A_67 = arith.constant 0 : i32
      %dma_wait3A_68 = arith.constant 0 : i32
      %dma_wait3A_69 = tpu.memref_slice %arg3[%dma_wait3A_67, %dma_wait3A_68] : memref<3784704x16xf32, #tpu.memory_space<hbm>> -> memref<3784704x16xf32, #tpu.memory_space<hbm>>
      tpu.wait_indirect_dma semaphore(%arg8 : memref<!tpu.dma_semaphore, #tpu.memory_space<semaphore_mem>>) src(%dma_wait3A_69 : memref<3784704x16xf32, #tpu.memory_space<hbm>>) dst(%dma_wait3A_63 : memref<120x16xf32, #tpu.memory_space<vmem>>)
      %get3A = arith.constant 0 : i32
      %get3A_70 = arith.constant 0 : i32
      %get3A_71 = arith.index_cast %get3A : i32 to index
      %get3A_72 = arith.index_cast %get3A_70 : i32 to index
      %get3A_73 = arith.constant 0 : index
      %get3A_74 = tpu.vector_load %arg6[%get3A_71, %get3A_72, %get3A_73] {strides = array<i32>} : memref<4x120x16xf32, #tpu.memory_space<vmem>>, vector<1x1x16xf32>,
      %get3A_75 = vector.shape_cast %get3A_74 : vector<1x1x16xf32> to vector<16xf32>
      %get3A_76 = arith.constant 0 : i32
      %get3A_77 = arith.constant 1 : i32
      %get3A_78 = arith.index_cast %get3A_76 : i32 to index
      %get3A_79 = arith.index_cast %get3A_77 : i32 to index
      %get3A_80 = arith.constant 0 : index
      %get3A_81 = tpu.vector_load %arg6[%get3A_78, %get3A_79, %get3A_80] {strides = array<i32>} : memref<4x120x16xf32, #tpu.memory_space<vmem>>, vector<1x1x16xf32>,
      %get3A_82 = vector.shape_cast %get3A_81 : vector<1x1x16xf32> to vector<16xf32>
      %add3A_83 = arith.addf %get3A_75, %get3A_82 : vector<16xf32>
      %get3A_84 = arith.constant 0 : i32
      %get3A_85 = arith.constant 2 : i32
      %get3A_86 = arith.index_cast %get3A_84 : i32 to index
      %get3A_87 = arith.index_cast %get3A_85 : i32 to index
      %get3A_88 = arith.constant 0 : index
      %get3A_89 = tpu.vector_load %arg6[%get3A_86, %get3A_87, %get3A_88] {strides = array<i32>} : memref<4x120x16xf32, #tpu.memory_space<vmem>>, vector<1x1x16xf32>,
      %get3A_90 = vector.shape_cast %get3A_89 : vector<1x1x16xf32> to vector<16xf32>
      %add3A_91 = arith.addf %add3A_83, %get3A_90 : vector<16xf32>
      %get3A_92 = arith.constant 0 : i32
      %get3A_93 = arith.constant 3 : i32
      %get3A_94 = arith.index_cast %get3A_92 : i32 to index
      %get3A_95 = arith.index_cast %get3A_93 : i32 to index
      %get3A_96 = arith.constant 0 : index
      %get3A_97 = tpu.vector_load %arg6[%get3A_94, %get3A_95, %get3A_96] {strides = array<i32>} : memref<4x120x16xf32, #tpu.memory_space<vmem>>, vector<1x1x16xf32>,
      %get3A_98 = vector.shape_cast %get3A_97 : vector<1x1x16xf32> to vector<16xf32>
      %add3A_99 = arith.addf %add3A_91, %get3A_98 : vector<16xf32>
      %get3A_100 = arith.constant 0 : i32
      %get3A_101 = arith.constant 4 : i32
      %get3A_102 = arith.index_cast %get3A_100 : i32 to index
      %get3A_103 = arith.index_cast %get3A_101 : i32 to index
      %get3A_104 = arith.constant 0 : index
      %get3A_105 = tpu.vector_load %arg6[%get3A_102, %get3A_103, %get3A_104] {strides = array<i32>} : memref<4x120x16xf32, #tpu.memory_space<vmem>>, vector<1x1x16xf32>,
      %get3A_106 = vector.shape_cast %get3A_105 : vector<1x1x16xf32> to vector<16xf32>
      %add3A_107 = arith.addf %add3A_99, %get3A_106 : vector<16xf32>
      %get3A_108 = arith.constant 0 : i32
      %get3A_109 = arith.constant 5 : i32
      %get3A_110 = arith.index_cast %get3A_108 : i32 to index
      %get3A_111 = arith.index_cast %get3A_109 : i32 to index
      %get3A_112 = arith.constant 0 : index
      %get3A_113 = tpu.vector_load %arg6[%get3A_110, %get3A_111, %get3A_112] {strides = array<i32>} : memref<4x120x16xf32, #tpu.memory_space<vmem>>, vector<1x1x16xf32>,
      %get3A_114 = vector.shape_cast %get3A_113 : vector<1x1x16xf32> to vector<16xf32>
      %add3A_115 = arith.addf %add3A_107, %get3A_114 : vector<16xf32>
      %get3A_116 = arith.constant 0 : i32
      %get3A_117 = arith.constant 6 : i32
      %get3A_118 = arith.index_cast %get3A_116 : i32 to index
      %get3A_119 = arith.index_cast %get3A_117 : i32 to index
      %get3A_120 = arith.constant 0 : index
      %get3A_121 = tpu.vector_load %arg6[%get3A_118, %get3A_119, %get3A_120] {strides = array<i32>} : memref<4x120x16xf32, #tpu.memory_space<vmem>>, vector<1x1x16xf32>,
      %get3A_122 = vector.shape_cast %get3A_121 : vector<1x1x16xf32> to vector<16xf32>
      %add3A_123 = arith.addf %add3A_115, %get3A_122 : vector<16xf32>
      %get3A_124 = arith.constant 0 : i32
      %get3A_125 = arith.constant 7 : i32
      %get3A_126 = arith.index_cast %get3A_124 : i32 to index
      %get3A_127 = arith.index_cast %get3A_125 : i32 to index
      %get3A_128 = arith.constant 0 : index
      %get3A_129 = tpu.vector_load %arg6[%get3A_126, %get3A_127, %get3A_128] {strides = array<i32>} : memref<4x120x16xf32, #tpu.memory_space<vmem>>, vector<1x1x16xf32>,
      %get3A_130 = vector.shape_cast %get3A_129 : vector<1x1x16xf32> to vector<16xf32>
      %add3A_131 = arith.addf %add3A_123, %get3A_130 : vector<16xf32>
      %get3A_132 = arith.constant 0 : i32
      %get3A_133 = arith.constant 8 : i32
      %get3A_134 = arith.index_cast %get3A_132 : i32 to index
      %get3A_135 = arith.index_cast %get3A_133 : i32 to index
      %get3A_136 = arith.constant 0 : index
      %get3A_137 = tpu.vector_load %arg6[%get3A_134, %get3A_135, %get3A_136] {strides = array<i32>} : memref<4x120x16xf32, #tpu.memory_space<vmem>>, vector<1x1x16xf32>,
      %get3A_138 = vector.shape_cast %get3A_137 : vector<1x1x16xf32> to vector<16xf32>
      %add3A_139 = arith.addf %add3A_131, %get3A_138 : vector<16xf32>
      %get3A_140 = arith.constant 0 : i32
      %get3A_141 = arith.constant 9 : i32
      %get3A_142 = arith.index_cast %get3A_140 : i32 to index
      %get3A_143 = arith.index_cast %get3A_141 : i32 to index
      %get3A_144 = arith.constant 0 : index
      %get3A_145 = tpu.vector_load %arg6[%get3A_142, %get3A_143, %get3A_144] {strides = array<i32>} : memref<4x120x16xf32, #tpu.memory_space<vmem>>, vector<1x1x16xf32>,
      %get3A_146 = vector.shape_cast %get3A_145 : vector<1x1x16xf32> to vector<16xf32>
      %add3A_147 = arith.addf %add3A_139, %get3A_146 : vector<16xf32>
      %get3A_148 = arith.constant 0 : i32
      %get3A_149 = arith.constant 10 : i32
      %get3A_150 = arith.index_cast %get3A_148 : i32 to index
      %get3A_151 = arith.index_cast %get3A_149 : i32 to index
      %get3A_152 = arith.constant 0 : index
      %get3A_153 = tpu.vector_load %arg6[%get3A_150, %get3A_151, %get3A_152] {strides = array<i32>} : memref<4x120x16xf32, #tpu.memory_space<vmem>>, vector<1x1x16xf32>,
      %get3A_154 = vector.shape_cast %get3A_153 : vector<1x1x16xf32> to vector<16xf32>
      %add3A_155 = arith.addf %add3A_147, %get3A_154 : vector<16xf32>
      %get3A_156 = arith.constant 0 : i32
      %get3A_157 = arith.constant 11 : i32
      %get3A_158 = arith.index_cast %get3A_156 : i32 to index
      %get3A_159 = arith.index_cast %get3A_157 : i32 to index
      %get3A_160 = arith.constant 0 : index
      %get3A_161 = tpu.vector_load %arg6[%get3A_158, %get3A_159, %get3A_160] {strides = array<i32>} : memref<4x120x16xf32, #tpu.memory_space<vmem>>, vector<1x1x16xf32>,
      %get3A_162 = vector.shape_cast %get3A_161 : vector<1x1x16xf32> to vector<16xf32>
      %add3A_163 = arith.addf %add3A_155, %get3A_162 : vector<16xf32>
      %get3A_164 = arith.constant 0 : i32
      %get3A_165 = arith.constant 12 : i32
      %get3A_166 = arith.index_cast %get3A_164 : i32 to index
      %get3A_167 = arith.index_cast %get3A_165 : i32 to index
      %get3A_168 = arith.constant 0 : index
      %get3A_169 = tpu.vector_load %arg6[%get3A_166, %get3A_167, %get3A_168] {strides = array<i32>} : memref<4x120x16xf32, #tpu.memory_space<vmem>>, vector<1x1x16xf32>,
      %get3A_170 = vector.shape_cast %get3A_169 : vector<1x1x16xf32> to vector<16xf32>
      %add3A_171 = arith.addf %add3A_163, %get3A_170 : vector<16xf32>
      %get3A_172 = arith.constant 0 : i32
      %get3A_173 = arith.constant 13 : i32
      %get3A_174 = arith.index_cast %get3A_172 : i32 to index
      %get3A_175 = arith.index_cast %get3A_173 : i32 to index
      %get3A_176 = arith.constant 0 : index
      %get3A_177 = tpu.vector_load %arg6[%get3A_174, %get3A_175, %get3A_176] {strides = array<i32>} : memref<4x120x16xf32, #tpu.memory_space<vmem>>, vector<1x1x16xf32>,
      %get3A_178 = vector.shape_cast %get3A_177 : vector<1x1x16xf32> to vector<16xf32>
      %add3A_179 = arith.addf %add3A_171, %get3A_178 : vector<16xf32>
      %get3A_180 = arith.constant 0 : i32
      %get3A_181 = arith.constant 14 : i32
      %get3A_182 = arith.index_cast %get3A_180 : i32 to index
      %get3A_183 = arith.index_cast %get3A_181 : i32 to index
      %get3A_184 = arith.constant 0 : index
      %get3A_185 = tpu.vector_load %arg6[%get3A_182, %get3A_183, %get3A_184] {strides = array<i32>} : memref<4x120x16xf32, #tpu.memory_space<vmem>>, vector<1x1x16xf32>,
      %get3A_186 = vector.shape_cast %get3A_185 : vector<1x1x16xf32> to vector<16xf32>
      %add3A_187 = arith.addf %add3A_179, %get3A_186 : vector<16xf32>
      %get3A_188 = arith.constant 0 : i32
      %get3A_189 = arith.constant 15 : i32
      %get3A_190 = arith.index_cast %get3A_188 : i32 to index
      %get3A_191 = arith.index_cast %get3A_189 : i32 to index
      %get3A_192 = arith.constant 0 : index
      %get3A_193 = tpu.vector_load %arg6[%get3A_190, %get3A_191, %get3A_192] {strides = array<i32>} : memref<4x120x16xf32, #tpu.memory_space<vmem>>, vector<1x1x16xf32>,
      %get3A_194 = vector.shape_cast %get3A_193 : vector<1x1x16xf32> to vector<16xf32>
      %add3A_195 = arith.addf %add3A_187, %get3A_194 : vector<16xf32>
      %get3A_196 = arith.constant 0 : i32
      %get3A_197 = arith.constant 16 : i32
      %get3A_198 = arith.index_cast %get3A_196 : i32 to index
      %get3A_199 = arith.index_cast %get3A_197 : i32 to index
      %get3A_200 = arith.constant 0 : index
      %get3A_201 = tpu.vector_load %arg6[%get3A_198, %get3A_199, %get3A_200] {strides = array<i32>} : memref<4x120x16xf32, #tpu.memory_space<vmem>>, vector<1x1x16xf32>,
      %get3A_202 = vector.shape_cast %get3A_201 : vector<1x1x16xf32> to vector<16xf32>
      %add3A_203 = arith.addf %add3A_195, %get3A_202 : vector<16xf32>
      %get3A_204 = arith.constant 0 : i32
      %get3A_205 = arith.constant 17 : i32
      %get3A_206 = arith.index_cast %get3A_204 : i32 to index
      %get3A_207 = arith.index_cast %get3A_205 : i32 to index
      %get3A_208 = arith.constant 0 : index
      %get3A_209 = tpu.vector_load %arg6[%get3A_206, %get3A_207, %get3A_208] {strides = array<i32>} : memref<4x120x16xf32, #tpu.memory_space<vmem>>, vector<1x1x16xf32>,
      %get3A_210 = vector.shape_cast %get3A_209 : vector<1x1x16xf32> to vector<16xf32>
      %add3A_211 = arith.addf %add3A_203, %get3A_210 : vector<16xf32>
      %get3A_212 = arith.constant 0 : i32
      %get3A_213 = arith.constant 18 : i32
      %get3A_214 = arith.index_cast %get3A_212 : i32 to index
      %get3A_215 = arith.index_cast %get3A_213 : i32 to index
      %get3A_216 = arith.constant 0 : index
      %get3A_217 = tpu.vector_load %arg6[%get3A_214, %get3A_215, %get3A_216] {strides = array<i32>} : memref<4x120x16xf32, #tpu.memory_space<vmem>>, vector<1x1x16xf32>,
      %get3A_218 = vector.shape_cast %get3A_217 : vector<1x1x16xf32> to vector<16xf32>
      %add3A_219 = arith.addf %add3A_211, %get3A_218 : vector<16xf32>
      %get3A_220 = arith.constant 0 : i32
      %get3A_221 = arith.constant 19 : i32
      %get3A_222 = arith.index_cast %get3A_220 : i32 to index
      %get3A_223 = arith.index_cast %get3A_221 : i32 to index
      %get3A_224 = arith.constant 0 : index
      %get3A_225 = tpu.vector_load %arg6[%get3A_222, %get3A_223, %get3A_224] {strides = array<i32>} : memref<4x120x16xf32, #tpu.memory_space<vmem>>, vector<1x1x16xf32>,
      %get3A_226 = vector.shape_cast %get3A_225 : vector<1x1x16xf32> to vector<16xf32>
      %add3A_227 = arith.addf %add3A_219, %get3A_226 : vector<16xf32>
      %mul3A_228 = arith.constant 5.000000e-02 : f32
      %mul3A_229 = vector.broadcast %mul3A_228 : f32 to vector<16xf32>
      %mul3A_230 = arith.mulf %add3A_227, %mul3A_229 : vector<16xf32>
      %mul3A_231 = arith.constant 6 : i32
      %mul3A_232 = arith.muli %add3A_59, %mul3A_231 : i32
      %add3A_233 = arith.constant 0 : i32
      %add3A_234 = arith.addi %mul3A_232, %add3A_233 : i32
      %swap3A = arith.index_cast %add3A_234 : i32 to index
      %swap3A_235 = arith.constant 0 : index
      %swap3A_236 = tpu.vector_load %arg7[%swap3A, %swap3A_235] {strides = array<i32>} : memref<1056x16xf32, #tpu.memory_space<vmem>>, vector<1x16xf32>,
      %swap3A_237 = vector.shape_cast %swap3A_236 : vector<1x16xf32> to vector<16xf32>
      %swap3A_238 = vector.shape_cast %mul3A_230 : vector<16xf32> to vector<1x16xf32>
      tpu.vector_store %arg7[%swap3A, %swap3A_235], %swap3A_238 {strides = array<i32>} : memref<1056x16xf32, #tpu.memory_space<vmem>>, vector<1x16xf32>,
      %get3A_239 = arith.constant 0 : i32
      %get3A_240 = arith.constant 20 : i32
      %get3A_241 = arith.index_cast %get3A_239 : i32 to index
      %get3A_242 = arith.index_cast %get3A_240 : i32 to index
      %get3A_243 = arith.constant 0 : index
      %get3A_244 = tpu.vector_load %arg6[%get3A_241, %get3A_242, %get3A_243] {strides = array<i32>} : memref<4x120x16xf32, #tpu.memory_space<vmem>>, vector<1x1x16xf32>,
      %get3A_245 = vector.shape_cast %get3A_244 : vector<1x1x16xf32> to vector<16xf32>
      %get3A_246 = arith.constant 0 : i32
      %get3A_247 = arith.constant 21 : i32
      %get3A_248 = arith.index_cast %get3A_246 : i32 to index
      %get3A_249 = arith.index_cast %get3A_247 : i32 to index
      %get3A_250 = arith.constant 0 : index
      %get3A_251 = tpu.vector_load %arg6[%get3A_248, %get3A_249, %get3A_250] {strides = array<i32>} : memref<4x120x16xf32, #tpu.memory_space<vmem>>, vector<1x1x16xf32>,
      %get3A_252 = vector.shape_cast %get3A_251 : vector<1x1x16xf32> to vector<16xf32>
      %add3A_253 = arith.addf %get3A_245, %get3A_252 : vector<16xf32>
      %get3A_254 = arith.constant 0 : i32
      %get3A_255 = arith.constant 22 : i32
      %get3A_256 = arith.index_cast %get3A_254 : i32 to index
      %get3A_257 = arith.index_cast %get3A_255 : i32 to index
      %get3A_258 = arith.constant 0 : index
      %get3A_259 = tpu.vector_load %arg6[%get3A_256, %get3A_257, %get3A_258] {strides = array<i32>} : memref<4x120x16xf32, #tpu.memory_space<vmem>>, vector<1x1x16xf32>,
      %get3A_260 = vector.shape_cast %get3A_259 : vector<1x1x16xf32> to vector<16xf32>
      %add3A_261 = arith.addf %add3A_253, %get3A_260 : vector<16xf32>
      %get3A_262 = arith.constant 0 : i32
      %get3A_263 = arith.constant 23 : i32
      %get3A_264 = arith.index_cast %get3A_262 : i32 to index
      %get3A_265 = arith.index_cast %get3A_263 : i32 to index
      %get3A_266 = arith.constant 0 : index
      %get3A_267 = tpu.vector_load %arg6[%get3A_264, %get3A_265, %get3A_266] {strides = array<i32>} : memref<4x120x16xf32, #tpu.memory_space<vmem>>, vector<1x1x16xf32>,
      %get3A_268 = vector.shape_cast %get3A_267 : vector<1x1x16xf32> to vector<16xf32>
      %add3A_269 = arith.addf %add3A_261, %get3A_268 : vector<16xf32>
      %get3A_270 = arith.constant 0 : i32
      %get3A_271 = arith.constant 24 : i32
      %get3A_272 = arith.index_cast %get3A_270 : i32 to index
      %get3A_273 = arith.index_cast %get3A_271 : i32 to index
      %get3A_274 = arith.constant 0 : index
      %get3A_275 = tpu.vector_load %arg6[%get3A_272, %get3A_273, %get3A_274] {strides = array<i32>} : memref<4x120x16xf32, #tpu.memory_space<vmem>>, vector<1x1x16xf32>,
      %get3A_276 = vector.shape_cast %get3A_275 : vector<1x1x16xf32> to vector<16xf32>
      %add3A_277 = arith.addf %add3A_269, %get3A_276 : vector<16xf32>
      %get3A_278 = arith.constant 0 : i32
      %get3A_279 = arith.constant 25 : i32
      %get3A_280 = arith.index_cast %get3A_278 : i32 to index
      %get3A_281 = arith.index_cast %get3A_279 : i32 to index
      %get3A_282 = arith.constant 0 : index
      %get3A_283 = tpu.vector_load %arg6[%get3A_280, %get3A_281, %get3A_282] {strides = array<i32>} : memref<4x120x16xf32, #tpu.memory_space<vmem>>, vector<1x1x16xf32>,
      %get3A_284 = vector.shape_cast %get3A_283 : vector<1x1x16xf32> to vector<16xf32>
      %add3A_285 = arith.addf %add3A_277, %get3A_284 : vector<16xf32>
      %get3A_286 = arith.constant 0 : i32
      %get3A_287 = arith.constant 26 : i32
      %get3A_288 = arith.index_cast %get3A_286 : i32 to index
      %get3A_289 = arith.index_cast %get3A_287 : i32 to index
      %get3A_290 = arith.constant 0 : index
      %get3A_291 = tpu.vector_load %arg6[%get3A_288, %get3A_289, %get3A_290] {strides = array<i32>} : memref<4x120x16xf32, #tpu.memory_space<vmem>>, vector<1x1x16xf32>,
      %get3A_292 = vector.shape_cast %get3A_291 : vector<1x1x16xf32> to vector<16xf32>
      %add3A_293 = arith.addf %add3A_285, %get3A_292 : vector<16xf32>
      %get3A_294 = arith.constant 0 : i32
      %get3A_295 = arith.constant 27 : i32
      %get3A_296 = arith.index_cast %get3A_294 : i32 to index
      %get3A_297 = arith.index_cast %get3A_295 : i32 to index
      %get3A_298 = arith.constant 0 : index
      %get3A_299 = tpu.vector_load %arg6[%get3A_296, %get3A_297, %get3A_298] {strides = array<i32>} : memref<4x120x16xf32, #tpu.memory_space<vmem>>, vector<1x1x16xf32>,
      %get3A_300 = vector.shape_cast %get3A_299 : vector<1x1x16xf32> to vector<16xf32>
      %add3A_301 = arith.addf %add3A_293, %get3A_300 : vector<16xf32>
      %get3A_302 = arith.constant 0 : i32
      %get3A_303 = arith.constant 28 : i32
      %get3A_304 = arith.index_cast %get3A_302 : i32 to index
      %get3A_305 = arith.index_cast %get3A_303 : i32 to index
      %get3A_306 = arith.constant 0 : index
      %get3A_307 = tpu.vector_load %arg6[%get3A_304, %get3A_305, %get3A_306] {strides = array<i32>} : memref<4x120x16xf32, #tpu.memory_space<vmem>>, vector<1x1x16xf32>,
      %get3A_308 = vector.shape_cast %get3A_307 : vector<1x1x16xf32> to vector<16xf32>
      %add3A_309 = arith.addf %add3A_301, %get3A_308 : vector<16xf32>
      %get3A_310 = arith.constant 0 : i32
      %get3A_311 = arith.constant 29 : i32
      %get3A_312 = arith.index_cast %get3A_310 : i32 to index
      %get3A_313 = arith.index_cast %get3A_311 : i32 to index
      %get3A_314 = arith.constant 0 : index
      %get3A_315 = tpu.vector_load %arg6[%get3A_312, %get3A_313, %get3A_314] {strides = array<i32>} : memref<4x120x16xf32, #tpu.memory_space<vmem>>, vector<1x1x16xf32>,
      %get3A_316 = vector.shape_cast %get3A_315 : vector<1x1x16xf32> to vector<16xf32>
      %add3A_317 = arith.addf %add3A_309, %get3A_316 : vector<16xf32>
      %get3A_318 = arith.constant 0 : i32
      %get3A_319 = arith.constant 30 : i32
      %get3A_320 = arith.index_cast %get3A_318 : i32 to index
      %get3A_321 = arith.index_cast %get3A_319 : i32 to index
      %get3A_322 = arith.constant 0 : index
      %get3A_323 = tpu.vector_load %arg6[%get3A_320, %get3A_321, %get3A_322] {strides = array<i32>} : memref<4x120x16xf32, #tpu.memory_space<vmem>>, vector<1x1x16xf32>,
      %get3A_324 = vector.shape_cast %get3A_323 : vector<1x1x16xf32> to vector<16xf32>
      %add3A_325 = arith.addf %add3A_317, %get3A_324 : vector<16xf32>
      %get3A_326 = arith.constant 0 : i32
      %get3A_327 = arith.constant 31 : i32
      %get3A_328 = arith.index_cast %get3A_326 : i32 to index
      %get3A_329 = arith.index_cast %get3A_327 : i32 to index
      %get3A_330 = arith.constant 0 : index
      %get3A_331 = tpu.vector_load %arg6[%get3A_328, %get3A_329, %get3A_330] {strides = array<i32>} : memref<4x120x16xf32, #tpu.memory_space<vmem>>, vector<1x1x16xf32>,
      %get3A_332 = vector.shape_cast %get3A_331 : vector<1x1x16xf32> to vector<16xf32>
      %add3A_333 = arith.addf %add3A_325, %get3A_332 : vector<16xf32>
      %get3A_334 = arith.constant 0 : i32
      %get3A_335 = arith.constant 32 : i32
      %get3A_336 = arith.index_cast %get3A_334 : i32 to index
      %get3A_337 = arith.index_cast %get3A_335 : i32 to index
      %get3A_338 = arith.constant 0 : index
      %get3A_339 = tpu.vector_load %arg6[%get3A_336, %get3A_337, %get3A_338] {strides = array<i32>} : memref<4x120x16xf32, #tpu.memory_space<vmem>>, vector<1x1x16xf32>,
      %get3A_340 = vector.shape_cast %get3A_339 : vector<1x1x16xf32> to vector<16xf32>
      %add3A_341 = arith.addf %add3A_333, %get3A_340 : vector<16xf32>
      %get3A_342 = arith.constant 0 : i32
      %get3A_343 = arith.constant 33 : i32
      %get3A_344 = arith.index_cast %get3A_342 : i32 to index
      %get3A_345 = arith.index_cast %get3A_343 : i32 to index
      %get3A_346 = arith.constant 0 : index
      %get3A_347 = tpu.vector_load %arg6[%get3A_344, %get3A_345, %get3A_346] {strides = array<i32>} : memref<4x120x16xf32, #tpu.memory_space<vmem>>, vector<1x1x16xf32>,
      %get3A_348 = vector.shape_cast %get3A_347 : vector<1x1x16xf32> to vector<16xf32>
      %add3A_349 = arith.addf %add3A_341, %get3A_348 : vector<16xf32>
      %get3A_350 = arith.constant 0 : i32
      %get3A_351 = arith.constant 34 : i32
      %get3A_352 = arith.index_cast %get3A_350 : i32 to index
      %get3A_353 = arith.index_cast %get3A_351 : i32 to index
      %get3A_354 = arith.constant 0 : index
      %get3A_355 = tpu.vector_load %arg6[%get3A_352, %get3A_353, %get3A_354] {strides = array<i32>} : memref<4x120x16xf32, #tpu.memory_space<vmem>>, vector<1x1x16xf32>,
      %get3A_356 = vector.shape_cast %get3A_355 : vector<1x1x16xf32> to vector<16xf32>
      %add3A_357 = arith.addf %add3A_349, %get3A_356 : vector<16xf32>
      %get3A_358 = arith.constant 0 : i32
      %get3A_359 = arith.constant 35 : i32
      %get3A_360 = arith.index_cast %get3A_358 : i32 to index
      %get3A_361 = arith.index_cast %get3A_359 : i32 to index
      %get3A_362 = arith.constant 0 : index
      %get3A_363 = tpu.vector_load %arg6[%get3A_360, %get3A_361, %get3A_362] {strides = array<i32>} : memref<4x120x16xf32, #tpu.memory_space<vmem>>, vector<1x1x16xf32>,
      %get3A_364 = vector.shape_cast %get3A_363 : vector<1x1x16xf32> to vector<16xf32>
      %add3A_365 = arith.addf %add3A_357, %get3A_364 : vector<16xf32>
      %get3A_366 = arith.constant 0 : i32
      %get3A_367 = arith.constant 36 : i32
      %get3A_368 = arith.index_cast %get3A_366 : i32 to index
      %get3A_369 = arith.index_cast %get3A_367 : i32 to index
      %get3A_370 = arith.constant 0 : index
      %get3A_371 = tpu.vector_load %arg6[%get3A_368, %get3A_369, %get3A_370] {strides = array<i32>} : memref<4x120x16xf32, #tpu.memory_space<vmem>>, vector<1x1x16xf32>,
      %get3A_372 = vector.shape_cast %get3A_371 : vector<1x1x16xf32> to vector<16xf32>
      %add3A_373 = arith.addf %add3A_365, %get3A_372 : vector<16xf32>
      %get3A_374 = arith.constant 0 : i32
      %get3A_375 = arith.constant 37 : i32
      %get3A_376 = arith.index_cast %get3A_374 : i32 to index
      %get3A_377 = arith.index_cast %get3A_375 : i32 to index
      %get3A_378 = arith.constant 0 : index
      %get3A_379 = tpu.vector_load %arg6[%get3A_376, %get3A_377, %get3A_378] {strides = array<i32>} : memref<4x120x16xf32, #tpu.memory_space<vmem>>, vector<1x1x16xf32>,
      %get3A_380 = vector.shape_cast %get3A_379 : vector<1x1x16xf32> to vector<16xf32>
      %add3A_381 = arith.addf %add3A_373, %get3A_380 : vector<16xf32>
      %get3A_382 = arith.constant 0 : i32
      %get3A_383 = arith.constant 38 : i32
      %get3A_384 = arith.index_cast %get3A_382 : i32 to index
      %get3A_385 = arith.index_cast %get3A_383 : i32 to index
      %get3A_386 = arith.constant 0 : index
      %get3A_387 = tpu.vector_load %arg6[%get3A_384, %get3A_385, %get3A_386] {strides = array<i32>} : memref<4x120x16xf32, #tpu.memory_space<vmem>>, vector<1x1x16xf32>,
      %get3A_388 = vector.shape_cast %get3A_387 : vector<1x1x16xf32> to vector<16xf32>
      %add3A_389 = arith.addf %add3A_381, %get3A_388 : vector<16xf32>
      %get3A_390 = arith.constant 0 : i32
      %get3A_391 = arith.constant 39 : i32
      %get3A_392 = arith.index_cast %get3A_390 : i32 to index
      %get3A_393 = arith.index_cast %get3A_391 : i32 to index
      %get3A_394 = arith.constant 0 : index
      %get3A_395 = tpu.vector_load %arg6[%get3A_392, %get3A_393, %get3A_394] {strides = array<i32>} : memref<4x120x16xf32, #tpu.memory_space<vmem>>, vector<1x1x16xf32>,
      %get3A_396 = vector.shape_cast %get3A_395 : vector<1x1x16xf32> to vector<16xf32>
      %add3A_397 = arith.addf %add3A_389, %get3A_396 : vector<16xf32>
      %mul3A_398 = arith.constant 5.000000e-02 : f32
      %mul3A_399 = vector.broadcast %mul3A_398 : f32 to vector<16xf32>
      %mul3A_400 = arith.mulf %add3A_397, %mul3A_399 : vector<16xf32>
      %mul3A_401 = arith.constant 6 : i32
      %mul3A_402 = arith.muli %add3A_59, %mul3A_401 : i32
      %add3A_403 = arith.constant 1 : i32
      %add3A_404 = arith.addi %mul3A_402, %add3A_403 : i32
      %swap3A_405 = arith.index_cast %add3A_404 : i32 to index
      %swap3A_406 = arith.constant 0 : index
      %swap3A_407 = tpu.vector_load %arg7[%swap3A_405, %swap3A_406] {strides = array<i32>} : memref<1056x16xf32, #tpu.memory_space<vmem>>, vector<1x16xf32>,
      %swap3A_408 = vector.shape_cast %swap3A_407 : vector<1x16xf32> to vector<16xf32>
      %swap3A_409 = vector.shape_cast %mul3A_400 : vector<16xf32> to vector<1x16xf32>
      tpu.vector_store %arg7[%swap3A_405, %swap3A_406], %swap3A_409 {strides = array<i32>} : memref<1056x16xf32, #tpu.memory_space<vmem>>, vector<1x16xf32>,
      %get3A_410 = arith.constant 0 : i32
      %get3A_411 = arith.constant 40 : i32
      %get3A_412 = arith.index_cast %get3A_410 : i32 to index
      %get3A_413 = arith.index_cast %get3A_411 : i32 to index
      %get3A_414 = arith.constant 0 : index
      %get3A_415 = tpu.vector_load %arg6[%get3A_412, %get3A_413, %get3A_414] {strides = array<i32>} : memref<4x120x16xf32, #tpu.memory_space<vmem>>, vector<1x1x16xf32>,
      %get3A_416 = vector.shape_cast %get3A_415 : vector<1x1x16xf32> to vector<16xf32>
      %get3A_417 = arith.constant 0 : i32
      %get3A_418 = arith.constant 41 : i32
      %get3A_419 = arith.index_cast %get3A_417 : i32 to index
      %get3A_420 = arith.index_cast %get3A_418 : i32 to index
      %get3A_421 = arith.constant 0 : index
      %get3A_422 = tpu.vector_load %arg6[%get3A_419, %get3A_420, %get3A_421] {strides = array<i32>} : memref<4x120x16xf32, #tpu.memory_space<vmem>>, vector<1x1x16xf32>,
      %get3A_423 = vector.shape_cast %get3A_422 : vector<1x1x16xf32> to vector<16xf32>
      %add3A_424 = arith.addf %get3A_416, %get3A_423 : vector<16xf32>
      %get3A_425 = arith.constant 0 : i32
      %get3A_426 = arith.constant 42 : i32
      %get3A_427 = arith.index_cast %get3A_425 : i32 to index
      %get3A_428 = arith.index_cast %get3A_426 : i32 to index
      %get3A_429 = arith.constant 0 : index
      %get3A_430 = tpu.vector_load %arg6[%get3A_427, %get3A_428, %get3A_429] {strides = array<i32>} : memref<4x120x16xf32, #tpu.memory_space<vmem>>, vector<1x1x16xf32>,
      %get3A_431 = vector.shape_cast %get3A_430 : vector<1x1x16xf32> to vector<16xf32>
      %add3A_432 = arith.addf %add3A_424, %get3A_431 : vector<16xf32>
      %get3A_433 = arith.constant 0 : i32
      %get3A_434 = arith.constant 43 : i32
      %get3A_435 = arith.index_cast %get3A_433 : i32 to index
      %get3A_436 = arith.index_cast %get3A_434 : i32 to index
      %get3A_437 = arith.constant 0 : index
      %get3A_438 = tpu.vector_load %arg6[%get3A_435, %get3A_436, %get3A_437] {strides = array<i32>} : memref<4x120x16xf32, #tpu.memory_space<vmem>>, vector<1x1x16xf32>,
      %get3A_439 = vector.shape_cast %get3A_438 : vector<1x1x16xf32> to vector<16xf32>
      %add3A_440 = arith.addf %add3A_432, %get3A_439 : vector<16xf32>
      %get3A_441 = arith.constant 0 : i32
      %get3A_442 = arith.constant 44 : i32
      %get3A_443 = arith.index_cast %get3A_441 : i32 to index
      %get3A_444 = arith.index_cast %get3A_442 : i32 to index
      %get3A_445 = arith.constant 0 : index
      %get3A_446 = tpu.vector_load %arg6[%get3A_443, %get3A_444, %get3A_445] {strides = array<i32>} : memref<4x120x16xf32, #tpu.memory_space<vmem>>, vector<1x1x16xf32>,
      %get3A_447 = vector.shape_cast %get3A_446 : vector<1x1x16xf32> to vector<16xf32>
      %add3A_448 = arith.addf %add3A_440, %get3A_447 : vector<16xf32>
      %get3A_449 = arith.constant 0 : i32
      %get3A_450 = arith.constant 45 : i32
      %get3A_451 = arith.index_cast %get3A_449 : i32 to index
      %get3A_452 = arith.index_cast %get3A_450 : i32 to index
      %get3A_453 = arith.constant 0 : index
      %get3A_454 = tpu.vector_load %arg6[%get3A_451, %get3A_452, %get3A_453] {strides = array<i32>} : memref<4x120x16xf32, #tpu.memory_space<vmem>>, vector<1x1x16xf32>,
      %get3A_455 = vector.shape_cast %get3A_454 : vector<1x1x16xf32> to vector<16xf32>
      %add3A_456 = arith.addf %add3A_448, %get3A_455 : vector<16xf32>
      %get3A_457 = arith.constant 0 : i32
      %get3A_458 = arith.constant 46 : i32
      %get3A_459 = arith.index_cast %get3A_457 : i32 to index
      %get3A_460 = arith.index_cast %get3A_458 : i32 to index
      %get3A_461 = arith.constant 0 : index
      %get3A_462 = tpu.vector_load %arg6[%get3A_459, %get3A_460, %get3A_461] {strides = array<i32>} : memref<4x120x16xf32, #tpu.memory_space<vmem>>, vector<1x1x16xf32>,
      %get3A_463 = vector.shape_cast %get3A_462 : vector<1x1x16xf32> to vector<16xf32>
      %add3A_464 = arith.addf %add3A_456, %get3A_463 : vector<16xf32>
      %get3A_465 = arith.constant 0 : i32
      %get3A_466 = arith.constant 47 : i32
      %get3A_467 = arith.index_cast %get3A_465 : i32 to index
      %get3A_468 = arith.index_cast %get3A_466 : i32 to index
      %get3A_469 = arith.constant 0 : index
      %get3A_470 = tpu.vector_load %arg6[%get3A_467, %get3A_468, %get3A_469] {strides = array<i32>} : memref<4x120x16xf32, #tpu.memory_space<vmem>>, vector<1x1x16xf32>,
      %get3A_471 = vector.shape_cast %get3A_470 : vector<1x1x16xf32> to vector<16xf32>
      %add3A_472 = arith.addf %add3A_464, %get3A_471 : vector<16xf32>
      %get3A_473 = arith.constant 0 : i32
      %get3A_474 = arith.constant 48 : i32
      %get3A_475 = arith.index_cast %get3A_473 : i32 to index
      %get3A_476 = arith.index_cast %get3A_474 : i32 to index
      %get3A_477 = arith.constant 0 : index
      %get3A_478 = tpu.vector_load %arg6[%get3A_475, %get3A_476, %get3A_477] {strides = array<i32>} : memref<4x120x16xf32, #tpu.memory_space<vmem>>, vector<1x1x16xf32>,
      %get3A_479 = vector.shape_cast %get3A_478 : vector<1x1x16xf32> to vector<16xf32>
      %add3A_480 = arith.addf %add3A_472, %get3A_479 : vector<16xf32>
      %get3A_481 = arith.constant 0 : i32
      %get3A_482 = arith.constant 49 : i32
      %get3A_483 = arith.index_cast %get3A_481 : i32 to index
      %get3A_484 = arith.index_cast %get3A_482 : i32 to index
      %get3A_485 = arith.constant 0 : index
      %get3A_486 = tpu.vector_load %arg6[%get3A_483, %get3A_484, %get3A_485] {strides = array<i32>} : memref<4x120x16xf32, #tpu.memory_space<vmem>>, vector<1x1x16xf32>,
      %get3A_487 = vector.shape_cast %get3A_486 : vector<1x1x16xf32> to vector<16xf32>
      %add3A_488 = arith.addf %add3A_480, %get3A_487 : vector<16xf32>
      %get3A_489 = arith.constant 0 : i32
      %get3A_490 = arith.constant 50 : i32
      %get3A_491 = arith.index_cast %get3A_489 : i32 to index
      %get3A_492 = arith.index_cast %get3A_490 : i32 to index
      %get3A_493 = arith.constant 0 : index
      %get3A_494 = tpu.vector_load %arg6[%get3A_491, %get3A_492, %get3A_493] {strides = array<i32>} : memref<4x120x16xf32, #tpu.memory_space<vmem>>, vector<1x1x16xf32>,
      %get3A_495 = vector.shape_cast %get3A_494 : vector<1x1x16xf32> to vector<16xf32>
      %add3A_496 = arith.addf %add3A_488, %get3A_495 : vector<16xf32>
      %get3A_497 = arith.constant 0 : i32
      %get3A_498 = arith.constant 51 : i32
      %get3A_499 = arith.index_cast %get3A_497 : i32 to index
      %get3A_500 = arith.index_cast %get3A_498 : i32 to index
      %get3A_501 = arith.constant 0 : index
      %get3A_502 = tpu.vector_load %arg6[%get3A_499, %get3A_500, %get3A_501] {strides = array<i32>} : memref<4x120x16xf32, #tpu.memory_space<vmem>>, vector<1x1x16xf32>,
      %get3A_503 = vector.shape_cast %get3A_502 : vector<1x1x16xf32> to vector<16xf32>
      %add3A_504 = arith.addf %add3A_496, %get3A_503 : vector<16xf32>
      %get3A_505 = arith.constant 0 : i32
      %get3A_506 = arith.constant 52 : i32
      %get3A_507 = arith.index_cast %get3A_505 : i32 to index
      %get3A_508 = arith.index_cast %get3A_506 : i32 to index
      %get3A_509 = arith.constant 0 : index
      %get3A_510 = tpu.vector_load %arg6[%get3A_507, %get3A_508, %get3A_509] {strides = array<i32>} : memref<4x120x16xf32, #tpu.memory_space<vmem>>, vector<1x1x16xf32>,
      %get3A_511 = vector.shape_cast %get3A_510 : vector<1x1x16xf32> to vector<16xf32>
      %add3A_512 = arith.addf %add3A_504, %get3A_511 : vector<16xf32>
      %get3A_513 = arith.constant 0 : i32
      %get3A_514 = arith.constant 53 : i32
      %get3A_515 = arith.index_cast %get3A_513 : i32 to index
      %get3A_516 = arith.index_cast %get3A_514 : i32 to index
      %get3A_517 = arith.constant 0 : index
      %get3A_518 = tpu.vector_load %arg6[%get3A_515, %get3A_516, %get3A_517] {strides = array<i32>} : memref<4x120x16xf32, #tpu.memory_space<vmem>>, vector<1x1x16xf32>,
      %get3A_519 = vector.shape_cast %get3A_518 : vector<1x1x16xf32> to vector<16xf32>
      %add3A_520 = arith.addf %add3A_512, %get3A_519 : vector<16xf32>
      %get3A_521 = arith.constant 0 : i32
      %get3A_522 = arith.constant 54 : i32
      %get3A_523 = arith.index_cast %get3A_521 : i32 to index
      %get3A_524 = arith.index_cast %get3A_522 : i32 to index
      %get3A_525 = arith.constant 0 : index
      %get3A_526 = tpu.vector_load %arg6[%get3A_523, %get3A_524, %get3A_525] {strides = array<i32>} : memref<4x120x16xf32, #tpu.memory_space<vmem>>, vector<1x1x16xf32>,
      %get3A_527 = vector.shape_cast %get3A_526 : vector<1x1x16xf32> to vector<16xf32>
      %add3A_528 = arith.addf %add3A_520, %get3A_527 : vector<16xf32>
      %get3A_529 = arith.constant 0 : i32
      %get3A_530 = arith.constant 55 : i32
      %get3A_531 = arith.index_cast %get3A_529 : i32 to index
      %get3A_532 = arith.index_cast %get3A_530 : i32 to index
      %get3A_533 = arith.constant 0 : index
      %get3A_534 = tpu.vector_load %arg6[%get3A_531, %get3A_532, %get3A_533] {strides = array<i32>} : memref<4x120x16xf32, #tpu.memory_space<vmem>>, vector<1x1x16xf32>,
      %get3A_535 = vector.shape_cast %get3A_534 : vector<1x1x16xf32> to vector<16xf32>
      %add3A_536 = arith.addf %add3A_528, %get3A_535 : vector<16xf32>
      %get3A_537 = arith.constant 0 : i32
      %get3A_538 = arith.constant 56 : i32
      %get3A_539 = arith.index_cast %get3A_537 : i32 to index
      %get3A_540 = arith.index_cast %get3A_538 : i32 to index
      %get3A_541 = arith.constant 0 : index
      %get3A_542 = tpu.vector_load %arg6[%get3A_539, %get3A_540, %get3A_541] {strides = array<i32>} : memref<4x120x16xf32, #tpu.memory_space<vmem>>, vector<1x1x16xf32>,
      %get3A_543 = vector.shape_cast %get3A_542 : vector<1x1x16xf32> to vector<16xf32>
      %add3A_544 = arith.addf %add3A_536, %get3A_543 : vector<16xf32>
      %get3A_545 = arith.constant 0 : i32
      %get3A_546 = arith.constant 57 : i32
      %get3A_547 = arith.index_cast %get3A_545 : i32 to index
      %get3A_548 = arith.index_cast %get3A_546 : i32 to index
      %get3A_549 = arith.constant 0 : index
      %get3A_550 = tpu.vector_load %arg6[%get3A_547, %get3A_548, %get3A_549] {strides = array<i32>} : memref<4x120x16xf32, #tpu.memory_space<vmem>>, vector<1x1x16xf32>,
      %get3A_551 = vector.shape_cast %get3A_550 : vector<1x1x16xf32> to vector<16xf32>
      %add3A_552 = arith.addf %add3A_544, %get3A_551 : vector<16xf32>
      %get3A_553 = arith.constant 0 : i32
      %get3A_554 = arith.constant 58 : i32
      %get3A_555 = arith.index_cast %get3A_553 : i32 to index
      %get3A_556 = arith.index_cast %get3A_554 : i32 to index
      %get3A_557 = arith.constant 0 : index
      %get3A_558 = tpu.vector_load %arg6[%get3A_555, %get3A_556, %get3A_557] {strides = array<i32>} : memref<4x120x16xf32, #tpu.memory_space<vmem>>, vector<1x1x16xf32>,
      %get3A_559 = vector.shape_cast %get3A_558 : vector<1x1x16xf32> to vector<16xf32>
      %add3A_560 = arith.addf %add3A_552, %get3A_559 : vector<16xf32>
      %get3A_561 = arith.constant 0 : i32
      %get3A_562 = arith.constant 59 : i32
      %get3A_563 = arith.index_cast %get3A_561 : i32 to index
      %get3A_564 = arith.index_cast %get3A_562 : i32 to index
      %get3A_565 = arith.constant 0 : index
      %get3A_566 = tpu.vector_load %arg6[%get3A_563, %get3A_564, %get3A_565] {strides = array<i32>} : memref<4x120x16xf32, #tpu.memory_space<vmem>>, vector<1x1x16xf32>,
      %get3A_567 = vector.shape_cast %get3A_566 : vector<1x1x16xf32> to vector<16xf32>
      %add3A_568 = arith.addf %add3A_560, %get3A_567 : vector<16xf32>
      %mul3A_569 = arith.constant 5.000000e-02 : f32
      %mul3A_570 = vector.broadcast %mul3A_569 : f32 to vector<16xf32>
      %mul3A_571 = arith.mulf %add3A_568, %mul3A_570 : vector<16xf32>
      %mul3A_572 = arith.constant 6 : i32
      %mul3A_573 = arith.muli %add3A_59, %mul3A_572 : i32
      %add3A_574 = arith.constant 2 : i32
      %add3A_575 = arith.addi %mul3A_573, %add3A_574 : i32
      %swap3A_576 = arith.index_cast %add3A_575 : i32 to index
      %swap3A_577 = arith.constant 0 : index
      %swap3A_578 = tpu.vector_load %arg7[%swap3A_576, %swap3A_577] {strides = array<i32>} : memref<1056x16xf32, #tpu.memory_space<vmem>>, vector<1x16xf32>,
      %swap3A_579 = vector.shape_cast %swap3A_578 : vector<1x16xf32> to vector<16xf32>
      %swap3A_580 = vector.shape_cast %mul3A_571 : vector<16xf32> to vector<1x16xf32>
      tpu.vector_store %arg7[%swap3A_576, %swap3A_577], %swap3A_580 {strides = array<i32>} : memref<1056x16xf32, #tpu.memory_space<vmem>>, vector<1x16xf32>,
      %get3A_581 = arith.constant 0 : i32
      %get3A_582 = arith.constant 60 : i32
      %get3A_583 = arith.index_cast %get3A_581 : i32 to index
      %get3A_584 = arith.index_cast %get3A_582 : i32 to index
      %get3A_585 = arith.constant 0 : index
      %get3A_586 = tpu.vector_load %arg6[%get3A_583, %get3A_584, %get3A_585] {strides = array<i32>} : memref<4x120x16xf32, #tpu.memory_space<vmem>>, vector<1x1x16xf32>,
      %get3A_587 = vector.shape_cast %get3A_586 : vector<1x1x16xf32> to vector<16xf32>
      %get3A_588 = arith.constant 0 : i32
      %get3A_589 = arith.constant 61 : i32
      %get3A_590 = arith.index_cast %get3A_588 : i32 to index
      %get3A_591 = arith.index_cast %get3A_589 : i32 to index
      %get3A_592 = arith.constant 0 : index
      %get3A_593 = tpu.vector_load %arg6[%get3A_590, %get3A_591, %get3A_592] {strides = array<i32>} : memref<4x120x16xf32, #tpu.memory_space<vmem>>, vector<1x1x16xf32>,
      %get3A_594 = vector.shape_cast %get3A_593 : vector<1x1x16xf32> to vector<16xf32>
      %add3A_595 = arith.addf %get3A_587, %get3A_594 : vector<16xf32>
      %get3A_596 = arith.constant 0 : i32
      %get3A_597 = arith.constant 62 : i32
      %get3A_598 = arith.index_cast %get3A_596 : i32 to index
      %get3A_599 = arith.index_cast %get3A_597 : i32 to index
      %get3A_600 = arith.constant 0 : index
      %get3A_601 = tpu.vector_load %arg6[%get3A_598, %get3A_599, %get3A_600] {strides = array<i32>} : memref<4x120x16xf32, #tpu.memory_space<vmem>>, vector<1x1x16xf32>,
      %get3A_602 = vector.shape_cast %get3A_601 : vector<1x1x16xf32> to vector<16xf32>
      %add3A_603 = arith.addf %add3A_595, %get3A_602 : vector<16xf32>
      %get3A_604 = arith.constant 0 : i32
      %get3A_605 = arith.constant 63 : i32
      %get3A_606 = arith.index_cast %get3A_604 : i32 to index
      %get3A_607 = arith.index_cast %get3A_605 : i32 to index
      %get3A_608 = arith.constant 0 : index
      %get3A_609 = tpu.vector_load %arg6[%get3A_606, %get3A_607, %get3A_608] {strides = array<i32>} : memref<4x120x16xf32, #tpu.memory_space<vmem>>, vector<1x1x16xf32>,
      %get3A_610 = vector.shape_cast %get3A_609 : vector<1x1x16xf32> to vector<16xf32>
      %add3A_611 = arith.addf %add3A_603, %get3A_610 : vector<16xf32>
      %get3A_612 = arith.constant 0 : i32
      %get3A_613 = arith.constant 64 : i32
      %get3A_614 = arith.index_cast %get3A_612 : i32 to index
      %get3A_615 = arith.index_cast %get3A_613 : i32 to index
      %get3A_616 = arith.constant 0 : index
      %get3A_617 = tpu.vector_load %arg6[%get3A_614, %get3A_615, %get3A_616] {strides = array<i32>} : memref<4x120x16xf32, #tpu.memory_space<vmem>>, vector<1x1x16xf32>,
      %get3A_618 = vector.shape_cast %get3A_617 : vector<1x1x16xf32> to vector<16xf32>
      %add3A_619 = arith.addf %add3A_611, %get3A_618 : vector<16xf32>
      %get3A_620 = arith.constant 0 : i32
      %get3A_621 = arith.constant 65 : i32
      %get3A_622 = arith.index_cast %get3A_620 : i32 to index
      %get3A_623 = arith.index_cast %get3A_621 : i32 to index
      %get3A_624 = arith.constant 0 : index
      %get3A_625 = tpu.vector_load %arg6[%get3A_622, %get3A_623, %get3A_624] {strides = array<i32>} : memref<4x120x16xf32, #tpu.memory_space<vmem>>, vector<1x1x16xf32>,
      %get3A_626 = vector.shape_cast %get3A_625 : vector<1x1x16xf32> to vector<16xf32>
      %add3A_627 = arith.addf %add3A_619, %get3A_626 : vector<16xf32>
      %get3A_628 = arith.constant 0 : i32
      %get3A_629 = arith.constant 66 : i32
      %get3A_630 = arith.index_cast %get3A_628 : i32 to index
      %get3A_631 = arith.index_cast %get3A_629 : i32 to index
      %get3A_632 = arith.constant 0 : index
      %get3A_633 = tpu.vector_load %arg6[%get3A_630, %get3A_631, %get3A_632] {strides = array<i32>} : memref<4x120x16xf32, #tpu.memory_space<vmem>>, vector<1x1x16xf32>,
      %get3A_634 = vector.shape_cast %get3A_633 : vector<1x1x16xf32> to vector<16xf32>
      %add3A_635 = arith.addf %add3A_627, %get3A_634 : vector<16xf32>
      %get3A_636 = arith.constant 0 : i32
      %get3A_637 = arith.constant 67 : i32
      %get3A_638 = arith.index_cast %get3A_636 : i32 to index
      %get3A_639 = arith.index_cast %get3A_637 : i32 to index
      %get3A_640 = arith.constant 0 : index
      %get3A_641 = tpu.vector_load %arg6[%get3A_638, %get3A_639, %get3A_640] {strides = array<i32>} : memref<4x120x16xf32, #tpu.memory_space<vmem>>, vector<1x1x16xf32>,
      %get3A_642 = vector.shape_cast %get3A_641 : vector<1x1x16xf32> to vector<16xf32>
      %add3A_643 = arith.addf %add3A_635, %get3A_642 : vector<16xf32>
      %get3A_644 = arith.constant 0 : i32
      %get3A_645 = arith.constant 68 : i32
      %get3A_646 = arith.index_cast %get3A_644 : i32 to index
      %get3A_647 = arith.index_cast %get3A_645 : i32 to index
      %get3A_648 = arith.constant 0 : index
      %get3A_649 = tpu.vector_load %arg6[%get3A_646, %get3A_647, %get3A_648] {strides = array<i32>} : memref<4x120x16xf32, #tpu.memory_space<vmem>>, vector<1x1x16xf32>,
      %get3A_650 = vector.shape_cast %get3A_649 : vector<1x1x16xf32> to vector<16xf32>
      %add3A_651 = arith.addf %add3A_643, %get3A_650 : vector<16xf32>
      %get3A_652 = arith.constant 0 : i32
      %get3A_653 = arith.constant 69 : i32
      %get3A_654 = arith.index_cast %get3A_652 : i32 to index
      %get3A_655 = arith.index_cast %get3A_653 : i32 to index
      %get3A_656 = arith.constant 0 : index
      %get3A_657 = tpu.vector_load %arg6[%get3A_654, %get3A_655, %get3A_656] {strides = array<i32>} : memref<4x120x16xf32, #tpu.memory_space<vmem>>, vector<1x1x16xf32>,
      %get3A_658 = vector.shape_cast %get3A_657 : vector<1x1x16xf32> to vector<16xf32>
      %add3A_659 = arith.addf %add3A_651, %get3A_658 : vector<16xf32>
      %get3A_660 = arith.constant 0 : i32
      %get3A_661 = arith.constant 70 : i32
      %get3A_662 = arith.index_cast %get3A_660 : i32 to index
      %get3A_663 = arith.index_cast %get3A_661 : i32 to index
      %get3A_664 = arith.constant 0 : index
      %get3A_665 = tpu.vector_load %arg6[%get3A_662, %get3A_663, %get3A_664] {strides = array<i32>} : memref<4x120x16xf32, #tpu.memory_space<vmem>>, vector<1x1x16xf32>,
      %get3A_666 = vector.shape_cast %get3A_665 : vector<1x1x16xf32> to vector<16xf32>
      %add3A_667 = arith.addf %add3A_659, %get3A_666 : vector<16xf32>
      %get3A_668 = arith.constant 0 : i32
      %get3A_669 = arith.constant 71 : i32
      %get3A_670 = arith.index_cast %get3A_668 : i32 to index
      %get3A_671 = arith.index_cast %get3A_669 : i32 to index
      %get3A_672 = arith.constant 0 : index
      %get3A_673 = tpu.vector_load %arg6[%get3A_670, %get3A_671, %get3A_672] {strides = array<i32>} : memref<4x120x16xf32, #tpu.memory_space<vmem>>, vector<1x1x16xf32>,
      %get3A_674 = vector.shape_cast %get3A_673 : vector<1x1x16xf32> to vector<16xf32>
      %add3A_675 = arith.addf %add3A_667, %get3A_674 : vector<16xf32>
      %get3A_676 = arith.constant 0 : i32
      %get3A_677 = arith.constant 72 : i32
      %get3A_678 = arith.index_cast %get3A_676 : i32 to index
      %get3A_679 = arith.index_cast %get3A_677 : i32 to index
      %get3A_680 = arith.constant 0 : index
      %get3A_681 = tpu.vector_load %arg6[%get3A_678, %get3A_679, %get3A_680] {strides = array<i32>} : memref<4x120x16xf32, #tpu.memory_space<vmem>>, vector<1x1x16xf32>,
      %get3A_682 = vector.shape_cast %get3A_681 : vector<1x1x16xf32> to vector<16xf32>
      %add3A_683 = arith.addf %add3A_675, %get3A_682 : vector<16xf32>
      %get3A_684 = arith.constant 0 : i32
      %get3A_685 = arith.constant 73 : i32
      %get3A_686 = arith.index_cast %get3A_684 : i32 to index
      %get3A_687 = arith.index_cast %get3A_685 : i32 to index
      %get3A_688 = arith.constant 0 : index
      %get3A_689 = tpu.vector_load %arg6[%get3A_686, %get3A_687, %get3A_688] {strides = array<i32>} : memref<4x120x16xf32, #tpu.memory_space<vmem>>, vector<1x1x16xf32>,
      %get3A_690 = vector.shape_cast %get3A_689 : vector<1x1x16xf32> to vector<16xf32>
      %add3A_691 = arith.addf %add3A_683, %get3A_690 : vector<16xf32>
      %get3A_692 = arith.constant 0 : i32
      %get3A_693 = arith.constant 74 : i32
      %get3A_694 = arith.index_cast %get3A_692 : i32 to index
      %get3A_695 = arith.index_cast %get3A_693 : i32 to index
      %get3A_696 = arith.constant 0 : index
      %get3A_697 = tpu.vector_load %arg6[%get3A_694, %get3A_695, %get3A_696] {strides = array<i32>} : memref<4x120x16xf32, #tpu.memory_space<vmem>>, vector<1x1x16xf32>,
      %get3A_698 = vector.shape_cast %get3A_697 : vector<1x1x16xf32> to vector<16xf32>
      %add3A_699 = arith.addf %add3A_691, %get3A_698 : vector<16xf32>
      %get3A_700 = arith.constant 0 : i32
      %get3A_701 = arith.constant 75 : i32
      %get3A_702 = arith.index_cast %get3A_700 : i32 to index
      %get3A_703 = arith.index_cast %get3A_701 : i32 to index
      %get3A_704 = arith.constant 0 : index
      %get3A_705 = tpu.vector_load %arg6[%get3A_702, %get3A_703, %get3A_704] {strides = array<i32>} : memref<4x120x16xf32, #tpu.memory_space<vmem>>, vector<1x1x16xf32>,
      %get3A_706 = vector.shape_cast %get3A_705 : vector<1x1x16xf32> to vector<16xf32>
      %add3A_707 = arith.addf %add3A_699, %get3A_706 : vector<16xf32>
      %get3A_708 = arith.constant 0 : i32
      %get3A_709 = arith.constant 76 : i32
      %get3A_710 = arith.index_cast %get3A_708 : i32 to index
      %get3A_711 = arith.index_cast %get3A_709 : i32 to index
      %get3A_712 = arith.constant 0 : index
      %get3A_713 = tpu.vector_load %arg6[%get3A_710, %get3A_711, %get3A_712] {strides = array<i32>} : memref<4x120x16xf32, #tpu.memory_space<vmem>>, vector<1x1x16xf32>,
      %get3A_714 = vector.shape_cast %get3A_713 : vector<1x1x16xf32> to vector<16xf32>
      %add3A_715 = arith.addf %add3A_707, %get3A_714 : vector<16xf32>
      %get3A_716 = arith.constant 0 : i32
      %get3A_717 = arith.constant 77 : i32
      %get3A_718 = arith.index_cast %get3A_716 : i32 to index
      %get3A_719 = arith.index_cast %get3A_717 : i32 to index
      %get3A_720 = arith.constant 0 : index
      %get3A_721 = tpu.vector_load %arg6[%get3A_718, %get3A_719, %get3A_720] {strides = array<i32>} : memref<4x120x16xf32, #tpu.memory_space<vmem>>, vector<1x1x16xf32>,
      %get3A_722 = vector.shape_cast %get3A_721 : vector<1x1x16xf32> to vector<16xf32>
      %add3A_723 = arith.addf %add3A_715, %get3A_722 : vector<16xf32>
      %get3A_724 = arith.constant 0 : i32
      %get3A_725 = arith.constant 78 : i32
      %get3A_726 = arith.index_cast %get3A_724 : i32 to index
      %get3A_727 = arith.index_cast %get3A_725 : i32 to index
      %get3A_728 = arith.constant 0 : index
      %get3A_729 = tpu.vector_load %arg6[%get3A_726, %get3A_727, %get3A_728] {strides = array<i32>} : memref<4x120x16xf32, #tpu.memory_space<vmem>>, vector<1x1x16xf32>,
      %get3A_730 = vector.shape_cast %get3A_729 : vector<1x1x16xf32> to vector<16xf32>
      %add3A_731 = arith.addf %add3A_723, %get3A_730 : vector<16xf32>
      %get3A_732 = arith.constant 0 : i32
      %get3A_733 = arith.constant 79 : i32
      %get3A_734 = arith.index_cast %get3A_732 : i32 to index
      %get3A_735 = arith.index_cast %get3A_733 : i32 to index
      %get3A_736 = arith.constant 0 : index
      %get3A_737 = tpu.vector_load %arg6[%get3A_734, %get3A_735, %get3A_736] {strides = array<i32>} : memref<4x120x16xf32, #tpu.memory_space<vmem>>, vector<1x1x16xf32>,
      %get3A_738 = vector.shape_cast %get3A_737 : vector<1x1x16xf32> to vector<16xf32>
      %add3A_739 = arith.addf %add3A_731, %get3A_738 : vector<16xf32>
      %mul3A_740 = arith.constant 5.000000e-02 : f32
      %mul3A_741 = vector.broadcast %mul3A_740 : f32 to vector<16xf32>
      %mul3A_742 = arith.mulf %add3A_739, %mul3A_741 : vector<16xf32>
      %mul3A_743 = arith.constant 6 : i32
      %mul3A_744 = arith.muli %add3A_59, %mul3A_743 : i32
      %add3A_745 = arith.constant 3 : i32
      %add3A_746 = arith.addi %mul3A_744, %add3A_745 : i32
      %swap3A_747 = arith.index_cast %add3A_746 : i32 to index
      %swap3A_748 = arith.constant 0 : index
      %swap3A_749 = tpu.vector_load %arg7[%swap3A_747, %swap3A_748] {strides = array<i32>} : memref<1056x16xf32, #tpu.memory_space<vmem>>, vector<1x16xf32>,
      %swap3A_750 = vector.shape_cast %swap3A_749 : vector<1x16xf32> to vector<16xf32>
      %swap3A_751 = vector.shape_cast %mul3A_742 : vector<16xf32> to vector<1x16xf32>
      tpu.vector_store %arg7[%swap3A_747, %swap3A_748], %swap3A_751 {strides = array<i32>} : memref<1056x16xf32, #tpu.memory_space<vmem>>, vector<1x16xf32>,
      %get3A_752 = arith.constant 0 : i32
      %get3A_753 = arith.constant 80 : i32
      %get3A_754 = arith.index_cast %get3A_752 : i32 to index
      %get3A_755 = arith.index_cast %get3A_753 : i32 to index
      %get3A_756 = arith.constant 0 : index
      %get3A_757 = tpu.vector_load %arg6[%get3A_754, %get3A_755, %get3A_756] {strides = array<i32>} : memref<4x120x16xf32, #tpu.memory_space<vmem>>, vector<1x1x16xf32>,
      %get3A_758 = vector.shape_cast %get3A_757 : vector<1x1x16xf32> to vector<16xf32>
      %get3A_759 = arith.constant 0 : i32
      %get3A_760 = arith.constant 81 : i32
      %get3A_761 = arith.index_cast %get3A_759 : i32 to index
      %get3A_762 = arith.index_cast %get3A_760 : i32 to index
      %get3A_763 = arith.constant 0 : index
      %get3A_764 = tpu.vector_load %arg6[%get3A_761, %get3A_762, %get3A_763] {strides = array<i32>} : memref<4x120x16xf32, #tpu.memory_space<vmem>>, vector<1x1x16xf32>,
      %get3A_765 = vector.shape_cast %get3A_764 : vector<1x1x16xf32> to vector<16xf32>
      %add3A_766 = arith.addf %get3A_758, %get3A_765 : vector<16xf32>
      %get3A_767 = arith.constant 0 : i32
      %get3A_768 = arith.constant 82 : i32
      %get3A_769 = arith.index_cast %get3A_767 : i32 to index
      %get3A_770 = arith.index_cast %get3A_768 : i32 to index
      %get3A_771 = arith.constant 0 : index
      %get3A_772 = tpu.vector_load %arg6[%get3A_769, %get3A_770, %get3A_771] {strides = array<i32>} : memref<4x120x16xf32, #tpu.memory_space<vmem>>, vector<1x1x16xf32>,
      %get3A_773 = vector.shape_cast %get3A_772 : vector<1x1x16xf32> to vector<16xf32>
      %add3A_774 = arith.addf %add3A_766, %get3A_773 : vector<16xf32>
      %get3A_775 = arith.constant 0 : i32
      %get3A_776 = arith.constant 83 : i32
      %get3A_777 = arith.index_cast %get3A_775 : i32 to index
      %get3A_778 = arith.index_cast %get3A_776 : i32 to index
      %get3A_779 = arith.constant 0 : index
      %get3A_780 = tpu.vector_load %arg6[%get3A_777, %get3A_778, %get3A_779] {strides = array<i32>} : memref<4x120x16xf32, #tpu.memory_space<vmem>>, vector<1x1x16xf32>,
      %get3A_781 = vector.shape_cast %get3A_780 : vector<1x1x16xf32> to vector<16xf32>
      %add3A_782 = arith.addf %add3A_774, %get3A_781 : vector<16xf32>
      %get3A_783 = arith.constant 0 : i32
      %get3A_784 = arith.constant 84 : i32
      %get3A_785 = arith.index_cast %get3A_783 : i32 to index
      %get3A_786 = arith.index_cast %get3A_784 : i32 to index
      %get3A_787 = arith.constant 0 : index
      %get3A_788 = tpu.vector_load %arg6[%get3A_785, %get3A_786, %get3A_787] {strides = array<i32>} : memref<4x120x16xf32, #tpu.memory_space<vmem>>, vector<1x1x16xf32>,
      %get3A_789 = vector.shape_cast %get3A_788 : vector<1x1x16xf32> to vector<16xf32>
      %add3A_790 = arith.addf %add3A_782, %get3A_789 : vector<16xf32>
      %get3A_791 = arith.constant 0 : i32
      %get3A_792 = arith.constant 85 : i32
      %get3A_793 = arith.index_cast %get3A_791 : i32 to index
      %get3A_794 = arith.index_cast %get3A_792 : i32 to index
      %get3A_795 = arith.constant 0 : index
      %get3A_796 = tpu.vector_load %arg6[%get3A_793, %get3A_794, %get3A_795] {strides = array<i32>} : memref<4x120x16xf32, #tpu.memory_space<vmem>>, vector<1x1x16xf32>,
      %get3A_797 = vector.shape_cast %get3A_796 : vector<1x1x16xf32> to vector<16xf32>
      %add3A_798 = arith.addf %add3A_790, %get3A_797 : vector<16xf32>
      %get3A_799 = arith.constant 0 : i32
      %get3A_800 = arith.constant 86 : i32
      %get3A_801 = arith.index_cast %get3A_799 : i32 to index
      %get3A_802 = arith.index_cast %get3A_800 : i32 to index
      %get3A_803 = arith.constant 0 : index
      %get3A_804 = tpu.vector_load %arg6[%get3A_801, %get3A_802, %get3A_803] {strides = array<i32>} : memref<4x120x16xf32, #tpu.memory_space<vmem>>, vector<1x1x16xf32>,
      %get3A_805 = vector.shape_cast %get3A_804 : vector<1x1x16xf32> to vector<16xf32>
      %add3A_806 = arith.addf %add3A_798, %get3A_805 : vector<16xf32>
      %get3A_807 = arith.constant 0 : i32
      %get3A_808 = arith.constant 87 : i32
      %get3A_809 = arith.index_cast %get3A_807 : i32 to index
      %get3A_810 = arith.index_cast %get3A_808 : i32 to index
      %get3A_811 = arith.constant 0 : index
      %get3A_812 = tpu.vector_load %arg6[%get3A_809, %get3A_810, %get3A_811] {strides = array<i32>} : memref<4x120x16xf32, #tpu.memory_space<vmem>>, vector<1x1x16xf32>,
      %get3A_813 = vector.shape_cast %get3A_812 : vector<1x1x16xf32> to vector<16xf32>
      %add3A_814 = arith.addf %add3A_806, %get3A_813 : vector<16xf32>
      %get3A_815 = arith.constant 0 : i32
      %get3A_816 = arith.constant 88 : i32
      %get3A_817 = arith.index_cast %get3A_815 : i32 to index
      %get3A_818 = arith.index_cast %get3A_816 : i32 to index
      %get3A_819 = arith.constant 0 : index
      %get3A_820 = tpu.vector_load %arg6[%get3A_817, %get3A_818, %get3A_819] {strides = array<i32>} : memref<4x120x16xf32, #tpu.memory_space<vmem>>, vector<1x1x16xf32>,
      %get3A_821 = vector.shape_cast %get3A_820 : vector<1x1x16xf32> to vector<16xf32>
      %add3A_822 = arith.addf %add3A_814, %get3A_821 : vector<16xf32>
      %get3A_823 = arith.constant 0 : i32
      %get3A_824 = arith.constant 89 : i32
      %get3A_825 = arith.index_cast %get3A_823 : i32 to index
      %get3A_826 = arith.index_cast %get3A_824 : i32 to index
      %get3A_827 = arith.constant 0 : index
      %get3A_828 = tpu.vector_load %arg6[%get3A_825, %get3A_826, %get3A_827] {strides = array<i32>} : memref<4x120x16xf32, #tpu.memory_space<vmem>>, vector<1x1x16xf32>,
      %get3A_829 = vector.shape_cast %get3A_828 : vector<1x1x16xf32> to vector<16xf32>
      %add3A_830 = arith.addf %add3A_822, %get3A_829 : vector<16xf32>
      %get3A_831 = arith.constant 0 : i32
      %get3A_832 = arith.constant 90 : i32
      %get3A_833 = arith.index_cast %get3A_831 : i32 to index
      %get3A_834 = arith.index_cast %get3A_832 : i32 to index
      %get3A_835 = arith.constant 0 : index
      %get3A_836 = tpu.vector_load %arg6[%get3A_833, %get3A_834, %get3A_835] {strides = array<i32>} : memref<4x120x16xf32, #tpu.memory_space<vmem>>, vector<1x1x16xf32>,
      %get3A_837 = vector.shape_cast %get3A_836 : vector<1x1x16xf32> to vector<16xf32>
      %add3A_838 = arith.addf %add3A_830, %get3A_837 : vector<16xf32>
      %get3A_839 = arith.constant 0 : i32
      %get3A_840 = arith.constant 91 : i32
      %get3A_841 = arith.index_cast %get3A_839 : i32 to index
      %get3A_842 = arith.index_cast %get3A_840 : i32 to index
      %get3A_843 = arith.constant 0 : index
      %get3A_844 = tpu.vector_load %arg6[%get3A_841, %get3A_842, %get3A_843] {strides = array<i32>} : memref<4x120x16xf32, #tpu.memory_space<vmem>>, vector<1x1x16xf32>,
      %get3A_845 = vector.shape_cast %get3A_844 : vector<1x1x16xf32> to vector<16xf32>
      %add3A_846 = arith.addf %add3A_838, %get3A_845 : vector<16xf32>
      %get3A_847 = arith.constant 0 : i32
      %get3A_848 = arith.constant 92 : i32
      %get3A_849 = arith.index_cast %get3A_847 : i32 to index
      %get3A_850 = arith.index_cast %get3A_848 : i32 to index
      %get3A_851 = arith.constant 0 : index
      %get3A_852 = tpu.vector_load %arg6[%get3A_849, %get3A_850, %get3A_851] {strides = array<i32>} : memref<4x120x16xf32, #tpu.memory_space<vmem>>, vector<1x1x16xf32>,
      %get3A_853 = vector.shape_cast %get3A_852 : vector<1x1x16xf32> to vector<16xf32>
      %add3A_854 = arith.addf %add3A_846, %get3A_853 : vector<16xf32>
      %get3A_855 = arith.constant 0 : i32
      %get3A_856 = arith.constant 93 : i32
      %get3A_857 = arith.index_cast %get3A_855 : i32 to index
      %get3A_858 = arith.index_cast %get3A_856 : i32 to index
      %get3A_859 = arith.constant 0 : index
      %get3A_860 = tpu.vector_load %arg6[%get3A_857, %get3A_858, %get3A_859] {strides = array<i32>} : memref<4x120x16xf32, #tpu.memory_space<vmem>>, vector<1x1x16xf32>,
      %get3A_861 = vector.shape_cast %get3A_860 : vector<1x1x16xf32> to vector<16xf32>
      %add3A_862 = arith.addf %add3A_854, %get3A_861 : vector<16xf32>
      %get3A_863 = arith.constant 0 : i32
      %get3A_864 = arith.constant 94 : i32
      %get3A_865 = arith.index_cast %get3A_863 : i32 to index
      %get3A_866 = arith.index_cast %get3A_864 : i32 to index
      %get3A_867 = arith.constant 0 : index
      %get3A_868 = tpu.vector_load %arg6[%get3A_865, %get3A_866, %get3A_867] {strides = array<i32>} : memref<4x120x16xf32, #tpu.memory_space<vmem>>, vector<1x1x16xf32>,
      %get3A_869 = vector.shape_cast %get3A_868 : vector<1x1x16xf32> to vector<16xf32>
      %add3A_870 = arith.addf %add3A_862, %get3A_869 : vector<16xf32>
      %get3A_871 = arith.constant 0 : i32
      %get3A_872 = arith.constant 95 : i32
      %get3A_873 = arith.index_cast %get3A_871 : i32 to index
      %get3A_874 = arith.index_cast %get3A_872 : i32 to index
      %get3A_875 = arith.constant 0 : index
      %get3A_876 = tpu.vector_load %arg6[%get3A_873, %get3A_874, %get3A_875] {strides = array<i32>} : memref<4x120x16xf32, #tpu.memory_space<vmem>>, vector<1x1x16xf32>,
      %get3A_877 = vector.shape_cast %get3A_876 : vector<1x1x16xf32> to vector<16xf32>
      %add3A_878 = arith.addf %add3A_870, %get3A_877 : vector<16xf32>
      %get3A_879 = arith.constant 0 : i32
      %get3A_880 = arith.constant 96 : i32
      %get3A_881 = arith.index_cast %get3A_879 : i32 to index
      %get3A_882 = arith.index_cast %get3A_880 : i32 to index
      %get3A_883 = arith.constant 0 : index
      %get3A_884 = tpu.vector_load %arg6[%get3A_881, %get3A_882, %get3A_883] {strides = array<i32>} : memref<4x120x16xf32, #tpu.memory_space<vmem>>, vector<1x1x16xf32>,
      %get3A_885 = vector.shape_cast %get3A_884 : vector<1x1x16xf32> to vector<16xf32>
      %add3A_886 = arith.addf %add3A_878, %get3A_885 : vector<16xf32>
      %get3A_887 = arith.constant 0 : i32
      %get3A_888 = arith.constant 97 : i32
      %get3A_889 = arith.index_cast %get3A_887 : i32 to index
      %get3A_890 = arith.index_cast %get3A_888 : i32 to index
      %get3A_891 = arith.constant 0 : index
      %get3A_892 = tpu.vector_load %arg6[%get3A_889, %get3A_890, %get3A_891] {strides = array<i32>} : memref<4x120x16xf32, #tpu.memory_space<vmem>>, vector<1x1x16xf32>,
      %get3A_893 = vector.shape_cast %get3A_892 : vector<1x1x16xf32> to vector<16xf32>
      %add3A_894 = arith.addf %add3A_886, %get3A_893 : vector<16xf32>
      %get3A_895 = arith.constant 0 : i32
      %get3A_896 = arith.constant 98 : i32
      %get3A_897 = arith.index_cast %get3A_895 : i32 to index
      %get3A_898 = arith.index_cast %get3A_896 : i32 to index
      %get3A_899 = arith.constant 0 : index
      %get3A_900 = tpu.vector_load %arg6[%get3A_897, %get3A_898, %get3A_899] {strides = array<i32>} : memref<4x120x16xf32, #tpu.memory_space<vmem>>, vector<1x1x16xf32>,
      %get3A_901 = vector.shape_cast %get3A_900 : vector<1x1x16xf32> to vector<16xf32>
      %add3A_902 = arith.addf %add3A_894, %get3A_901 : vector<16xf32>
      %get3A_903 = arith.constant 0 : i32
      %get3A_904 = arith.constant 99 : i32
      %get3A_905 = arith.index_cast %get3A_903 : i32 to index
      %get3A_906 = arith.index_cast %get3A_904 : i32 to index
      %get3A_907 = arith.constant 0 : index
      %get3A_908 = tpu.vector_load %arg6[%get3A_905, %get3A_906, %get3A_907] {strides = array<i32>} : memref<4x120x16xf32, #tpu.memory_space<vmem>>, vector<1x1x16xf32>,
      %get3A_909 = vector.shape_cast %get3A_908 : vector<1x1x16xf32> to vector<16xf32>
      %add3A_910 = arith.addf %add3A_902, %get3A_909 : vector<16xf32>
      %mul3A_911 = arith.constant 5.000000e-02 : f32
      %mul3A_912 = vector.broadcast %mul3A_911 : f32 to vector<16xf32>
      %mul3A_913 = arith.mulf %add3A_910, %mul3A_912 : vector<16xf32>
      %mul3A_914 = arith.constant 6 : i32
      %mul3A_915 = arith.muli %add3A_59, %mul3A_914 : i32
      %add3A_916 = arith.constant 4 : i32
      %add3A_917 = arith.addi %mul3A_915, %add3A_916 : i32
      %swap3A_918 = arith.index_cast %add3A_917 : i32 to index
      %swap3A_919 = arith.constant 0 : index
      %swap3A_920 = tpu.vector_load %arg7[%swap3A_918, %swap3A_919] {strides = array<i32>} : memref<1056x16xf32, #tpu.memory_space<vmem>>, vector<1x16xf32>,
      %swap3A_921 = vector.shape_cast %swap3A_920 : vector<1x16xf32> to vector<16xf32>
      %swap3A_922 = vector.shape_cast %mul3A_913 : vector<16xf32> to vector<1x16xf32>
      tpu.vector_store %arg7[%swap3A_918, %swap3A_919], %swap3A_922 {strides = array<i32>} : memref<1056x16xf32, #tpu.memory_space<vmem>>, vector<1x16xf32>,
      %get3A_923 = arith.constant 0 : i32
      %get3A_924 = arith.constant 100 : i32
      %get3A_925 = arith.index_cast %get3A_923 : i32 to index
      %get3A_926 = arith.index_cast %get3A_924 : i32 to index
      %get3A_927 = arith.constant 0 : index
      %get3A_928 = tpu.vector_load %arg6[%get3A_925, %get3A_926, %get3A_927] {strides = array<i32>} : memref<4x120x16xf32, #tpu.memory_space<vmem>>, vector<1x1x16xf32>,
      %get3A_929 = vector.shape_cast %get3A_928 : vector<1x1x16xf32> to vector<16xf32>
      %get3A_930 = arith.constant 0 : i32
      %get3A_931 = arith.constant 101 : i32
      %get3A_932 = arith.index_cast %get3A_930 : i32 to index
      %get3A_933 = arith.index_cast %get3A_931 : i32 to index
      %get3A_934 = arith.constant 0 : index
      %get3A_935 = tpu.vector_load %arg6[%get3A_932, %get3A_933, %get3A_934] {strides = array<i32>} : memref<4x120x16xf32, #tpu.memory_space<vmem>>, vector<1x1x16xf32>,
      %get3A_936 = vector.shape_cast %get3A_935 : vector<1x1x16xf32> to vector<16xf32>
      %add3A_937 = arith.addf %get3A_929, %get3A_936 : vector<16xf32>
      %get3A_938 = arith.constant 0 : i32
      %get3A_939 = arith.constant 102 : i32
      %get3A_940 = arith.index_cast %get3A_938 : i32 to index
      %get3A_941 = arith.index_cast %get3A_939 : i32 to index
      %get3A_942 = arith.constant 0 : index
      %get3A_943 = tpu.vector_load %arg6[%get3A_940, %get3A_941, %get3A_942] {strides = array<i32>} : memref<4x120x16xf32, #tpu.memory_space<vmem>>, vector<1x1x16xf32>,
      %get3A_944 = vector.shape_cast %get3A_943 : vector<1x1x16xf32> to vector<16xf32>
      %add3A_945 = arith.addf %add3A_937, %get3A_944 : vector<16xf32>
      %get3A_946 = arith.constant 0 : i32
      %get3A_947 = arith.constant 103 : i32
      %get3A_948 = arith.index_cast %get3A_946 : i32 to index
      %get3A_949 = arith.index_cast %get3A_947 : i32 to index
      %get3A_950 = arith.constant 0 : index
      %get3A_951 = tpu.vector_load %arg6[%get3A_948, %get3A_949, %get3A_950] {strides = array<i32>} : memref<4x120x16xf32, #tpu.memory_space<vmem>>, vector<1x1x16xf32>,
      %get3A_952 = vector.shape_cast %get3A_951 : vector<1x1x16xf32> to vector<16xf32>
      %add3A_953 = arith.addf %add3A_945, %get3A_952 : vector<16xf32>
      %get3A_954 = arith.constant 0 : i32
      %get3A_955 = arith.constant 104 : i32
      %get3A_956 = arith.index_cast %get3A_954 : i32 to index
      %get3A_957 = arith.index_cast %get3A_955 : i32 to index
      %get3A_958 = arith.constant 0 : index
      %get3A_959 = tpu.vector_load %arg6[%get3A_956, %get3A_957, %get3A_958] {strides = array<i32>} : memref<4x120x16xf32, #tpu.memory_space<vmem>>, vector<1x1x16xf32>,
      %get3A_960 = vector.shape_cast %get3A_959 : vector<1x1x16xf32> to vector<16xf32>
      %add3A_961 = arith.addf %add3A_953, %get3A_960 : vector<16xf32>
      %get3A_962 = arith.constant 0 : i32
      %get3A_963 = arith.constant 105 : i32
      %get3A_964 = arith.index_cast %get3A_962 : i32 to index
      %get3A_965 = arith.index_cast %get3A_963 : i32 to index
      %get3A_966 = arith.constant 0 : index
      %get3A_967 = tpu.vector_load %arg6[%get3A_964, %get3A_965, %get3A_966] {strides = array<i32>} : memref<4x120x16xf32, #tpu.memory_space<vmem>>, vector<1x1x16xf32>,
      %get3A_968 = vector.shape_cast %get3A_967 : vector<1x1x16xf32> to vector<16xf32>
      %add3A_969 = arith.addf %add3A_961, %get3A_968 : vector<16xf32>
      %get3A_970 = arith.constant 0 : i32
      %get3A_971 = arith.constant 106 : i32
      %get3A_972 = arith.index_cast %get3A_970 : i32 to index
      %get3A_973 = arith.index_cast %get3A_971 : i32 to index
      %get3A_974 = arith.constant 0 : index
      %get3A_975 = tpu.vector_load %arg6[%get3A_972, %get3A_973, %get3A_974] {strides = array<i32>} : memref<4x120x16xf32, #tpu.memory_space<vmem>>, vector<1x1x16xf32>,
      %get3A_976 = vector.shape_cast %get3A_975 : vector<1x1x16xf32> to vector<16xf32>
      %add3A_977 = arith.addf %add3A_969, %get3A_976 : vector<16xf32>
      %get3A_978 = arith.constant 0 : i32
      %get3A_979 = arith.constant 107 : i32
      %get3A_980 = arith.index_cast %get3A_978 : i32 to index
      %get3A_981 = arith.index_cast %get3A_979 : i32 to index
      %get3A_982 = arith.constant 0 : index
      %get3A_983 = tpu.vector_load %arg6[%get3A_980, %get3A_981, %get3A_982] {strides = array<i32>} : memref<4x120x16xf32, #tpu.memory_space<vmem>>, vector<1x1x16xf32>,
      %get3A_984 = vector.shape_cast %get3A_983 : vector<1x1x16xf32> to vector<16xf32>
      %add3A_985 = arith.addf %add3A_977, %get3A_984 : vector<16xf32>
      %get3A_986 = arith.constant 0 : i32
      %get3A_987 = arith.constant 108 : i32
      %get3A_988 = arith.index_cast %get3A_986 : i32 to index
      %get3A_989 = arith.index_cast %get3A_987 : i32 to index
      %get3A_990 = arith.constant 0 : index
      %get3A_991 = tpu.vector_load %arg6[%get3A_988, %get3A_989, %get3A_990] {strides = array<i32>} : memref<4x120x16xf32, #tpu.memory_space<vmem>>, vector<1x1x16xf32>,
      %get3A_992 = vector.shape_cast %get3A_991 : vector<1x1x16xf32> to vector<16xf32>
      %add3A_993 = arith.addf %add3A_985, %get3A_992 : vector<16xf32>
      %get3A_994 = arith.constant 0 : i32
      %get3A_995 = arith.constant 109 : i32
      %get3A_996 = arith.index_cast %get3A_994 : i32 to index
      %get3A_997 = arith.index_cast %get3A_995 : i32 to index
      %get3A_998 = arith.constant 0 : index
      %get3A_999 = tpu.vector_load %arg6[%get3A_996, %get3A_997, %get3A_998] {strides = array<i32>} : memref<4x120x16xf32, #tpu.memory_space<vmem>>, vector<1x1x16xf32>,
      %get3A_1000 = vector.shape_cast %get3A_999 : vector<1x1x16xf32> to vector<16xf32>
      %add3A_1001 = arith.addf %add3A_993, %get3A_1000 : vector<16xf32>
      %get3A_1002 = arith.constant 0 : i32
      %get3A_1003 = arith.constant 110 : i32
      %get3A_1004 = arith.index_cast %get3A_1002 : i32 to index
      %get3A_1005 = arith.index_cast %get3A_1003 : i32 to index
      %get3A_1006 = arith.constant 0 : index
      %get3A_1007 = tpu.vector_load %arg6[%get3A_1004, %get3A_1005, %get3A_1006] {strides = array<i32>} : memref<4x120x16xf32, #tpu.memory_space<vmem>>, vector<1x1x16xf32>,
      %get3A_1008 = vector.shape_cast %get3A_1007 : vector<1x1x16xf32> to vector<16xf32>
      %add3A_1009 = arith.addf %add3A_1001, %get3A_1008 : vector<16xf32>
      %get3A_1010 = arith.constant 0 : i32
      %get3A_1011 = arith.constant 111 : i32
      %get3A_1012 = arith.index_cast %get3A_1010 : i32 to index
      %get3A_1013 = arith.index_cast %get3A_1011 : i32 to index
      %get3A_1014 = arith.constant 0 : index
      %get3A_1015 = tpu.vector_load %arg6[%get3A_1012, %get3A_1013, %get3A_1014] {strides = array<i32>} : memref<4x120x16xf32, #tpu.memory_space<vmem>>, vector<1x1x16xf32>,
      %get3A_1016 = vector.shape_cast %get3A_1015 : vector<1x1x16xf32> to vector<16xf32>
      %add3A_1017 = arith.addf %add3A_1009, %get3A_1016 : vector<16xf32>
      %get3A_1018 = arith.constant 0 : i32
      %get3A_1019 = arith.constant 112 : i32
      %get3A_1020 = arith.index_cast %get3A_1018 : i32 to index
      %get3A_1021 = arith.index_cast %get3A_1019 : i32 to index
      %get3A_1022 = arith.constant 0 : index
      %get3A_1023 = tpu.vector_load %arg6[%get3A_1020, %get3A_1021, %get3A_1022] {strides = array<i32>} : memref<4x120x16xf32, #tpu.memory_space<vmem>>, vector<1x1x16xf32>,
      %get3A_1024 = vector.shape_cast %get3A_1023 : vector<1x1x16xf32> to vector<16xf32>
      %add3A_1025 = arith.addf %add3A_1017, %get3A_1024 : vector<16xf32>
      %get3A_1026 = arith.constant 0 : i32
      %get3A_1027 = arith.constant 113 : i32
      %get3A_1028 = arith.index_cast %get3A_1026 : i32 to index
      %get3A_1029 = arith.index_cast %get3A_1027 : i32 to index
      %get3A_1030 = arith.constant 0 : index
      %get3A_1031 = tpu.vector_load %arg6[%get3A_1028, %get3A_1029, %get3A_1030] {strides = array<i32>} : memref<4x120x16xf32, #tpu.memory_space<vmem>>, vector<1x1x16xf32>,
      %get3A_1032 = vector.shape_cast %get3A_1031 : vector<1x1x16xf32> to vector<16xf32>
      %add3A_1033 = arith.addf %add3A_1025, %get3A_1032 : vector<16xf32>
      %get3A_1034 = arith.constant 0 : i32
      %get3A_1035 = arith.constant 114 : i32
      %get3A_1036 = arith.index_cast %get3A_1034 : i32 to index
      %get3A_1037 = arith.index_cast %get3A_1035 : i32 to index
      %get3A_1038 = arith.constant 0 : index
      %get3A_1039 = tpu.vector_load %arg6[%get3A_1036, %get3A_1037, %get3A_1038] {strides = array<i32>} : memref<4x120x16xf32, #tpu.memory_space<vmem>>, vector<1x1x16xf32>,
      %get3A_1040 = vector.shape_cast %get3A_1039 : vector<1x1x16xf32> to vector<16xf32>
      %add3A_1041 = arith.addf %add3A_1033, %get3A_1040 : vector<16xf32>
      %get3A_1042 = arith.constant 0 : i32
      %get3A_1043 = arith.constant 115 : i32
      %get3A_1044 = arith.index_cast %get3A_1042 : i32 to index
      %get3A_1045 = arith.index_cast %get3A_1043 : i32 to index
      %get3A_1046 = arith.constant 0 : index
      %get3A_1047 = tpu.vector_load %arg6[%get3A_1044, %get3A_1045, %get3A_1046] {strides = array<i32>} : memref<4x120x16xf32, #tpu.memory_space<vmem>>, vector<1x1x16xf32>,
      %get3A_1048 = vector.shape_cast %get3A_1047 : vector<1x1x16xf32> to vector<16xf32>
      %add3A_1049 = arith.addf %add3A_1041, %get3A_1048 : vector<16xf32>
      %get3A_1050 = arith.constant 0 : i32
      %get3A_1051 = arith.constant 116 : i32
      %get3A_1052 = arith.index_cast %get3A_1050 : i32 to index
      %get3A_1053 = arith.index_cast %get3A_1051 : i32 to index
      %get3A_1054 = arith.constant 0 : index
      %get3A_1055 = tpu.vector_load %arg6[%get3A_1052, %get3A_1053, %get3A_1054] {strides = array<i32>} : memref<4x120x16xf32, #tpu.memory_space<vmem>>, vector<1x1x16xf32>,
      %get3A_1056 = vector.shape_cast %get3A_1055 : vector<1x1x16xf32> to vector<16xf32>
      %add3A_1057 = arith.addf %add3A_1049, %get3A_1056 : vector<16xf32>
      %get3A_1058 = arith.constant 0 : i32
      %get3A_1059 = arith.constant 117 : i32
      %get3A_1060 = arith.index_cast %get3A_1058 : i32 to index
      %get3A_1061 = arith.index_cast %get3A_1059 : i32 to index
      %get3A_1062 = arith.constant 0 : index
      %get3A_1063 = tpu.vector_load %arg6[%get3A_1060, %get3A_1061, %get3A_1062] {strides = array<i32>} : memref<4x120x16xf32, #tpu.memory_space<vmem>>, vector<1x1x16xf32>,
      %get3A_1064 = vector.shape_cast %get3A_1063 : vector<1x1x16xf32> to vector<16xf32>
      %add3A_1065 = arith.addf %add3A_1057, %get3A_1064 : vector<16xf32>
      %get3A_1066 = arith.constant 0 : i32
      %get3A_1067 = arith.constant 118 : i32
      %get3A_1068 = arith.index_cast %get3A_1066 : i32 to index
      %get3A_1069 = arith.index_cast %get3A_1067 : i32 to index
      %get3A_1070 = arith.constant 0 : index
      %get3A_1071 = tpu.vector_load %arg6[%get3A_1068, %get3A_1069, %get3A_1070] {strides = array<i32>} : memref<4x120x16xf32, #tpu.memory_space<vmem>>, vector<1x1x16xf32>,
      %get3A_1072 = vector.shape_cast %get3A_1071 : vector<1x1x16xf32> to vector<16xf32>
      %add3A_1073 = arith.addf %add3A_1065, %get3A_1072 : vector<16xf32>
      %get3A_1074 = arith.constant 0 : i32
      %get3A_1075 = arith.constant 119 : i32
      %get3A_1076 = arith.index_cast %get3A_1074 : i32 to index
      %get3A_1077 = arith.index_cast %get3A_1075 : i32 to index
      %get3A_1078 = arith.constant 0 : index
      %get3A_1079 = tpu.vector_load %arg6[%get3A_1076, %get3A_1077, %get3A_1078] {strides = array<i32>} : memref<4x120x16xf32, #tpu.memory_space<vmem>>, vector<1x1x16xf32>,
      %get3A_1080 = vector.shape_cast %get3A_1079 : vector<1x1x16xf32> to vector<16xf32>
      %add3A_1081 = arith.addf %add3A_1073, %get3A_1080 : vector<16xf32>
      %mul3A_1082 = arith.constant 5.000000e-02 : f32
      %mul3A_1083 = vector.broadcast %mul3A_1082 : f32 to vector<16xf32>
      %mul3A_1084 = arith.mulf %add3A_1081, %mul3A_1083 : vector<16xf32>
      %mul3A_1085 = arith.constant 6 : i32
      %mul3A_1086 = arith.muli %add3A_59, %mul3A_1085 : i32
      %add3A_1087 = arith.constant 5 : i32
      %add3A_1088 = arith.addi %mul3A_1086, %add3A_1087 : i32
      %swap3A_1089 = arith.index_cast %add3A_1088 : i32 to index
      %swap3A_1090 = arith.constant 0 : index
      %swap3A_1091 = tpu.vector_load %arg7[%swap3A_1089, %swap3A_1090] {strides = array<i32>} : memref<1056x16xf32, #tpu.memory_space<vmem>>, vector<1x16xf32>,
      %swap3A_1092 = vector.shape_cast %swap3A_1091 : vector<1x16xf32> to vector<16xf32>
      %swap3A_1093 = vector.shape_cast %mul3A_1084 : vector<16xf32> to vector<1x16xf32>
      tpu.vector_store %arg7[%swap3A_1089, %swap3A_1090], %swap3A_1093 {strides = array<i32>} : memref<1056x16xf32, #tpu.memory_space<vmem>>, vector<1x16xf32>,
      %add3A_1094 = arith.constant 4 : i32
      %add3A_1095 = arith.addi %add3A_59, %add3A_1094 : i32
      %lt3A = arith.constant 176 : i32
      %lt3A_1096 = arith.cmpi slt, %add3A_1095, %lt3A : i32
      %convert_element_type3A = arith.extui %lt3A_1096 : i1 to i32
      %cond3A = arith.constant 0 : i32
      %cond3A_1097 = arith.cmpi ne, %convert_element_type3A, %cond3A : i32
      scf.if %cond3A_1097 {
        %dma_start3A_4242 = arith.constant 0 : i32
        %dma_start3A_4243 = arith.constant 0 : i32
        %dma_start3A_4244 = arith.constant 0 : i32
        %dma_start3A_4245 = tpu.memref_slice %arg6[%dma_start3A_4242, %dma_start3A_4243, %dma_start3A_4244] : memref<4x120x16xf32, #tpu.memory_space<vmem>> -> memref<1x120x16xf32, #tpu.memory_space<vmem>>
        %dma_start3A_4246 = tpu.memref_squeeze %dma_start3A_4245 : memref<1x120x16xf32, #tpu.memory_space<vmem>> -> memref<120x16xf32, #tpu.memory_space<vmem>>
        %dma_start3A_4247 = arith.constant 0 : i32
        %dma_start3A_4248 = tpu.memref_slice %arg5[%add3A_1095, %dma_start3A_4247] : memref<176x120xi32, #tpu.memory_space<vmem>> -> memref<1x120xi32, #tpu.memory_space<vmem>>
        %dma_start3A_4249 = tpu.memref_squeeze %dma_start3A_4248 : memref<1x120xi32, #tpu.memory_space<vmem>> -> memref<120xi32, #tpu.memory_space<vmem>>
        %dma_start3A_4250 = arith.constant 0 : i32
        %dma_start3A_4251 = arith.constant 0 : i32
        %dma_start3A_4252 = tpu.memref_slice %arg3[%dma_start3A_4250, %dma_start3A_4251] : memref<3784704x16xf32, #tpu.memory_space<hbm>> -> memref<3784704x16xf32, #tpu.memory_space<hbm>>
        tpu.enqueue_indirect_dma source(%dma_start3A_4252 : memref<3784704x16xf32, #tpu.memory_space<hbm>>) target(%dma_start3A_4246 : memref<120x16xf32, #tpu.memory_space<vmem>>) offsets(%dma_start3A_4249 : memref<120xi32, #tpu.memory_space<vmem>>) semaphore(%arg8 : memref<!tpu.dma_semaphore, #tpu.memory_space<semaphore_mem>>)
      } else {
      }
      %mul3A_1098 = arith.constant 4 : i32
      %mul3A_1099 = arith.muli %scan3A_55, %mul3A_1098 : i32
      %add3A_1100 = arith.constant 1 : i32
      %add3A_1101 = arith.addi %mul3A_1099, %add3A_1100 : i32
      %dma_wait3A_1102 = arith.constant 1 : i32
      %dma_wait3A_1103 = arith.constant 0 : i32
      %dma_wait3A_1104 = arith.constant 0 : i32
      %dma_wait3A_1105 = tpu.memref_slice %arg6[%dma_wait3A_1102, %dma_wait3A_1103, %dma_wait3A_1104] : memref<4x120x16xf32, #tpu.memory_space<vmem>> -> memref<1x120x16xf32, #tpu.memory_space<vmem>>
      %dma_wait3A_1106 = tpu.memref_squeeze %dma_wait3A_1105 : memref<1x120x16xf32, #tpu.memory_space<vmem>> -> memref<120x16xf32, #tpu.memory_space<vmem>>
      %dma_wait3A_1107 = arith.constant 0 : i32
      %dma_wait3A_1108 = tpu.memref_slice %arg5[%add3A_1101, %dma_wait3A_1107] : memref<176x120xi32, #tpu.memory_space<vmem>> -> memref<1x120xi32, #tpu.memory_space<vmem>>
      %dma_wait3A_1109 = tpu.memref_squeeze %dma_wait3A_1108 : memref<1x120xi32, #tpu.memory_space<vmem>> -> memref<120xi32, #tpu.memory_space<vmem>>
      %dma_wait3A_1110 = arith.constant 0 : i32
      %dma_wait3A_1111 = arith.constant 0 : i32
      %dma_wait3A_1112 = tpu.memref_slice %arg3[%dma_wait3A_1110, %dma_wait3A_1111] : memref<3784704x16xf32, #tpu.memory_space<hbm>> -> memref<3784704x16xf32, #tpu.memory_space<hbm>>
      tpu.wait_indirect_dma semaphore(%arg9 : memref<!tpu.dma_semaphore, #tpu.memory_space<semaphore_mem>>) src(%dma_wait3A_1112 : memref<3784704x16xf32, #tpu.memory_space<hbm>>) dst(%dma_wait3A_1106 : memref<120x16xf32, #tpu.memory_space<vmem>>)
      %get3A_1113 = arith.constant 1 : i32
      %get3A_1114 = arith.constant 0 : i32
      %get3A_1115 = arith.index_cast %get3A_1113 : i32 to index
      %get3A_1116 = arith.index_cast %get3A_1114 : i32 to index
      %get3A_1117 = arith.constant 0 : index
      %get3A_1118 = tpu.vector_load %arg6[%get3A_1115, %get3A_1116, %get3A_1117] {strides = array<i32>} : memref<4x120x16xf32, #tpu.memory_space<vmem>>, vector<1x1x16xf32>,
      %get3A_1119 = vector.shape_cast %get3A_1118 : vector<1x1x16xf32> to vector<16xf32>
      %get3A_1120 = arith.constant 1 : i32
      %get3A_1121 = arith.constant 1 : i32
      %get3A_1122 = arith.index_cast %get3A_1120 : i32 to index
      %get3A_1123 = arith.index_cast %get3A_1121 : i32 to index
      %get3A_1124 = arith.constant 0 : index
      %get3A_1125 = tpu.vector_load %arg6[%get3A_1122, %get3A_1123, %get3A_1124] {strides = array<i32>} : memref<4x120x16xf32, #tpu.memory_space<vmem>>, vector<1x1x16xf32>,
      %get3A_1126 = vector.shape_cast %get3A_1125 : vector<1x1x16xf32> to vector<16xf32>
      %add3A_1127 = arith.addf %get3A_1119, %get3A_1126 : vector<16xf32>
      %get3A_1128 = arith.constant 1 : i32
      %get3A_1129 = arith.constant 2 : i32
      %get3A_1130 = arith.index_cast %get3A_1128 : i32 to index
      %get3A_1131 = arith.index_cast %get3A_1129 : i32 to index
      %get3A_1132 = arith.constant 0 : index
      %get3A_1133 = tpu.vector_load %arg6[%get3A_1130, %get3A_1131, %get3A_1132] {strides = array<i32>} : memref<4x120x16xf32, #tpu.memory_space<vmem>>, vector<1x1x16xf32>,
      %get3A_1134 = vector.shape_cast %get3A_1133 : vector<1x1x16xf32> to vector<16xf32>
      %add3A_1135 = arith.addf %add3A_1127, %get3A_1134 : vector<16xf32>
      %get3A_1136 = arith.constant 1 : i32
      %get3A_1137 = arith.constant 3 : i32
      %get3A_1138 = arith.index_cast %get3A_1136 : i32 to index
      %get3A_1139 = arith.index_cast %get3A_1137 : i32 to index
      %get3A_1140 = arith.constant 0 : index
      %get3A_1141 = tpu.vector_load %arg6[%get3A_1138, %get3A_1139, %get3A_1140] {strides = array<i32>} : memref<4x120x16xf32, #tpu.memory_space<vmem>>, vector<1x1x16xf32>,
      %get3A_1142 = vector.shape_cast %get3A_1141 : vector<1x1x16xf32> to vector<16xf32>
      %add3A_1143 = arith.addf %add3A_1135, %get3A_1142 : vector<16xf32>
      %get3A_1144 = arith.constant 1 : i32
      %get3A_1145 = arith.constant 4 : i32
      %get3A_1146 = arith.index_cast %get3A_1144 : i32 to index
      %get3A_1147 = arith.index_cast %get3A_1145 : i32 to index
      %get3A_1148 = arith.constant 0 : index
      %get3A_1149 = tpu.vector_load %arg6[%get3A_1146, %get3A_1147, %get3A_1148] {strides = array<i32>} : memref<4x120x16xf32, #tpu.memory_space<vmem>>, vector<1x1x16xf32>,
      %get3A_1150 = vector.shape_cast %get3A_1149 : vector<1x1x16xf32> to vector<16xf32>
      %add3A_1151 = arith.addf %add3A_1143, %get3A_1150 : vector<16xf32>
      %get3A_1152 = arith.constant 1 : i32
      %get3A_1153 = arith.constant 5 : i32
      %get3A_1154 = arith.index_cast %get3A_1152 : i32 to index
      %get3A_1155 = arith.index_cast %get3A_1153 : i32 to index
      %get3A_1156 = arith.constant 0 : index
      %get3A_1157 = tpu.vector_load %arg6[%get3A_1154, %get3A_1155, %get3A_1156] {strides = array<i32>} : memref<4x120x16xf32, #tpu.memory_space<vmem>>, vector<1x1x16xf32>,
      %get3A_1158 = vector.shape_cast %get3A_1157 : vector<1x1x16xf32> to vector<16xf32>
      %add3A_1159 = arith.addf %add3A_1151, %get3A_1158 : vector<16xf32>
      %get3A_1160 = arith.constant 1 : i32
      %get3A_1161 = arith.constant 6 : i32
      %get3A_1162 = arith.index_cast %get3A_1160 : i32 to index
      %get3A_1163 = arith.index_cast %get3A_1161 : i32 to index
      %get3A_1164 = arith.constant 0 : index
      %get3A_1165 = tpu.vector_load %arg6[%get3A_1162, %get3A_1163, %get3A_1164] {strides = array<i32>} : memref<4x120x16xf32, #tpu.memory_space<vmem>>, vector<1x1x16xf32>,
      %get3A_1166 = vector.shape_cast %get3A_1165 : vector<1x1x16xf32> to vector<16xf32>
      %add3A_1167 = arith.addf %add3A_1159, %get3A_1166 : vector<16xf32>
      %get3A_1168 = arith.constant 1 : i32
      %get3A_1169 = arith.constant 7 : i32
      %get3A_1170 = arith.index_cast %get3A_1168 : i32 to index
      %get3A_1171 = arith.index_cast %get3A_1169 : i32 to index
      %get3A_1172 = arith.constant 0 : index
      %get3A_1173 = tpu.vector_load %arg6[%get3A_1170, %get3A_1171, %get3A_1172] {strides = array<i32>} : memref<4x120x16xf32, #tpu.memory_space<vmem>>, vector<1x1x16xf32>,
      %get3A_1174 = vector.shape_cast %get3A_1173 : vector<1x1x16xf32> to vector<16xf32>
      %add3A_1175 = arith.addf %add3A_1167, %get3A_1174 : vector<16xf32>
      %get3A_1176 = arith.constant 1 : i32
      %get3A_1177 = arith.constant 8 : i32
      %get3A_1178 = arith.index_cast %get3A_1176 : i32 to index
      %get3A_1179 = arith.index_cast %get3A_1177 : i32 to index
      %get3A_1180 = arith.constant 0 : index
      %get3A_1181 = tpu.vector_load %arg6[%get3A_1178, %get3A_1179, %get3A_1180] {strides = array<i32>} : memref<4x120x16xf32, #tpu.memory_space<vmem>>, vector<1x1x16xf32>,
      %get3A_1182 = vector.shape_cast %get3A_1181 : vector<1x1x16xf32> to vector<16xf32>
      %add3A_1183 = arith.addf %add3A_1175, %get3A_1182 : vector<16xf32>
      %get3A_1184 = arith.constant 1 : i32
      %get3A_1185 = arith.constant 9 : i32
      %get3A_1186 = arith.index_cast %get3A_1184 : i32 to index
      %get3A_1187 = arith.index_cast %get3A_1185 : i32 to index
      %get3A_1188 = arith.constant 0 : index
      %get3A_1189 = tpu.vector_load %arg6[%get3A_1186, %get3A_1187, %get3A_1188] {strides = array<i32>} : memref<4x120x16xf32, #tpu.memory_space<vmem>>, vector<1x1x16xf32>,
      %get3A_1190 = vector.shape_cast %get3A_1189 : vector<1x1x16xf32> to vector<16xf32>
      %add3A_1191 = arith.addf %add3A_1183, %get3A_1190 : vector<16xf32>
      %get3A_1192 = arith.constant 1 : i32
      %get3A_1193 = arith.constant 10 : i32
      %get3A_1194 = arith.index_cast %get3A_1192 : i32 to index
      %get3A_1195 = arith.index_cast %get3A_1193 : i32 to index
      %get3A_1196 = arith.constant 0 : index
      %get3A_1197 = tpu.vector_load %arg6[%get3A_1194, %get3A_1195, %get3A_1196] {strides = array<i32>} : memref<4x120x16xf32, #tpu.memory_space<vmem>>, vector<1x1x16xf32>,
      %get3A_1198 = vector.shape_cast %get3A_1197 : vector<1x1x16xf32> to vector<16xf32>
      %add3A_1199 = arith.addf %add3A_1191, %get3A_1198 : vector<16xf32>
      %get3A_1200 = arith.constant 1 : i32
      %get3A_1201 = arith.constant 11 : i32
      %get3A_1202 = arith.index_cast %get3A_1200 : i32 to index
      %get3A_1203 = arith.index_cast %get3A_1201 : i32 to index
      %get3A_1204 = arith.constant 0 : index
      %get3A_1205 = tpu.vector_load %arg6[%get3A_1202, %get3A_1203, %get3A_1204] {strides = array<i32>} : memref<4x120x16xf32, #tpu.memory_space<vmem>>, vector<1x1x16xf32>,
      %get3A_1206 = vector.shape_cast %get3A_1205 : vector<1x1x16xf32> to vector<16xf32>
      %add3A_1207 = arith.addf %add3A_1199, %get3A_1206 : vector<16xf32>
      %get3A_1208 = arith.constant 1 : i32
      %get3A_1209 = arith.constant 12 : i32
      %get3A_1210 = arith.index_cast %get3A_1208 : i32 to index
      %get3A_1211 = arith.index_cast %get3A_1209 : i32 to index
      %get3A_1212 = arith.constant 0 : index
      %get3A_1213 = tpu.vector_load %arg6[%get3A_1210, %get3A_1211, %get3A_1212] {strides = array<i32>} : memref<4x120x16xf32, #tpu.memory_space<vmem>>, vector<1x1x16xf32>,
      %get3A_1214 = vector.shape_cast %get3A_1213 : vector<1x1x16xf32> to vector<16xf32>
      %add3A_1215 = arith.addf %add3A_1207, %get3A_1214 : vector<16xf32>
      %get3A_1216 = arith.constant 1 : i32
      %get3A_1217 = arith.constant 13 : i32
      %get3A_1218 = arith.index_cast %get3A_1216 : i32 to index
      %get3A_1219 = arith.index_cast %get3A_1217 : i32 to index
      %get3A_1220 = arith.constant 0 : index
      %get3A_1221 = tpu.vector_load %arg6[%get3A_1218, %get3A_1219, %get3A_1220] {strides = array<i32>} : memref<4x120x16xf32, #tpu.memory_space<vmem>>, vector<1x1x16xf32>,
      %get3A_1222 = vector.shape_cast %get3A_1221 : vector<1x1x16xf32> to vector<16xf32>
      %add3A_1223 = arith.addf %add3A_1215, %get3A_1222 : vector<16xf32>
      %get3A_1224 = arith.constant 1 : i32
      %get3A_1225 = arith.constant 14 : i32
      %get3A_1226 = arith.index_cast %get3A_1224 : i32 to index
      %get3A_1227 = arith.index_cast %get3A_1225 : i32 to index
      %get3A_1228 = arith.constant 0 : index
      %get3A_1229 = tpu.vector_load %arg6[%get3A_1226, %get3A_1227, %get3A_1228] {strides = array<i32>} : memref<4x120x16xf32, #tpu.memory_space<vmem>>, vector<1x1x16xf32>,
      %get3A_1230 = vector.shape_cast %get3A_1229 : vector<1x1x16xf32> to vector<16xf32>
      %add3A_1231 = arith.addf %add3A_1223, %get3A_1230 : vector<16xf32>
      %get3A_1232 = arith.constant 1 : i32
      %get3A_1233 = arith.constant 15 : i32
      %get3A_1234 = arith.index_cast %get3A_1232 : i32 to index
      %get3A_1235 = arith.index_cast %get3A_1233 : i32 to index
      %get3A_1236 = arith.constant 0 : index
      %get3A_1237 = tpu.vector_load %arg6[%get3A_1234, %get3A_1235, %get3A_1236] {strides = array<i32>} : memref<4x120x16xf32, #tpu.memory_space<vmem>>, vector<1x1x16xf32>,
      %get3A_1238 = vector.shape_cast %get3A_1237 : vector<1x1x16xf32> to vector<16xf32>
      %add3A_1239 = arith.addf %add3A_1231, %get3A_1238 : vector<16xf32>
      %get3A_1240 = arith.constant 1 : i32
      %get3A_1241 = arith.constant 16 : i32
      %get3A_1242 = arith.index_cast %get3A_1240 : i32 to index
      %get3A_1243 = arith.index_cast %get3A_1241 : i32 to index
      %get3A_1244 = arith.constant 0 : index
      %get3A_1245 = tpu.vector_load %arg6[%get3A_1242, %get3A_1243, %get3A_1244] {strides = array<i32>} : memref<4x120x16xf32, #tpu.memory_space<vmem>>, vector<1x1x16xf32>,
      %get3A_1246 = vector.shape_cast %get3A_1245 : vector<1x1x16xf32> to vector<16xf32>
      %add3A_1247 = arith.addf %add3A_1239, %get3A_1246 : vector<16xf32>
      %get3A_1248 = arith.constant 1 : i32
      %get3A_1249 = arith.constant 17 : i32
      %get3A_1250 = arith.index_cast %get3A_1248 : i32 to index
      %get3A_1251 = arith.index_cast %get3A_1249 : i32 to index
      %get3A_1252 = arith.constant 0 : index
      %get3A_1253 = tpu.vector_load %arg6[%get3A_1250, %get3A_1251, %get3A_1252] {strides = array<i32>} : memref<4x120x16xf32, #tpu.memory_space<vmem>>, vector<1x1x16xf32>,
      %get3A_1254 = vector.shape_cast %get3A_1253 : vector<1x1x16xf32> to vector<16xf32>
      %add3A_1255 = arith.addf %add3A_1247, %get3A_1254 : vector<16xf32>
      %get3A_1256 = arith.constant 1 : i32
      %get3A_1257 = arith.constant 18 : i32
      %get3A_1258 = arith.index_cast %get3A_1256 : i32 to index
      %get3A_1259 = arith.index_cast %get3A_1257 : i32 to index
      %get3A_1260 = arith.constant 0 : index
      %get3A_1261 = tpu.vector_load %arg6[%get3A_1258, %get3A_1259, %get3A_1260] {strides = array<i32>} : memref<4x120x16xf32, #tpu.memory_space<vmem>>, vector<1x1x16xf32>,
      %get3A_1262 = vector.shape_cast %get3A_1261 : vector<1x1x16xf32> to vector<16xf32>
      %add3A_1263 = arith.addf %add3A_1255, %get3A_1262 : vector<16xf32>
      %get3A_1264 = arith.constant 1 : i32
      %get3A_1265 = arith.constant 19 : i32
      %get3A_1266 = arith.index_cast %get3A_1264 : i32 to index
      %get3A_1267 = arith.index_cast %get3A_1265 : i32 to index
      %get3A_1268 = arith.constant 0 : index
      %get3A_1269 = tpu.vector_load %arg6[%get3A_1266, %get3A_1267, %get3A_1268] {strides = array<i32>} : memref<4x120x16xf32, #tpu.memory_space<vmem>>, vector<1x1x16xf32>,
      %get3A_1270 = vector.shape_cast %get3A_1269 : vector<1x1x16xf32> to vector<16xf32>
      %add3A_1271 = arith.addf %add3A_1263, %get3A_1270 : vector<16xf32>
      %mul3A_1272 = arith.constant 5.000000e-02 : f32
      %mul3A_1273 = vector.broadcast %mul3A_1272 : f32 to vector<16xf32>
      %mul3A_1274 = arith.mulf %add3A_1271, %mul3A_1273 : vector<16xf32>
      %mul3A_1275 = arith.constant 6 : i32
      %mul3A_1276 = arith.muli %add3A_1101, %mul3A_1275 : i32
      %add3A_1277 = arith.constant 0 : i32
      %add3A_1278 = arith.addi %mul3A_1276, %add3A_1277 : i32
      %swap3A_1279 = arith.index_cast %add3A_1278 : i32 to index
      %swap3A_1280 = arith.constant 0 : index
      %swap3A_1281 = tpu.vector_load %arg7[%swap3A_1279, %swap3A_1280] {strides = array<i32>} : memref<1056x16xf32, #tpu.memory_space<vmem>>, vector<1x16xf32>,
      %swap3A_1282 = vector.shape_cast %swap3A_1281 : vector<1x16xf32> to vector<16xf32>
      %swap3A_1283 = vector.shape_cast %mul3A_1274 : vector<16xf32> to vector<1x16xf32>
      tpu.vector_store %arg7[%swap3A_1279, %swap3A_1280], %swap3A_1283 {strides = array<i32>} : memref<1056x16xf32, #tpu.memory_space<vmem>>, vector<1x16xf32>,
      %get3A_1284 = arith.constant 1 : i32
      %get3A_1285 = arith.constant 20 : i32
      %get3A_1286 = arith.index_cast %get3A_1284 : i32 to index
      %get3A_1287 = arith.index_cast %get3A_1285 : i32 to index
      %get3A_1288 = arith.constant 0 : index
      %get3A_1289 = tpu.vector_load %arg6[%get3A_1286, %get3A_1287, %get3A_1288] {strides = array<i32>} : memref<4x120x16xf32, #tpu.memory_space<vmem>>, vector<1x1x16xf32>,
      %get3A_1290 = vector.shape_cast %get3A_1289 : vector<1x1x16xf32> to vector<16xf32>
      %get3A_1291 = arith.constant 1 : i32
      %get3A_1292 = arith.constant 21 : i32
      %get3A_1293 = arith.index_cast %get3A_1291 : i32 to index
      %get3A_1294 = arith.index_cast %get3A_1292 : i32 to index
      %get3A_1295 = arith.constant 0 : index
      %get3A_1296 = tpu.vector_load %arg6[%get3A_1293, %get3A_1294, %get3A_1295] {strides = array<i32>} : memref<4x120x16xf32, #tpu.memory_space<vmem>>, vector<1x1x16xf32>,
      %get3A_1297 = vector.shape_cast %get3A_1296 : vector<1x1x16xf32> to vector<16xf32>
      %add3A_1298 = arith.addf %get3A_1290, %get3A_1297 : vector<16xf32>
      %get3A_1299 = arith.constant 1 : i32
      %get3A_1300 = arith.constant 22 : i32
      %get3A_1301 = arith.index_cast %get3A_1299 : i32 to index
      %get3A_1302 = arith.index_cast %get3A_1300 : i32 to index
      %get3A_1303 = arith.constant 0 : index
      %get3A_1304 = tpu.vector_load %arg6[%get3A_1301, %get3A_1302, %get3A_1303] {strides = array<i32>} : memref<4x120x16xf32, #tpu.memory_space<vmem>>, vector<1x1x16xf32>,
      %get3A_1305 = vector.shape_cast %get3A_1304 : vector<1x1x16xf32> to vector<16xf32>
      %add3A_1306 = arith.addf %add3A_1298, %get3A_1305 : vector<16xf32>
      %get3A_1307 = arith.constant 1 : i32
      %get3A_1308 = arith.constant 23 : i32
      %get3A_1309 = arith.index_cast %get3A_1307 : i32 to index
      %get3A_1310 = arith.index_cast %get3A_1308 : i32 to index
      %get3A_1311 = arith.constant 0 : index
      %get3A_1312 = tpu.vector_load %arg6[%get3A_1309, %get3A_1310, %get3A_1311] {strides = array<i32>} : memref<4x120x16xf32, #tpu.memory_space<vmem>>, vector<1x1x16xf32>,
      %get3A_1313 = vector.shape_cast %get3A_1312 : vector<1x1x16xf32> to vector<16xf32>
      %add3A_1314 = arith.addf %add3A_1306, %get3A_1313 : vector<16xf32>
      %get3A_1315 = arith.constant 1 : i32
      %get3A_1316 = arith.constant 24 : i32
      %get3A_1317 = arith.index_cast %get3A_1315 : i32 to index
      %get3A_1318 = arith.index_cast %get3A_1316 : i32 to index
      %get3A_1319 = arith.constant 0 : index
      %get3A_1320 = tpu.vector_load %arg6[%get3A_1317, %get3A_1318, %get3A_1319] {strides = array<i32>} : memref<4x120x16xf32, #tpu.memory_space<vmem>>, vector<1x1x16xf32>,
      %get3A_1321 = vector.shape_cast %get3A_1320 : vector<1x1x16xf32> to vector<16xf32>
      %add3A_1322 = arith.addf %add3A_1314, %get3A_1321 : vector<16xf32>
      %get3A_1323 = arith.constant 1 : i32
      %get3A_1324 = arith.constant 25 : i32
      %get3A_1325 = arith.index_cast %get3A_1323 : i32 to index
      %get3A_1326 = arith.index_cast %get3A_1324 : i32 to index
      %get3A_1327 = arith.constant 0 : index
      %get3A_1328 = tpu.vector_load %arg6[%get3A_1325, %get3A_1326, %get3A_1327] {strides = array<i32>} : memref<4x120x16xf32, #tpu.memory_space<vmem>>, vector<1x1x16xf32>,
      %get3A_1329 = vector.shape_cast %get3A_1328 : vector<1x1x16xf32> to vector<16xf32>
      %add3A_1330 = arith.addf %add3A_1322, %get3A_1329 : vector<16xf32>
      %get3A_1331 = arith.constant 1 : i32
      %get3A_1332 = arith.constant 26 : i32
      %get3A_1333 = arith.index_cast %get3A_1331 : i32 to index
      %get3A_1334 = arith.index_cast %get3A_1332 : i32 to index
      %get3A_1335 = arith.constant 0 : index
      %get3A_1336 = tpu.vector_load %arg6[%get3A_1333, %get3A_1334, %get3A_1335] {strides = array<i32>} : memref<4x120x16xf32, #tpu.memory_space<vmem>>, vector<1x1x16xf32>,
      %get3A_1337 = vector.shape_cast %get3A_1336 : vector<1x1x16xf32> to vector<16xf32>
      %add3A_1338 = arith.addf %add3A_1330, %get3A_1337 : vector<16xf32>
      %get3A_1339 = arith.constant 1 : i32
      %get3A_1340 = arith.constant 27 : i32
      %get3A_1341 = arith.index_cast %get3A_1339 : i32 to index
      %get3A_1342 = arith.index_cast %get3A_1340 : i32 to index
      %get3A_1343 = arith.constant 0 : index
      %get3A_1344 = tpu.vector_load %arg6[%get3A_1341, %get3A_1342, %get3A_1343] {strides = array<i32>} : memref<4x120x16xf32, #tpu.memory_space<vmem>>, vector<1x1x16xf32>,
      %get3A_1345 = vector.shape_cast %get3A_1344 : vector<1x1x16xf32> to vector<16xf32>
      %add3A_1346 = arith.addf %add3A_1338, %get3A_1345 : vector<16xf32>
      %get3A_1347 = arith.constant 1 : i32
      %get3A_1348 = arith.constant 28 : i32
      %get3A_1349 = arith.index_cast %get3A_1347 : i32 to index
      %get3A_1350 = arith.index_cast %get3A_1348 : i32 to index
      %get3A_1351 = arith.constant 0 : index
      %get3A_1352 = tpu.vector_load %arg6[%get3A_1349, %get3A_1350, %get3A_1351] {strides = array<i32>} : memref<4x120x16xf32, #tpu.memory_space<vmem>>, vector<1x1x16xf32>,
      %get3A_1353 = vector.shape_cast %get3A_1352 : vector<1x1x16xf32> to vector<16xf32>
      %add3A_1354 = arith.addf %add3A_1346, %get3A_1353 : vector<16xf32>
      %get3A_1355 = arith.constant 1 : i32
      %get3A_1356 = arith.constant 29 : i32
      %get3A_1357 = arith.index_cast %get3A_1355 : i32 to index
      %get3A_1358 = arith.index_cast %get3A_1356 : i32 to index
      %get3A_1359 = arith.constant 0 : index
      %get3A_1360 = tpu.vector_load %arg6[%get3A_1357, %get3A_1358, %get3A_1359] {strides = array<i32>} : memref<4x120x16xf32, #tpu.memory_space<vmem>>, vector<1x1x16xf32>,
      %get3A_1361 = vector.shape_cast %get3A_1360 : vector<1x1x16xf32> to vector<16xf32>
      %add3A_1362 = arith.addf %add3A_1354, %get3A_1361 : vector<16xf32>
      %get3A_1363 = arith.constant 1 : i32
      %get3A_1364 = arith.constant 30 : i32
      %get3A_1365 = arith.index_cast %get3A_1363 : i32 to index
      %get3A_1366 = arith.index_cast %get3A_1364 : i32 to index
      %get3A_1367 = arith.constant 0 : index
      %get3A_1368 = tpu.vector_load %arg6[%get3A_1365, %get3A_1366, %get3A_1367] {strides = array<i32>} : memref<4x120x16xf32, #tpu.memory_space<vmem>>, vector<1x1x16xf32>,
      %get3A_1369 = vector.shape_cast %get3A_1368 : vector<1x1x16xf32> to vector<16xf32>
      %add3A_1370 = arith.addf %add3A_1362, %get3A_1369 : vector<16xf32>
      %get3A_1371 = arith.constant 1 : i32
      %get3A_1372 = arith.constant 31 : i32
      %get3A_1373 = arith.index_cast %get3A_1371 : i32 to index
      %get3A_1374 = arith.index_cast %get3A_1372 : i32 to index
      %get3A_1375 = arith.constant 0 : index
      %get3A_1376 = tpu.vector_load %arg6[%get3A_1373, %get3A_1374, %get3A_1375] {strides = array<i32>} : memref<4x120x16xf32, #tpu.memory_space<vmem>>, vector<1x1x16xf32>,
      %get3A_1377 = vector.shape_cast %get3A_1376 : vector<1x1x16xf32> to vector<16xf32>
      %add3A_1378 = arith.addf %add3A_1370, %get3A_1377 : vector<16xf32>
      %get3A_1379 = arith.constant 1 : i32
      %get3A_1380 = arith.constant 32 : i32
      %get3A_1381 = arith.index_cast %get3A_1379 : i32 to index
      %get3A_1382 = arith.index_cast %get3A_1380 : i32 to index
      %get3A_1383 = arith.constant 0 : index
      %get3A_1384 = tpu.vector_load %arg6[%get3A_1381, %get3A_1382, %get3A_1383] {strides = array<i32>} : memref<4x120x16xf32, #tpu.memory_space<vmem>>, vector<1x1x16xf32>,
      %get3A_1385 = vector.shape_cast %get3A_1384 : vector<1x1x16xf32> to vector<16xf32>
      %add3A_1386 = arith.addf %add3A_1378, %get3A_1385 : vector<16xf32>
      %get3A_1387 = arith.constant 1 : i32
      %get3A_1388 = arith.constant 33 : i32
      %get3A_1389 = arith.index_cast %get3A_1387 : i32 to index
      %get3A_1390 = arith.index_cast %get3A_1388 : i32 to index
      %get3A_1391 = arith.constant 0 : index
      %get3A_1392 = tpu.vector_load %arg6[%get3A_1389, %get3A_1390, %get3A_1391] {strides = array<i32>} : memref<4x120x16xf32, #tpu.memory_space<vmem>>, vector<1x1x16xf32>,
      %get3A_1393 = vector.shape_cast %get3A_1392 : vector<1x1x16xf32> to vector<16xf32>
      %add3A_1394 = arith.addf %add3A_1386, %get3A_1393 : vector<16xf32>
      %get3A_1395 = arith.constant 1 : i32
      %get3A_1396 = arith.constant 34 : i32
      %get3A_1397 = arith.index_cast %get3A_1395 : i32 to index
      %get3A_1398 = arith.index_cast %get3A_1396 : i32 to index
      %get3A_1399 = arith.constant 0 : index
      %get3A_1400 = tpu.vector_load %arg6[%get3A_1397, %get3A_1398, %get3A_1399] {strides = array<i32>} : memref<4x120x16xf32, #tpu.memory_space<vmem>>, vector<1x1x16xf32>,
      %get3A_1401 = vector.shape_cast %get3A_1400 : vector<1x1x16xf32> to vector<16xf32>
      %add3A_1402 = arith.addf %add3A_1394, %get3A_1401 : vector<16xf32>
      %get3A_1403 = arith.constant 1 : i32
      %get3A_1404 = arith.constant 35 : i32
      %get3A_1405 = arith.index_cast %get3A_1403 : i32 to index
      %get3A_1406 = arith.index_cast %get3A_1404 : i32 to index
      %get3A_1407 = arith.constant 0 : index
      %get3A_1408 = tpu.vector_load %arg6[%get3A_1405, %get3A_1406, %get3A_1407] {strides = array<i32>} : memref<4x120x16xf32, #tpu.memory_space<vmem>>, vector<1x1x16xf32>,
      %get3A_1409 = vector.shape_cast %get3A_1408 : vector<1x1x16xf32> to vector<16xf32>
      %add3A_1410 = arith.addf %add3A_1402, %get3A_1409 : vector<16xf32>
      %get3A_1411 = arith.constant 1 : i32
      %get3A_1412 = arith.constant 36 : i32
      %get3A_1413 = arith.index_cast %get3A_1411 : i32 to index
      %get3A_1414 = arith.index_cast %get3A_1412 : i32 to index
      %get3A_1415 = arith.constant 0 : index
      %get3A_1416 = tpu.vector_load %arg6[%get3A_1413, %get3A_1414, %get3A_1415] {strides = array<i32>} : memref<4x120x16xf32, #tpu.memory_space<vmem>>, vector<1x1x16xf32>,
      %get3A_1417 = vector.shape_cast %get3A_1416 : vector<1x1x16xf32> to vector<16xf32>
      %add3A_1418 = arith.addf %add3A_1410, %get3A_1417 : vector<16xf32>
      %get3A_1419 = arith.constant 1 : i32
      %get3A_1420 = arith.constant 37 : i32
      %get3A_1421 = arith.index_cast %get3A_1419 : i32 to index
      %get3A_1422 = arith.index_cast %get3A_1420 : i32 to index
      %get3A_1423 = arith.constant 0 : index
      %get3A_1424 = tpu.vector_load %arg6[%get3A_1421, %get3A_1422, %get3A_1423] {strides = array<i32>} : memref<4x120x16xf32, #tpu.memory_space<vmem>>, vector<1x1x16xf32>,
      %get3A_1425 = vector.shape_cast %get3A_1424 : vector<1x1x16xf32> to vector<16xf32>
      %add3A_1426 = arith.addf %add3A_1418, %get3A_1425 : vector<16xf32>
      %get3A_1427 = arith.constant 1 : i32
      %get3A_1428 = arith.constant 38 : i32
      %get3A_1429 = arith.index_cast %get3A_1427 : i32 to index
      %get3A_1430 = arith.index_cast %get3A_1428 : i32 to index
      %get3A_1431 = arith.constant 0 : index
      %get3A_1432 = tpu.vector_load %arg6[%get3A_1429, %get3A_1430, %get3A_1431] {strides = array<i32>} : memref<4x120x16xf32, #tpu.memory_space<vmem>>, vector<1x1x16xf32>,
      %get3A_1433 = vector.shape_cast %get3A_1432 : vector<1x1x16xf32> to vector<16xf32>
      %add3A_1434 = arith.addf %add3A_1426, %get3A_1433 : vector<16xf32>
      %get3A_1435 = arith.constant 1 : i32
      %get3A_1436 = arith.constant 39 : i32
      %get3A_1437 = arith.index_cast %get3A_1435 : i32 to index
      %get3A_1438 = arith.index_cast %get3A_1436 : i32 to index
      %get3A_1439 = arith.constant 0 : index
      %get3A_1440 = tpu.vector_load %arg6[%get3A_1437, %get3A_1438, %get3A_1439] {strides = array<i32>} : memref<4x120x16xf32, #tpu.memory_space<vmem>>, vector<1x1x16xf32>,
      %get3A_1441 = vector.shape_cast %get3A_1440 : vector<1x1x16xf32> to vector<16xf32>
      %add3A_1442 = arith.addf %add3A_1434, %get3A_1441 : vector<16xf32>
      %mul3A_1443 = arith.constant 5.000000e-02 : f32
      %mul3A_1444 = vector.broadcast %mul3A_1443 : f32 to vector<16xf32>
      %mul3A_1445 = arith.mulf %add3A_1442, %mul3A_1444 : vector<16xf32>
      %mul3A_1446 = arith.constant 6 : i32
      %mul3A_1447 = arith.muli %add3A_1101, %mul3A_1446 : i32
      %add3A_1448 = arith.constant 1 : i32
      %add3A_1449 = arith.addi %mul3A_1447, %add3A_1448 : i32
      %swap3A_1450 = arith.index_cast %add3A_1449 : i32 to index
      %swap3A_1451 = arith.constant 0 : index
      %swap3A_1452 = tpu.vector_load %arg7[%swap3A_1450, %swap3A_1451] {strides = array<i32>} : memref<1056x16xf32, #tpu.memory_space<vmem>>, vector<1x16xf32>,
      %swap3A_1453 = vector.shape_cast %swap3A_1452 : vector<1x16xf32> to vector<16xf32>
      %swap3A_1454 = vector.shape_cast %mul3A_1445 : vector<16xf32> to vector<1x16xf32>
      tpu.vector_store %arg7[%swap3A_1450, %swap3A_1451], %swap3A_1454 {strides = array<i32>} : memref<1056x16xf32, #tpu.memory_space<vmem>>, vector<1x16xf32>,
      %get3A_1455 = arith.constant 1 : i32
      %get3A_1456 = arith.constant 40 : i32
      %get3A_1457 = arith.index_cast %get3A_1455 : i32 to index
      %get3A_1458 = arith.index_cast %get3A_1456 : i32 to index
      %get3A_1459 = arith.constant 0 : index
      %get3A_1460 = tpu.vector_load %arg6[%get3A_1457, %get3A_1458, %get3A_1459] {strides = array<i32>} : memref<4x120x16xf32, #tpu.memory_space<vmem>>, vector<1x1x16xf32>,
      %get3A_1461 = vector.shape_cast %get3A_1460 : vector<1x1x16xf32> to vector<16xf32>
      %get3A_1462 = arith.constant 1 : i32
      %get3A_1463 = arith.constant 41 : i32
      %get3A_1464 = arith.index_cast %get3A_1462 : i32 to index
      %get3A_1465 = arith.index_cast %get3A_1463 : i32 to index
      %get3A_1466 = arith.constant 0 : index
      %get3A_1467 = tpu.vector_load %arg6[%get3A_1464, %get3A_1465, %get3A_1466] {strides = array<i32>} : memref<4x120x16xf32, #tpu.memory_space<vmem>>, vector<1x1x16xf32>,
      %get3A_1468 = vector.shape_cast %get3A_1467 : vector<1x1x16xf32> to vector<16xf32>
      %add3A_1469 = arith.addf %get3A_1461, %get3A_1468 : vector<16xf32>
      %get3A_1470 = arith.constant 1 : i32
      %get3A_1471 = arith.constant 42 : i32
      %get3A_1472 = arith.index_cast %get3A_1470 : i32 to index
      %get3A_1473 = arith.index_cast %get3A_1471 : i32 to index
      %get3A_1474 = arith.constant 0 : index
      %get3A_1475 = tpu.vector_load %arg6[%get3A_1472, %get3A_1473, %get3A_1474] {strides = array<i32>} : memref<4x120x16xf32, #tpu.memory_space<vmem>>, vector<1x1x16xf32>,
      %get3A_1476 = vector.shape_cast %get3A_1475 : vector<1x1x16xf32> to vector<16xf32>
      %add3A_1477 = arith.addf %add3A_1469, %get3A_1476 : vector<16xf32>
      %get3A_1478 = arith.constant 1 : i32
      %get3A_1479 = arith.constant 43 : i32
      %get3A_1480 = arith.index_cast %get3A_1478 : i32 to index
      %get3A_1481 = arith.index_cast %get3A_1479 : i32 to index
      %get3A_1482 = arith.constant 0 : index
      %get3A_1483 = tpu.vector_load %arg6[%get3A_1480, %get3A_1481, %get3A_1482] {strides = array<i32>} : memref<4x120x16xf32, #tpu.memory_space<vmem>>, vector<1x1x16xf32>,
      %get3A_1484 = vector.shape_cast %get3A_1483 : vector<1x1x16xf32> to vector<16xf32>
      %add3A_1485 = arith.addf %add3A_1477, %get3A_1484 : vector<16xf32>
      %get3A_1486 = arith.constant 1 : i32
      %get3A_1487 = arith.constant 44 : i32
      %get3A_1488 = arith.index_cast %get3A_1486 : i32 to index
      %get3A_1489 = arith.index_cast %get3A_1487 : i32 to index
      %get3A_1490 = arith.constant 0 : index
      %get3A_1491 = tpu.vector_load %arg6[%get3A_1488, %get3A_1489, %get3A_1490] {strides = array<i32>} : memref<4x120x16xf32, #tpu.memory_space<vmem>>, vector<1x1x16xf32>,
      %get3A_1492 = vector.shape_cast %get3A_1491 : vector<1x1x16xf32> to vector<16xf32>
      %add3A_1493 = arith.addf %add3A_1485, %get3A_1492 : vector<16xf32>
      %get3A_1494 = arith.constant 1 : i32
      %get3A_1495 = arith.constant 45 : i32
      %get3A_1496 = arith.index_cast %get3A_1494 : i32 to index
      %get3A_1497 = arith.index_cast %get3A_1495 : i32 to index
      %get3A_1498 = arith.constant 0 : index
      %get3A_1499 = tpu.vector_load %arg6[%get3A_1496, %get3A_1497, %get3A_1498] {strides = array<i32>} : memref<4x120x16xf32, #tpu.memory_space<vmem>>, vector<1x1x16xf32>,
      %get3A_1500 = vector.shape_cast %get3A_1499 : vector<1x1x16xf32> to vector<16xf32>
      %add3A_1501 = arith.addf %add3A_1493, %get3A_1500 : vector<16xf32>
      %get3A_1502 = arith.constant 1 : i32
      %get3A_1503 = arith.constant 46 : i32
      %get3A_1504 = arith.index_cast %get3A_1502 : i32 to index
      %get3A_1505 = arith.index_cast %get3A_1503 : i32 to index
      %get3A_1506 = arith.constant 0 : index
      %get3A_1507 = tpu.vector_load %arg6[%get3A_1504, %get3A_1505, %get3A_1506] {strides = array<i32>} : memref<4x120x16xf32, #tpu.memory_space<vmem>>, vector<1x1x16xf32>,
      %get3A_1508 = vector.shape_cast %get3A_1507 : vector<1x1x16xf32> to vector<16xf32>
      %add3A_1509 = arith.addf %add3A_1501, %get3A_1508 : vector<16xf32>
      %get3A_1510 = arith.constant 1 : i32
      %get3A_1511 = arith.constant 47 : i32
      %get3A_1512 = arith.index_cast %get3A_1510 : i32 to index
      %get3A_1513 = arith.index_cast %get3A_1511 : i32 to index
      %get3A_1514 = arith.constant 0 : index
      %get3A_1515 = tpu.vector_load %arg6[%get3A_1512, %get3A_1513, %get3A_1514] {strides = array<i32>} : memref<4x120x16xf32, #tpu.memory_space<vmem>>, vector<1x1x16xf32>,
      %get3A_1516 = vector.shape_cast %get3A_1515 : vector<1x1x16xf32> to vector<16xf32>
      %add3A_1517 = arith.addf %add3A_1509, %get3A_1516 : vector<16xf32>
      %get3A_1518 = arith.constant 1 : i32
      %get3A_1519 = arith.constant 48 : i32
      %get3A_1520 = arith.index_cast %get3A_1518 : i32 to index
      %get3A_1521 = arith.index_cast %get3A_1519 : i32 to index
      %get3A_1522 = arith.constant 0 : index
      %get3A_1523 = tpu.vector_load %arg6[%get3A_1520, %get3A_1521, %get3A_1522] {strides = array<i32>} : memref<4x120x16xf32, #tpu.memory_space<vmem>>, vector<1x1x16xf32>,
      %get3A_1524 = vector.shape_cast %get3A_1523 : vector<1x1x16xf32> to vector<16xf32>
      %add3A_1525 = arith.addf %add3A_1517, %get3A_1524 : vector<16xf32>
      %get3A_1526 = arith.constant 1 : i32
      %get3A_1527 = arith.constant 49 : i32
      %get3A_1528 = arith.index_cast %get3A_1526 : i32 to index
      %get3A_1529 = arith.index_cast %get3A_1527 : i32 to index
      %get3A_1530 = arith.constant 0 : index
      %get3A_1531 = tpu.vector_load %arg6[%get3A_1528, %get3A_1529, %get3A_1530] {strides = array<i32>} : memref<4x120x16xf32, #tpu.memory_space<vmem>>, vector<1x1x16xf32>,
      %get3A_1532 = vector.shape_cast %get3A_1531 : vector<1x1x16xf32> to vector<16xf32>
      %add3A_1533 = arith.addf %add3A_1525, %get3A_1532 : vector<16xf32>
      %get3A_1534 = arith.constant 1 : i32
      %get3A_1535 = arith.constant 50 : i32
      %get3A_1536 = arith.index_cast %get3A_1534 : i32 to index
      %get3A_1537 = arith.index_cast %get3A_1535 : i32 to index
      %get3A_1538 = arith.constant 0 : index
      %get3A_1539 = tpu.vector_load %arg6[%get3A_1536, %get3A_1537, %get3A_1538] {strides = array<i32>} : memref<4x120x16xf32, #tpu.memory_space<vmem>>, vector<1x1x16xf32>,
      %get3A_1540 = vector.shape_cast %get3A_1539 : vector<1x1x16xf32> to vector<16xf32>
      %add3A_1541 = arith.addf %add3A_1533, %get3A_1540 : vector<16xf32>
      %get3A_1542 = arith.constant 1 : i32
      %get3A_1543 = arith.constant 51 : i32
      %get3A_1544 = arith.index_cast %get3A_1542 : i32 to index
      %get3A_1545 = arith.index_cast %get3A_1543 : i32 to index
      %get3A_1546 = arith.constant 0 : index
      %get3A_1547 = tpu.vector_load %arg6[%get3A_1544, %get3A_1545, %get3A_1546] {strides = array<i32>} : memref<4x120x16xf32, #tpu.memory_space<vmem>>, vector<1x1x16xf32>,
      %get3A_1548 = vector.shape_cast %get3A_1547 : vector<1x1x16xf32> to vector<16xf32>
      %add3A_1549 = arith.addf %add3A_1541, %get3A_1548 : vector<16xf32>
      %get3A_1550 = arith.constant 1 : i32
      %get3A_1551 = arith.constant 52 : i32
      %get3A_1552 = arith.index_cast %get3A_1550 : i32 to index
      %get3A_1553 = arith.index_cast %get3A_1551 : i32 to index
      %get3A_1554 = arith.constant 0 : index
      %get3A_1555 = tpu.vector_load %arg6[%get3A_1552, %get3A_1553, %get3A_1554] {strides = array<i32>} : memref<4x120x16xf32, #tpu.memory_space<vmem>>, vector<1x1x16xf32>,
      %get3A_1556 = vector.shape_cast %get3A_1555 : vector<1x1x16xf32> to vector<16xf32>
      %add3A_1557 = arith.addf %add3A_1549, %get3A_1556 : vector<16xf32>
      %get3A_1558 = arith.constant 1 : i32
      %get3A_1559 = arith.constant 53 : i32
      %get3A_1560 = arith.index_cast %get3A_1558 : i32 to index
      %get3A_1561 = arith.index_cast %get3A_1559 : i32 to index
      %get3A_1562 = arith.constant 0 : index
      %get3A_1563 = tpu.vector_load %arg6[%get3A_1560, %get3A_1561, %get3A_1562] {strides = array<i32>} : memref<4x120x16xf32, #tpu.memory_space<vmem>>, vector<1x1x16xf32>,
      %get3A_1564 = vector.shape_cast %get3A_1563 : vector<1x1x16xf32> to vector<16xf32>
      %add3A_1565 = arith.addf %add3A_1557, %get3A_1564 : vector<16xf32>
      %get3A_1566 = arith.constant 1 : i32
      %get3A_1567 = arith.constant 54 : i32
      %get3A_1568 = arith.index_cast %get3A_1566 : i32 to index
      %get3A_1569 = arith.index_cast %get3A_1567 : i32 to index
      %get3A_1570 = arith.constant 0 : index
      %get3A_1571 = tpu.vector_load %arg6[%get3A_1568, %get3A_1569, %get3A_1570] {strides = array<i32>} : memref<4x120x16xf32, #tpu.memory_space<vmem>>, vector<1x1x16xf32>,
      %get3A_1572 = vector.shape_cast %get3A_1571 : vector<1x1x16xf32> to vector<16xf32>
      %add3A_1573 = arith.addf %add3A_1565, %get3A_1572 : vector<16xf32>
      %get3A_1574 = arith.constant 1 : i32
      %get3A_1575 = arith.constant 55 : i32
      %get3A_1576 = arith.index_cast %get3A_1574 : i32 to index
      %get3A_1577 = arith.index_cast %get3A_1575 : i32 to index
      %get3A_1578 = arith.constant 0 : index
      %get3A_1579 = tpu.vector_load %arg6[%get3A_1576, %get3A_1577, %get3A_1578] {strides = array<i32>} : memref<4x120x16xf32, #tpu.memory_space<vmem>>, vector<1x1x16xf32>,
      %get3A_1580 = vector.shape_cast %get3A_1579 : vector<1x1x16xf32> to vector<16xf32>
      %add3A_1581 = arith.addf %add3A_1573, %get3A_1580 : vector<16xf32>
      %get3A_1582 = arith.constant 1 : i32
      %get3A_1583 = arith.constant 56 : i32
      %get3A_1584 = arith.index_cast %get3A_1582 : i32 to index
      %get3A_1585 = arith.index_cast %get3A_1583 : i32 to index
      %get3A_1586 = arith.constant 0 : index
      %get3A_1587 = tpu.vector_load %arg6[%get3A_1584, %get3A_1585, %get3A_1586] {strides = array<i32>} : memref<4x120x16xf32, #tpu.memory_space<vmem>>, vector<1x1x16xf32>,
      %get3A_1588 = vector.shape_cast %get3A_1587 : vector<1x1x16xf32> to vector<16xf32>
      %add3A_1589 = arith.addf %add3A_1581, %get3A_1588 : vector<16xf32>
      %get3A_1590 = arith.constant 1 : i32
      %get3A_1591 = arith.constant 57 : i32
      %get3A_1592 = arith.index_cast %get3A_1590 : i32 to index
      %get3A_1593 = arith.index_cast %get3A_1591 : i32 to index
      %get3A_1594 = arith.constant 0 : index
      %get3A_1595 = tpu.vector_load %arg6[%get3A_1592, %get3A_1593, %get3A_1594] {strides = array<i32>} : memref<4x120x16xf32, #tpu.memory_space<vmem>>, vector<1x1x16xf32>,
      %get3A_1596 = vector.shape_cast %get3A_1595 : vector<1x1x16xf32> to vector<16xf32>
      %add3A_1597 = arith.addf %add3A_1589, %get3A_1596 : vector<16xf32>
      %get3A_1598 = arith.constant 1 : i32
      %get3A_1599 = arith.constant 58 : i32
      %get3A_1600 = arith.index_cast %get3A_1598 : i32 to index
      %get3A_1601 = arith.index_cast %get3A_1599 : i32 to index
      %get3A_1602 = arith.constant 0 : index
      %get3A_1603 = tpu.vector_load %arg6[%get3A_1600, %get3A_1601, %get3A_1602] {strides = array<i32>} : memref<4x120x16xf32, #tpu.memory_space<vmem>>, vector<1x1x16xf32>,
      %get3A_1604 = vector.shape_cast %get3A_1603 : vector<1x1x16xf32> to vector<16xf32>
      %add3A_1605 = arith.addf %add3A_1597, %get3A_1604 : vector<16xf32>
      %get3A_1606 = arith.constant 1 : i32
      %get3A_1607 = arith.constant 59 : i32
      %get3A_1608 = arith.index_cast %get3A_1606 : i32 to index
      %get3A_1609 = arith.index_cast %get3A_1607 : i32 to index
      %get3A_1610 = arith.constant 0 : index
      %get3A_1611 = tpu.vector_load %arg6[%get3A_1608, %get3A_1609, %get3A_1610] {strides = array<i32>} : memref<4x120x16xf32, #tpu.memory_space<vmem>>, vector<1x1x16xf32>,
      %get3A_1612 = vector.shape_cast %get3A_1611 : vector<1x1x16xf32> to vector<16xf32>
      %add3A_1613 = arith.addf %add3A_1605, %get3A_1612 : vector<16xf32>
      %mul3A_1614 = arith.constant 5.000000e-02 : f32
      %mul3A_1615 = vector.broadcast %mul3A_1614 : f32 to vector<16xf32>
      %mul3A_1616 = arith.mulf %add3A_1613, %mul3A_1615 : vector<16xf32>
      %mul3A_1617 = arith.constant 6 : i32
      %mul3A_1618 = arith.muli %add3A_1101, %mul3A_1617 : i32
      %add3A_1619 = arith.constant 2 : i32
      %add3A_1620 = arith.addi %mul3A_1618, %add3A_1619 : i32
      %swap3A_1621 = arith.index_cast %add3A_1620 : i32 to index
      %swap3A_1622 = arith.constant 0 : index
      %swap3A_1623 = tpu.vector_load %arg7[%swap3A_1621, %swap3A_1622] {strides = array<i32>} : memref<1056x16xf32, #tpu.memory_space<vmem>>, vector<1x16xf32>,
      %swap3A_1624 = vector.shape_cast %swap3A_1623 : vector<1x16xf32> to vector<16xf32>
      %swap3A_1625 = vector.shape_cast %mul3A_1616 : vector<16xf32> to vector<1x16xf32>
      tpu.vector_store %arg7[%swap3A_1621, %swap3A_1622], %swap3A_1625 {strides = array<i32>} : memref<1056x16xf32, #tpu.memory_space<vmem>>, vector<1x16xf32>,
      %get3A_1626 = arith.constant 1 : i32
      %get3A_1627 = arith.constant 60 : i32
      %get3A_1628 = arith.index_cast %get3A_1626 : i32 to index
      %get3A_1629 = arith.index_cast %get3A_1627 : i32 to index
      %get3A_1630 = arith.constant 0 : index
      %get3A_1631 = tpu.vector_load %arg6[%get3A_1628, %get3A_1629, %get3A_1630] {strides = array<i32>} : memref<4x120x16xf32, #tpu.memory_space<vmem>>, vector<1x1x16xf32>,
      %get3A_1632 = vector.shape_cast %get3A_1631 : vector<1x1x16xf32> to vector<16xf32>
      %get3A_1633 = arith.constant 1 : i32
      %get3A_1634 = arith.constant 61 : i32
      %get3A_1635 = arith.index_cast %get3A_1633 : i32 to index
      %get3A_1636 = arith.index_cast %get3A_1634 : i32 to index
      %get3A_1637 = arith.constant 0 : index
      %get3A_1638 = tpu.vector_load %arg6[%get3A_1635, %get3A_1636, %get3A_1637] {strides = array<i32>} : memref<4x120x16xf32, #tpu.memory_space<vmem>>, vector<1x1x16xf32>,
      %get3A_1639 = vector.shape_cast %get3A_1638 : vector<1x1x16xf32> to vector<16xf32>
      %add3A_1640 = arith.addf %get3A_1632, %get3A_1639 : vector<16xf32>
      %get3A_1641 = arith.constant 1 : i32
      %get3A_1642 = arith.constant 62 : i32
      %get3A_1643 = arith.index_cast %get3A_1641 : i32 to index
      %get3A_1644 = arith.index_cast %get3A_1642 : i32 to index
      %get3A_1645 = arith.constant 0 : index
      %get3A_1646 = tpu.vector_load %arg6[%get3A_1643, %get3A_1644, %get3A_1645] {strides = array<i32>} : memref<4x120x16xf32, #tpu.memory_space<vmem>>, vector<1x1x16xf32>,
      %get3A_1647 = vector.shape_cast %get3A_1646 : vector<1x1x16xf32> to vector<16xf32>
      %add3A_1648 = arith.addf %add3A_1640, %get3A_1647 : vector<16xf32>
      %get3A_1649 = arith.constant 1 : i32
      %get3A_1650 = arith.constant 63 : i32
      %get3A_1651 = arith.index_cast %get3A_1649 : i32 to index
      %get3A_1652 = arith.index_cast %get3A_1650 : i32 to index
      %get3A_1653 = arith.constant 0 : index
      %get3A_1654 = tpu.vector_load %arg6[%get3A_1651, %get3A_1652, %get3A_1653] {strides = array<i32>} : memref<4x120x16xf32, #tpu.memory_space<vmem>>, vector<1x1x16xf32>,
      %get3A_1655 = vector.shape_cast %get3A_1654 : vector<1x1x16xf32> to vector<16xf32>
      %add3A_1656 = arith.addf %add3A_1648, %get3A_1655 : vector<16xf32>
      %get3A_1657 = arith.constant 1 : i32
      %get3A_1658 = arith.constant 64 : i32
      %get3A_1659 = arith.index_cast %get3A_1657 : i32 to index
      %get3A_1660 = arith.index_cast %get3A_1658 : i32 to index
      %get3A_1661 = arith.constant 0 : index
      %get3A_1662 = tpu.vector_load %arg6[%get3A_1659, %get3A_1660, %get3A_1661] {strides = array<i32>} : memref<4x120x16xf32, #tpu.memory_space<vmem>>, vector<1x1x16xf32>,
      %get3A_1663 = vector.shape_cast %get3A_1662 : vector<1x1x16xf32> to vector<16xf32>
      %add3A_1664 = arith.addf %add3A_1656, %get3A_1663 : vector<16xf32>
      %get3A_1665 = arith.constant 1 : i32
      %get3A_1666 = arith.constant 65 : i32
      %get3A_1667 = arith.index_cast %get3A_1665 : i32 to index
      %get3A_1668 = arith.index_cast %get3A_1666 : i32 to index
      %get3A_1669 = arith.constant 0 : index
      %get3A_1670 = tpu.vector_load %arg6[%get3A_1667, %get3A_1668, %get3A_1669] {strides = array<i32>} : memref<4x120x16xf32, #tpu.memory_space<vmem>>, vector<1x1x16xf32>,
      %get3A_1671 = vector.shape_cast %get3A_1670 : vector<1x1x16xf32> to vector<16xf32>
      %add3A_1672 = arith.addf %add3A_1664, %get3A_1671 : vector<16xf32>
      %get3A_1673 = arith.constant 1 : i32
      %get3A_1674 = arith.constant 66 : i32
      %get3A_1675 = arith.index_cast %get3A_1673 : i32 to index
      %get3A_1676 = arith.index_cast %get3A_1674 : i32 to index
      %get3A_1677 = arith.constant 0 : index
      %get3A_1678 = tpu.vector_load %arg6[%get3A_1675, %get3A_1676, %get3A_1677] {strides = array<i32>} : memref<4x120x16xf32, #tpu.memory_space<vmem>>, vector<1x1x16xf32>,
      %get3A_1679 = vector.shape_cast %get3A_1678 : vector<1x1x16xf32> to vector<16xf32>
      %add3A_1680 = arith.addf %add3A_1672, %get3A_1679 : vector<16xf32>
      %get3A_1681 = arith.constant 1 : i32
      %get3A_1682 = arith.constant 67 : i32
      %get3A_1683 = arith.index_cast %get3A_1681 : i32 to index
      %get3A_1684 = arith.index_cast %get3A_1682 : i32 to index
      %get3A_1685 = arith.constant 0 : index
      %get3A_1686 = tpu.vector_load %arg6[%get3A_1683, %get3A_1684, %get3A_1685] {strides = array<i32>} : memref<4x120x16xf32, #tpu.memory_space<vmem>>, vector<1x1x16xf32>,
      %get3A_1687 = vector.shape_cast %get3A_1686 : vector<1x1x16xf32> to vector<16xf32>
      %add3A_1688 = arith.addf %add3A_1680, %get3A_1687 : vector<16xf32>
      %get3A_1689 = arith.constant 1 : i32
      %get3A_1690 = arith.constant 68 : i32
      %get3A_1691 = arith.index_cast %get3A_1689 : i32 to index
      %get3A_1692 = arith.index_cast %get3A_1690 : i32 to index
      %get3A_1693 = arith.constant 0 : index
      %get3A_1694 = tpu.vector_load %arg6[%get3A_1691, %get3A_1692, %get3A_1693] {strides = array<i32>} : memref<4x120x16xf32, #tpu.memory_space<vmem>>, vector<1x1x16xf32>,
      %get3A_1695 = vector.shape_cast %get3A_1694 : vector<1x1x16xf32> to vector<16xf32>
      %add3A_1696 = arith.addf %add3A_1688, %get3A_1695 : vector<16xf32>
      %get3A_1697 = arith.constant 1 : i32
      %get3A_1698 = arith.constant 69 : i32
      %get3A_1699 = arith.index_cast %get3A_1697 : i32 to index
      %get3A_1700 = arith.index_cast %get3A_1698 : i32 to index
      %get3A_1701 = arith.constant 0 : index
      %get3A_1702 = tpu.vector_load %arg6[%get3A_1699, %get3A_1700, %get3A_1701] {strides = array<i32>} : memref<4x120x16xf32, #tpu.memory_space<vmem>>, vector<1x1x16xf32>,
      %get3A_1703 = vector.shape_cast %get3A_1702 : vector<1x1x16xf32> to vector<16xf32>
      %add3A_1704 = arith.addf %add3A_1696, %get3A_1703 : vector<16xf32>
      %get3A_1705 = arith.constant 1 : i32
      %get3A_1706 = arith.constant 70 : i32
      %get3A_1707 = arith.index_cast %get3A_1705 : i32 to index
      %get3A_1708 = arith.index_cast %get3A_1706 : i32 to index
      %get3A_1709 = arith.constant 0 : index
      %get3A_1710 = tpu.vector_load %arg6[%get3A_1707, %get3A_1708, %get3A_1709] {strides = array<i32>} : memref<4x120x16xf32, #tpu.memory_space<vmem>>, vector<1x1x16xf32>,
      %get3A_1711 = vector.shape_cast %get3A_1710 : vector<1x1x16xf32> to vector<16xf32>
      %add3A_1712 = arith.addf %add3A_1704, %get3A_1711 : vector<16xf32>
      %get3A_1713 = arith.constant 1 : i32
      %get3A_1714 = arith.constant 71 : i32
      %get3A_1715 = arith.index_cast %get3A_1713 : i32 to index
      %get3A_1716 = arith.index_cast %get3A_1714 : i32 to index
      %get3A_1717 = arith.constant 0 : index
      %get3A_1718 = tpu.vector_load %arg6[%get3A_1715, %get3A_1716, %get3A_1717] {strides = array<i32>} : memref<4x120x16xf32, #tpu.memory_space<vmem>>, vector<1x1x16xf32>,
      %get3A_1719 = vector.shape_cast %get3A_1718 : vector<1x1x16xf32> to vector<16xf32>
      %add3A_1720 = arith.addf %add3A_1712, %get3A_1719 : vector<16xf32>
      %get3A_1721 = arith.constant 1 : i32
      %get3A_1722 = arith.constant 72 : i32
      %get3A_1723 = arith.index_cast %get3A_1721 : i32 to index
      %get3A_1724 = arith.index_cast %get3A_1722 : i32 to index
      %get3A_1725 = arith.constant 0 : index
      %get3A_1726 = tpu.vector_load %arg6[%get3A_1723, %get3A_1724, %get3A_1725] {strides = array<i32>} : memref<4x120x16xf32, #tpu.memory_space<vmem>>, vector<1x1x16xf32>,
      %get3A_1727 = vector.shape_cast %get3A_1726 : vector<1x1x16xf32> to vector<16xf32>
      %add3A_1728 = arith.addf %add3A_1720, %get3A_1727 : vector<16xf32>
      %get3A_1729 = arith.constant 1 : i32
      %get3A_1730 = arith.constant 73 : i32
      %get3A_1731 = arith.index_cast %get3A_1729 : i32 to index
      %get3A_1732 = arith.index_cast %get3A_1730 : i32 to index
      %get3A_1733 = arith.constant 0 : index
      %get3A_1734 = tpu.vector_load %arg6[%get3A_1731, %get3A_1732, %get3A_1733] {strides = array<i32>} : memref<4x120x16xf32, #tpu.memory_space<vmem>>, vector<1x1x16xf32>,
      %get3A_1735 = vector.shape_cast %get3A_1734 : vector<1x1x16xf32> to vector<16xf32>
      %add3A_1736 = arith.addf %add3A_1728, %get3A_1735 : vector<16xf32>
      %get3A_1737 = arith.constant 1 : i32
      %get3A_1738 = arith.constant 74 : i32
      %get3A_1739 = arith.index_cast %get3A_1737 : i32 to index
      %get3A_1740 = arith.index_cast %get3A_1738 : i32 to index
      %get3A_1741 = arith.constant 0 : index
      %get3A_1742 = tpu.vector_load %arg6[%get3A_1739, %get3A_1740, %get3A_1741] {strides = array<i32>} : memref<4x120x16xf32, #tpu.memory_space<vmem>>, vector<1x1x16xf32>,
      %get3A_1743 = vector.shape_cast %get3A_1742 : vector<1x1x16xf32> to vector<16xf32>
      %add3A_1744 = arith.addf %add3A_1736, %get3A_1743 : vector<16xf32>
      %get3A_1745 = arith.constant 1 : i32
      %get3A_1746 = arith.constant 75 : i32
      %get3A_1747 = arith.index_cast %get3A_1745 : i32 to index
      %get3A_1748 = arith.index_cast %get3A_1746 : i32 to index
      %get3A_1749 = arith.constant 0 : index
      %get3A_1750 = tpu.vector_load %arg6[%get3A_1747, %get3A_1748, %get3A_1749] {strides = array<i32>} : memref<4x120x16xf32, #tpu.memory_space<vmem>>, vector<1x1x16xf32>,
      %get3A_1751 = vector.shape_cast %get3A_1750 : vector<1x1x16xf32> to vector<16xf32>
      %add3A_1752 = arith.addf %add3A_1744, %get3A_1751 : vector<16xf32>
      %get3A_1753 = arith.constant 1 : i32
      %get3A_1754 = arith.constant 76 : i32
      %get3A_1755 = arith.index_cast %get3A_1753 : i32 to index
      %get3A_1756 = arith.index_cast %get3A_1754 : i32 to index
      %get3A_1757 = arith.constant 0 : index
      %get3A_1758 = tpu.vector_load %arg6[%get3A_1755, %get3A_1756, %get3A_1757] {strides = array<i32>} : memref<4x120x16xf32, #tpu.memory_space<vmem>>, vector<1x1x16xf32>,
      %get3A_1759 = vector.shape_cast %get3A_1758 : vector<1x1x16xf32> to vector<16xf32>
      %add3A_1760 = arith.addf %add3A_1752, %get3A_1759 : vector<16xf32>
      %get3A_1761 = arith.constant 1 : i32
      %get3A_1762 = arith.constant 77 : i32
      %get3A_1763 = arith.index_cast %get3A_1761 : i32 to index
      %get3A_1764 = arith.index_cast %get3A_1762 : i32 to index
      %get3A_1765 = arith.constant 0 : index
      %get3A_1766 = tpu.vector_load %arg6[%get3A_1763, %get3A_1764, %get3A_1765] {strides = array<i32>} : memref<4x120x16xf32, #tpu.memory_space<vmem>>, vector<1x1x16xf32>,
      %get3A_1767 = vector.shape_cast %get3A_1766 : vector<1x1x16xf32> to vector<16xf32>
      %add3A_1768 = arith.addf %add3A_1760, %get3A_1767 : vector<16xf32>
      %get3A_1769 = arith.constant 1 : i32
      %get3A_1770 = arith.constant 78 : i32
      %get3A_1771 = arith.index_cast %get3A_1769 : i32 to index
      %get3A_1772 = arith.index_cast %get3A_1770 : i32 to index
      %get3A_1773 = arith.constant 0 : index
      %get3A_1774 = tpu.vector_load %arg6[%get3A_1771, %get3A_1772, %get3A_1773] {strides = array<i32>} : memref<4x120x16xf32, #tpu.memory_space<vmem>>, vector<1x1x16xf32>,
      %get3A_1775 = vector.shape_cast %get3A_1774 : vector<1x1x16xf32> to vector<16xf32>
      %add3A_1776 = arith.addf %add3A_1768, %get3A_1775 : vector<16xf32>
      %get3A_1777 = arith.constant 1 : i32
      %get3A_1778 = arith.constant 79 : i32
      %get3A_1779 = arith.index_cast %get3A_1777 : i32 to index
      %get3A_1780 = arith.index_cast %get3A_1778 : i32 to index
      %get3A_1781 = arith.constant 0 : index
      %get3A_1782 = tpu.vector_load %arg6[%get3A_1779, %get3A_1780, %get3A_1781] {strides = array<i32>} : memref<4x120x16xf32, #tpu.memory_space<vmem>>, vector<1x1x16xf32>,
      %get3A_1783 = vector.shape_cast %get3A_1782 : vector<1x1x16xf32> to vector<16xf32>
      %add3A_1784 = arith.addf %add3A_1776, %get3A_1783 : vector<16xf32>
      %mul3A_1785 = arith.constant 5.000000e-02 : f32
      %mul3A_1786 = vector.broadcast %mul3A_1785 : f32 to vector<16xf32>
      %mul3A_1787 = arith.mulf %add3A_1784, %mul3A_1786 : vector<16xf32>
      %mul3A_1788 = arith.constant 6 : i32
      %mul3A_1789 = arith.muli %add3A_1101, %mul3A_1788 : i32
      %add3A_1790 = arith.constant 3 : i32
      %add3A_1791 = arith.addi %mul3A_1789, %add3A_1790 : i32
      %swap3A_1792 = arith.index_cast %add3A_1791 : i32 to index
      %swap3A_1793 = arith.constant 0 : index
      %swap3A_1794 = tpu.vector_load %arg7[%swap3A_1792, %swap3A_1793] {strides = array<i32>} : memref<1056x16xf32, #tpu.memory_space<vmem>>, vector<1x16xf32>,
      %swap3A_1795 = vector.shape_cast %swap3A_1794 : vector<1x16xf32> to vector<16xf32>
      %swap3A_1796 = vector.shape_cast %mul3A_1787 : vector<16xf32> to vector<1x16xf32>
      tpu.vector_store %arg7[%swap3A_1792, %swap3A_1793], %swap3A_1796 {strides = array<i32>} : memref<1056x16xf32, #tpu.memory_space<vmem>>, vector<1x16xf32>,
      %get3A_1797 = arith.constant 1 : i32
      %get3A_1798 = arith.constant 80 : i32
      %get3A_1799 = arith.index_cast %get3A_1797 : i32 to index
      %get3A_1800 = arith.index_cast %get3A_1798 : i32 to index
      %get3A_1801 = arith.constant 0 : index
      %get3A_1802 = tpu.vector_load %arg6[%get3A_1799, %get3A_1800, %get3A_1801] {strides = array<i32>} : memref<4x120x16xf32, #tpu.memory_space<vmem>>, vector<1x1x16xf32>,
      %get3A_1803 = vector.shape_cast %get3A_1802 : vector<1x1x16xf32> to vector<16xf32>
      %get3A_1804 = arith.constant 1 : i32
      %get3A_1805 = arith.constant 81 : i32
      %get3A_1806 = arith.index_cast %get3A_1804 : i32 to index
      %get3A_1807 = arith.index_cast %get3A_1805 : i32 to index
      %get3A_1808 = arith.constant 0 : index
      %get3A_1809 = tpu.vector_load %arg6[%get3A_1806, %get3A_1807, %get3A_1808] {strides = array<i32>} : memref<4x120x16xf32, #tpu.memory_space<vmem>>, vector<1x1x16xf32>,
      %get3A_1810 = vector.shape_cast %get3A_1809 : vector<1x1x16xf32> to vector<16xf32>
      %add3A_1811 = arith.addf %get3A_1803, %get3A_1810 : vector<16xf32>
      %get3A_1812 = arith.constant 1 : i32
      %get3A_1813 = arith.constant 82 : i32
      %get3A_1814 = arith.index_cast %get3A_1812 : i32 to index
      %get3A_1815 = arith.index_cast %get3A_1813 : i32 to index
      %get3A_1816 = arith.constant 0 : index
      %get3A_1817 = tpu.vector_load %arg6[%get3A_1814, %get3A_1815, %get3A_1816] {strides = array<i32>} : memref<4x120x16xf32, #tpu.memory_space<vmem>>, vector<1x1x16xf32>,
      %get3A_1818 = vector.shape_cast %get3A_1817 : vector<1x1x16xf32> to vector<16xf32>
      %add3A_1819 = arith.addf %add3A_1811, %get3A_1818 : vector<16xf32>
      %get3A_1820 = arith.constant 1 : i32
      %get3A_1821 = arith.constant 83 : i32
      %get3A_1822 = arith.index_cast %get3A_1820 : i32 to index
      %get3A_1823 = arith.index_cast %get3A_1821 : i32 to index
      %get3A_1824 = arith.constant 0 : index
      %get3A_1825 = tpu.vector_load %arg6[%get3A_1822, %get3A_1823, %get3A_1824] {strides = array<i32>} : memref<4x120x16xf32, #tpu.memory_space<vmem>>, vector<1x1x16xf32>,
      %get3A_1826 = vector.shape_cast %get3A_1825 : vector<1x1x16xf32> to vector<16xf32>
      %add3A_1827 = arith.addf %add3A_1819, %get3A_1826 : vector<16xf32>
      %get3A_1828 = arith.constant 1 : i32
      %get3A_1829 = arith.constant 84 : i32
      %get3A_1830 = arith.index_cast %get3A_1828 : i32 to index
      %get3A_1831 = arith.index_cast %get3A_1829 : i32 to index
      %get3A_1832 = arith.constant 0 : index
      %get3A_1833 = tpu.vector_load %arg6[%get3A_1830, %get3A_1831, %get3A_1832] {strides = array<i32>} : memref<4x120x16xf32, #tpu.memory_space<vmem>>, vector<1x1x16xf32>,
      %get3A_1834 = vector.shape_cast %get3A_1833 : vector<1x1x16xf32> to vector<16xf32>
      %add3A_1835 = arith.addf %add3A_1827, %get3A_1834 : vector<16xf32>
      %get3A_1836 = arith.constant 1 : i32
      %get3A_1837 = arith.constant 85 : i32
      %get3A_1838 = arith.index_cast %get3A_1836 : i32 to index
      %get3A_1839 = arith.index_cast %get3A_1837 : i32 to index
      %get3A_1840 = arith.constant 0 : index
      %get3A_1841 = tpu.vector_load %arg6[%get3A_1838, %get3A_1839, %get3A_1840] {strides = array<i32>} : memref<4x120x16xf32, #tpu.memory_space<vmem>>, vector<1x1x16xf32>,
      %get3A_1842 = vector.shape_cast %get3A_1841 : vector<1x1x16xf32> to vector<16xf32>
      %add3A_1843 = arith.addf %add3A_1835, %get3A_1842 : vector<16xf32>
      %get3A_1844 = arith.constant 1 : i32
      %get3A_1845 = arith.constant 86 : i32
      %get3A_1846 = arith.index_cast %get3A_1844 : i32 to index
      %get3A_1847 = arith.index_cast %get3A_1845 : i32 to index
      %get3A_1848 = arith.constant 0 : index
      %get3A_1849 = tpu.vector_load %arg6[%get3A_1846, %get3A_1847, %get3A_1848] {strides = array<i32>} : memref<4x120x16xf32, #tpu.memory_space<vmem>>, vector<1x1x16xf32>,
      %get3A_1850 = vector.shape_cast %get3A_1849 : vector<1x1x16xf32> to vector<16xf32>
      %add3A_1851 = arith.addf %add3A_1843, %get3A_1850 : vector<16xf32>
      %get3A_1852 = arith.constant 1 : i32
      %get3A_1853 = arith.constant 87 : i32
      %get3A_1854 = arith.index_cast %get3A_1852 : i32 to index
      %get3A_1855 = arith.index_cast %get3A_1853 : i32 to index
      %get3A_1856 = arith.constant 0 : index
      %get3A_1857 = tpu.vector_load %arg6[%get3A_1854, %get3A_1855, %get3A_1856] {strides = array<i32>} : memref<4x120x16xf32, #tpu.memory_space<vmem>>, vector<1x1x16xf32>,
      %get3A_1858 = vector.shape_cast %get3A_1857 : vector<1x1x16xf32> to vector<16xf32>
      %add3A_1859 = arith.addf %add3A_1851, %get3A_1858 : vector<16xf32>
      %get3A_1860 = arith.constant 1 : i32
      %get3A_1861 = arith.constant 88 : i32
      %get3A_1862 = arith.index_cast %get3A_1860 : i32 to index
      %get3A_1863 = arith.index_cast %get3A_1861 : i32 to index
      %get3A_1864 = arith.constant 0 : index
      %get3A_1865 = tpu.vector_load %arg6[%get3A_1862, %get3A_1863, %get3A_1864] {strides = array<i32>} : memref<4x120x16xf32, #tpu.memory_space<vmem>>, vector<1x1x16xf32>,
      %get3A_1866 = vector.shape_cast %get3A_1865 : vector<1x1x16xf32> to vector<16xf32>
      %add3A_1867 = arith.addf %add3A_1859, %get3A_1866 : vector<16xf32>
      %get3A_1868 = arith.constant 1 : i32
      %get3A_1869 = arith.constant 89 : i32
      %get3A_1870 = arith.index_cast %get3A_1868 : i32 to index
      %get3A_1871 = arith.index_cast %get3A_1869 : i32 to index
      %get3A_1872 = arith.constant 0 : index
      %get3A_1873 = tpu.vector_load %arg6[%get3A_1870, %get3A_1871, %get3A_1872] {strides = array<i32>} : memref<4x120x16xf32, #tpu.memory_space<vmem>>, vector<1x1x16xf32>,
      %get3A_1874 = vector.shape_cast %get3A_1873 : vector<1x1x16xf32> to vector<16xf32>
      %add3A_1875 = arith.addf %add3A_1867, %get3A_1874 : vector<16xf32>
      %get3A_1876 = arith.constant 1 : i32
      %get3A_1877 = arith.constant 90 : i32
      %get3A_1878 = arith.index_cast %get3A_1876 : i32 to index
      %get3A_1879 = arith.index_cast %get3A_1877 : i32 to index
      %get3A_1880 = arith.constant 0 : index
      %get3A_1881 = tpu.vector_load %arg6[%get3A_1878, %get3A_1879, %get3A_1880] {strides = array<i32>} : memref<4x120x16xf32, #tpu.memory_space<vmem>>, vector<1x1x16xf32>,
      %get3A_1882 = vector.shape_cast %get3A_1881 : vector<1x1x16xf32> to vector<16xf32>
      %add3A_1883 = arith.addf %add3A_1875, %get3A_1882 : vector<16xf32>
      %get3A_1884 = arith.constant 1 : i32
      %get3A_1885 = arith.constant 91 : i32
      %get3A_1886 = arith.index_cast %get3A_1884 : i32 to index
      %get3A_1887 = arith.index_cast %get3A_1885 : i32 to index
      %get3A_1888 = arith.constant 0 : index
      %get3A_1889 = tpu.vector_load %arg6[%get3A_1886, %get3A_1887, %get3A_1888] {strides = array<i32>} : memref<4x120x16xf32, #tpu.memory_space<vmem>>, vector<1x1x16xf32>,
      %get3A_1890 = vector.shape_cast %get3A_1889 : vector<1x1x16xf32> to vector<16xf32>
      %add3A_1891 = arith.addf %add3A_1883, %get3A_1890 : vector<16xf32>
      %get3A_1892 = arith.constant 1 : i32
      %get3A_1893 = arith.constant 92 : i32
      %get3A_1894 = arith.index_cast %get3A_1892 : i32 to index
      %get3A_1895 = arith.index_cast %get3A_1893 : i32 to index
      %get3A_1896 = arith.constant 0 : index
      %get3A_1897 = tpu.vector_load %arg6[%get3A_1894, %get3A_1895, %get3A_1896] {strides = array<i32>} : memref<4x120x16xf32, #tpu.memory_space<vmem>>, vector<1x1x16xf32>,
      %get3A_1898 = vector.shape_cast %get3A_1897 : vector<1x1x16xf32> to vector<16xf32>
      %add3A_1899 = arith.addf %add3A_1891, %get3A_1898 : vector<16xf32>
      %get3A_1900 = arith.constant 1 : i32
      %get3A_1901 = arith.constant 93 : i32
      %get3A_1902 = arith.index_cast %get3A_1900 : i32 to index
      %get3A_1903 = arith.index_cast %get3A_1901 : i32 to index
      %get3A_1904 = arith.constant 0 : index
      %get3A_1905 = tpu.vector_load %arg6[%get3A_1902, %get3A_1903, %get3A_1904] {strides = array<i32>} : memref<4x120x16xf32, #tpu.memory_space<vmem>>, vector<1x1x16xf32>,
      %get3A_1906 = vector.shape_cast %get3A_1905 : vector<1x1x16xf32> to vector<16xf32>
      %add3A_1907 = arith.addf %add3A_1899, %get3A_1906 : vector<16xf32>
      %get3A_1908 = arith.constant 1 : i32
      %get3A_1909 = arith.constant 94 : i32
      %get3A_1910 = arith.index_cast %get3A_1908 : i32 to index
      %get3A_1911 = arith.index_cast %get3A_1909 : i32 to index
      %get3A_1912 = arith.constant 0 : index
      %get3A_1913 = tpu.vector_load %arg6[%get3A_1910, %get3A_1911, %get3A_1912] {strides = array<i32>} : memref<4x120x16xf32, #tpu.memory_space<vmem>>, vector<1x1x16xf32>,
      %get3A_1914 = vector.shape_cast %get3A_1913 : vector<1x1x16xf32> to vector<16xf32>
      %add3A_1915 = arith.addf %add3A_1907, %get3A_1914 : vector<16xf32>
      %get3A_1916 = arith.constant 1 : i32
      %get3A_1917 = arith.constant 95 : i32
      %get3A_1918 = arith.index_cast %get3A_1916 : i32 to index
      %get3A_1919 = arith.index_cast %get3A_1917 : i32 to index
      %get3A_1920 = arith.constant 0 : index
      %get3A_1921 = tpu.vector_load %arg6[%get3A_1918, %get3A_1919, %get3A_1920] {strides = array<i32>} : memref<4x120x16xf32, #tpu.memory_space<vmem>>, vector<1x1x16xf32>,
      %get3A_1922 = vector.shape_cast %get3A_1921 : vector<1x1x16xf32> to vector<16xf32>
      %add3A_1923 = arith.addf %add3A_1915, %get3A_1922 : vector<16xf32>
      %get3A_1924 = arith.constant 1 : i32
      %get3A_1925 = arith.constant 96 : i32
      %get3A_1926 = arith.index_cast %get3A_1924 : i32 to index
      %get3A_1927 = arith.index_cast %get3A_1925 : i32 to index
      %get3A_1928 = arith.constant 0 : index
      %get3A_1929 = tpu.vector_load %arg6[%get3A_1926, %get3A_1927, %get3A_1928] {strides = array<i32>} : memref<4x120x16xf32, #tpu.memory_space<vmem>>, vector<1x1x16xf32>,
      %get3A_1930 = vector.shape_cast %get3A_1929 : vector<1x1x16xf32> to vector<16xf32>
      %add3A_1931 = arith.addf %add3A_1923, %get3A_1930 : vector<16xf32>
      %get3A_1932 = arith.constant 1 : i32
      %get3A_1933 = arith.constant 97 : i32
      %get3A_1934 = arith.index_cast %get3A_1932 : i32 to index
      %get3A_1935 = arith.index_cast %get3A_1933 : i32 to index
      %get3A_1936 = arith.constant 0 : index
      %get3A_1937 = tpu.vector_load %arg6[%get3A_1934, %get3A_1935, %get3A_1936] {strides = array<i32>} : memref<4x120x16xf32, #tpu.memory_space<vmem>>, vector<1x1x16xf32>,
      %get3A_1938 = vector.shape_cast %get3A_1937 : vector<1x1x16xf32> to vector<16xf32>
      %add3A_1939 = arith.addf %add3A_1931, %get3A_1938 : vector<16xf32>
      %get3A_1940 = arith.constant 1 : i32
      %get3A_1941 = arith.constant 98 : i32
      %get3A_1942 = arith.index_cast %get3A_1940 : i32 to index
      %get3A_1943 = arith.index_cast %get3A_1941 : i32 to index
      %get3A_1944 = arith.constant 0 : index
      %get3A_1945 = tpu.vector_load %arg6[%get3A_1942, %get3A_1943, %get3A_1944] {strides = array<i32>} : memref<4x120x16xf32, #tpu.memory_space<vmem>>, vector<1x1x16xf32>,
      %get3A_1946 = vector.shape_cast %get3A_1945 : vector<1x1x16xf32> to vector<16xf32>
      %add3A_1947 = arith.addf %add3A_1939, %get3A_1946 : vector<16xf32>
      %get3A_1948 = arith.constant 1 : i32
      %get3A_1949 = arith.constant 99 : i32
      %get3A_1950 = arith.index_cast %get3A_1948 : i32 to index
      %get3A_1951 = arith.index_cast %get3A_1949 : i32 to index
      %get3A_1952 = arith.constant 0 : index
      %get3A_1953 = tpu.vector_load %arg6[%get3A_1950, %get3A_1951, %get3A_1952] {strides = array<i32>} : memref<4x120x16xf32, #tpu.memory_space<vmem>>, vector<1x1x16xf32>,
      %get3A_1954 = vector.shape_cast %get3A_1953 : vector<1x1x16xf32> to vector<16xf32>
      %add3A_1955 = arith.addf %add3A_1947, %get3A_1954 : vector<16xf32>
      %mul3A_1956 = arith.constant 5.000000e-02 : f32
      %mul3A_1957 = vector.broadcast %mul3A_1956 : f32 to vector<16xf32>
      %mul3A_1958 = arith.mulf %add3A_1955, %mul3A_1957 : vector<16xf32>
      %mul3A_1959 = arith.constant 6 : i32
      %mul3A_1960 = arith.muli %add3A_1101, %mul3A_1959 : i32
      %add3A_1961 = arith.constant 4 : i32
      %add3A_1962 = arith.addi %mul3A_1960, %add3A_1961 : i32
      %swap3A_1963 = arith.index_cast %add3A_1962 : i32 to index
      %swap3A_1964 = arith.constant 0 : index
      %swap3A_1965 = tpu.vector_load %arg7[%swap3A_1963, %swap3A_1964] {strides = array<i32>} : memref<1056x16xf32, #tpu.memory_space<vmem>>, vector<1x16xf32>,
      %swap3A_1966 = vector.shape_cast %swap3A_1965 : vector<1x16xf32> to vector<16xf32>
      %swap3A_1967 = vector.shape_cast %mul3A_1958 : vector<16xf32> to vector<1x16xf32>
      tpu.vector_store %arg7[%swap3A_1963, %swap3A_1964], %swap3A_1967 {strides = array<i32>} : memref<1056x16xf32, #tpu.memory_space<vmem>>, vector<1x16xf32>,
      %get3A_1968 = arith.constant 1 : i32
      %get3A_1969 = arith.constant 100 : i32
      %get3A_1970 = arith.index_cast %get3A_1968 : i32 to index
      %get3A_1971 = arith.index_cast %get3A_1969 : i32 to index
      %get3A_1972 = arith.constant 0 : index
      %get3A_1973 = tpu.vector_load %arg6[%get3A_1970, %get3A_1971, %get3A_1972] {strides = array<i32>} : memref<4x120x16xf32, #tpu.memory_space<vmem>>, vector<1x1x16xf32>,
      %get3A_1974 = vector.shape_cast %get3A_1973 : vector<1x1x16xf32> to vector<16xf32>
      %get3A_1975 = arith.constant 1 : i32
      %get3A_1976 = arith.constant 101 : i32
      %get3A_1977 = arith.index_cast %get3A_1975 : i32 to index
      %get3A_1978 = arith.index_cast %get3A_1976 : i32 to index
      %get3A_1979 = arith.constant 0 : index
      %get3A_1980 = tpu.vector_load %arg6[%get3A_1977, %get3A_1978, %get3A_1979] {strides = array<i32>} : memref<4x120x16xf32, #tpu.memory_space<vmem>>, vector<1x1x16xf32>,
      %get3A_1981 = vector.shape_cast %get3A_1980 : vector<1x1x16xf32> to vector<16xf32>
      %add3A_1982 = arith.addf %get3A_1974, %get3A_1981 : vector<16xf32>
      %get3A_1983 = arith.constant 1 : i32
      %get3A_1984 = arith.constant 102 : i32
      %get3A_1985 = arith.index_cast %get3A_1983 : i32 to index
      %get3A_1986 = arith.index_cast %get3A_1984 : i32 to index
      %get3A_1987 = arith.constant 0 : index
      %get3A_1988 = tpu.vector_load %arg6[%get3A_1985, %get3A_1986, %get3A_1987] {strides = array<i32>} : memref<4x120x16xf32, #tpu.memory_space<vmem>>, vector<1x1x16xf32>,
      %get3A_1989 = vector.shape_cast %get3A_1988 : vector<1x1x16xf32> to vector<16xf32>
      %add3A_1990 = arith.addf %add3A_1982, %get3A_1989 : vector<16xf32>
      %get3A_1991 = arith.constant 1 : i32
      %get3A_1992 = arith.constant 103 : i32
      %get3A_1993 = arith.index_cast %get3A_1991 : i32 to index
      %get3A_1994 = arith.index_cast %get3A_1992 : i32 to index
      %get3A_1995 = arith.constant 0 : index
      %get3A_1996 = tpu.vector_load %arg6[%get3A_1993, %get3A_1994, %get3A_1995] {strides = array<i32>} : memref<4x120x16xf32, #tpu.memory_space<vmem>>, vector<1x1x16xf32>,
      %get3A_1997 = vector.shape_cast %get3A_1996 : vector<1x1x16xf32> to vector<16xf32>
      %add3A_1998 = arith.addf %add3A_1990, %get3A_1997 : vector<16xf32>
      %get3A_1999 = arith.constant 1 : i32
      %get3A_2000 = arith.constant 104 : i32
      %get3A_2001 = arith.index_cast %get3A_1999 : i32 to index
      %get3A_2002 = arith.index_cast %get3A_2000 : i32 to index
      %get3A_2003 = arith.constant 0 : index
      %get3A_2004 = tpu.vector_load %arg6[%get3A_2001, %get3A_2002, %get3A_2003] {strides = array<i32>} : memref<4x120x16xf32, #tpu.memory_space<vmem>>, vector<1x1x16xf32>,
      %get3A_2005 = vector.shape_cast %get3A_2004 : vector<1x1x16xf32> to vector<16xf32>
      %add3A_2006 = arith.addf %add3A_1998, %get3A_2005 : vector<16xf32>
      %get3A_2007 = arith.constant 1 : i32
      %get3A_2008 = arith.constant 105 : i32
      %get3A_2009 = arith.index_cast %get3A_2007 : i32 to index
      %get3A_2010 = arith.index_cast %get3A_2008 : i32 to index
      %get3A_2011 = arith.constant 0 : index
      %get3A_2012 = tpu.vector_load %arg6[%get3A_2009, %get3A_2010, %get3A_2011] {strides = array<i32>} : memref<4x120x16xf32, #tpu.memory_space<vmem>>, vector<1x1x16xf32>,
      %get3A_2013 = vector.shape_cast %get3A_2012 : vector<1x1x16xf32> to vector<16xf32>
      %add3A_2014 = arith.addf %add3A_2006, %get3A_2013 : vector<16xf32>
      %get3A_2015 = arith.constant 1 : i32
      %get3A_2016 = arith.constant 106 : i32
      %get3A_2017 = arith.index_cast %get3A_2015 : i32 to index
      %get3A_2018 = arith.index_cast %get3A_2016 : i32 to index
      %get3A_2019 = arith.constant 0 : index
      %get3A_2020 = tpu.vector_load %arg6[%get3A_2017, %get3A_2018, %get3A_2019] {strides = array<i32>} : memref<4x120x16xf32, #tpu.memory_space<vmem>>, vector<1x1x16xf32>,
      %get3A_2021 = vector.shape_cast %get3A_2020 : vector<1x1x16xf32> to vector<16xf32>
      %add3A_2022 = arith.addf %add3A_2014, %get3A_2021 : vector<16xf32>
      %get3A_2023 = arith.constant 1 : i32
      %get3A_2024 = arith.constant 107 : i32
      %get3A_2025 = arith.index_cast %get3A_2023 : i32 to index
      %get3A_2026 = arith.index_cast %get3A_2024 : i32 to index
      %get3A_2027 = arith.constant 0 : index
      %get3A_2028 = tpu.vector_load %arg6[%get3A_2025, %get3A_2026, %get3A_2027] {strides = array<i32>} : memref<4x120x16xf32, #tpu.memory_space<vmem>>, vector<1x1x16xf32>,
      %get3A_2029 = vector.shape_cast %get3A_2028 : vector<1x1x16xf32> to vector<16xf32>
      %add3A_2030 = arith.addf %add3A_2022, %get3A_2029 : vector<16xf32>
      %get3A_2031 = arith.constant 1 : i32
      %get3A_2032 = arith.constant 108 : i32
      %get3A_2033 = arith.index_cast %get3A_2031 : i32 to index
      %get3A_2034 = arith.index_cast %get3A_2032 : i32 to index
      %get3A_2035 = arith.constant 0 : index
      %get3A_2036 = tpu.vector_load %arg6[%get3A_2033, %get3A_2034, %get3A_2035] {strides = array<i32>} : memref<4x120x16xf32, #tpu.memory_space<vmem>>, vector<1x1x16xf32>,
      %get3A_2037 = vector.shape_cast %get3A_2036 : vector<1x1x16xf32> to vector<16xf32>
      %add3A_2038 = arith.addf %add3A_2030, %get3A_2037 : vector<16xf32>
      %get3A_2039 = arith.constant 1 : i32
      %get3A_2040 = arith.constant 109 : i32
      %get3A_2041 = arith.index_cast %get3A_2039 : i32 to index
      %get3A_2042 = arith.index_cast %get3A_2040 : i32 to index
      %get3A_2043 = arith.constant 0 : index
      %get3A_2044 = tpu.vector_load %arg6[%get3A_2041, %get3A_2042, %get3A_2043] {strides = array<i32>} : memref<4x120x16xf32, #tpu.memory_space<vmem>>, vector<1x1x16xf32>,
      %get3A_2045 = vector.shape_cast %get3A_2044 : vector<1x1x16xf32> to vector<16xf32>
      %add3A_2046 = arith.addf %add3A_2038, %get3A_2045 : vector<16xf32>
      %get3A_2047 = arith.constant 1 : i32
      %get3A_2048 = arith.constant 110 : i32
      %get3A_2049 = arith.index_cast %get3A_2047 : i32 to index
      %get3A_2050 = arith.index_cast %get3A_2048 : i32 to index
      %get3A_2051 = arith.constant 0 : index
      %get3A_2052 = tpu.vector_load %arg6[%get3A_2049, %get3A_2050, %get3A_2051] {strides = array<i32>} : memref<4x120x16xf32, #tpu.memory_space<vmem>>, vector<1x1x16xf32>,
      %get3A_2053 = vector.shape_cast %get3A_2052 : vector<1x1x16xf32> to vector<16xf32>
      %add3A_2054 = arith.addf %add3A_2046, %get3A_2053 : vector<16xf32>
      %get3A_2055 = arith.constant 1 : i32
      %get3A_2056 = arith.constant 111 : i32
      %get3A_2057 = arith.index_cast %get3A_2055 : i32 to index
      %get3A_2058 = arith.index_cast %get3A_2056 : i32 to index
      %get3A_2059 = arith.constant 0 : index
      %get3A_2060 = tpu.vector_load %arg6[%get3A_2057, %get3A_2058, %get3A_2059] {strides = array<i32>} : memref<4x120x16xf32, #tpu.memory_space<vmem>>, vector<1x1x16xf32>,
      %get3A_2061 = vector.shape_cast %get3A_2060 : vector<1x1x16xf32> to vector<16xf32>
      %add3A_2062 = arith.addf %add3A_2054, %get3A_2061 : vector<16xf32>
      %get3A_2063 = arith.constant 1 : i32
      %get3A_2064 = arith.constant 112 : i32
      %get3A_2065 = arith.index_cast %get3A_2063 : i32 to index
      %get3A_2066 = arith.index_cast %get3A_2064 : i32 to index
      %get3A_2067 = arith.constant 0 : index
      %get3A_2068 = tpu.vector_load %arg6[%get3A_2065, %get3A_2066, %get3A_2067] {strides = array<i32>} : memref<4x120x16xf32, #tpu.memory_space<vmem>>, vector<1x1x16xf32>,
      %get3A_2069 = vector.shape_cast %get3A_2068 : vector<1x1x16xf32> to vector<16xf32>
      %add3A_2070 = arith.addf %add3A_2062, %get3A_2069 : vector<16xf32>
      %get3A_2071 = arith.constant 1 : i32
      %get3A_2072 = arith.constant 113 : i32
      %get3A_2073 = arith.index_cast %get3A_2071 : i32 to index
      %get3A_2074 = arith.index_cast %get3A_2072 : i32 to index
      %get3A_2075 = arith.constant 0 : index
      %get3A_2076 = tpu.vector_load %arg6[%get3A_2073, %get3A_2074, %get3A_2075] {strides = array<i32>} : memref<4x120x16xf32, #tpu.memory_space<vmem>>, vector<1x1x16xf32>,
      %get3A_2077 = vector.shape_cast %get3A_2076 : vector<1x1x16xf32> to vector<16xf32>
      %add3A_2078 = arith.addf %add3A_2070, %get3A_2077 : vector<16xf32>
      %get3A_2079 = arith.constant 1 : i32
      %get3A_2080 = arith.constant 114 : i32
      %get3A_2081 = arith.index_cast %get3A_2079 : i32 to index
      %get3A_2082 = arith.index_cast %get3A_2080 : i32 to index
      %get3A_2083 = arith.constant 0 : index
      %get3A_2084 = tpu.vector_load %arg6[%get3A_2081, %get3A_2082, %get3A_2083] {strides = array<i32>} : memref<4x120x16xf32, #tpu.memory_space<vmem>>, vector<1x1x16xf32>,
      %get3A_2085 = vector.shape_cast %get3A_2084 : vector<1x1x16xf32> to vector<16xf32>
      %add3A_2086 = arith.addf %add3A_2078, %get3A_2085 : vector<16xf32>
      %get3A_2087 = arith.constant 1 : i32
      %get3A_2088 = arith.constant 115 : i32
      %get3A_2089 = arith.index_cast %get3A_2087 : i32 to index
      %get3A_2090 = arith.index_cast %get3A_2088 : i32 to index
      %get3A_2091 = arith.constant 0 : index
      %get3A_2092 = tpu.vector_load %arg6[%get3A_2089, %get3A_2090, %get3A_2091] {strides = array<i32>} : memref<4x120x16xf32, #tpu.memory_space<vmem>>, vector<1x1x16xf32>,
      %get3A_2093 = vector.shape_cast %get3A_2092 : vector<1x1x16xf32> to vector<16xf32>
      %add3A_2094 = arith.addf %add3A_2086, %get3A_2093 : vector<16xf32>
      %get3A_2095 = arith.constant 1 : i32
      %get3A_2096 = arith.constant 116 : i32
      %get3A_2097 = arith.index_cast %get3A_2095 : i32 to index
      %get3A_2098 = arith.index_cast %get3A_2096 : i32 to index
      %get3A_2099 = arith.constant 0 : index
      %get3A_2100 = tpu.vector_load %arg6[%get3A_2097, %get3A_2098, %get3A_2099] {strides = array<i32>} : memref<4x120x16xf32, #tpu.memory_space<vmem>>, vector<1x1x16xf32>,
      %get3A_2101 = vector.shape_cast %get3A_2100 : vector<1x1x16xf32> to vector<16xf32>
      %add3A_2102 = arith.addf %add3A_2094, %get3A_2101 : vector<16xf32>
      %get3A_2103 = arith.constant 1 : i32
      %get3A_2104 = arith.constant 117 : i32
      %get3A_2105 = arith.index_cast %get3A_2103 : i32 to index
      %get3A_2106 = arith.index_cast %get3A_2104 : i32 to index
      %get3A_2107 = arith.constant 0 : index
      %get3A_2108 = tpu.vector_load %arg6[%get3A_2105, %get3A_2106, %get3A_2107] {strides = array<i32>} : memref<4x120x16xf32, #tpu.memory_space<vmem>>, vector<1x1x16xf32>,
      %get3A_2109 = vector.shape_cast %get3A_2108 : vector<1x1x16xf32> to vector<16xf32>
      %add3A_2110 = arith.addf %add3A_2102, %get3A_2109 : vector<16xf32>
      %get3A_2111 = arith.constant 1 : i32
      %get3A_2112 = arith.constant 118 : i32
      %get3A_2113 = arith.index_cast %get3A_2111 : i32 to index
      %get3A_2114 = arith.index_cast %get3A_2112 : i32 to index
      %get3A_2115 = arith.constant 0 : index
      %get3A_2116 = tpu.vector_load %arg6[%get3A_2113, %get3A_2114, %get3A_2115] {strides = array<i32>} : memref<4x120x16xf32, #tpu.memory_space<vmem>>, vector<1x1x16xf32>,
      %get3A_2117 = vector.shape_cast %get3A_2116 : vector<1x1x16xf32> to vector<16xf32>
      %add3A_2118 = arith.addf %add3A_2110, %get3A_2117 : vector<16xf32>
      %get3A_2119 = arith.constant 1 : i32
      %get3A_2120 = arith.constant 119 : i32
      %get3A_2121 = arith.index_cast %get3A_2119 : i32 to index
      %get3A_2122 = arith.index_cast %get3A_2120 : i32 to index
      %get3A_2123 = arith.constant 0 : index
      %get3A_2124 = tpu.vector_load %arg6[%get3A_2121, %get3A_2122, %get3A_2123] {strides = array<i32>} : memref<4x120x16xf32, #tpu.memory_space<vmem>>, vector<1x1x16xf32>,
      %get3A_2125 = vector.shape_cast %get3A_2124 : vector<1x1x16xf32> to vector<16xf32>
      %add3A_2126 = arith.addf %add3A_2118, %get3A_2125 : vector<16xf32>
      %mul3A_2127 = arith.constant 5.000000e-02 : f32
      %mul3A_2128 = vector.broadcast %mul3A_2127 : f32 to vector<16xf32>
      %mul3A_2129 = arith.mulf %add3A_2126, %mul3A_2128 : vector<16xf32>
      %mul3A_2130 = arith.constant 6 : i32
      %mul3A_2131 = arith.muli %add3A_1101, %mul3A_2130 : i32
      %add3A_2132 = arith.constant 5 : i32
      %add3A_2133 = arith.addi %mul3A_2131, %add3A_2132 : i32
      %swap3A_2134 = arith.index_cast %add3A_2133 : i32 to index
      %swap3A_2135 = arith.constant 0 : index
      %swap3A_2136 = tpu.vector_load %arg7[%swap3A_2134, %swap3A_2135] {strides = array<i32>} : memref<1056x16xf32, #tpu.memory_space<vmem>>, vector<1x16xf32>,
      %swap3A_2137 = vector.shape_cast %swap3A_2136 : vector<1x16xf32> to vector<16xf32>
      %swap3A_2138 = vector.shape_cast %mul3A_2129 : vector<16xf32> to vector<1x16xf32>
      tpu.vector_store %arg7[%swap3A_2134, %swap3A_2135], %swap3A_2138 {strides = array<i32>} : memref<1056x16xf32, #tpu.memory_space<vmem>>, vector<1x16xf32>,
      %add3A_2139 = arith.constant 4 : i32
      %add3A_2140 = arith.addi %add3A_1101, %add3A_2139 : i32
      %lt3A_2141 = arith.constant 176 : i32
      %lt3A_2142 = arith.cmpi slt, %add3A_2140, %lt3A_2141 : i32
      %convert_element_type3A_2143 = arith.extui %lt3A_2142 : i1 to i32
      %cond3A_2144 = arith.constant 0 : i32
      %cond3A_2145 = arith.cmpi ne, %convert_element_type3A_2143, %cond3A_2144 : i32
      scf.if %cond3A_2145 {
        %dma_start3A_4242 = arith.constant 1 : i32
        %dma_start3A_4243 = arith.constant 0 : i32
        %dma_start3A_4244 = arith.constant 0 : i32
        %dma_start3A_4245 = tpu.memref_slice %arg6[%dma_start3A_4242, %dma_start3A_4243, %dma_start3A_4244] : memref<4x120x16xf32, #tpu.memory_space<vmem>> -> memref<1x120x16xf32, #tpu.memory_space<vmem>>
        %dma_start3A_4246 = tpu.memref_squeeze %dma_start3A_4245 : memref<1x120x16xf32, #tpu.memory_space<vmem>> -> memref<120x16xf32, #tpu.memory_space<vmem>>
        %dma_start3A_4247 = arith.constant 0 : i32
        %dma_start3A_4248 = tpu.memref_slice %arg5[%add3A_2140, %dma_start3A_4247] : memref<176x120xi32, #tpu.memory_space<vmem>> -> memref<1x120xi32, #tpu.memory_space<vmem>>
        %dma_start3A_4249 = tpu.memref_squeeze %dma_start3A_4248 : memref<1x120xi32, #tpu.memory_space<vmem>> -> memref<120xi32, #tpu.memory_space<vmem>>
        %dma_start3A_4250 = arith.constant 0 : i32
        %dma_start3A_4251 = arith.constant 0 : i32
        %dma_start3A_4252 = tpu.memref_slice %arg3[%dma_start3A_4250, %dma_start3A_4251] : memref<3784704x16xf32, #tpu.memory_space<hbm>> -> memref<3784704x16xf32, #tpu.memory_space<hbm>>
        tpu.enqueue_indirect_dma source(%dma_start3A_4252 : memref<3784704x16xf32, #tpu.memory_space<hbm>>) target(%dma_start3A_4246 : memref<120x16xf32, #tpu.memory_space<vmem>>) offsets(%dma_start3A_4249 : memref<120xi32, #tpu.memory_space<vmem>>) semaphore(%arg9 : memref<!tpu.dma_semaphore, #tpu.memory_space<semaphore_mem>>)
      } else {
      }
      %mul3A_2146 = arith.constant 4 : i32
      %mul3A_2147 = arith.muli %scan3A_55, %mul3A_2146 : i32
      %add3A_2148 = arith.constant 2 : i32
      %add3A_2149 = arith.addi %mul3A_2147, %add3A_2148 : i32
      %dma_wait3A_2150 = arith.constant 2 : i32
      %dma_wait3A_2151 = arith.constant 0 : i32
      %dma_wait3A_2152 = arith.constant 0 : i32
      %dma_wait3A_2153 = tpu.memref_slice %arg6[%dma_wait3A_2150, %dma_wait3A_2151, %dma_wait3A_2152] : memref<4x120x16xf32, #tpu.memory_space<vmem>> -> memref<1x120x16xf32, #tpu.memory_space<vmem>>
      %dma_wait3A_2154 = tpu.memref_squeeze %dma_wait3A_2153 : memref<1x120x16xf32, #tpu.memory_space<vmem>> -> memref<120x16xf32, #tpu.memory_space<vmem>>
      %dma_wait3A_2155 = arith.constant 0 : i32
      %dma_wait3A_2156 = tpu.memref_slice %arg5[%add3A_2149, %dma_wait3A_2155] : memref<176x120xi32, #tpu.memory_space<vmem>> -> memref<1x120xi32, #tpu.memory_space<vmem>>
      %dma_wait3A_2157 = tpu.memref_squeeze %dma_wait3A_2156 : memref<1x120xi32, #tpu.memory_space<vmem>> -> memref<120xi32, #tpu.memory_space<vmem>>
      %dma_wait3A_2158 = arith.constant 0 : i32
      %dma_wait3A_2159 = arith.constant 0 : i32
      %dma_wait3A_2160 = tpu.memref_slice %arg3[%dma_wait3A_2158, %dma_wait3A_2159] : memref<3784704x16xf32, #tpu.memory_space<hbm>> -> memref<3784704x16xf32, #tpu.memory_space<hbm>>
      tpu.wait_indirect_dma semaphore(%arg10 : memref<!tpu.dma_semaphore, #tpu.memory_space<semaphore_mem>>) src(%dma_wait3A_2160 : memref<3784704x16xf32, #tpu.memory_space<hbm>>) dst(%dma_wait3A_2154 : memref<120x16xf32, #tpu.memory_space<vmem>>)
      %get3A_2161 = arith.constant 2 : i32
      %get3A_2162 = arith.constant 0 : i32
      %get3A_2163 = arith.index_cast %get3A_2161 : i32 to index
      %get3A_2164 = arith.index_cast %get3A_2162 : i32 to index
      %get3A_2165 = arith.constant 0 : index
      %get3A_2166 = tpu.vector_load %arg6[%get3A_2163, %get3A_2164, %get3A_2165] {strides = array<i32>} : memref<4x120x16xf32, #tpu.memory_space<vmem>>, vector<1x1x16xf32>,
      %get3A_2167 = vector.shape_cast %get3A_2166 : vector<1x1x16xf32> to vector<16xf32>
      %get3A_2168 = arith.constant 2 : i32
      %get3A_2169 = arith.constant 1 : i32
      %get3A_2170 = arith.index_cast %get3A_2168 : i32 to index
      %get3A_2171 = arith.index_cast %get3A_2169 : i32 to index
      %get3A_2172 = arith.constant 0 : index
      %get3A_2173 = tpu.vector_load %arg6[%get3A_2170, %get3A_2171, %get3A_2172] {strides = array<i32>} : memref<4x120x16xf32, #tpu.memory_space<vmem>>, vector<1x1x16xf32>,
      %get3A_2174 = vector.shape_cast %get3A_2173 : vector<1x1x16xf32> to vector<16xf32>
      %add3A_2175 = arith.addf %get3A_2167, %get3A_2174 : vector<16xf32>
      %get3A_2176 = arith.constant 2 : i32
      %get3A_2177 = arith.constant 2 : i32
      %get3A_2178 = arith.index_cast %get3A_2176 : i32 to index
      %get3A_2179 = arith.index_cast %get3A_2177 : i32 to index
      %get3A_2180 = arith.constant 0 : index
      %get3A_2181 = tpu.vector_load %arg6[%get3A_2178, %get3A_2179, %get3A_2180] {strides = array<i32>} : memref<4x120x16xf32, #tpu.memory_space<vmem>>, vector<1x1x16xf32>,
      %get3A_2182 = vector.shape_cast %get3A_2181 : vector<1x1x16xf32> to vector<16xf32>
      %add3A_2183 = arith.addf %add3A_2175, %get3A_2182 : vector<16xf32>
      %get3A_2184 = arith.constant 2 : i32
      %get3A_2185 = arith.constant 3 : i32
      %get3A_2186 = arith.index_cast %get3A_2184 : i32 to index
      %get3A_2187 = arith.index_cast %get3A_2185 : i32 to index
      %get3A_2188 = arith.constant 0 : index
      %get3A_2189 = tpu.vector_load %arg6[%get3A_2186, %get3A_2187, %get3A_2188] {strides = array<i32>} : memref<4x120x16xf32, #tpu.memory_space<vmem>>, vector<1x1x16xf32>,
      %get3A_2190 = vector.shape_cast %get3A_2189 : vector<1x1x16xf32> to vector<16xf32>
      %add3A_2191 = arith.addf %add3A_2183, %get3A_2190 : vector<16xf32>
      %get3A_2192 = arith.constant 2 : i32
      %get3A_2193 = arith.constant 4 : i32
      %get3A_2194 = arith.index_cast %get3A_2192 : i32 to index
      %get3A_2195 = arith.index_cast %get3A_2193 : i32 to index
      %get3A_2196 = arith.constant 0 : index
      %get3A_2197 = tpu.vector_load %arg6[%get3A_2194, %get3A_2195, %get3A_2196] {strides = array<i32>} : memref<4x120x16xf32, #tpu.memory_space<vmem>>, vector<1x1x16xf32>,
      %get3A_2198 = vector.shape_cast %get3A_2197 : vector<1x1x16xf32> to vector<16xf32>
      %add3A_2199 = arith.addf %add3A_2191, %get3A_2198 : vector<16xf32>
      %get3A_2200 = arith.constant 2 : i32
      %get3A_2201 = arith.constant 5 : i32
      %get3A_2202 = arith.index_cast %get3A_2200 : i32 to index
      %get3A_2203 = arith.index_cast %get3A_2201 : i32 to index
      %get3A_2204 = arith.constant 0 : index
      %get3A_2205 = tpu.vector_load %arg6[%get3A_2202, %get3A_2203, %get3A_2204] {strides = array<i32>} : memref<4x120x16xf32, #tpu.memory_space<vmem>>, vector<1x1x16xf32>,
      %get3A_2206 = vector.shape_cast %get3A_2205 : vector<1x1x16xf32> to vector<16xf32>
      %add3A_2207 = arith.addf %add3A_2199, %get3A_2206 : vector<16xf32>
      %get3A_2208 = arith.constant 2 : i32
      %get3A_2209 = arith.constant 6 : i32
      %get3A_2210 = arith.index_cast %get3A_2208 : i32 to index
      %get3A_2211 = arith.index_cast %get3A_2209 : i32 to index
      %get3A_2212 = arith.constant 0 : index
      %get3A_2213 = tpu.vector_load %arg6[%get3A_2210, %get3A_2211, %get3A_2212] {strides = array<i32>} : memref<4x120x16xf32, #tpu.memory_space<vmem>>, vector<1x1x16xf32>,
      %get3A_2214 = vector.shape_cast %get3A_2213 : vector<1x1x16xf32> to vector<16xf32>
      %add3A_2215 = arith.addf %add3A_2207, %get3A_2214 : vector<16xf32>
      %get3A_2216 = arith.constant 2 : i32
      %get3A_2217 = arith.constant 7 : i32
      %get3A_2218 = arith.index_cast %get3A_2216 : i32 to index
      %get3A_2219 = arith.index_cast %get3A_2217 : i32 to index
      %get3A_2220 = arith.constant 0 : index
      %get3A_2221 = tpu.vector_load %arg6[%get3A_2218, %get3A_2219, %get3A_2220] {strides = array<i32>} : memref<4x120x16xf32, #tpu.memory_space<vmem>>, vector<1x1x16xf32>,
      %get3A_2222 = vector.shape_cast %get3A_2221 : vector<1x1x16xf32> to vector<16xf32>
      %add3A_2223 = arith.addf %add3A_2215, %get3A_2222 : vector<16xf32>
      %get3A_2224 = arith.constant 2 : i32
      %get3A_2225 = arith.constant 8 : i32
      %get3A_2226 = arith.index_cast %get3A_2224 : i32 to index
      %get3A_2227 = arith.index_cast %get3A_2225 : i32 to index
      %get3A_2228 = arith.constant 0 : index
      %get3A_2229 = tpu.vector_load %arg6[%get3A_2226, %get3A_2227, %get3A_2228] {strides = array<i32>} : memref<4x120x16xf32, #tpu.memory_space<vmem>>, vector<1x1x16xf32>,
      %get3A_2230 = vector.shape_cast %get3A_2229 : vector<1x1x16xf32> to vector<16xf32>
      %add3A_2231 = arith.addf %add3A_2223, %get3A_2230 : vector<16xf32>
      %get3A_2232 = arith.constant 2 : i32
      %get3A_2233 = arith.constant 9 : i32
      %get3A_2234 = arith.index_cast %get3A_2232 : i32 to index
      %get3A_2235 = arith.index_cast %get3A_2233 : i32 to index
      %get3A_2236 = arith.constant 0 : index
      %get3A_2237 = tpu.vector_load %arg6[%get3A_2234, %get3A_2235, %get3A_2236] {strides = array<i32>} : memref<4x120x16xf32, #tpu.memory_space<vmem>>, vector<1x1x16xf32>,
      %get3A_2238 = vector.shape_cast %get3A_2237 : vector<1x1x16xf32> to vector<16xf32>
      %add3A_2239 = arith.addf %add3A_2231, %get3A_2238 : vector<16xf32>
      %get3A_2240 = arith.constant 2 : i32
      %get3A_2241 = arith.constant 10 : i32
      %get3A_2242 = arith.index_cast %get3A_2240 : i32 to index
      %get3A_2243 = arith.index_cast %get3A_2241 : i32 to index
      %get3A_2244 = arith.constant 0 : index
      %get3A_2245 = tpu.vector_load %arg6[%get3A_2242, %get3A_2243, %get3A_2244] {strides = array<i32>} : memref<4x120x16xf32, #tpu.memory_space<vmem>>, vector<1x1x16xf32>,
      %get3A_2246 = vector.shape_cast %get3A_2245 : vector<1x1x16xf32> to vector<16xf32>
      %add3A_2247 = arith.addf %add3A_2239, %get3A_2246 : vector<16xf32>
      %get3A_2248 = arith.constant 2 : i32
      %get3A_2249 = arith.constant 11 : i32
      %get3A_2250 = arith.index_cast %get3A_2248 : i32 to index
      %get3A_2251 = arith.index_cast %get3A_2249 : i32 to index
      %get3A_2252 = arith.constant 0 : index
      %get3A_2253 = tpu.vector_load %arg6[%get3A_2250, %get3A_2251, %get3A_2252] {strides = array<i32>} : memref<4x120x16xf32, #tpu.memory_space<vmem>>, vector<1x1x16xf32>,
      %get3A_2254 = vector.shape_cast %get3A_2253 : vector<1x1x16xf32> to vector<16xf32>
      %add3A_2255 = arith.addf %add3A_2247, %get3A_2254 : vector<16xf32>
      %get3A_2256 = arith.constant 2 : i32
      %get3A_2257 = arith.constant 12 : i32
      %get3A_2258 = arith.index_cast %get3A_2256 : i32 to index
      %get3A_2259 = arith.index_cast %get3A_2257 : i32 to index
      %get3A_2260 = arith.constant 0 : index
      %get3A_2261 = tpu.vector_load %arg6[%get3A_2258, %get3A_2259, %get3A_2260] {strides = array<i32>} : memref<4x120x16xf32, #tpu.memory_space<vmem>>, vector<1x1x16xf32>,
      %get3A_2262 = vector.shape_cast %get3A_2261 : vector<1x1x16xf32> to vector<16xf32>
      %add3A_2263 = arith.addf %add3A_2255, %get3A_2262 : vector<16xf32>
      %get3A_2264 = arith.constant 2 : i32
      %get3A_2265 = arith.constant 13 : i32
      %get3A_2266 = arith.index_cast %get3A_2264 : i32 to index
      %get3A_2267 = arith.index_cast %get3A_2265 : i32 to index
      %get3A_2268 = arith.constant 0 : index
      %get3A_2269 = tpu.vector_load %arg6[%get3A_2266, %get3A_2267, %get3A_2268] {strides = array<i32>} : memref<4x120x16xf32, #tpu.memory_space<vmem>>, vector<1x1x16xf32>,
      %get3A_2270 = vector.shape_cast %get3A_2269 : vector<1x1x16xf32> to vector<16xf32>
      %add3A_2271 = arith.addf %add3A_2263, %get3A_2270 : vector<16xf32>
      %get3A_2272 = arith.constant 2 : i32
      %get3A_2273 = arith.constant 14 : i32
      %get3A_2274 = arith.index_cast %get3A_2272 : i32 to index
      %get3A_2275 = arith.index_cast %get3A_2273 : i32 to index
      %get3A_2276 = arith.constant 0 : index
      %get3A_2277 = tpu.vector_load %arg6[%get3A_2274, %get3A_2275, %get3A_2276] {strides = array<i32>} : memref<4x120x16xf32, #tpu.memory_space<vmem>>, vector<1x1x16xf32>,
      %get3A_2278 = vector.shape_cast %get3A_2277 : vector<1x1x16xf32> to vector<16xf32>
      %add3A_2279 = arith.addf %add3A_2271, %get3A_2278 : vector<16xf32>
      %get3A_2280 = arith.constant 2 : i32
      %get3A_2281 = arith.constant 15 : i32
      %get3A_2282 = arith.index_cast %get3A_2280 : i32 to index
      %get3A_2283 = arith.index_cast %get3A_2281 : i32 to index
      %get3A_2284 = arith.constant 0 : index
      %get3A_2285 = tpu.vector_load %arg6[%get3A_2282, %get3A_2283, %get3A_2284] {strides = array<i32>} : memref<4x120x16xf32, #tpu.memory_space<vmem>>, vector<1x1x16xf32>,
      %get3A_2286 = vector.shape_cast %get3A_2285 : vector<1x1x16xf32> to vector<16xf32>
      %add3A_2287 = arith.addf %add3A_2279, %get3A_2286 : vector<16xf32>
      %get3A_2288 = arith.constant 2 : i32
      %get3A_2289 = arith.constant 16 : i32
      %get3A_2290 = arith.index_cast %get3A_2288 : i32 to index
      %get3A_2291 = arith.index_cast %get3A_2289 : i32 to index
      %get3A_2292 = arith.constant 0 : index
      %get3A_2293 = tpu.vector_load %arg6[%get3A_2290, %get3A_2291, %get3A_2292] {strides = array<i32>} : memref<4x120x16xf32, #tpu.memory_space<vmem>>, vector<1x1x16xf32>,
      %get3A_2294 = vector.shape_cast %get3A_2293 : vector<1x1x16xf32> to vector<16xf32>
      %add3A_2295 = arith.addf %add3A_2287, %get3A_2294 : vector<16xf32>
      %get3A_2296 = arith.constant 2 : i32
      %get3A_2297 = arith.constant 17 : i32
      %get3A_2298 = arith.index_cast %get3A_2296 : i32 to index
      %get3A_2299 = arith.index_cast %get3A_2297 : i32 to index
      %get3A_2300 = arith.constant 0 : index
      %get3A_2301 = tpu.vector_load %arg6[%get3A_2298, %get3A_2299, %get3A_2300] {strides = array<i32>} : memref<4x120x16xf32, #tpu.memory_space<vmem>>, vector<1x1x16xf32>,
      %get3A_2302 = vector.shape_cast %get3A_2301 : vector<1x1x16xf32> to vector<16xf32>
      %add3A_2303 = arith.addf %add3A_2295, %get3A_2302 : vector<16xf32>
      %get3A_2304 = arith.constant 2 : i32
      %get3A_2305 = arith.constant 18 : i32
      %get3A_2306 = arith.index_cast %get3A_2304 : i32 to index
      %get3A_2307 = arith.index_cast %get3A_2305 : i32 to index
      %get3A_2308 = arith.constant 0 : index
      %get3A_2309 = tpu.vector_load %arg6[%get3A_2306, %get3A_2307, %get3A_2308] {strides = array<i32>} : memref<4x120x16xf32, #tpu.memory_space<vmem>>, vector<1x1x16xf32>,
      %get3A_2310 = vector.shape_cast %get3A_2309 : vector<1x1x16xf32> to vector<16xf32>
      %add3A_2311 = arith.addf %add3A_2303, %get3A_2310 : vector<16xf32>
      %get3A_2312 = arith.constant 2 : i32
      %get3A_2313 = arith.constant 19 : i32
      %get3A_2314 = arith.index_cast %get3A_2312 : i32 to index
      %get3A_2315 = arith.index_cast %get3A_2313 : i32 to index
      %get3A_2316 = arith.constant 0 : index
      %get3A_2317 = tpu.vector_load %arg6[%get3A_2314, %get3A_2315, %get3A_2316] {strides = array<i32>} : memref<4x120x16xf32, #tpu.memory_space<vmem>>, vector<1x1x16xf32>,
      %get3A_2318 = vector.shape_cast %get3A_2317 : vector<1x1x16xf32> to vector<16xf32>
      %add3A_2319 = arith.addf %add3A_2311, %get3A_2318 : vector<16xf32>
      %mul3A_2320 = arith.constant 5.000000e-02 : f32
      %mul3A_2321 = vector.broadcast %mul3A_2320 : f32 to vector<16xf32>
      %mul3A_2322 = arith.mulf %add3A_2319, %mul3A_2321 : vector<16xf32>
      %mul3A_2323 = arith.constant 6 : i32
      %mul3A_2324 = arith.muli %add3A_2149, %mul3A_2323 : i32
      %add3A_2325 = arith.constant 0 : i32
      %add3A_2326 = arith.addi %mul3A_2324, %add3A_2325 : i32
      %swap3A_2327 = arith.index_cast %add3A_2326 : i32 to index
      %swap3A_2328 = arith.constant 0 : index
      %swap3A_2329 = tpu.vector_load %arg7[%swap3A_2327, %swap3A_2328] {strides = array<i32>} : memref<1056x16xf32, #tpu.memory_space<vmem>>, vector<1x16xf32>,
      %swap3A_2330 = vector.shape_cast %swap3A_2329 : vector<1x16xf32> to vector<16xf32>
      %swap3A_2331 = vector.shape_cast %mul3A_2322 : vector<16xf32> to vector<1x16xf32>
      tpu.vector_store %arg7[%swap3A_2327, %swap3A_2328], %swap3A_2331 {strides = array<i32>} : memref<1056x16xf32, #tpu.memory_space<vmem>>, vector<1x16xf32>,
      %get3A_2332 = arith.constant 2 : i32
      %get3A_2333 = arith.constant 20 : i32
      %get3A_2334 = arith.index_cast %get3A_2332 : i32 to index
      %get3A_2335 = arith.index_cast %get3A_2333 : i32 to index
      %get3A_2336 = arith.constant 0 : index
      %get3A_2337 = tpu.vector_load %arg6[%get3A_2334, %get3A_2335, %get3A_2336] {strides = array<i32>} : memref<4x120x16xf32, #tpu.memory_space<vmem>>, vector<1x1x16xf32>,
      %get3A_2338 = vector.shape_cast %get3A_2337 : vector<1x1x16xf32> to vector<16xf32>
      %get3A_2339 = arith.constant 2 : i32
      %get3A_2340 = arith.constant 21 : i32
      %get3A_2341 = arith.index_cast %get3A_2339 : i32 to index
      %get3A_2342 = arith.index_cast %get3A_2340 : i32 to index
      %get3A_2343 = arith.constant 0 : index
      %get3A_2344 = tpu.vector_load %arg6[%get3A_2341, %get3A_2342, %get3A_2343] {strides = array<i32>} : memref<4x120x16xf32, #tpu.memory_space<vmem>>, vector<1x1x16xf32>,
      %get3A_2345 = vector.shape_cast %get3A_2344 : vector<1x1x16xf32> to vector<16xf32>
      %add3A_2346 = arith.addf %get3A_2338, %get3A_2345 : vector<16xf32>
      %get3A_2347 = arith.constant 2 : i32
      %get3A_2348 = arith.constant 22 : i32
      %get3A_2349 = arith.index_cast %get3A_2347 : i32 to index
      %get3A_2350 = arith.index_cast %get3A_2348 : i32 to index
      %get3A_2351 = arith.constant 0 : index
      %get3A_2352 = tpu.vector_load %arg6[%get3A_2349, %get3A_2350, %get3A_2351] {strides = array<i32>} : memref<4x120x16xf32, #tpu.memory_space<vmem>>, vector<1x1x16xf32>,
      %get3A_2353 = vector.shape_cast %get3A_2352 : vector<1x1x16xf32> to vector<16xf32>
      %add3A_2354 = arith.addf %add3A_2346, %get3A_2353 : vector<16xf32>
      %get3A_2355 = arith.constant 2 : i32
      %get3A_2356 = arith.constant 23 : i32
      %get3A_2357 = arith.index_cast %get3A_2355 : i32 to index
      %get3A_2358 = arith.index_cast %get3A_2356 : i32 to index
      %get3A_2359 = arith.constant 0 : index
      %get3A_2360 = tpu.vector_load %arg6[%get3A_2357, %get3A_2358, %get3A_2359] {strides = array<i32>} : memref<4x120x16xf32, #tpu.memory_space<vmem>>, vector<1x1x16xf32>,
      %get3A_2361 = vector.shape_cast %get3A_2360 : vector<1x1x16xf32> to vector<16xf32>
      %add3A_2362 = arith.addf %add3A_2354, %get3A_2361 : vector<16xf32>
      %get3A_2363 = arith.constant 2 : i32
      %get3A_2364 = arith.constant 24 : i32
      %get3A_2365 = arith.index_cast %get3A_2363 : i32 to index
      %get3A_2366 = arith.index_cast %get3A_2364 : i32 to index
      %get3A_2367 = arith.constant 0 : index
      %get3A_2368 = tpu.vector_load %arg6[%get3A_2365, %get3A_2366, %get3A_2367] {strides = array<i32>} : memref<4x120x16xf32, #tpu.memory_space<vmem>>, vector<1x1x16xf32>,
      %get3A_2369 = vector.shape_cast %get3A_2368 : vector<1x1x16xf32> to vector<16xf32>
      %add3A_2370 = arith.addf %add3A_2362, %get3A_2369 : vector<16xf32>
      %get3A_2371 = arith.constant 2 : i32
      %get3A_2372 = arith.constant 25 : i32
      %get3A_2373 = arith.index_cast %get3A_2371 : i32 to index
      %get3A_2374 = arith.index_cast %get3A_2372 : i32 to index
      %get3A_2375 = arith.constant 0 : index
      %get3A_2376 = tpu.vector_load %arg6[%get3A_2373, %get3A_2374, %get3A_2375] {strides = array<i32>} : memref<4x120x16xf32, #tpu.memory_space<vmem>>, vector<1x1x16xf32>,
      %get3A_2377 = vector.shape_cast %get3A_2376 : vector<1x1x16xf32> to vector<16xf32>
      %add3A_2378 = arith.addf %add3A_2370, %get3A_2377 : vector<16xf32>
      %get3A_2379 = arith.constant 2 : i32
      %get3A_2380 = arith.constant 26 : i32
      %get3A_2381 = arith.index_cast %get3A_2379 : i32 to index
      %get3A_2382 = arith.index_cast %get3A_2380 : i32 to index
      %get3A_2383 = arith.constant 0 : index
      %get3A_2384 = tpu.vector_load %arg6[%get3A_2381, %get3A_2382, %get3A_2383] {strides = array<i32>} : memref<4x120x16xf32, #tpu.memory_space<vmem>>, vector<1x1x16xf32>,
      %get3A_2385 = vector.shape_cast %get3A_2384 : vector<1x1x16xf32> to vector<16xf32>
      %add3A_2386 = arith.addf %add3A_2378, %get3A_2385 : vector<16xf32>
      %get3A_2387 = arith.constant 2 : i32
      %get3A_2388 = arith.constant 27 : i32
      %get3A_2389 = arith.index_cast %get3A_2387 : i32 to index
      %get3A_2390 = arith.index_cast %get3A_2388 : i32 to index
      %get3A_2391 = arith.constant 0 : index
      %get3A_2392 = tpu.vector_load %arg6[%get3A_2389, %get3A_2390, %get3A_2391] {strides = array<i32>} : memref<4x120x16xf32, #tpu.memory_space<vmem>>, vector<1x1x16xf32>,
      %get3A_2393 = vector.shape_cast %get3A_2392 : vector<1x1x16xf32> to vector<16xf32>
      %add3A_2394 = arith.addf %add3A_2386, %get3A_2393 : vector<16xf32>
      %get3A_2395 = arith.constant 2 : i32
      %get3A_2396 = arith.constant 28 : i32
      %get3A_2397 = arith.index_cast %get3A_2395 : i32 to index
      %get3A_2398 = arith.index_cast %get3A_2396 : i32 to index
      %get3A_2399 = arith.constant 0 : index
      %get3A_2400 = tpu.vector_load %arg6[%get3A_2397, %get3A_2398, %get3A_2399] {strides = array<i32>} : memref<4x120x16xf32, #tpu.memory_space<vmem>>, vector<1x1x16xf32>,
      %get3A_2401 = vector.shape_cast %get3A_2400 : vector<1x1x16xf32> to vector<16xf32>
      %add3A_2402 = arith.addf %add3A_2394, %get3A_2401 : vector<16xf32>
      %get3A_2403 = arith.constant 2 : i32
      %get3A_2404 = arith.constant 29 : i32
      %get3A_2405 = arith.index_cast %get3A_2403 : i32 to index
      %get3A_2406 = arith.index_cast %get3A_2404 : i32 to index
      %get3A_2407 = arith.constant 0 : index
      %get3A_2408 = tpu.vector_load %arg6[%get3A_2405, %get3A_2406, %get3A_2407] {strides = array<i32>} : memref<4x120x16xf32, #tpu.memory_space<vmem>>, vector<1x1x16xf32>,
      %get3A_2409 = vector.shape_cast %get3A_2408 : vector<1x1x16xf32> to vector<16xf32>
      %add3A_2410 = arith.addf %add3A_2402, %get3A_2409 : vector<16xf32>
      %get3A_2411 = arith.constant 2 : i32
      %get3A_2412 = arith.constant 30 : i32
      %get3A_2413 = arith.index_cast %get3A_2411 : i32 to index
      %get3A_2414 = arith.index_cast %get3A_2412 : i32 to index
      %get3A_2415 = arith.constant 0 : index
      %get3A_2416 = tpu.vector_load %arg6[%get3A_2413, %get3A_2414, %get3A_2415] {strides = array<i32>} : memref<4x120x16xf32, #tpu.memory_space<vmem>>, vector<1x1x16xf32>,
      %get3A_2417 = vector.shape_cast %get3A_2416 : vector<1x1x16xf32> to vector<16xf32>
      %add3A_2418 = arith.addf %add3A_2410, %get3A_2417 : vector<16xf32>
      %get3A_2419 = arith.constant 2 : i32
      %get3A_2420 = arith.constant 31 : i32
      %get3A_2421 = arith.index_cast %get3A_2419 : i32 to index
      %get3A_2422 = arith.index_cast %get3A_2420 : i32 to index
      %get3A_2423 = arith.constant 0 : index
      %get3A_2424 = tpu.vector_load %arg6[%get3A_2421, %get3A_2422, %get3A_2423] {strides = array<i32>} : memref<4x120x16xf32, #tpu.memory_space<vmem>>, vector<1x1x16xf32>,
      %get3A_2425 = vector.shape_cast %get3A_2424 : vector<1x1x16xf32> to vector<16xf32>
      %add3A_2426 = arith.addf %add3A_2418, %get3A_2425 : vector<16xf32>
      %get3A_2427 = arith.constant 2 : i32
      %get3A_2428 = arith.constant 32 : i32
      %get3A_2429 = arith.index_cast %get3A_2427 : i32 to index
      %get3A_2430 = arith.index_cast %get3A_2428 : i32 to index
      %get3A_2431 = arith.constant 0 : index
      %get3A_2432 = tpu.vector_load %arg6[%get3A_2429, %get3A_2430, %get3A_2431] {strides = array<i32>} : memref<4x120x16xf32, #tpu.memory_space<vmem>>, vector<1x1x16xf32>,
      %get3A_2433 = vector.shape_cast %get3A_2432 : vector<1x1x16xf32> to vector<16xf32>
      %add3A_2434 = arith.addf %add3A_2426, %get3A_2433 : vector<16xf32>
      %get3A_2435 = arith.constant 2 : i32
      %get3A_2436 = arith.constant 33 : i32
      %get3A_2437 = arith.index_cast %get3A_2435 : i32 to index
      %get3A_2438 = arith.index_cast %get3A_2436 : i32 to index
      %get3A_2439 = arith.constant 0 : index
      %get3A_2440 = tpu.vector_load %arg6[%get3A_2437, %get3A_2438, %get3A_2439] {strides = array<i32>} : memref<4x120x16xf32, #tpu.memory_space<vmem>>, vector<1x1x16xf32>,
      %get3A_2441 = vector.shape_cast %get3A_2440 : vector<1x1x16xf32> to vector<16xf32>
      %add3A_2442 = arith.addf %add3A_2434, %get3A_2441 : vector<16xf32>
      %get3A_2443 = arith.constant 2 : i32
      %get3A_2444 = arith.constant 34 : i32
      %get3A_2445 = arith.index_cast %get3A_2443 : i32 to index
      %get3A_2446 = arith.index_cast %get3A_2444 : i32 to index
      %get3A_2447 = arith.constant 0 : index
      %get3A_2448 = tpu.vector_load %arg6[%get3A_2445, %get3A_2446, %get3A_2447] {strides = array<i32>} : memref<4x120x16xf32, #tpu.memory_space<vmem>>, vector<1x1x16xf32>,
      %get3A_2449 = vector.shape_cast %get3A_2448 : vector<1x1x16xf32> to vector<16xf32>
      %add3A_2450 = arith.addf %add3A_2442, %get3A_2449 : vector<16xf32>
      %get3A_2451 = arith.constant 2 : i32
      %get3A_2452 = arith.constant 35 : i32
      %get3A_2453 = arith.index_cast %get3A_2451 : i32 to index
      %get3A_2454 = arith.index_cast %get3A_2452 : i32 to index
      %get3A_2455 = arith.constant 0 : index
      %get3A_2456 = tpu.vector_load %arg6[%get3A_2453, %get3A_2454, %get3A_2455] {strides = array<i32>} : memref<4x120x16xf32, #tpu.memory_space<vmem>>, vector<1x1x16xf32>,
      %get3A_2457 = vector.shape_cast %get3A_2456 : vector<1x1x16xf32> to vector<16xf32>
      %add3A_2458 = arith.addf %add3A_2450, %get3A_2457 : vector<16xf32>
      %get3A_2459 = arith.constant 2 : i32
      %get3A_2460 = arith.constant 36 : i32
      %get3A_2461 = arith.index_cast %get3A_2459 : i32 to index
      %get3A_2462 = arith.index_cast %get3A_2460 : i32 to index
      %get3A_2463 = arith.constant 0 : index
      %get3A_2464 = tpu.vector_load %arg6[%get3A_2461, %get3A_2462, %get3A_2463] {strides = array<i32>} : memref<4x120x16xf32, #tpu.memory_space<vmem>>, vector<1x1x16xf32>,
      %get3A_2465 = vector.shape_cast %get3A_2464 : vector<1x1x16xf32> to vector<16xf32>
      %add3A_2466 = arith.addf %add3A_2458, %get3A_2465 : vector<16xf32>
      %get3A_2467 = arith.constant 2 : i32
      %get3A_2468 = arith.constant 37 : i32
      %get3A_2469 = arith.index_cast %get3A_2467 : i32 to index
      %get3A_2470 = arith.index_cast %get3A_2468 : i32 to index
      %get3A_2471 = arith.constant 0 : index
      %get3A_2472 = tpu.vector_load %arg6[%get3A_2469, %get3A_2470, %get3A_2471] {strides = array<i32>} : memref<4x120x16xf32, #tpu.memory_space<vmem>>, vector<1x1x16xf32>,
      %get3A_2473 = vector.shape_cast %get3A_2472 : vector<1x1x16xf32> to vector<16xf32>
      %add3A_2474 = arith.addf %add3A_2466, %get3A_2473 : vector<16xf32>
      %get3A_2475 = arith.constant 2 : i32
      %get3A_2476 = arith.constant 38 : i32
      %get3A_2477 = arith.index_cast %get3A_2475 : i32 to index
      %get3A_2478 = arith.index_cast %get3A_2476 : i32 to index
      %get3A_2479 = arith.constant 0 : index
      %get3A_2480 = tpu.vector_load %arg6[%get3A_2477, %get3A_2478, %get3A_2479] {strides = array<i32>} : memref<4x120x16xf32, #tpu.memory_space<vmem>>, vector<1x1x16xf32>,
      %get3A_2481 = vector.shape_cast %get3A_2480 : vector<1x1x16xf32> to vector<16xf32>
      %add3A_2482 = arith.addf %add3A_2474, %get3A_2481 : vector<16xf32>
      %get3A_2483 = arith.constant 2 : i32
      %get3A_2484 = arith.constant 39 : i32
      %get3A_2485 = arith.index_cast %get3A_2483 : i32 to index
      %get3A_2486 = arith.index_cast %get3A_2484 : i32 to index
      %get3A_2487 = arith.constant 0 : index
      %get3A_2488 = tpu.vector_load %arg6[%get3A_2485, %get3A_2486, %get3A_2487] {strides = array<i32>} : memref<4x120x16xf32, #tpu.memory_space<vmem>>, vector<1x1x16xf32>,
      %get3A_2489 = vector.shape_cast %get3A_2488 : vector<1x1x16xf32> to vector<16xf32>
      %add3A_2490 = arith.addf %add3A_2482, %get3A_2489 : vector<16xf32>
      %mul3A_2491 = arith.constant 5.000000e-02 : f32
      %mul3A_2492 = vector.broadcast %mul3A_2491 : f32 to vector<16xf32>
      %mul3A_2493 = arith.mulf %add3A_2490, %mul3A_2492 : vector<16xf32>
      %mul3A_2494 = arith.constant 6 : i32
      %mul3A_2495 = arith.muli %add3A_2149, %mul3A_2494 : i32
      %add3A_2496 = arith.constant 1 : i32
      %add3A_2497 = arith.addi %mul3A_2495, %add3A_2496 : i32
      %swap3A_2498 = arith.index_cast %add3A_2497 : i32 to index
      %swap3A_2499 = arith.constant 0 : index
      %swap3A_2500 = tpu.vector_load %arg7[%swap3A_2498, %swap3A_2499] {strides = array<i32>} : memref<1056x16xf32, #tpu.memory_space<vmem>>, vector<1x16xf32>,
      %swap3A_2501 = vector.shape_cast %swap3A_2500 : vector<1x16xf32> to vector<16xf32>
      %swap3A_2502 = vector.shape_cast %mul3A_2493 : vector<16xf32> to vector<1x16xf32>
      tpu.vector_store %arg7[%swap3A_2498, %swap3A_2499], %swap3A_2502 {strides = array<i32>} : memref<1056x16xf32, #tpu.memory_space<vmem>>, vector<1x16xf32>,
      %get3A_2503 = arith.constant 2 : i32
      %get3A_2504 = arith.constant 40 : i32
      %get3A_2505 = arith.index_cast %get3A_2503 : i32 to index
      %get3A_2506 = arith.index_cast %get3A_2504 : i32 to index
      %get3A_2507 = arith.constant 0 : index
      %get3A_2508 = tpu.vector_load %arg6[%get3A_2505, %get3A_2506, %get3A_2507] {strides = array<i32>} : memref<4x120x16xf32, #tpu.memory_space<vmem>>, vector<1x1x16xf32>,
      %get3A_2509 = vector.shape_cast %get3A_2508 : vector<1x1x16xf32> to vector<16xf32>
      %get3A_2510 = arith.constant 2 : i32
      %get3A_2511 = arith.constant 41 : i32
      %get3A_2512 = arith.index_cast %get3A_2510 : i32 to index
      %get3A_2513 = arith.index_cast %get3A_2511 : i32 to index
      %get3A_2514 = arith.constant 0 : index
      %get3A_2515 = tpu.vector_load %arg6[%get3A_2512, %get3A_2513, %get3A_2514] {strides = array<i32>} : memref<4x120x16xf32, #tpu.memory_space<vmem>>, vector<1x1x16xf32>,
      %get3A_2516 = vector.shape_cast %get3A_2515 : vector<1x1x16xf32> to vector<16xf32>
      %add3A_2517 = arith.addf %get3A_2509, %get3A_2516 : vector<16xf32>
      %get3A_2518 = arith.constant 2 : i32
      %get3A_2519 = arith.constant 42 : i32
      %get3A_2520 = arith.index_cast %get3A_2518 : i32 to index
      %get3A_2521 = arith.index_cast %get3A_2519 : i32 to index
      %get3A_2522 = arith.constant 0 : index
      %get3A_2523 = tpu.vector_load %arg6[%get3A_2520, %get3A_2521, %get3A_2522] {strides = array<i32>} : memref<4x120x16xf32, #tpu.memory_space<vmem>>, vector<1x1x16xf32>,
      %get3A_2524 = vector.shape_cast %get3A_2523 : vector<1x1x16xf32> to vector<16xf32>
      %add3A_2525 = arith.addf %add3A_2517, %get3A_2524 : vector<16xf32>
      %get3A_2526 = arith.constant 2 : i32
      %get3A_2527 = arith.constant 43 : i32
      %get3A_2528 = arith.index_cast %get3A_2526 : i32 to index
      %get3A_2529 = arith.index_cast %get3A_2527 : i32 to index
      %get3A_2530 = arith.constant 0 : index
      %get3A_2531 = tpu.vector_load %arg6[%get3A_2528, %get3A_2529, %get3A_2530] {strides = array<i32>} : memref<4x120x16xf32, #tpu.memory_space<vmem>>, vector<1x1x16xf32>,
      %get3A_2532 = vector.shape_cast %get3A_2531 : vector<1x1x16xf32> to vector<16xf32>
      %add3A_2533 = arith.addf %add3A_2525, %get3A_2532 : vector<16xf32>
      %get3A_2534 = arith.constant 2 : i32
      %get3A_2535 = arith.constant 44 : i32
      %get3A_2536 = arith.index_cast %get3A_2534 : i32 to index
      %get3A_2537 = arith.index_cast %get3A_2535 : i32 to index
      %get3A_2538 = arith.constant 0 : index
      %get3A_2539 = tpu.vector_load %arg6[%get3A_2536, %get3A_2537, %get3A_2538] {strides = array<i32>} : memref<4x120x16xf32, #tpu.memory_space<vmem>>, vector<1x1x16xf32>,
      %get3A_2540 = vector.shape_cast %get3A_2539 : vector<1x1x16xf32> to vector<16xf32>
      %add3A_2541 = arith.addf %add3A_2533, %get3A_2540 : vector<16xf32>
      %get3A_2542 = arith.constant 2 : i32
      %get3A_2543 = arith.constant 45 : i32
      %get3A_2544 = arith.index_cast %get3A_2542 : i32 to index
      %get3A_2545 = arith.index_cast %get3A_2543 : i32 to index
      %get3A_2546 = arith.constant 0 : index
      %get3A_2547 = tpu.vector_load %arg6[%get3A_2544, %get3A_2545, %get3A_2546] {strides = array<i32>} : memref<4x120x16xf32, #tpu.memory_space<vmem>>, vector<1x1x16xf32>,
      %get3A_2548 = vector.shape_cast %get3A_2547 : vector<1x1x16xf32> to vector<16xf32>
      %add3A_2549 = arith.addf %add3A_2541, %get3A_2548 : vector<16xf32>
      %get3A_2550 = arith.constant 2 : i32
      %get3A_2551 = arith.constant 46 : i32
      %get3A_2552 = arith.index_cast %get3A_2550 : i32 to index
      %get3A_2553 = arith.index_cast %get3A_2551 : i32 to index
      %get3A_2554 = arith.constant 0 : index
      %get3A_2555 = tpu.vector_load %arg6[%get3A_2552, %get3A_2553, %get3A_2554] {strides = array<i32>} : memref<4x120x16xf32, #tpu.memory_space<vmem>>, vector<1x1x16xf32>,
      %get3A_2556 = vector.shape_cast %get3A_2555 : vector<1x1x16xf32> to vector<16xf32>
      %add3A_2557 = arith.addf %add3A_2549, %get3A_2556 : vector<16xf32>
      %get3A_2558 = arith.constant 2 : i32
      %get3A_2559 = arith.constant 47 : i32
      %get3A_2560 = arith.index_cast %get3A_2558 : i32 to index
      %get3A_2561 = arith.index_cast %get3A_2559 : i32 to index
      %get3A_2562 = arith.constant 0 : index
      %get3A_2563 = tpu.vector_load %arg6[%get3A_2560, %get3A_2561, %get3A_2562] {strides = array<i32>} : memref<4x120x16xf32, #tpu.memory_space<vmem>>, vector<1x1x16xf32>,
      %get3A_2564 = vector.shape_cast %get3A_2563 : vector<1x1x16xf32> to vector<16xf32>
      %add3A_2565 = arith.addf %add3A_2557, %get3A_2564 : vector<16xf32>
      %get3A_2566 = arith.constant 2 : i32
      %get3A_2567 = arith.constant 48 : i32
      %get3A_2568 = arith.index_cast %get3A_2566 : i32 to index
      %get3A_2569 = arith.index_cast %get3A_2567 : i32 to index
      %get3A_2570 = arith.constant 0 : index
      %get3A_2571 = tpu.vector_load %arg6[%get3A_2568, %get3A_2569, %get3A_2570] {strides = array<i32>} : memref<4x120x16xf32, #tpu.memory_space<vmem>>, vector<1x1x16xf32>,
      %get3A_2572 = vector.shape_cast %get3A_2571 : vector<1x1x16xf32> to vector<16xf32>
      %add3A_2573 = arith.addf %add3A_2565, %get3A_2572 : vector<16xf32>
      %get3A_2574 = arith.constant 2 : i32
      %get3A_2575 = arith.constant 49 : i32
      %get3A_2576 = arith.index_cast %get3A_2574 : i32 to index
      %get3A_2577 = arith.index_cast %get3A_2575 : i32 to index
      %get3A_2578 = arith.constant 0 : index
      %get3A_2579 = tpu.vector_load %arg6[%get3A_2576, %get3A_2577, %get3A_2578] {strides = array<i32>} : memref<4x120x16xf32, #tpu.memory_space<vmem>>, vector<1x1x16xf32>,
      %get3A_2580 = vector.shape_cast %get3A_2579 : vector<1x1x16xf32> to vector<16xf32>
      %add3A_2581 = arith.addf %add3A_2573, %get3A_2580 : vector<16xf32>
      %get3A_2582 = arith.constant 2 : i32
      %get3A_2583 = arith.constant 50 : i32
      %get3A_2584 = arith.index_cast %get3A_2582 : i32 to index
      %get3A_2585 = arith.index_cast %get3A_2583 : i32 to index
      %get3A_2586 = arith.constant 0 : index
      %get3A_2587 = tpu.vector_load %arg6[%get3A_2584, %get3A_2585, %get3A_2586] {strides = array<i32>} : memref<4x120x16xf32, #tpu.memory_space<vmem>>, vector<1x1x16xf32>,
      %get3A_2588 = vector.shape_cast %get3A_2587 : vector<1x1x16xf32> to vector<16xf32>
      %add3A_2589 = arith.addf %add3A_2581, %get3A_2588 : vector<16xf32>
      %get3A_2590 = arith.constant 2 : i32
      %get3A_2591 = arith.constant 51 : i32
      %get3A_2592 = arith.index_cast %get3A_2590 : i32 to index
      %get3A_2593 = arith.index_cast %get3A_2591 : i32 to index
      %get3A_2594 = arith.constant 0 : index
      %get3A_2595 = tpu.vector_load %arg6[%get3A_2592, %get3A_2593, %get3A_2594] {strides = array<i32>} : memref<4x120x16xf32, #tpu.memory_space<vmem>>, vector<1x1x16xf32>,
      %get3A_2596 = vector.shape_cast %get3A_2595 : vector<1x1x16xf32> to vector<16xf32>
      %add3A_2597 = arith.addf %add3A_2589, %get3A_2596 : vector<16xf32>
      %get3A_2598 = arith.constant 2 : i32
      %get3A_2599 = arith.constant 52 : i32
      %get3A_2600 = arith.index_cast %get3A_2598 : i32 to index
      %get3A_2601 = arith.index_cast %get3A_2599 : i32 to index
      %get3A_2602 = arith.constant 0 : index
      %get3A_2603 = tpu.vector_load %arg6[%get3A_2600, %get3A_2601, %get3A_2602] {strides = array<i32>} : memref<4x120x16xf32, #tpu.memory_space<vmem>>, vector<1x1x16xf32>,
      %get3A_2604 = vector.shape_cast %get3A_2603 : vector<1x1x16xf32> to vector<16xf32>
      %add3A_2605 = arith.addf %add3A_2597, %get3A_2604 : vector<16xf32>
      %get3A_2606 = arith.constant 2 : i32
      %get3A_2607 = arith.constant 53 : i32
      %get3A_2608 = arith.index_cast %get3A_2606 : i32 to index
      %get3A_2609 = arith.index_cast %get3A_2607 : i32 to index
      %get3A_2610 = arith.constant 0 : index
      %get3A_2611 = tpu.vector_load %arg6[%get3A_2608, %get3A_2609, %get3A_2610] {strides = array<i32>} : memref<4x120x16xf32, #tpu.memory_space<vmem>>, vector<1x1x16xf32>,
      %get3A_2612 = vector.shape_cast %get3A_2611 : vector<1x1x16xf32> to vector<16xf32>
      %add3A_2613 = arith.addf %add3A_2605, %get3A_2612 : vector<16xf32>
      %get3A_2614 = arith.constant 2 : i32
      %get3A_2615 = arith.constant 54 : i32
      %get3A_2616 = arith.index_cast %get3A_2614 : i32 to index
      %get3A_2617 = arith.index_cast %get3A_2615 : i32 to index
      %get3A_2618 = arith.constant 0 : index
      %get3A_2619 = tpu.vector_load %arg6[%get3A_2616, %get3A_2617, %get3A_2618] {strides = array<i32>} : memref<4x120x16xf32, #tpu.memory_space<vmem>>, vector<1x1x16xf32>,
      %get3A_2620 = vector.shape_cast %get3A_2619 : vector<1x1x16xf32> to vector<16xf32>
      %add3A_2621 = arith.addf %add3A_2613, %get3A_2620 : vector<16xf32>
      %get3A_2622 = arith.constant 2 : i32
      %get3A_2623 = arith.constant 55 : i32
      %get3A_2624 = arith.index_cast %get3A_2622 : i32 to index
      %get3A_2625 = arith.index_cast %get3A_2623 : i32 to index
      %get3A_2626 = arith.constant 0 : index
      %get3A_2627 = tpu.vector_load %arg6[%get3A_2624, %get3A_2625, %get3A_2626] {strides = array<i32>} : memref<4x120x16xf32, #tpu.memory_space<vmem>>, vector<1x1x16xf32>,
      %get3A_2628 = vector.shape_cast %get3A_2627 : vector<1x1x16xf32> to vector<16xf32>
      %add3A_2629 = arith.addf %add3A_2621, %get3A_2628 : vector<16xf32>
      %get3A_2630 = arith.constant 2 : i32
      %get3A_2631 = arith.constant 56 : i32
      %get3A_2632 = arith.index_cast %get3A_2630 : i32 to index
      %get3A_2633 = arith.index_cast %get3A_2631 : i32 to index
      %get3A_2634 = arith.constant 0 : index
      %get3A_2635 = tpu.vector_load %arg6[%get3A_2632, %get3A_2633, %get3A_2634] {strides = array<i32>} : memref<4x120x16xf32, #tpu.memory_space<vmem>>, vector<1x1x16xf32>,
      %get3A_2636 = vector.shape_cast %get3A_2635 : vector<1x1x16xf32> to vector<16xf32>
      %add3A_2637 = arith.addf %add3A_2629, %get3A_2636 : vector<16xf32>
      %get3A_2638 = arith.constant 2 : i32
      %get3A_2639 = arith.constant 57 : i32
      %get3A_2640 = arith.index_cast %get3A_2638 : i32 to index
      %get3A_2641 = arith.index_cast %get3A_2639 : i32 to index
      %get3A_2642 = arith.constant 0 : index
      %get3A_2643 = tpu.vector_load %arg6[%get3A_2640, %get3A_2641, %get3A_2642] {strides = array<i32>} : memref<4x120x16xf32, #tpu.memory_space<vmem>>, vector<1x1x16xf32>,
      %get3A_2644 = vector.shape_cast %get3A_2643 : vector<1x1x16xf32> to vector<16xf32>
      %add3A_2645 = arith.addf %add3A_2637, %get3A_2644 : vector<16xf32>
      %get3A_2646 = arith.constant 2 : i32
      %get3A_2647 = arith.constant 58 : i32
      %get3A_2648 = arith.index_cast %get3A_2646 : i32 to index
      %get3A_2649 = arith.index_cast %get3A_2647 : i32 to index
      %get3A_2650 = arith.constant 0 : index
      %get3A_2651 = tpu.vector_load %arg6[%get3A_2648, %get3A_2649, %get3A_2650] {strides = array<i32>} : memref<4x120x16xf32, #tpu.memory_space<vmem>>, vector<1x1x16xf32>,
      %get3A_2652 = vector.shape_cast %get3A_2651 : vector<1x1x16xf32> to vector<16xf32>
      %add3A_2653 = arith.addf %add3A_2645, %get3A_2652 : vector<16xf32>
      %get3A_2654 = arith.constant 2 : i32
      %get3A_2655 = arith.constant 59 : i32
      %get3A_2656 = arith.index_cast %get3A_2654 : i32 to index
      %get3A_2657 = arith.index_cast %get3A_2655 : i32 to index
      %get3A_2658 = arith.constant 0 : index
      %get3A_2659 = tpu.vector_load %arg6[%get3A_2656, %get3A_2657, %get3A_2658] {strides = array<i32>} : memref<4x120x16xf32, #tpu.memory_space<vmem>>, vector<1x1x16xf32>,
      %get3A_2660 = vector.shape_cast %get3A_2659 : vector<1x1x16xf32> to vector<16xf32>
      %add3A_2661 = arith.addf %add3A_2653, %get3A_2660 : vector<16xf32>
      %mul3A_2662 = arith.constant 5.000000e-02 : f32
      %mul3A_2663 = vector.broadcast %mul3A_2662 : f32 to vector<16xf32>
      %mul3A_2664 = arith.mulf %add3A_2661, %mul3A_2663 : vector<16xf32>
      %mul3A_2665 = arith.constant 6 : i32
      %mul3A_2666 = arith.muli %add3A_2149, %mul3A_2665 : i32
      %add3A_2667 = arith.constant 2 : i32
      %add3A_2668 = arith.addi %mul3A_2666, %add3A_2667 : i32
      %swap3A_2669 = arith.index_cast %add3A_2668 : i32 to index
      %swap3A_2670 = arith.constant 0 : index
      %swap3A_2671 = tpu.vector_load %arg7[%swap3A_2669, %swap3A_2670] {strides = array<i32>} : memref<1056x16xf32, #tpu.memory_space<vmem>>, vector<1x16xf32>,
      %swap3A_2672 = vector.shape_cast %swap3A_2671 : vector<1x16xf32> to vector<16xf32>
      %swap3A_2673 = vector.shape_cast %mul3A_2664 : vector<16xf32> to vector<1x16xf32>
      tpu.vector_store %arg7[%swap3A_2669, %swap3A_2670], %swap3A_2673 {strides = array<i32>} : memref<1056x16xf32, #tpu.memory_space<vmem>>, vector<1x16xf32>,
      %get3A_2674 = arith.constant 2 : i32
      %get3A_2675 = arith.constant 60 : i32
      %get3A_2676 = arith.index_cast %get3A_2674 : i32 to index
      %get3A_2677 = arith.index_cast %get3A_2675 : i32 to index
      %get3A_2678 = arith.constant 0 : index
      %get3A_2679 = tpu.vector_load %arg6[%get3A_2676, %get3A_2677, %get3A_2678] {strides = array<i32>} : memref<4x120x16xf32, #tpu.memory_space<vmem>>, vector<1x1x16xf32>,
      %get3A_2680 = vector.shape_cast %get3A_2679 : vector<1x1x16xf32> to vector<16xf32>
      %get3A_2681 = arith.constant 2 : i32
      %get3A_2682 = arith.constant 61 : i32
      %get3A_2683 = arith.index_cast %get3A_2681 : i32 to index
      %get3A_2684 = arith.index_cast %get3A_2682 : i32 to index
      %get3A_2685 = arith.constant 0 : index
      %get3A_2686 = tpu.vector_load %arg6[%get3A_2683, %get3A_2684, %get3A_2685] {strides = array<i32>} : memref<4x120x16xf32, #tpu.memory_space<vmem>>, vector<1x1x16xf32>,
      %get3A_2687 = vector.shape_cast %get3A_2686 : vector<1x1x16xf32> to vector<16xf32>
      %add3A_2688 = arith.addf %get3A_2680, %get3A_2687 : vector<16xf32>
      %get3A_2689 = arith.constant 2 : i32
      %get3A_2690 = arith.constant 62 : i32
      %get3A_2691 = arith.index_cast %get3A_2689 : i32 to index
      %get3A_2692 = arith.index_cast %get3A_2690 : i32 to index
      %get3A_2693 = arith.constant 0 : index
      %get3A_2694 = tpu.vector_load %arg6[%get3A_2691, %get3A_2692, %get3A_2693] {strides = array<i32>} : memref<4x120x16xf32, #tpu.memory_space<vmem>>, vector<1x1x16xf32>,
      %get3A_2695 = vector.shape_cast %get3A_2694 : vector<1x1x16xf32> to vector<16xf32>
      %add3A_2696 = arith.addf %add3A_2688, %get3A_2695 : vector<16xf32>
      %get3A_2697 = arith.constant 2 : i32
      %get3A_2698 = arith.constant 63 : i32
      %get3A_2699 = arith.index_cast %get3A_2697 : i32 to index
      %get3A_2700 = arith.index_cast %get3A_2698 : i32 to index
      %get3A_2701 = arith.constant 0 : index
      %get3A_2702 = tpu.vector_load %arg6[%get3A_2699, %get3A_2700, %get3A_2701] {strides = array<i32>} : memref<4x120x16xf32, #tpu.memory_space<vmem>>, vector<1x1x16xf32>,
      %get3A_2703 = vector.shape_cast %get3A_2702 : vector<1x1x16xf32> to vector<16xf32>
      %add3A_2704 = arith.addf %add3A_2696, %get3A_2703 : vector<16xf32>
      %get3A_2705 = arith.constant 2 : i32
      %get3A_2706 = arith.constant 64 : i32
      %get3A_2707 = arith.index_cast %get3A_2705 : i32 to index
      %get3A_2708 = arith.index_cast %get3A_2706 : i32 to index
      %get3A_2709 = arith.constant 0 : index
      %get3A_2710 = tpu.vector_load %arg6[%get3A_2707, %get3A_2708, %get3A_2709] {strides = array<i32>} : memref<4x120x16xf32, #tpu.memory_space<vmem>>, vector<1x1x16xf32>,
      %get3A_2711 = vector.shape_cast %get3A_2710 : vector<1x1x16xf32> to vector<16xf32>
      %add3A_2712 = arith.addf %add3A_2704, %get3A_2711 : vector<16xf32>
      %get3A_2713 = arith.constant 2 : i32
      %get3A_2714 = arith.constant 65 : i32
      %get3A_2715 = arith.index_cast %get3A_2713 : i32 to index
      %get3A_2716 = arith.index_cast %get3A_2714 : i32 to index
      %get3A_2717 = arith.constant 0 : index
      %get3A_2718 = tpu.vector_load %arg6[%get3A_2715, %get3A_2716, %get3A_2717] {strides = array<i32>} : memref<4x120x16xf32, #tpu.memory_space<vmem>>, vector<1x1x16xf32>,
      %get3A_2719 = vector.shape_cast %get3A_2718 : vector<1x1x16xf32> to vector<16xf32>
      %add3A_2720 = arith.addf %add3A_2712, %get3A_2719 : vector<16xf32>
      %get3A_2721 = arith.constant 2 : i32
      %get3A_2722 = arith.constant 66 : i32
      %get3A_2723 = arith.index_cast %get3A_2721 : i32 to index
      %get3A_2724 = arith.index_cast %get3A_2722 : i32 to index
      %get3A_2725 = arith.constant 0 : index
      %get3A_2726 = tpu.vector_load %arg6[%get3A_2723, %get3A_2724, %get3A_2725] {strides = array<i32>} : memref<4x120x16xf32, #tpu.memory_space<vmem>>, vector<1x1x16xf32>,
      %get3A_2727 = vector.shape_cast %get3A_2726 : vector<1x1x16xf32> to vector<16xf32>
      %add3A_2728 = arith.addf %add3A_2720, %get3A_2727 : vector<16xf32>
      %get3A_2729 = arith.constant 2 : i32
      %get3A_2730 = arith.constant 67 : i32
      %get3A_2731 = arith.index_cast %get3A_2729 : i32 to index
      %get3A_2732 = arith.index_cast %get3A_2730 : i32 to index
      %get3A_2733 = arith.constant 0 : index
      %get3A_2734 = tpu.vector_load %arg6[%get3A_2731, %get3A_2732, %get3A_2733] {strides = array<i32>} : memref<4x120x16xf32, #tpu.memory_space<vmem>>, vector<1x1x16xf32>,
      %get3A_2735 = vector.shape_cast %get3A_2734 : vector<1x1x16xf32> to vector<16xf32>
      %add3A_2736 = arith.addf %add3A_2728, %get3A_2735 : vector<16xf32>
      %get3A_2737 = arith.constant 2 : i32
      %get3A_2738 = arith.constant 68 : i32
      %get3A_2739 = arith.index_cast %get3A_2737 : i32 to index
      %get3A_2740 = arith.index_cast %get3A_2738 : i32 to index
      %get3A_2741 = arith.constant 0 : index
      %get3A_2742 = tpu.vector_load %arg6[%get3A_2739, %get3A_2740, %get3A_2741] {strides = array<i32>} : memref<4x120x16xf32, #tpu.memory_space<vmem>>, vector<1x1x16xf32>,
      %get3A_2743 = vector.shape_cast %get3A_2742 : vector<1x1x16xf32> to vector<16xf32>
      %add3A_2744 = arith.addf %add3A_2736, %get3A_2743 : vector<16xf32>
      %get3A_2745 = arith.constant 2 : i32
      %get3A_2746 = arith.constant 69 : i32
      %get3A_2747 = arith.index_cast %get3A_2745 : i32 to index
      %get3A_2748 = arith.index_cast %get3A_2746 : i32 to index
      %get3A_2749 = arith.constant 0 : index
      %get3A_2750 = tpu.vector_load %arg6[%get3A_2747, %get3A_2748, %get3A_2749] {strides = array<i32>} : memref<4x120x16xf32, #tpu.memory_space<vmem>>, vector<1x1x16xf32>,
      %get3A_2751 = vector.shape_cast %get3A_2750 : vector<1x1x16xf32> to vector<16xf32>
      %add3A_2752 = arith.addf %add3A_2744, %get3A_2751 : vector<16xf32>
      %get3A_2753 = arith.constant 2 : i32
      %get3A_2754 = arith.constant 70 : i32
      %get3A_2755 = arith.index_cast %get3A_2753 : i32 to index
      %get3A_2756 = arith.index_cast %get3A_2754 : i32 to index
      %get3A_2757 = arith.constant 0 : index
      %get3A_2758 = tpu.vector_load %arg6[%get3A_2755, %get3A_2756, %get3A_2757] {strides = array<i32>} : memref<4x120x16xf32, #tpu.memory_space<vmem>>, vector<1x1x16xf32>,
      %get3A_2759 = vector.shape_cast %get3A_2758 : vector<1x1x16xf32> to vector<16xf32>
      %add3A_2760 = arith.addf %add3A_2752, %get3A_2759 : vector<16xf32>
      %get3A_2761 = arith.constant 2 : i32
      %get3A_2762 = arith.constant 71 : i32
      %get3A_2763 = arith.index_cast %get3A_2761 : i32 to index
      %get3A_2764 = arith.index_cast %get3A_2762 : i32 to index
      %get3A_2765 = arith.constant 0 : index
      %get3A_2766 = tpu.vector_load %arg6[%get3A_2763, %get3A_2764, %get3A_2765] {strides = array<i32>} : memref<4x120x16xf32, #tpu.memory_space<vmem>>, vector<1x1x16xf32>,
      %get3A_2767 = vector.shape_cast %get3A_2766 : vector<1x1x16xf32> to vector<16xf32>
      %add3A_2768 = arith.addf %add3A_2760, %get3A_2767 : vector<16xf32>
      %get3A_2769 = arith.constant 2 : i32
      %get3A_2770 = arith.constant 72 : i32
      %get3A_2771 = arith.index_cast %get3A_2769 : i32 to index
      %get3A_2772 = arith.index_cast %get3A_2770 : i32 to index
      %get3A_2773 = arith.constant 0 : index
      %get3A_2774 = tpu.vector_load %arg6[%get3A_2771, %get3A_2772, %get3A_2773] {strides = array<i32>} : memref<4x120x16xf32, #tpu.memory_space<vmem>>, vector<1x1x16xf32>,
      %get3A_2775 = vector.shape_cast %get3A_2774 : vector<1x1x16xf32> to vector<16xf32>
      %add3A_2776 = arith.addf %add3A_2768, %get3A_2775 : vector<16xf32>
      %get3A_2777 = arith.constant 2 : i32
      %get3A_2778 = arith.constant 73 : i32
      %get3A_2779 = arith.index_cast %get3A_2777 : i32 to index
      %get3A_2780 = arith.index_cast %get3A_2778 : i32 to index
      %get3A_2781 = arith.constant 0 : index
      %get3A_2782 = tpu.vector_load %arg6[%get3A_2779, %get3A_2780, %get3A_2781] {strides = array<i32>} : memref<4x120x16xf32, #tpu.memory_space<vmem>>, vector<1x1x16xf32>,
      %get3A_2783 = vector.shape_cast %get3A_2782 : vector<1x1x16xf32> to vector<16xf32>
      %add3A_2784 = arith.addf %add3A_2776, %get3A_2783 : vector<16xf32>
      %get3A_2785 = arith.constant 2 : i32
      %get3A_2786 = arith.constant 74 : i32
      %get3A_2787 = arith.index_cast %get3A_2785 : i32 to index
      %get3A_2788 = arith.index_cast %get3A_2786 : i32 to index
      %get3A_2789 = arith.constant 0 : index
      %get3A_2790 = tpu.vector_load %arg6[%get3A_2787, %get3A_2788, %get3A_2789] {strides = array<i32>} : memref<4x120x16xf32, #tpu.memory_space<vmem>>, vector<1x1x16xf32>,
      %get3A_2791 = vector.shape_cast %get3A_2790 : vector<1x1x16xf32> to vector<16xf32>
      %add3A_2792 = arith.addf %add3A_2784, %get3A_2791 : vector<16xf32>
      %get3A_2793 = arith.constant 2 : i32
      %get3A_2794 = arith.constant 75 : i32
      %get3A_2795 = arith.index_cast %get3A_2793 : i32 to index
      %get3A_2796 = arith.index_cast %get3A_2794 : i32 to index
      %get3A_2797 = arith.constant 0 : index
      %get3A_2798 = tpu.vector_load %arg6[%get3A_2795, %get3A_2796, %get3A_2797] {strides = array<i32>} : memref<4x120x16xf32, #tpu.memory_space<vmem>>, vector<1x1x16xf32>,
      %get3A_2799 = vector.shape_cast %get3A_2798 : vector<1x1x16xf32> to vector<16xf32>
      %add3A_2800 = arith.addf %add3A_2792, %get3A_2799 : vector<16xf32>
      %get3A_2801 = arith.constant 2 : i32
      %get3A_2802 = arith.constant 76 : i32
      %get3A_2803 = arith.index_cast %get3A_2801 : i32 to index
      %get3A_2804 = arith.index_cast %get3A_2802 : i32 to index
      %get3A_2805 = arith.constant 0 : index
      %get3A_2806 = tpu.vector_load %arg6[%get3A_2803, %get3A_2804, %get3A_2805] {strides = array<i32>} : memref<4x120x16xf32, #tpu.memory_space<vmem>>, vector<1x1x16xf32>,
      %get3A_2807 = vector.shape_cast %get3A_2806 : vector<1x1x16xf32> to vector<16xf32>
      %add3A_2808 = arith.addf %add3A_2800, %get3A_2807 : vector<16xf32>
      %get3A_2809 = arith.constant 2 : i32
      %get3A_2810 = arith.constant 77 : i32
      %get3A_2811 = arith.index_cast %get3A_2809 : i32 to index
      %get3A_2812 = arith.index_cast %get3A_2810 : i32 to index
      %get3A_2813 = arith.constant 0 : index
      %get3A_2814 = tpu.vector_load %arg6[%get3A_2811, %get3A_2812, %get3A_2813] {strides = array<i32>} : memref<4x120x16xf32, #tpu.memory_space<vmem>>, vector<1x1x16xf32>,
      %get3A_2815 = vector.shape_cast %get3A_2814 : vector<1x1x16xf32> to vector<16xf32>
      %add3A_2816 = arith.addf %add3A_2808, %get3A_2815 : vector<16xf32>
      %get3A_2817 = arith.constant 2 : i32
      %get3A_2818 = arith.constant 78 : i32
      %get3A_2819 = arith.index_cast %get3A_2817 : i32 to index
      %get3A_2820 = arith.index_cast %get3A_2818 : i32 to index
      %get3A_2821 = arith.constant 0 : index
      %get3A_2822 = tpu.vector_load %arg6[%get3A_2819, %get3A_2820, %get3A_2821] {strides = array<i32>} : memref<4x120x16xf32, #tpu.memory_space<vmem>>, vector<1x1x16xf32>,
      %get3A_2823 = vector.shape_cast %get3A_2822 : vector<1x1x16xf32> to vector<16xf32>
      %add3A_2824 = arith.addf %add3A_2816, %get3A_2823 : vector<16xf32>
      %get3A_2825 = arith.constant 2 : i32
      %get3A_2826 = arith.constant 79 : i32
      %get3A_2827 = arith.index_cast %get3A_2825 : i32 to index
      %get3A_2828 = arith.index_cast %get3A_2826 : i32 to index
      %get3A_2829 = arith.constant 0 : index
      %get3A_2830 = tpu.vector_load %arg6[%get3A_2827, %get3A_2828, %get3A_2829] {strides = array<i32>} : memref<4x120x16xf32, #tpu.memory_space<vmem>>, vector<1x1x16xf32>,
      %get3A_2831 = vector.shape_cast %get3A_2830 : vector<1x1x16xf32> to vector<16xf32>
      %add3A_2832 = arith.addf %add3A_2824, %get3A_2831 : vector<16xf32>
      %mul3A_2833 = arith.constant 5.000000e-02 : f32
      %mul3A_2834 = vector.broadcast %mul3A_2833 : f32 to vector<16xf32>
      %mul3A_2835 = arith.mulf %add3A_2832, %mul3A_2834 : vector<16xf32>
      %mul3A_2836 = arith.constant 6 : i32
      %mul3A_2837 = arith.muli %add3A_2149, %mul3A_2836 : i32
      %add3A_2838 = arith.constant 3 : i32
      %add3A_2839 = arith.addi %mul3A_2837, %add3A_2838 : i32
      %swap3A_2840 = arith.index_cast %add3A_2839 : i32 to index
      %swap3A_2841 = arith.constant 0 : index
      %swap3A_2842 = tpu.vector_load %arg7[%swap3A_2840, %swap3A_2841] {strides = array<i32>} : memref<1056x16xf32, #tpu.memory_space<vmem>>, vector<1x16xf32>,
      %swap3A_2843 = vector.shape_cast %swap3A_2842 : vector<1x16xf32> to vector<16xf32>
      %swap3A_2844 = vector.shape_cast %mul3A_2835 : vector<16xf32> to vector<1x16xf32>
      tpu.vector_store %arg7[%swap3A_2840, %swap3A_2841], %swap3A_2844 {strides = array<i32>} : memref<1056x16xf32, #tpu.memory_space<vmem>>, vector<1x16xf32>,
      %get3A_2845 = arith.constant 2 : i32
      %get3A_2846 = arith.constant 80 : i32
      %get3A_2847 = arith.index_cast %get3A_2845 : i32 to index
      %get3A_2848 = arith.index_cast %get3A_2846 : i32 to index
      %get3A_2849 = arith.constant 0 : index
      %get3A_2850 = tpu.vector_load %arg6[%get3A_2847, %get3A_2848, %get3A_2849] {strides = array<i32>} : memref<4x120x16xf32, #tpu.memory_space<vmem>>, vector<1x1x16xf32>,
      %get3A_2851 = vector.shape_cast %get3A_2850 : vector<1x1x16xf32> to vector<16xf32>
      %get3A_2852 = arith.constant 2 : i32
      %get3A_2853 = arith.constant 81 : i32
      %get3A_2854 = arith.index_cast %get3A_2852 : i32 to index
      %get3A_2855 = arith.index_cast %get3A_2853 : i32 to index
      %get3A_2856 = arith.constant 0 : index
      %get3A_2857 = tpu.vector_load %arg6[%get3A_2854, %get3A_2855, %get3A_2856] {strides = array<i32>} : memref<4x120x16xf32, #tpu.memory_space<vmem>>, vector<1x1x16xf32>,
      %get3A_2858 = vector.shape_cast %get3A_2857 : vector<1x1x16xf32> to vector<16xf32>
      %add3A_2859 = arith.addf %get3A_2851, %get3A_2858 : vector<16xf32>
      %get3A_2860 = arith.constant 2 : i32
      %get3A_2861 = arith.constant 82 : i32
      %get3A_2862 = arith.index_cast %get3A_2860 : i32 to index
      %get3A_2863 = arith.index_cast %get3A_2861 : i32 to index
      %get3A_2864 = arith.constant 0 : index
      %get3A_2865 = tpu.vector_load %arg6[%get3A_2862, %get3A_2863, %get3A_2864] {strides = array<i32>} : memref<4x120x16xf32, #tpu.memory_space<vmem>>, vector<1x1x16xf32>,
      %get3A_2866 = vector.shape_cast %get3A_2865 : vector<1x1x16xf32> to vector<16xf32>
      %add3A_2867 = arith.addf %add3A_2859, %get3A_2866 : vector<16xf32>
      %get3A_2868 = arith.constant 2 : i32
      %get3A_2869 = arith.constant 83 : i32
      %get3A_2870 = arith.index_cast %get3A_2868 : i32 to index
      %get3A_2871 = arith.index_cast %get3A_2869 : i32 to index
      %get3A_2872 = arith.constant 0 : index
      %get3A_2873 = tpu.vector_load %arg6[%get3A_2870, %get3A_2871, %get3A_2872] {strides = array<i32>} : memref<4x120x16xf32, #tpu.memory_space<vmem>>, vector<1x1x16xf32>,
      %get3A_2874 = vector.shape_cast %get3A_2873 : vector<1x1x16xf32> to vector<16xf32>
      %add3A_2875 = arith.addf %add3A_2867, %get3A_2874 : vector<16xf32>
      %get3A_2876 = arith.constant 2 : i32
      %get3A_2877 = arith.constant 84 : i32
      %get3A_2878 = arith.index_cast %get3A_2876 : i32 to index
      %get3A_2879 = arith.index_cast %get3A_2877 : i32 to index
      %get3A_2880 = arith.constant 0 : index
      %get3A_2881 = tpu.vector_load %arg6[%get3A_2878, %get3A_2879, %get3A_2880] {strides = array<i32>} : memref<4x120x16xf32, #tpu.memory_space<vmem>>, vector<1x1x16xf32>,
      %get3A_2882 = vector.shape_cast %get3A_2881 : vector<1x1x16xf32> to vector<16xf32>
      %add3A_2883 = arith.addf %add3A_2875, %get3A_2882 : vector<16xf32>
      %get3A_2884 = arith.constant 2 : i32
      %get3A_2885 = arith.constant 85 : i32
      %get3A_2886 = arith.index_cast %get3A_2884 : i32 to index
      %get3A_2887 = arith.index_cast %get3A_2885 : i32 to index
      %get3A_2888 = arith.constant 0 : index
      %get3A_2889 = tpu.vector_load %arg6[%get3A_2886, %get3A_2887, %get3A_2888] {strides = array<i32>} : memref<4x120x16xf32, #tpu.memory_space<vmem>>, vector<1x1x16xf32>,
      %get3A_2890 = vector.shape_cast %get3A_2889 : vector<1x1x16xf32> to vector<16xf32>
      %add3A_2891 = arith.addf %add3A_2883, %get3A_2890 : vector<16xf32>
      %get3A_2892 = arith.constant 2 : i32
      %get3A_2893 = arith.constant 86 : i32
      %get3A_2894 = arith.index_cast %get3A_2892 : i32 to index
      %get3A_2895 = arith.index_cast %get3A_2893 : i32 to index
      %get3A_2896 = arith.constant 0 : index
      %get3A_2897 = tpu.vector_load %arg6[%get3A_2894, %get3A_2895, %get3A_2896] {strides = array<i32>} : memref<4x120x16xf32, #tpu.memory_space<vmem>>, vector<1x1x16xf32>,
      %get3A_2898 = vector.shape_cast %get3A_2897 : vector<1x1x16xf32> to vector<16xf32>
      %add3A_2899 = arith.addf %add3A_2891, %get3A_2898 : vector<16xf32>
      %get3A_2900 = arith.constant 2 : i32
      %get3A_2901 = arith.constant 87 : i32
      %get3A_2902 = arith.index_cast %get3A_2900 : i32 to index
      %get3A_2903 = arith.index_cast %get3A_2901 : i32 to index
      %get3A_2904 = arith.constant 0 : index
      %get3A_2905 = tpu.vector_load %arg6[%get3A_2902, %get3A_2903, %get3A_2904] {strides = array<i32>} : memref<4x120x16xf32, #tpu.memory_space<vmem>>, vector<1x1x16xf32>,
      %get3A_2906 = vector.shape_cast %get3A_2905 : vector<1x1x16xf32> to vector<16xf32>
      %add3A_2907 = arith.addf %add3A_2899, %get3A_2906 : vector<16xf32>
      %get3A_2908 = arith.constant 2 : i32
      %get3A_2909 = arith.constant 88 : i32
      %get3A_2910 = arith.index_cast %get3A_2908 : i32 to index
      %get3A_2911 = arith.index_cast %get3A_2909 : i32 to index
      %get3A_2912 = arith.constant 0 : index
      %get3A_2913 = tpu.vector_load %arg6[%get3A_2910, %get3A_2911, %get3A_2912] {strides = array<i32>} : memref<4x120x16xf32, #tpu.memory_space<vmem>>, vector<1x1x16xf32>,
      %get3A_2914 = vector.shape_cast %get3A_2913 : vector<1x1x16xf32> to vector<16xf32>
      %add3A_2915 = arith.addf %add3A_2907, %get3A_2914 : vector<16xf32>
      %get3A_2916 = arith.constant 2 : i32
      %get3A_2917 = arith.constant 89 : i32
      %get3A_2918 = arith.index_cast %get3A_2916 : i32 to index
      %get3A_2919 = arith.index_cast %get3A_2917 : i32 to index
      %get3A_2920 = arith.constant 0 : index
      %get3A_2921 = tpu.vector_load %arg6[%get3A_2918, %get3A_2919, %get3A_2920] {strides = array<i32>} : memref<4x120x16xf32, #tpu.memory_space<vmem>>, vector<1x1x16xf32>,
      %get3A_2922 = vector.shape_cast %get3A_2921 : vector<1x1x16xf32> to vector<16xf32>
      %add3A_2923 = arith.addf %add3A_2915, %get3A_2922 : vector<16xf32>
      %get3A_2924 = arith.constant 2 : i32
      %get3A_2925 = arith.constant 90 : i32
      %get3A_2926 = arith.index_cast %get3A_2924 : i32 to index
      %get3A_2927 = arith.index_cast %get3A_2925 : i32 to index
      %get3A_2928 = arith.constant 0 : index
      %get3A_2929 = tpu.vector_load %arg6[%get3A_2926, %get3A_2927, %get3A_2928] {strides = array<i32>} : memref<4x120x16xf32, #tpu.memory_space<vmem>>, vector<1x1x16xf32>,
      %get3A_2930 = vector.shape_cast %get3A_2929 : vector<1x1x16xf32> to vector<16xf32>
      %add3A_2931 = arith.addf %add3A_2923, %get3A_2930 : vector<16xf32>
      %get3A_2932 = arith.constant 2 : i32
      %get3A_2933 = arith.constant 91 : i32
      %get3A_2934 = arith.index_cast %get3A_2932 : i32 to index
      %get3A_2935 = arith.index_cast %get3A_2933 : i32 to index
      %get3A_2936 = arith.constant 0 : index
      %get3A_2937 = tpu.vector_load %arg6[%get3A_2934, %get3A_2935, %get3A_2936] {strides = array<i32>} : memref<4x120x16xf32, #tpu.memory_space<vmem>>, vector<1x1x16xf32>,
      %get3A_2938 = vector.shape_cast %get3A_2937 : vector<1x1x16xf32> to vector<16xf32>
      %add3A_2939 = arith.addf %add3A_2931, %get3A_2938 : vector<16xf32>
      %get3A_2940 = arith.constant 2 : i32
      %get3A_2941 = arith.constant 92 : i32
      %get3A_2942 = arith.index_cast %get3A_2940 : i32 to index
      %get3A_2943 = arith.index_cast %get3A_2941 : i32 to index
      %get3A_2944 = arith.constant 0 : index
      %get3A_2945 = tpu.vector_load %arg6[%get3A_2942, %get3A_2943, %get3A_2944] {strides = array<i32>} : memref<4x120x16xf32, #tpu.memory_space<vmem>>, vector<1x1x16xf32>,
      %get3A_2946 = vector.shape_cast %get3A_2945 : vector<1x1x16xf32> to vector<16xf32>
      %add3A_2947 = arith.addf %add3A_2939, %get3A_2946 : vector<16xf32>
      %get3A_2948 = arith.constant 2 : i32
      %get3A_2949 = arith.constant 93 : i32
      %get3A_2950 = arith.index_cast %get3A_2948 : i32 to index
      %get3A_2951 = arith.index_cast %get3A_2949 : i32 to index
      %get3A_2952 = arith.constant 0 : index
      %get3A_2953 = tpu.vector_load %arg6[%get3A_2950, %get3A_2951, %get3A_2952] {strides = array<i32>} : memref<4x120x16xf32, #tpu.memory_space<vmem>>, vector<1x1x16xf32>,
      %get3A_2954 = vector.shape_cast %get3A_2953 : vector<1x1x16xf32> to vector<16xf32>
      %add3A_2955 = arith.addf %add3A_2947, %get3A_2954 : vector<16xf32>
      %get3A_2956 = arith.constant 2 : i32
      %get3A_2957 = arith.constant 94 : i32
      %get3A_2958 = arith.index_cast %get3A_2956 : i32 to index
      %get3A_2959 = arith.index_cast %get3A_2957 : i32 to index
      %get3A_2960 = arith.constant 0 : index
      %get3A_2961 = tpu.vector_load %arg6[%get3A_2958, %get3A_2959, %get3A_2960] {strides = array<i32>} : memref<4x120x16xf32, #tpu.memory_space<vmem>>, vector<1x1x16xf32>,
      %get3A_2962 = vector.shape_cast %get3A_2961 : vector<1x1x16xf32> to vector<16xf32>
      %add3A_2963 = arith.addf %add3A_2955, %get3A_2962 : vector<16xf32>
      %get3A_2964 = arith.constant 2 : i32
      %get3A_2965 = arith.constant 95 : i32
      %get3A_2966 = arith.index_cast %get3A_2964 : i32 to index
      %get3A_2967 = arith.index_cast %get3A_2965 : i32 to index
      %get3A_2968 = arith.constant 0 : index
      %get3A_2969 = tpu.vector_load %arg6[%get3A_2966, %get3A_2967, %get3A_2968] {strides = array<i32>} : memref<4x120x16xf32, #tpu.memory_space<vmem>>, vector<1x1x16xf32>,
      %get3A_2970 = vector.shape_cast %get3A_2969 : vector<1x1x16xf32> to vector<16xf32>
      %add3A_2971 = arith.addf %add3A_2963, %get3A_2970 : vector<16xf32>
      %get3A_2972 = arith.constant 2 : i32
      %get3A_2973 = arith.constant 96 : i32
      %get3A_2974 = arith.index_cast %get3A_2972 : i32 to index
      %get3A_2975 = arith.index_cast %get3A_2973 : i32 to index
      %get3A_2976 = arith.constant 0 : index
      %get3A_2977 = tpu.vector_load %arg6[%get3A_2974, %get3A_2975, %get3A_2976] {strides = array<i32>} : memref<4x120x16xf32, #tpu.memory_space<vmem>>, vector<1x1x16xf32>,
      %get3A_2978 = vector.shape_cast %get3A_2977 : vector<1x1x16xf32> to vector<16xf32>
      %add3A_2979 = arith.addf %add3A_2971, %get3A_2978 : vector<16xf32>
      %get3A_2980 = arith.constant 2 : i32
      %get3A_2981 = arith.constant 97 : i32
      %get3A_2982 = arith.index_cast %get3A_2980 : i32 to index
      %get3A_2983 = arith.index_cast %get3A_2981 : i32 to index
      %get3A_2984 = arith.constant 0 : index
      %get3A_2985 = tpu.vector_load %arg6[%get3A_2982, %get3A_2983, %get3A_2984] {strides = array<i32>} : memref<4x120x16xf32, #tpu.memory_space<vmem>>, vector<1x1x16xf32>,
      %get3A_2986 = vector.shape_cast %get3A_2985 : vector<1x1x16xf32> to vector<16xf32>
      %add3A_2987 = arith.addf %add3A_2979, %get3A_2986 : vector<16xf32>
      %get3A_2988 = arith.constant 2 : i32
      %get3A_2989 = arith.constant 98 : i32
      %get3A_2990 = arith.index_cast %get3A_2988 : i32 to index
      %get3A_2991 = arith.index_cast %get3A_2989 : i32 to index
      %get3A_2992 = arith.constant 0 : index
      %get3A_2993 = tpu.vector_load %arg6[%get3A_2990, %get3A_2991, %get3A_2992] {strides = array<i32>} : memref<4x120x16xf32, #tpu.memory_space<vmem>>, vector<1x1x16xf32>,
      %get3A_2994 = vector.shape_cast %get3A_2993 : vector<1x1x16xf32> to vector<16xf32>
      %add3A_2995 = arith.addf %add3A_2987, %get3A_2994 : vector<16xf32>
      %get3A_2996 = arith.constant 2 : i32
      %get3A_2997 = arith.constant 99 : i32
      %get3A_2998 = arith.index_cast %get3A_2996 : i32 to index
      %get3A_2999 = arith.index_cast %get3A_2997 : i32 to index
      %get3A_3000 = arith.constant 0 : index
      %get3A_3001 = tpu.vector_load %arg6[%get3A_2998, %get3A_2999, %get3A_3000] {strides = array<i32>} : memref<4x120x16xf32, #tpu.memory_space<vmem>>, vector<1x1x16xf32>,
      %get3A_3002 = vector.shape_cast %get3A_3001 : vector<1x1x16xf32> to vector<16xf32>
      %add3A_3003 = arith.addf %add3A_2995, %get3A_3002 : vector<16xf32>
      %mul3A_3004 = arith.constant 5.000000e-02 : f32
      %mul3A_3005 = vector.broadcast %mul3A_3004 : f32 to vector<16xf32>
      %mul3A_3006 = arith.mulf %add3A_3003, %mul3A_3005 : vector<16xf32>
      %mul3A_3007 = arith.constant 6 : i32
      %mul3A_3008 = arith.muli %add3A_2149, %mul3A_3007 : i32
      %add3A_3009 = arith.constant 4 : i32
      %add3A_3010 = arith.addi %mul3A_3008, %add3A_3009 : i32
      %swap3A_3011 = arith.index_cast %add3A_3010 : i32 to index
      %swap3A_3012 = arith.constant 0 : index
      %swap3A_3013 = tpu.vector_load %arg7[%swap3A_3011, %swap3A_3012] {strides = array<i32>} : memref<1056x16xf32, #tpu.memory_space<vmem>>, vector<1x16xf32>,
      %swap3A_3014 = vector.shape_cast %swap3A_3013 : vector<1x16xf32> to vector<16xf32>
      %swap3A_3015 = vector.shape_cast %mul3A_3006 : vector<16xf32> to vector<1x16xf32>
      tpu.vector_store %arg7[%swap3A_3011, %swap3A_3012], %swap3A_3015 {strides = array<i32>} : memref<1056x16xf32, #tpu.memory_space<vmem>>, vector<1x16xf32>,
      %get3A_3016 = arith.constant 2 : i32
      %get3A_3017 = arith.constant 100 : i32
      %get3A_3018 = arith.index_cast %get3A_3016 : i32 to index
      %get3A_3019 = arith.index_cast %get3A_3017 : i32 to index
      %get3A_3020 = arith.constant 0 : index
      %get3A_3021 = tpu.vector_load %arg6[%get3A_3018, %get3A_3019, %get3A_3020] {strides = array<i32>} : memref<4x120x16xf32, #tpu.memory_space<vmem>>, vector<1x1x16xf32>,
      %get3A_3022 = vector.shape_cast %get3A_3021 : vector<1x1x16xf32> to vector<16xf32>
      %get3A_3023 = arith.constant 2 : i32
      %get3A_3024 = arith.constant 101 : i32
      %get3A_3025 = arith.index_cast %get3A_3023 : i32 to index
      %get3A_3026 = arith.index_cast %get3A_3024 : i32 to index
      %get3A_3027 = arith.constant 0 : index
      %get3A_3028 = tpu.vector_load %arg6[%get3A_3025, %get3A_3026, %get3A_3027] {strides = array<i32>} : memref<4x120x16xf32, #tpu.memory_space<vmem>>, vector<1x1x16xf32>,
      %get3A_3029 = vector.shape_cast %get3A_3028 : vector<1x1x16xf32> to vector<16xf32>
      %add3A_3030 = arith.addf %get3A_3022, %get3A_3029 : vector<16xf32>
      %get3A_3031 = arith.constant 2 : i32
      %get3A_3032 = arith.constant 102 : i32
      %get3A_3033 = arith.index_cast %get3A_3031 : i32 to index
      %get3A_3034 = arith.index_cast %get3A_3032 : i32 to index
      %get3A_3035 = arith.constant 0 : index
      %get3A_3036 = tpu.vector_load %arg6[%get3A_3033, %get3A_3034, %get3A_3035] {strides = array<i32>} : memref<4x120x16xf32, #tpu.memory_space<vmem>>, vector<1x1x16xf32>,
      %get3A_3037 = vector.shape_cast %get3A_3036 : vector<1x1x16xf32> to vector<16xf32>
      %add3A_3038 = arith.addf %add3A_3030, %get3A_3037 : vector<16xf32>
      %get3A_3039 = arith.constant 2 : i32
      %get3A_3040 = arith.constant 103 : i32
      %get3A_3041 = arith.index_cast %get3A_3039 : i32 to index
      %get3A_3042 = arith.index_cast %get3A_3040 : i32 to index
      %get3A_3043 = arith.constant 0 : index
      %get3A_3044 = tpu.vector_load %arg6[%get3A_3041, %get3A_3042, %get3A_3043] {strides = array<i32>} : memref<4x120x16xf32, #tpu.memory_space<vmem>>, vector<1x1x16xf32>,
      %get3A_3045 = vector.shape_cast %get3A_3044 : vector<1x1x16xf32> to vector<16xf32>
      %add3A_3046 = arith.addf %add3A_3038, %get3A_3045 : vector<16xf32>
      %get3A_3047 = arith.constant 2 : i32
      %get3A_3048 = arith.constant 104 : i32
      %get3A_3049 = arith.index_cast %get3A_3047 : i32 to index
      %get3A_3050 = arith.index_cast %get3A_3048 : i32 to index
      %get3A_3051 = arith.constant 0 : index
      %get3A_3052 = tpu.vector_load %arg6[%get3A_3049, %get3A_3050, %get3A_3051] {strides = array<i32>} : memref<4x120x16xf32, #tpu.memory_space<vmem>>, vector<1x1x16xf32>,
      %get3A_3053 = vector.shape_cast %get3A_3052 : vector<1x1x16xf32> to vector<16xf32>
      %add3A_3054 = arith.addf %add3A_3046, %get3A_3053 : vector<16xf32>
      %get3A_3055 = arith.constant 2 : i32
      %get3A_3056 = arith.constant 105 : i32
      %get3A_3057 = arith.index_cast %get3A_3055 : i32 to index
      %get3A_3058 = arith.index_cast %get3A_3056 : i32 to index
      %get3A_3059 = arith.constant 0 : index
      %get3A_3060 = tpu.vector_load %arg6[%get3A_3057, %get3A_3058, %get3A_3059] {strides = array<i32>} : memref<4x120x16xf32, #tpu.memory_space<vmem>>, vector<1x1x16xf32>,
      %get3A_3061 = vector.shape_cast %get3A_3060 : vector<1x1x16xf32> to vector<16xf32>
      %add3A_3062 = arith.addf %add3A_3054, %get3A_3061 : vector<16xf32>
      %get3A_3063 = arith.constant 2 : i32
      %get3A_3064 = arith.constant 106 : i32
      %get3A_3065 = arith.index_cast %get3A_3063 : i32 to index
      %get3A_3066 = arith.index_cast %get3A_3064 : i32 to index
      %get3A_3067 = arith.constant 0 : index
      %get3A_3068 = tpu.vector_load %arg6[%get3A_3065, %get3A_3066, %get3A_3067] {strides = array<i32>} : memref<4x120x16xf32, #tpu.memory_space<vmem>>, vector<1x1x16xf32>,
      %get3A_3069 = vector.shape_cast %get3A_3068 : vector<1x1x16xf32> to vector<16xf32>
      %add3A_3070 = arith.addf %add3A_3062, %get3A_3069 : vector<16xf32>
      %get3A_3071 = arith.constant 2 : i32
      %get3A_3072 = arith.constant 107 : i32
      %get3A_3073 = arith.index_cast %get3A_3071 : i32 to index
      %get3A_3074 = arith.index_cast %get3A_3072 : i32 to index
      %get3A_3075 = arith.constant 0 : index
      %get3A_3076 = tpu.vector_load %arg6[%get3A_3073, %get3A_3074, %get3A_3075] {strides = array<i32>} : memref<4x120x16xf32, #tpu.memory_space<vmem>>, vector<1x1x16xf32>,
      %get3A_3077 = vector.shape_cast %get3A_3076 : vector<1x1x16xf32> to vector<16xf32>
      %add3A_3078 = arith.addf %add3A_3070, %get3A_3077 : vector<16xf32>
      %get3A_3079 = arith.constant 2 : i32
      %get3A_3080 = arith.constant 108 : i32
      %get3A_3081 = arith.index_cast %get3A_3079 : i32 to index
      %get3A_3082 = arith.index_cast %get3A_3080 : i32 to index
      %get3A_3083 = arith.constant 0 : index
      %get3A_3084 = tpu.vector_load %arg6[%get3A_3081, %get3A_3082, %get3A_3083] {strides = array<i32>} : memref<4x120x16xf32, #tpu.memory_space<vmem>>, vector<1x1x16xf32>,
      %get3A_3085 = vector.shape_cast %get3A_3084 : vector<1x1x16xf32> to vector<16xf32>
      %add3A_3086 = arith.addf %add3A_3078, %get3A_3085 : vector<16xf32>
      %get3A_3087 = arith.constant 2 : i32
      %get3A_3088 = arith.constant 109 : i32
      %get3A_3089 = arith.index_cast %get3A_3087 : i32 to index
      %get3A_3090 = arith.index_cast %get3A_3088 : i32 to index
      %get3A_3091 = arith.constant 0 : index
      %get3A_3092 = tpu.vector_load %arg6[%get3A_3089, %get3A_3090, %get3A_3091] {strides = array<i32>} : memref<4x120x16xf32, #tpu.memory_space<vmem>>, vector<1x1x16xf32>,
      %get3A_3093 = vector.shape_cast %get3A_3092 : vector<1x1x16xf32> to vector<16xf32>
      %add3A_3094 = arith.addf %add3A_3086, %get3A_3093 : vector<16xf32>
      %get3A_3095 = arith.constant 2 : i32
      %get3A_3096 = arith.constant 110 : i32
      %get3A_3097 = arith.index_cast %get3A_3095 : i32 to index
      %get3A_3098 = arith.index_cast %get3A_3096 : i32 to index
      %get3A_3099 = arith.constant 0 : index
      %get3A_3100 = tpu.vector_load %arg6[%get3A_3097, %get3A_3098, %get3A_3099] {strides = array<i32>} : memref<4x120x16xf32, #tpu.memory_space<vmem>>, vector<1x1x16xf32>,
      %get3A_3101 = vector.shape_cast %get3A_3100 : vector<1x1x16xf32> to vector<16xf32>
      %add3A_3102 = arith.addf %add3A_3094, %get3A_3101 : vector<16xf32>
      %get3A_3103 = arith.constant 2 : i32
      %get3A_3104 = arith.constant 111 : i32
      %get3A_3105 = arith.index_cast %get3A_3103 : i32 to index
      %get3A_3106 = arith.index_cast %get3A_3104 : i32 to index
      %get3A_3107 = arith.constant 0 : index
      %get3A_3108 = tpu.vector_load %arg6[%get3A_3105, %get3A_3106, %get3A_3107] {strides = array<i32>} : memref<4x120x16xf32, #tpu.memory_space<vmem>>, vector<1x1x16xf32>,
      %get3A_3109 = vector.shape_cast %get3A_3108 : vector<1x1x16xf32> to vector<16xf32>
      %add3A_3110 = arith.addf %add3A_3102, %get3A_3109 : vector<16xf32>
      %get3A_3111 = arith.constant 2 : i32
      %get3A_3112 = arith.constant 112 : i32
      %get3A_3113 = arith.index_cast %get3A_3111 : i32 to index
      %get3A_3114 = arith.index_cast %get3A_3112 : i32 to index
      %get3A_3115 = arith.constant 0 : index
      %get3A_3116 = tpu.vector_load %arg6[%get3A_3113, %get3A_3114, %get3A_3115] {strides = array<i32>} : memref<4x120x16xf32, #tpu.memory_space<vmem>>, vector<1x1x16xf32>,
      %get3A_3117 = vector.shape_cast %get3A_3116 : vector<1x1x16xf32> to vector<16xf32>
      %add3A_3118 = arith.addf %add3A_3110, %get3A_3117 : vector<16xf32>
      %get3A_3119 = arith.constant 2 : i32
      %get3A_3120 = arith.constant 113 : i32
      %get3A_3121 = arith.index_cast %get3A_3119 : i32 to index
      %get3A_3122 = arith.index_cast %get3A_3120 : i32 to index
      %get3A_3123 = arith.constant 0 : index
      %get3A_3124 = tpu.vector_load %arg6[%get3A_3121, %get3A_3122, %get3A_3123] {strides = array<i32>} : memref<4x120x16xf32, #tpu.memory_space<vmem>>, vector<1x1x16xf32>,
      %get3A_3125 = vector.shape_cast %get3A_3124 : vector<1x1x16xf32> to vector<16xf32>
      %add3A_3126 = arith.addf %add3A_3118, %get3A_3125 : vector<16xf32>
      %get3A_3127 = arith.constant 2 : i32
      %get3A_3128 = arith.constant 114 : i32
      %get3A_3129 = arith.index_cast %get3A_3127 : i32 to index
      %get3A_3130 = arith.index_cast %get3A_3128 : i32 to index
      %get3A_3131 = arith.constant 0 : index
      %get3A_3132 = tpu.vector_load %arg6[%get3A_3129, %get3A_3130, %get3A_3131] {strides = array<i32>} : memref<4x120x16xf32, #tpu.memory_space<vmem>>, vector<1x1x16xf32>,
      %get3A_3133 = vector.shape_cast %get3A_3132 : vector<1x1x16xf32> to vector<16xf32>
      %add3A_3134 = arith.addf %add3A_3126, %get3A_3133 : vector<16xf32>
      %get3A_3135 = arith.constant 2 : i32
      %get3A_3136 = arith.constant 115 : i32
      %get3A_3137 = arith.index_cast %get3A_3135 : i32 to index
      %get3A_3138 = arith.index_cast %get3A_3136 : i32 to index
      %get3A_3139 = arith.constant 0 : index
      %get3A_3140 = tpu.vector_load %arg6[%get3A_3137, %get3A_3138, %get3A_3139] {strides = array<i32>} : memref<4x120x16xf32, #tpu.memory_space<vmem>>, vector<1x1x16xf32>,
      %get3A_3141 = vector.shape_cast %get3A_3140 : vector<1x1x16xf32> to vector<16xf32>
      %add3A_3142 = arith.addf %add3A_3134, %get3A_3141 : vector<16xf32>
      %get3A_3143 = arith.constant 2 : i32
      %get3A_3144 = arith.constant 116 : i32
      %get3A_3145 = arith.index_cast %get3A_3143 : i32 to index
      %get3A_3146 = arith.index_cast %get3A_3144 : i32 to index
      %get3A_3147 = arith.constant 0 : index
      %get3A_3148 = tpu.vector_load %arg6[%get3A_3145, %get3A_3146, %get3A_3147] {strides = array<i32>} : memref<4x120x16xf32, #tpu.memory_space<vmem>>, vector<1x1x16xf32>,
      %get3A_3149 = vector.shape_cast %get3A_3148 : vector<1x1x16xf32> to vector<16xf32>
      %add3A_3150 = arith.addf %add3A_3142, %get3A_3149 : vector<16xf32>
      %get3A_3151 = arith.constant 2 : i32
      %get3A_3152 = arith.constant 117 : i32
      %get3A_3153 = arith.index_cast %get3A_3151 : i32 to index
      %get3A_3154 = arith.index_cast %get3A_3152 : i32 to index
      %get3A_3155 = arith.constant 0 : index
      %get3A_3156 = tpu.vector_load %arg6[%get3A_3153, %get3A_3154, %get3A_3155] {strides = array<i32>} : memref<4x120x16xf32, #tpu.memory_space<vmem>>, vector<1x1x16xf32>,
      %get3A_3157 = vector.shape_cast %get3A_3156 : vector<1x1x16xf32> to vector<16xf32>
      %add3A_3158 = arith.addf %add3A_3150, %get3A_3157 : vector<16xf32>
      %get3A_3159 = arith.constant 2 : i32
      %get3A_3160 = arith.constant 118 : i32
      %get3A_3161 = arith.index_cast %get3A_3159 : i32 to index
      %get3A_3162 = arith.index_cast %get3A_3160 : i32 to index
      %get3A_3163 = arith.constant 0 : index
      %get3A_3164 = tpu.vector_load %arg6[%get3A_3161, %get3A_3162, %get3A_3163] {strides = array<i32>} : memref<4x120x16xf32, #tpu.memory_space<vmem>>, vector<1x1x16xf32>,
      %get3A_3165 = vector.shape_cast %get3A_3164 : vector<1x1x16xf32> to vector<16xf32>
      %add3A_3166 = arith.addf %add3A_3158, %get3A_3165 : vector<16xf32>
      %get3A_3167 = arith.constant 2 : i32
      %get3A_3168 = arith.constant 119 : i32
      %get3A_3169 = arith.index_cast %get3A_3167 : i32 to index
      %get3A_3170 = arith.index_cast %get3A_3168 : i32 to index
      %get3A_3171 = arith.constant 0 : index
      %get3A_3172 = tpu.vector_load %arg6[%get3A_3169, %get3A_3170, %get3A_3171] {strides = array<i32>} : memref<4x120x16xf32, #tpu.memory_space<vmem>>, vector<1x1x16xf32>,
      %get3A_3173 = vector.shape_cast %get3A_3172 : vector<1x1x16xf32> to vector<16xf32>
      %add3A_3174 = arith.addf %add3A_3166, %get3A_3173 : vector<16xf32>
      %mul3A_3175 = arith.constant 5.000000e-02 : f32
      %mul3A_3176 = vector.broadcast %mul3A_3175 : f32 to vector<16xf32>
      %mul3A_3177 = arith.mulf %add3A_3174, %mul3A_3176 : vector<16xf32>
      %mul3A_3178 = arith.constant 6 : i32
      %mul3A_3179 = arith.muli %add3A_2149, %mul3A_3178 : i32
      %add3A_3180 = arith.constant 5 : i32
      %add3A_3181 = arith.addi %mul3A_3179, %add3A_3180 : i32
      %swap3A_3182 = arith.index_cast %add3A_3181 : i32 to index
      %swap3A_3183 = arith.constant 0 : index
      %swap3A_3184 = tpu.vector_load %arg7[%swap3A_3182, %swap3A_3183] {strides = array<i32>} : memref<1056x16xf32, #tpu.memory_space<vmem>>, vector<1x16xf32>,
      %swap3A_3185 = vector.shape_cast %swap3A_3184 : vector<1x16xf32> to vector<16xf32>
      %swap3A_3186 = vector.shape_cast %mul3A_3177 : vector<16xf32> to vector<1x16xf32>
      tpu.vector_store %arg7[%swap3A_3182, %swap3A_3183], %swap3A_3186 {strides = array<i32>} : memref<1056x16xf32, #tpu.memory_space<vmem>>, vector<1x16xf32>,
      %add3A_3187 = arith.constant 4 : i32
      %add3A_3188 = arith.addi %add3A_2149, %add3A_3187 : i32
      %lt3A_3189 = arith.constant 176 : i32
      %lt3A_3190 = arith.cmpi slt, %add3A_3188, %lt3A_3189 : i32
      %convert_element_type3A_3191 = arith.extui %lt3A_3190 : i1 to i32
      %cond3A_3192 = arith.constant 0 : i32
      %cond3A_3193 = arith.cmpi ne, %convert_element_type3A_3191, %cond3A_3192 : i32
      scf.if %cond3A_3193 {
        %dma_start3A_4242 = arith.constant 2 : i32
        %dma_start3A_4243 = arith.constant 0 : i32
        %dma_start3A_4244 = arith.constant 0 : i32
        %dma_start3A_4245 = tpu.memref_slice %arg6[%dma_start3A_4242, %dma_start3A_4243, %dma_start3A_4244] : memref<4x120x16xf32, #tpu.memory_space<vmem>> -> memref<1x120x16xf32, #tpu.memory_space<vmem>>
        %dma_start3A_4246 = tpu.memref_squeeze %dma_start3A_4245 : memref<1x120x16xf32, #tpu.memory_space<vmem>> -> memref<120x16xf32, #tpu.memory_space<vmem>>
        %dma_start3A_4247 = arith.constant 0 : i32
        %dma_start3A_4248 = tpu.memref_slice %arg5[%add3A_3188, %dma_start3A_4247] : memref<176x120xi32, #tpu.memory_space<vmem>> -> memref<1x120xi32, #tpu.memory_space<vmem>>
        %dma_start3A_4249 = tpu.memref_squeeze %dma_start3A_4248 : memref<1x120xi32, #tpu.memory_space<vmem>> -> memref<120xi32, #tpu.memory_space<vmem>>
        %dma_start3A_4250 = arith.constant 0 : i32
        %dma_start3A_4251 = arith.constant 0 : i32
        %dma_start3A_4252 = tpu.memref_slice %arg3[%dma_start3A_4250, %dma_start3A_4251] : memref<3784704x16xf32, #tpu.memory_space<hbm>> -> memref<3784704x16xf32, #tpu.memory_space<hbm>>
        tpu.enqueue_indirect_dma source(%dma_start3A_4252 : memref<3784704x16xf32, #tpu.memory_space<hbm>>) target(%dma_start3A_4246 : memref<120x16xf32, #tpu.memory_space<vmem>>) offsets(%dma_start3A_4249 : memref<120xi32, #tpu.memory_space<vmem>>) semaphore(%arg10 : memref<!tpu.dma_semaphore, #tpu.memory_space<semaphore_mem>>)
      } else {
      }
      %mul3A_3194 = arith.constant 4 : i32
      %mul3A_3195 = arith.muli %scan3A_55, %mul3A_3194 : i32
      %add3A_3196 = arith.constant 3 : i32
      %add3A_3197 = arith.addi %mul3A_3195, %add3A_3196 : i32
      %dma_wait3A_3198 = arith.constant 3 : i32
      %dma_wait3A_3199 = arith.constant 0 : i32
      %dma_wait3A_3200 = arith.constant 0 : i32
      %dma_wait3A_3201 = tpu.memref_slice %arg6[%dma_wait3A_3198, %dma_wait3A_3199, %dma_wait3A_3200] : memref<4x120x16xf32, #tpu.memory_space<vmem>> -> memref<1x120x16xf32, #tpu.memory_space<vmem>>
      %dma_wait3A_3202 = tpu.memref_squeeze %dma_wait3A_3201 : memref<1x120x16xf32, #tpu.memory_space<vmem>> -> memref<120x16xf32, #tpu.memory_space<vmem>>
      %dma_wait3A_3203 = arith.constant 0 : i32
      %dma_wait3A_3204 = tpu.memref_slice %arg5[%add3A_3197, %dma_wait3A_3203] : memref<176x120xi32, #tpu.memory_space<vmem>> -> memref<1x120xi32, #tpu.memory_space<vmem>>
      %dma_wait3A_3205 = tpu.memref_squeeze %dma_wait3A_3204 : memref<1x120xi32, #tpu.memory_space<vmem>> -> memref<120xi32, #tpu.memory_space<vmem>>
      %dma_wait3A_3206 = arith.constant 0 : i32
      %dma_wait3A_3207 = arith.constant 0 : i32
      %dma_wait3A_3208 = tpu.memref_slice %arg3[%dma_wait3A_3206, %dma_wait3A_3207] : memref<3784704x16xf32, #tpu.memory_space<hbm>> -> memref<3784704x16xf32, #tpu.memory_space<hbm>>
      tpu.wait_indirect_dma semaphore(%arg11 : memref<!tpu.dma_semaphore, #tpu.memory_space<semaphore_mem>>) src(%dma_wait3A_3208 : memref<3784704x16xf32, #tpu.memory_space<hbm>>) dst(%dma_wait3A_3202 : memref<120x16xf32, #tpu.memory_space<vmem>>)
      %get3A_3209 = arith.constant 3 : i32
      %get3A_3210 = arith.constant 0 : i32
      %get3A_3211 = arith.index_cast %get3A_3209 : i32 to index
      %get3A_3212 = arith.index_cast %get3A_3210 : i32 to index
      %get3A_3213 = arith.constant 0 : index
      %get3A_3214 = tpu.vector_load %arg6[%get3A_3211, %get3A_3212, %get3A_3213] {strides = array<i32>} : memref<4x120x16xf32, #tpu.memory_space<vmem>>, vector<1x1x16xf32>,
      %get3A_3215 = vector.shape_cast %get3A_3214 : vector<1x1x16xf32> to vector<16xf32>
      %get3A_3216 = arith.constant 3 : i32
      %get3A_3217 = arith.constant 1 : i32
      %get3A_3218 = arith.index_cast %get3A_3216 : i32 to index
      %get3A_3219 = arith.index_cast %get3A_3217 : i32 to index
      %get3A_3220 = arith.constant 0 : index
      %get3A_3221 = tpu.vector_load %arg6[%get3A_3218, %get3A_3219, %get3A_3220] {strides = array<i32>} : memref<4x120x16xf32, #tpu.memory_space<vmem>>, vector<1x1x16xf32>,
      %get3A_3222 = vector.shape_cast %get3A_3221 : vector<1x1x16xf32> to vector<16xf32>
      %add3A_3223 = arith.addf %get3A_3215, %get3A_3222 : vector<16xf32>
      %get3A_3224 = arith.constant 3 : i32
      %get3A_3225 = arith.constant 2 : i32
      %get3A_3226 = arith.index_cast %get3A_3224 : i32 to index
      %get3A_3227 = arith.index_cast %get3A_3225 : i32 to index
      %get3A_3228 = arith.constant 0 : index
      %get3A_3229 = tpu.vector_load %arg6[%get3A_3226, %get3A_3227, %get3A_3228] {strides = array<i32>} : memref<4x120x16xf32, #tpu.memory_space<vmem>>, vector<1x1x16xf32>,
      %get3A_3230 = vector.shape_cast %get3A_3229 : vector<1x1x16xf32> to vector<16xf32>
      %add3A_3231 = arith.addf %add3A_3223, %get3A_3230 : vector<16xf32>
      %get3A_3232 = arith.constant 3 : i32
      %get3A_3233 = arith.constant 3 : i32
      %get3A_3234 = arith.index_cast %get3A_3232 : i32 to index
      %get3A_3235 = arith.index_cast %get3A_3233 : i32 to index
      %get3A_3236 = arith.constant 0 : index
      %get3A_3237 = tpu.vector_load %arg6[%get3A_3234, %get3A_3235, %get3A_3236] {strides = array<i32>} : memref<4x120x16xf32, #tpu.memory_space<vmem>>, vector<1x1x16xf32>,
      %get3A_3238 = vector.shape_cast %get3A_3237 : vector<1x1x16xf32> to vector<16xf32>
      %add3A_3239 = arith.addf %add3A_3231, %get3A_3238 : vector<16xf32>
      %get3A_3240 = arith.constant 3 : i32
      %get3A_3241 = arith.constant 4 : i32
      %get3A_3242 = arith.index_cast %get3A_3240 : i32 to index
      %get3A_3243 = arith.index_cast %get3A_3241 : i32 to index
      %get3A_3244 = arith.constant 0 : index
      %get3A_3245 = tpu.vector_load %arg6[%get3A_3242, %get3A_3243, %get3A_3244] {strides = array<i32>} : memref<4x120x16xf32, #tpu.memory_space<vmem>>, vector<1x1x16xf32>,
      %get3A_3246 = vector.shape_cast %get3A_3245 : vector<1x1x16xf32> to vector<16xf32>
      %add3A_3247 = arith.addf %add3A_3239, %get3A_3246 : vector<16xf32>
      %get3A_3248 = arith.constant 3 : i32
      %get3A_3249 = arith.constant 5 : i32
      %get3A_3250 = arith.index_cast %get3A_3248 : i32 to index
      %get3A_3251 = arith.index_cast %get3A_3249 : i32 to index
      %get3A_3252 = arith.constant 0 : index
      %get3A_3253 = tpu.vector_load %arg6[%get3A_3250, %get3A_3251, %get3A_3252] {strides = array<i32>} : memref<4x120x16xf32, #tpu.memory_space<vmem>>, vector<1x1x16xf32>,
      %get3A_3254 = vector.shape_cast %get3A_3253 : vector<1x1x16xf32> to vector<16xf32>
      %add3A_3255 = arith.addf %add3A_3247, %get3A_3254 : vector<16xf32>
      %get3A_3256 = arith.constant 3 : i32
      %get3A_3257 = arith.constant 6 : i32
      %get3A_3258 = arith.index_cast %get3A_3256 : i32 to index
      %get3A_3259 = arith.index_cast %get3A_3257 : i32 to index
      %get3A_3260 = arith.constant 0 : index
      %get3A_3261 = tpu.vector_load %arg6[%get3A_3258, %get3A_3259, %get3A_3260] {strides = array<i32>} : memref<4x120x16xf32, #tpu.memory_space<vmem>>, vector<1x1x16xf32>,
      %get3A_3262 = vector.shape_cast %get3A_3261 : vector<1x1x16xf32> to vector<16xf32>
      %add3A_3263 = arith.addf %add3A_3255, %get3A_3262 : vector<16xf32>
      %get3A_3264 = arith.constant 3 : i32
      %get3A_3265 = arith.constant 7 : i32
      %get3A_3266 = arith.index_cast %get3A_3264 : i32 to index
      %get3A_3267 = arith.index_cast %get3A_3265 : i32 to index
      %get3A_3268 = arith.constant 0 : index
      %get3A_3269 = tpu.vector_load %arg6[%get3A_3266, %get3A_3267, %get3A_3268] {strides = array<i32>} : memref<4x120x16xf32, #tpu.memory_space<vmem>>, vector<1x1x16xf32>,
      %get3A_3270 = vector.shape_cast %get3A_3269 : vector<1x1x16xf32> to vector<16xf32>
      %add3A_3271 = arith.addf %add3A_3263, %get3A_3270 : vector<16xf32>
      %get3A_3272 = arith.constant 3 : i32
      %get3A_3273 = arith.constant 8 : i32
      %get3A_3274 = arith.index_cast %get3A_3272 : i32 to index
      %get3A_3275 = arith.index_cast %get3A_3273 : i32 to index
      %get3A_3276 = arith.constant 0 : index
      %get3A_3277 = tpu.vector_load %arg6[%get3A_3274, %get3A_3275, %get3A_3276] {strides = array<i32>} : memref<4x120x16xf32, #tpu.memory_space<vmem>>, vector<1x1x16xf32>,
      %get3A_3278 = vector.shape_cast %get3A_3277 : vector<1x1x16xf32> to vector<16xf32>
      %add3A_3279 = arith.addf %add3A_3271, %get3A_3278 : vector<16xf32>
      %get3A_3280 = arith.constant 3 : i32
      %get3A_3281 = arith.constant 9 : i32
      %get3A_3282 = arith.index_cast %get3A_3280 : i32 to index
      %get3A_3283 = arith.index_cast %get3A_3281 : i32 to index
      %get3A_3284 = arith.constant 0 : index
      %get3A_3285 = tpu.vector_load %arg6[%get3A_3282, %get3A_3283, %get3A_3284] {strides = array<i32>} : memref<4x120x16xf32, #tpu.memory_space<vmem>>, vector<1x1x16xf32>,
      %get3A_3286 = vector.shape_cast %get3A_3285 : vector<1x1x16xf32> to vector<16xf32>
      %add3A_3287 = arith.addf %add3A_3279, %get3A_3286 : vector<16xf32>
      %get3A_3288 = arith.constant 3 : i32
      %get3A_3289 = arith.constant 10 : i32
      %get3A_3290 = arith.index_cast %get3A_3288 : i32 to index
      %get3A_3291 = arith.index_cast %get3A_3289 : i32 to index
      %get3A_3292 = arith.constant 0 : index
      %get3A_3293 = tpu.vector_load %arg6[%get3A_3290, %get3A_3291, %get3A_3292] {strides = array<i32>} : memref<4x120x16xf32, #tpu.memory_space<vmem>>, vector<1x1x16xf32>,
      %get3A_3294 = vector.shape_cast %get3A_3293 : vector<1x1x16xf32> to vector<16xf32>
      %add3A_3295 = arith.addf %add3A_3287, %get3A_3294 : vector<16xf32>
      %get3A_3296 = arith.constant 3 : i32
      %get3A_3297 = arith.constant 11 : i32
      %get3A_3298 = arith.index_cast %get3A_3296 : i32 to index
      %get3A_3299 = arith.index_cast %get3A_3297 : i32 to index
      %get3A_3300 = arith.constant 0 : index
      %get3A_3301 = tpu.vector_load %arg6[%get3A_3298, %get3A_3299, %get3A_3300] {strides = array<i32>} : memref<4x120x16xf32, #tpu.memory_space<vmem>>, vector<1x1x16xf32>,
      %get3A_3302 = vector.shape_cast %get3A_3301 : vector<1x1x16xf32> to vector<16xf32>
      %add3A_3303 = arith.addf %add3A_3295, %get3A_3302 : vector<16xf32>
      %get3A_3304 = arith.constant 3 : i32
      %get3A_3305 = arith.constant 12 : i32
      %get3A_3306 = arith.index_cast %get3A_3304 : i32 to index
      %get3A_3307 = arith.index_cast %get3A_3305 : i32 to index
      %get3A_3308 = arith.constant 0 : index
      %get3A_3309 = tpu.vector_load %arg6[%get3A_3306, %get3A_3307, %get3A_3308] {strides = array<i32>} : memref<4x120x16xf32, #tpu.memory_space<vmem>>, vector<1x1x16xf32>,
      %get3A_3310 = vector.shape_cast %get3A_3309 : vector<1x1x16xf32> to vector<16xf32>
      %add3A_3311 = arith.addf %add3A_3303, %get3A_3310 : vector<16xf32>
      %get3A_3312 = arith.constant 3 : i32
      %get3A_3313 = arith.constant 13 : i32
      %get3A_3314 = arith.index_cast %get3A_3312 : i32 to index
      %get3A_3315 = arith.index_cast %get3A_3313 : i32 to index
      %get3A_3316 = arith.constant 0 : index
      %get3A_3317 = tpu.vector_load %arg6[%get3A_3314, %get3A_3315, %get3A_3316] {strides = array<i32>} : memref<4x120x16xf32, #tpu.memory_space<vmem>>, vector<1x1x16xf32>,
      %get3A_3318 = vector.shape_cast %get3A_3317 : vector<1x1x16xf32> to vector<16xf32>
      %add3A_3319 = arith.addf %add3A_3311, %get3A_3318 : vector<16xf32>
      %get3A_3320 = arith.constant 3 : i32
      %get3A_3321 = arith.constant 14 : i32
      %get3A_3322 = arith.index_cast %get3A_3320 : i32 to index
      %get3A_3323 = arith.index_cast %get3A_3321 : i32 to index
      %get3A_3324 = arith.constant 0 : index
      %get3A_3325 = tpu.vector_load %arg6[%get3A_3322, %get3A_3323, %get3A_3324] {strides = array<i32>} : memref<4x120x16xf32, #tpu.memory_space<vmem>>, vector<1x1x16xf32>,
      %get3A_3326 = vector.shape_cast %get3A_3325 : vector<1x1x16xf32> to vector<16xf32>
      %add3A_3327 = arith.addf %add3A_3319, %get3A_3326 : vector<16xf32>
      %get3A_3328 = arith.constant 3 : i32
      %get3A_3329 = arith.constant 15 : i32
      %get3A_3330 = arith.index_cast %get3A_3328 : i32 to index
      %get3A_3331 = arith.index_cast %get3A_3329 : i32 to index
      %get3A_3332 = arith.constant 0 : index
      %get3A_3333 = tpu.vector_load %arg6[%get3A_3330, %get3A_3331, %get3A_3332] {strides = array<i32>} : memref<4x120x16xf32, #tpu.memory_space<vmem>>, vector<1x1x16xf32>,
      %get3A_3334 = vector.shape_cast %get3A_3333 : vector<1x1x16xf32> to vector<16xf32>
      %add3A_3335 = arith.addf %add3A_3327, %get3A_3334 : vector<16xf32>
      %get3A_3336 = arith.constant 3 : i32
      %get3A_3337 = arith.constant 16 : i32
      %get3A_3338 = arith.index_cast %get3A_3336 : i32 to index
      %get3A_3339 = arith.index_cast %get3A_3337 : i32 to index
      %get3A_3340 = arith.constant 0 : index
      %get3A_3341 = tpu.vector_load %arg6[%get3A_3338, %get3A_3339, %get3A_3340] {strides = array<i32>} : memref<4x120x16xf32, #tpu.memory_space<vmem>>, vector<1x1x16xf32>,
      %get3A_3342 = vector.shape_cast %get3A_3341 : vector<1x1x16xf32> to vector<16xf32>
      %add3A_3343 = arith.addf %add3A_3335, %get3A_3342 : vector<16xf32>
      %get3A_3344 = arith.constant 3 : i32
      %get3A_3345 = arith.constant 17 : i32
      %get3A_3346 = arith.index_cast %get3A_3344 : i32 to index
      %get3A_3347 = arith.index_cast %get3A_3345 : i32 to index
      %get3A_3348 = arith.constant 0 : index
      %get3A_3349 = tpu.vector_load %arg6[%get3A_3346, %get3A_3347, %get3A_3348] {strides = array<i32>} : memref<4x120x16xf32, #tpu.memory_space<vmem>>, vector<1x1x16xf32>,
      %get3A_3350 = vector.shape_cast %get3A_3349 : vector<1x1x16xf32> to vector<16xf32>
      %add3A_3351 = arith.addf %add3A_3343, %get3A_3350 : vector<16xf32>
      %get3A_3352 = arith.constant 3 : i32
      %get3A_3353 = arith.constant 18 : i32
      %get3A_3354 = arith.index_cast %get3A_3352 : i32 to index
      %get3A_3355 = arith.index_cast %get3A_3353 : i32 to index
      %get3A_3356 = arith.constant 0 : index
      %get3A_3357 = tpu.vector_load %arg6[%get3A_3354, %get3A_3355, %get3A_3356] {strides = array<i32>} : memref<4x120x16xf32, #tpu.memory_space<vmem>>, vector<1x1x16xf32>,
      %get3A_3358 = vector.shape_cast %get3A_3357 : vector<1x1x16xf32> to vector<16xf32>
      %add3A_3359 = arith.addf %add3A_3351, %get3A_3358 : vector<16xf32>
      %get3A_3360 = arith.constant 3 : i32
      %get3A_3361 = arith.constant 19 : i32
      %get3A_3362 = arith.index_cast %get3A_3360 : i32 to index
      %get3A_3363 = arith.index_cast %get3A_3361 : i32 to index
      %get3A_3364 = arith.constant 0 : index
      %get3A_3365 = tpu.vector_load %arg6[%get3A_3362, %get3A_3363, %get3A_3364] {strides = array<i32>} : memref<4x120x16xf32, #tpu.memory_space<vmem>>, vector<1x1x16xf32>,
      %get3A_3366 = vector.shape_cast %get3A_3365 : vector<1x1x16xf32> to vector<16xf32>
      %add3A_3367 = arith.addf %add3A_3359, %get3A_3366 : vector<16xf32>
      %mul3A_3368 = arith.constant 5.000000e-02 : f32
      %mul3A_3369 = vector.broadcast %mul3A_3368 : f32 to vector<16xf32>
      %mul3A_3370 = arith.mulf %add3A_3367, %mul3A_3369 : vector<16xf32>
      %mul3A_3371 = arith.constant 6 : i32
      %mul3A_3372 = arith.muli %add3A_3197, %mul3A_3371 : i32
      %add3A_3373 = arith.constant 0 : i32
      %add3A_3374 = arith.addi %mul3A_3372, %add3A_3373 : i32
      %swap3A_3375 = arith.index_cast %add3A_3374 : i32 to index
      %swap3A_3376 = arith.constant 0 : index
      %swap3A_3377 = tpu.vector_load %arg7[%swap3A_3375, %swap3A_3376] {strides = array<i32>} : memref<1056x16xf32, #tpu.memory_space<vmem>>, vector<1x16xf32>,
      %swap3A_3378 = vector.shape_cast %swap3A_3377 : vector<1x16xf32> to vector<16xf32>
      %swap3A_3379 = vector.shape_cast %mul3A_3370 : vector<16xf32> to vector<1x16xf32>
      tpu.vector_store %arg7[%swap3A_3375, %swap3A_3376], %swap3A_3379 {strides = array<i32>} : memref<1056x16xf32, #tpu.memory_space<vmem>>, vector<1x16xf32>,
      %get3A_3380 = arith.constant 3 : i32
      %get3A_3381 = arith.constant 20 : i32
      %get3A_3382 = arith.index_cast %get3A_3380 : i32 to index
      %get3A_3383 = arith.index_cast %get3A_3381 : i32 to index
      %get3A_3384 = arith.constant 0 : index
      %get3A_3385 = tpu.vector_load %arg6[%get3A_3382, %get3A_3383, %get3A_3384] {strides = array<i32>} : memref<4x120x16xf32, #tpu.memory_space<vmem>>, vector<1x1x16xf32>,
      %get3A_3386 = vector.shape_cast %get3A_3385 : vector<1x1x16xf32> to vector<16xf32>
      %get3A_3387 = arith.constant 3 : i32
      %get3A_3388 = arith.constant 21 : i32
      %get3A_3389 = arith.index_cast %get3A_3387 : i32 to index
      %get3A_3390 = arith.index_cast %get3A_3388 : i32 to index
      %get3A_3391 = arith.constant 0 : index
      %get3A_3392 = tpu.vector_load %arg6[%get3A_3389, %get3A_3390, %get3A_3391] {strides = array<i32>} : memref<4x120x16xf32, #tpu.memory_space<vmem>>, vector<1x1x16xf32>,
      %get3A_3393 = vector.shape_cast %get3A_3392 : vector<1x1x16xf32> to vector<16xf32>
      %add3A_3394 = arith.addf %get3A_3386, %get3A_3393 : vector<16xf32>
      %get3A_3395 = arith.constant 3 : i32
      %get3A_3396 = arith.constant 22 : i32
      %get3A_3397 = arith.index_cast %get3A_3395 : i32 to index
      %get3A_3398 = arith.index_cast %get3A_3396 : i32 to index
      %get3A_3399 = arith.constant 0 : index
      %get3A_3400 = tpu.vector_load %arg6[%get3A_3397, %get3A_3398, %get3A_3399] {strides = array<i32>} : memref<4x120x16xf32, #tpu.memory_space<vmem>>, vector<1x1x16xf32>,
      %get3A_3401 = vector.shape_cast %get3A_3400 : vector<1x1x16xf32> to vector<16xf32>
      %add3A_3402 = arith.addf %add3A_3394, %get3A_3401 : vector<16xf32>
      %get3A_3403 = arith.constant 3 : i32
      %get3A_3404 = arith.constant 23 : i32
      %get3A_3405 = arith.index_cast %get3A_3403 : i32 to index
      %get3A_3406 = arith.index_cast %get3A_3404 : i32 to index
      %get3A_3407 = arith.constant 0 : index
      %get3A_3408 = tpu.vector_load %arg6[%get3A_3405, %get3A_3406, %get3A_3407] {strides = array<i32>} : memref<4x120x16xf32, #tpu.memory_space<vmem>>, vector<1x1x16xf32>,
      %get3A_3409 = vector.shape_cast %get3A_3408 : vector<1x1x16xf32> to vector<16xf32>
      %add3A_3410 = arith.addf %add3A_3402, %get3A_3409 : vector<16xf32>
      %get3A_3411 = arith.constant 3 : i32
      %get3A_3412 = arith.constant 24 : i32
      %get3A_3413 = arith.index_cast %get3A_3411 : i32 to index
      %get3A_3414 = arith.index_cast %get3A_3412 : i32 to index
      %get3A_3415 = arith.constant 0 : index
      %get3A_3416 = tpu.vector_load %arg6[%get3A_3413, %get3A_3414, %get3A_3415] {strides = array<i32>} : memref<4x120x16xf32, #tpu.memory_space<vmem>>, vector<1x1x16xf32>,
      %get3A_3417 = vector.shape_cast %get3A_3416 : vector<1x1x16xf32> to vector<16xf32>
      %add3A_3418 = arith.addf %add3A_3410, %get3A_3417 : vector<16xf32>
      %get3A_3419 = arith.constant 3 : i32
      %get3A_3420 = arith.constant 25 : i32
      %get3A_3421 = arith.index_cast %get3A_3419 : i32 to index
      %get3A_3422 = arith.index_cast %get3A_3420 : i32 to index
      %get3A_3423 = arith.constant 0 : index
      %get3A_3424 = tpu.vector_load %arg6[%get3A_3421, %get3A_3422, %get3A_3423] {strides = array<i32>} : memref<4x120x16xf32, #tpu.memory_space<vmem>>, vector<1x1x16xf32>,
      %get3A_3425 = vector.shape_cast %get3A_3424 : vector<1x1x16xf32> to vector<16xf32>
      %add3A_3426 = arith.addf %add3A_3418, %get3A_3425 : vector<16xf32>
      %get3A_3427 = arith.constant 3 : i32
      %get3A_3428 = arith.constant 26 : i32
      %get3A_3429 = arith.index_cast %get3A_3427 : i32 to index
      %get3A_3430 = arith.index_cast %get3A_3428 : i32 to index
      %get3A_3431 = arith.constant 0 : index
      %get3A_3432 = tpu.vector_load %arg6[%get3A_3429, %get3A_3430, %get3A_3431] {strides = array<i32>} : memref<4x120x16xf32, #tpu.memory_space<vmem>>, vector<1x1x16xf32>,
      %get3A_3433 = vector.shape_cast %get3A_3432 : vector<1x1x16xf32> to vector<16xf32>
      %add3A_3434 = arith.addf %add3A_3426, %get3A_3433 : vector<16xf32>
      %get3A_3435 = arith.constant 3 : i32
      %get3A_3436 = arith.constant 27 : i32
      %get3A_3437 = arith.index_cast %get3A_3435 : i32 to index
      %get3A_3438 = arith.index_cast %get3A_3436 : i32 to index
      %get3A_3439 = arith.constant 0 : index
      %get3A_3440 = tpu.vector_load %arg6[%get3A_3437, %get3A_3438, %get3A_3439] {strides = array<i32>} : memref<4x120x16xf32, #tpu.memory_space<vmem>>, vector<1x1x16xf32>,
      %get3A_3441 = vector.shape_cast %get3A_3440 : vector<1x1x16xf32> to vector<16xf32>
      %add3A_3442 = arith.addf %add3A_3434, %get3A_3441 : vector<16xf32>
      %get3A_3443 = arith.constant 3 : i32
      %get3A_3444 = arith.constant 28 : i32
      %get3A_3445 = arith.index_cast %get3A_3443 : i32 to index
      %get3A_3446 = arith.index_cast %get3A_3444 : i32 to index
      %get3A_3447 = arith.constant 0 : index
      %get3A_3448 = tpu.vector_load %arg6[%get3A_3445, %get3A_3446, %get3A_3447] {strides = array<i32>} : memref<4x120x16xf32, #tpu.memory_space<vmem>>, vector<1x1x16xf32>,
      %get3A_3449 = vector.shape_cast %get3A_3448 : vector<1x1x16xf32> to vector<16xf32>
      %add3A_3450 = arith.addf %add3A_3442, %get3A_3449 : vector<16xf32>
      %get3A_3451 = arith.constant 3 : i32
      %get3A_3452 = arith.constant 29 : i32
      %get3A_3453 = arith.index_cast %get3A_3451 : i32 to index
      %get3A_3454 = arith.index_cast %get3A_3452 : i32 to index
      %get3A_3455 = arith.constant 0 : index
      %get3A_3456 = tpu.vector_load %arg6[%get3A_3453, %get3A_3454, %get3A_3455] {strides = array<i32>} : memref<4x120x16xf32, #tpu.memory_space<vmem>>, vector<1x1x16xf32>,
      %get3A_3457 = vector.shape_cast %get3A_3456 : vector<1x1x16xf32> to vector<16xf32>
      %add3A_3458 = arith.addf %add3A_3450, %get3A_3457 : vector<16xf32>
      %get3A_3459 = arith.constant 3 : i32
      %get3A_3460 = arith.constant 30 : i32
      %get3A_3461 = arith.index_cast %get3A_3459 : i32 to index
      %get3A_3462 = arith.index_cast %get3A_3460 : i32 to index
      %get3A_3463 = arith.constant 0 : index
      %get3A_3464 = tpu.vector_load %arg6[%get3A_3461, %get3A_3462, %get3A_3463] {strides = array<i32>} : memref<4x120x16xf32, #tpu.memory_space<vmem>>, vector<1x1x16xf32>,
      %get3A_3465 = vector.shape_cast %get3A_3464 : vector<1x1x16xf32> to vector<16xf32>
      %add3A_3466 = arith.addf %add3A_3458, %get3A_3465 : vector<16xf32>
      %get3A_3467 = arith.constant 3 : i32
      %get3A_3468 = arith.constant 31 : i32
      %get3A_3469 = arith.index_cast %get3A_3467 : i32 to index
      %get3A_3470 = arith.index_cast %get3A_3468 : i32 to index
      %get3A_3471 = arith.constant 0 : index
      %get3A_3472 = tpu.vector_load %arg6[%get3A_3469, %get3A_3470, %get3A_3471] {strides = array<i32>} : memref<4x120x16xf32, #tpu.memory_space<vmem>>, vector<1x1x16xf32>,
      %get3A_3473 = vector.shape_cast %get3A_3472 : vector<1x1x16xf32> to vector<16xf32>
      %add3A_3474 = arith.addf %add3A_3466, %get3A_3473 : vector<16xf32>
      %get3A_3475 = arith.constant 3 : i32
      %get3A_3476 = arith.constant 32 : i32
      %get3A_3477 = arith.index_cast %get3A_3475 : i32 to index
      %get3A_3478 = arith.index_cast %get3A_3476 : i32 to index
      %get3A_3479 = arith.constant 0 : index
      %get3A_3480 = tpu.vector_load %arg6[%get3A_3477, %get3A_3478, %get3A_3479] {strides = array<i32>} : memref<4x120x16xf32, #tpu.memory_space<vmem>>, vector<1x1x16xf32>,
      %get3A_3481 = vector.shape_cast %get3A_3480 : vector<1x1x16xf32> to vector<16xf32>
      %add3A_3482 = arith.addf %add3A_3474, %get3A_3481 : vector<16xf32>
      %get3A_3483 = arith.constant 3 : i32
      %get3A_3484 = arith.constant 33 : i32
      %get3A_3485 = arith.index_cast %get3A_3483 : i32 to index
      %get3A_3486 = arith.index_cast %get3A_3484 : i32 to index
      %get3A_3487 = arith.constant 0 : index
      %get3A_3488 = tpu.vector_load %arg6[%get3A_3485, %get3A_3486, %get3A_3487] {strides = array<i32>} : memref<4x120x16xf32, #tpu.memory_space<vmem>>, vector<1x1x16xf32>,
      %get3A_3489 = vector.shape_cast %get3A_3488 : vector<1x1x16xf32> to vector<16xf32>
      %add3A_3490 = arith.addf %add3A_3482, %get3A_3489 : vector<16xf32>
      %get3A_3491 = arith.constant 3 : i32
      %get3A_3492 = arith.constant 34 : i32
      %get3A_3493 = arith.index_cast %get3A_3491 : i32 to index
      %get3A_3494 = arith.index_cast %get3A_3492 : i32 to index
      %get3A_3495 = arith.constant 0 : index
      %get3A_3496 = tpu.vector_load %arg6[%get3A_3493, %get3A_3494, %get3A_3495] {strides = array<i32>} : memref<4x120x16xf32, #tpu.memory_space<vmem>>, vector<1x1x16xf32>,
      %get3A_3497 = vector.shape_cast %get3A_3496 : vector<1x1x16xf32> to vector<16xf32>
      %add3A_3498 = arith.addf %add3A_3490, %get3A_3497 : vector<16xf32>
      %get3A_3499 = arith.constant 3 : i32
      %get3A_3500 = arith.constant 35 : i32
      %get3A_3501 = arith.index_cast %get3A_3499 : i32 to index
      %get3A_3502 = arith.index_cast %get3A_3500 : i32 to index
      %get3A_3503 = arith.constant 0 : index
      %get3A_3504 = tpu.vector_load %arg6[%get3A_3501, %get3A_3502, %get3A_3503] {strides = array<i32>} : memref<4x120x16xf32, #tpu.memory_space<vmem>>, vector<1x1x16xf32>,
      %get3A_3505 = vector.shape_cast %get3A_3504 : vector<1x1x16xf32> to vector<16xf32>
      %add3A_3506 = arith.addf %add3A_3498, %get3A_3505 : vector<16xf32>
      %get3A_3507 = arith.constant 3 : i32
      %get3A_3508 = arith.constant 36 : i32
      %get3A_3509 = arith.index_cast %get3A_3507 : i32 to index
      %get3A_3510 = arith.index_cast %get3A_3508 : i32 to index
      %get3A_3511 = arith.constant 0 : index
      %get3A_3512 = tpu.vector_load %arg6[%get3A_3509, %get3A_3510, %get3A_3511] {strides = array<i32>} : memref<4x120x16xf32, #tpu.memory_space<vmem>>, vector<1x1x16xf32>,
      %get3A_3513 = vector.shape_cast %get3A_3512 : vector<1x1x16xf32> to vector<16xf32>
      %add3A_3514 = arith.addf %add3A_3506, %get3A_3513 : vector<16xf32>
      %get3A_3515 = arith.constant 3 : i32
      %get3A_3516 = arith.constant 37 : i32
      %get3A_3517 = arith.index_cast %get3A_3515 : i32 to index
      %get3A_3518 = arith.index_cast %get3A_3516 : i32 to index
      %get3A_3519 = arith.constant 0 : index
      %get3A_3520 = tpu.vector_load %arg6[%get3A_3517, %get3A_3518, %get3A_3519] {strides = array<i32>} : memref<4x120x16xf32, #tpu.memory_space<vmem>>, vector<1x1x16xf32>,
      %get3A_3521 = vector.shape_cast %get3A_3520 : vector<1x1x16xf32> to vector<16xf32>
      %add3A_3522 = arith.addf %add3A_3514, %get3A_3521 : vector<16xf32>
      %get3A_3523 = arith.constant 3 : i32
      %get3A_3524 = arith.constant 38 : i32
      %get3A_3525 = arith.index_cast %get3A_3523 : i32 to index
      %get3A_3526 = arith.index_cast %get3A_3524 : i32 to index
      %get3A_3527 = arith.constant 0 : index
      %get3A_3528 = tpu.vector_load %arg6[%get3A_3525, %get3A_3526, %get3A_3527] {strides = array<i32>} : memref<4x120x16xf32, #tpu.memory_space<vmem>>, vector<1x1x16xf32>,
      %get3A_3529 = vector.shape_cast %get3A_3528 : vector<1x1x16xf32> to vector<16xf32>
      %add3A_3530 = arith.addf %add3A_3522, %get3A_3529 : vector<16xf32>
      %get3A_3531 = arith.constant 3 : i32
      %get3A_3532 = arith.constant 39 : i32
      %get3A_3533 = arith.index_cast %get3A_3531 : i32 to index
      %get3A_3534 = arith.index_cast %get3A_3532 : i32 to index
      %get3A_3535 = arith.constant 0 : index
      %get3A_3536 = tpu.vector_load %arg6[%get3A_3533, %get3A_3534, %get3A_3535] {strides = array<i32>} : memref<4x120x16xf32, #tpu.memory_space<vmem>>, vector<1x1x16xf32>,
      %get3A_3537 = vector.shape_cast %get3A_3536 : vector<1x1x16xf32> to vector<16xf32>
      %add3A_3538 = arith.addf %add3A_3530, %get3A_3537 : vector<16xf32>
      %mul3A_3539 = arith.constant 5.000000e-02 : f32
      %mul3A_3540 = vector.broadcast %mul3A_3539 : f32 to vector<16xf32>
      %mul3A_3541 = arith.mulf %add3A_3538, %mul3A_3540 : vector<16xf32>
      %mul3A_3542 = arith.constant 6 : i32
      %mul3A_3543 = arith.muli %add3A_3197, %mul3A_3542 : i32
      %add3A_3544 = arith.constant 1 : i32
      %add3A_3545 = arith.addi %mul3A_3543, %add3A_3544 : i32
      %swap3A_3546 = arith.index_cast %add3A_3545 : i32 to index
      %swap3A_3547 = arith.constant 0 : index
      %swap3A_3548 = tpu.vector_load %arg7[%swap3A_3546, %swap3A_3547] {strides = array<i32>} : memref<1056x16xf32, #tpu.memory_space<vmem>>, vector<1x16xf32>,
      %swap3A_3549 = vector.shape_cast %swap3A_3548 : vector<1x16xf32> to vector<16xf32>
      %swap3A_3550 = vector.shape_cast %mul3A_3541 : vector<16xf32> to vector<1x16xf32>
      tpu.vector_store %arg7[%swap3A_3546, %swap3A_3547], %swap3A_3550 {strides = array<i32>} : memref<1056x16xf32, #tpu.memory_space<vmem>>, vector<1x16xf32>,
      %get3A_3551 = arith.constant 3 : i32
      %get3A_3552 = arith.constant 40 : i32
      %get3A_3553 = arith.index_cast %get3A_3551 : i32 to index
      %get3A_3554 = arith.index_cast %get3A_3552 : i32 to index
      %get3A_3555 = arith.constant 0 : index
      %get3A_3556 = tpu.vector_load %arg6[%get3A_3553, %get3A_3554, %get3A_3555] {strides = array<i32>} : memref<4x120x16xf32, #tpu.memory_space<vmem>>, vector<1x1x16xf32>,
      %get3A_3557 = vector.shape_cast %get3A_3556 : vector<1x1x16xf32> to vector<16xf32>
      %get3A_3558 = arith.constant 3 : i32
      %get3A_3559 = arith.constant 41 : i32
      %get3A_3560 = arith.index_cast %get3A_3558 : i32 to index
      %get3A_3561 = arith.index_cast %get3A_3559 : i32 to index
      %get3A_3562 = arith.constant 0 : index
      %get3A_3563 = tpu.vector_load %arg6[%get3A_3560, %get3A_3561, %get3A_3562] {strides = array<i32>} : memref<4x120x16xf32, #tpu.memory_space<vmem>>, vector<1x1x16xf32>,
      %get3A_3564 = vector.shape_cast %get3A_3563 : vector<1x1x16xf32> to vector<16xf32>
      %add3A_3565 = arith.addf %get3A_3557, %get3A_3564 : vector<16xf32>
      %get3A_3566 = arith.constant 3 : i32
      %get3A_3567 = arith.constant 42 : i32
      %get3A_3568 = arith.index_cast %get3A_3566 : i32 to index
      %get3A_3569 = arith.index_cast %get3A_3567 : i32 to index
      %get3A_3570 = arith.constant 0 : index
      %get3A_3571 = tpu.vector_load %arg6[%get3A_3568, %get3A_3569, %get3A_3570] {strides = array<i32>} : memref<4x120x16xf32, #tpu.memory_space<vmem>>, vector<1x1x16xf32>,
      %get3A_3572 = vector.shape_cast %get3A_3571 : vector<1x1x16xf32> to vector<16xf32>
      %add3A_3573 = arith.addf %add3A_3565, %get3A_3572 : vector<16xf32>
      %get3A_3574 = arith.constant 3 : i32
      %get3A_3575 = arith.constant 43 : i32
      %get3A_3576 = arith.index_cast %get3A_3574 : i32 to index
      %get3A_3577 = arith.index_cast %get3A_3575 : i32 to index
      %get3A_3578 = arith.constant 0 : index
      %get3A_3579 = tpu.vector_load %arg6[%get3A_3576, %get3A_3577, %get3A_3578] {strides = array<i32>} : memref<4x120x16xf32, #tpu.memory_space<vmem>>, vector<1x1x16xf32>,
      %get3A_3580 = vector.shape_cast %get3A_3579 : vector<1x1x16xf32> to vector<16xf32>
      %add3A_3581 = arith.addf %add3A_3573, %get3A_3580 : vector<16xf32>
      %get3A_3582 = arith.constant 3 : i32
      %get3A_3583 = arith.constant 44 : i32
      %get3A_3584 = arith.index_cast %get3A_3582 : i32 to index
      %get3A_3585 = arith.index_cast %get3A_3583 : i32 to index
      %get3A_3586 = arith.constant 0 : index
      %get3A_3587 = tpu.vector_load %arg6[%get3A_3584, %get3A_3585, %get3A_3586] {strides = array<i32>} : memref<4x120x16xf32, #tpu.memory_space<vmem>>, vector<1x1x16xf32>,
      %get3A_3588 = vector.shape_cast %get3A_3587 : vector<1x1x16xf32> to vector<16xf32>
      %add3A_3589 = arith.addf %add3A_3581, %get3A_3588 : vector<16xf32>
      %get3A_3590 = arith.constant 3 : i32
      %get3A_3591 = arith.constant 45 : i32
      %get3A_3592 = arith.index_cast %get3A_3590 : i32 to index
      %get3A_3593 = arith.index_cast %get3A_3591 : i32 to index
      %get3A_3594 = arith.constant 0 : index
      %get3A_3595 = tpu.vector_load %arg6[%get3A_3592, %get3A_3593, %get3A_3594] {strides = array<i32>} : memref<4x120x16xf32, #tpu.memory_space<vmem>>, vector<1x1x16xf32>,
      %get3A_3596 = vector.shape_cast %get3A_3595 : vector<1x1x16xf32> to vector<16xf32>
      %add3A_3597 = arith.addf %add3A_3589, %get3A_3596 : vector<16xf32>
      %get3A_3598 = arith.constant 3 : i32
      %get3A_3599 = arith.constant 46 : i32
      %get3A_3600 = arith.index_cast %get3A_3598 : i32 to index
      %get3A_3601 = arith.index_cast %get3A_3599 : i32 to index
      %get3A_3602 = arith.constant 0 : index
      %get3A_3603 = tpu.vector_load %arg6[%get3A_3600, %get3A_3601, %get3A_3602] {strides = array<i32>} : memref<4x120x16xf32, #tpu.memory_space<vmem>>, vector<1x1x16xf32>,
      %get3A_3604 = vector.shape_cast %get3A_3603 : vector<1x1x16xf32> to vector<16xf32>
      %add3A_3605 = arith.addf %add3A_3597, %get3A_3604 : vector<16xf32>
      %get3A_3606 = arith.constant 3 : i32
      %get3A_3607 = arith.constant 47 : i32
      %get3A_3608 = arith.index_cast %get3A_3606 : i32 to index
      %get3A_3609 = arith.index_cast %get3A_3607 : i32 to index
      %get3A_3610 = arith.constant 0 : index
      %get3A_3611 = tpu.vector_load %arg6[%get3A_3608, %get3A_3609, %get3A_3610] {strides = array<i32>} : memref<4x120x16xf32, #tpu.memory_space<vmem>>, vector<1x1x16xf32>,
      %get3A_3612 = vector.shape_cast %get3A_3611 : vector<1x1x16xf32> to vector<16xf32>
      %add3A_3613 = arith.addf %add3A_3605, %get3A_3612 : vector<16xf32>
      %get3A_3614 = arith.constant 3 : i32
      %get3A_3615 = arith.constant 48 : i32
      %get3A_3616 = arith.index_cast %get3A_3614 : i32 to index
      %get3A_3617 = arith.index_cast %get3A_3615 : i32 to index
      %get3A_3618 = arith.constant 0 : index
      %get3A_3619 = tpu.vector_load %arg6[%get3A_3616, %get3A_3617, %get3A_3618] {strides = array<i32>} : memref<4x120x16xf32, #tpu.memory_space<vmem>>, vector<1x1x16xf32>,
      %get3A_3620 = vector.shape_cast %get3A_3619 : vector<1x1x16xf32> to vector<16xf32>
      %add3A_3621 = arith.addf %add3A_3613, %get3A_3620 : vector<16xf32>
      %get3A_3622 = arith.constant 3 : i32
      %get3A_3623 = arith.constant 49 : i32
      %get3A_3624 = arith.index_cast %get3A_3622 : i32 to index
      %get3A_3625 = arith.index_cast %get3A_3623 : i32 to index
      %get3A_3626 = arith.constant 0 : index
      %get3A_3627 = tpu.vector_load %arg6[%get3A_3624, %get3A_3625, %get3A_3626] {strides = array<i32>} : memref<4x120x16xf32, #tpu.memory_space<vmem>>, vector<1x1x16xf32>,
      %get3A_3628 = vector.shape_cast %get3A_3627 : vector<1x1x16xf32> to vector<16xf32>
      %add3A_3629 = arith.addf %add3A_3621, %get3A_3628 : vector<16xf32>
      %get3A_3630 = arith.constant 3 : i32
      %get3A_3631 = arith.constant 50 : i32
      %get3A_3632 = arith.index_cast %get3A_3630 : i32 to index
      %get3A_3633 = arith.index_cast %get3A_3631 : i32 to index
      %get3A_3634 = arith.constant 0 : index
      %get3A_3635 = tpu.vector_load %arg6[%get3A_3632, %get3A_3633, %get3A_3634] {strides = array<i32>} : memref<4x120x16xf32, #tpu.memory_space<vmem>>, vector<1x1x16xf32>,
      %get3A_3636 = vector.shape_cast %get3A_3635 : vector<1x1x16xf32> to vector<16xf32>
      %add3A_3637 = arith.addf %add3A_3629, %get3A_3636 : vector<16xf32>
      %get3A_3638 = arith.constant 3 : i32
      %get3A_3639 = arith.constant 51 : i32
      %get3A_3640 = arith.index_cast %get3A_3638 : i32 to index
      %get3A_3641 = arith.index_cast %get3A_3639 : i32 to index
      %get3A_3642 = arith.constant 0 : index
      %get3A_3643 = tpu.vector_load %arg6[%get3A_3640, %get3A_3641, %get3A_3642] {strides = array<i32>} : memref<4x120x16xf32, #tpu.memory_space<vmem>>, vector<1x1x16xf32>,
      %get3A_3644 = vector.shape_cast %get3A_3643 : vector<1x1x16xf32> to vector<16xf32>
      %add3A_3645 = arith.addf %add3A_3637, %get3A_3644 : vector<16xf32>
      %get3A_3646 = arith.constant 3 : i32
      %get3A_3647 = arith.constant 52 : i32
      %get3A_3648 = arith.index_cast %get3A_3646 : i32 to index
      %get3A_3649 = arith.index_cast %get3A_3647 : i32 to index
      %get3A_3650 = arith.constant 0 : index
      %get3A_3651 = tpu.vector_load %arg6[%get3A_3648, %get3A_3649, %get3A_3650] {strides = array<i32>} : memref<4x120x16xf32, #tpu.memory_space<vmem>>, vector<1x1x16xf32>,
      %get3A_3652 = vector.shape_cast %get3A_3651 : vector<1x1x16xf32> to vector<16xf32>
      %add3A_3653 = arith.addf %add3A_3645, %get3A_3652 : vector<16xf32>
      %get3A_3654 = arith.constant 3 : i32
      %get3A_3655 = arith.constant 53 : i32
      %get3A_3656 = arith.index_cast %get3A_3654 : i32 to index
      %get3A_3657 = arith.index_cast %get3A_3655 : i32 to index
      %get3A_3658 = arith.constant 0 : index
      %get3A_3659 = tpu.vector_load %arg6[%get3A_3656, %get3A_3657, %get3A_3658] {strides = array<i32>} : memref<4x120x16xf32, #tpu.memory_space<vmem>>, vector<1x1x16xf32>,
      %get3A_3660 = vector.shape_cast %get3A_3659 : vector<1x1x16xf32> to vector<16xf32>
      %add3A_3661 = arith.addf %add3A_3653, %get3A_3660 : vector<16xf32>
      %get3A_3662 = arith.constant 3 : i32
      %get3A_3663 = arith.constant 54 : i32
      %get3A_3664 = arith.index_cast %get3A_3662 : i32 to index
      %get3A_3665 = arith.index_cast %get3A_3663 : i32 to index
      %get3A_3666 = arith.constant 0 : index
      %get3A_3667 = tpu.vector_load %arg6[%get3A_3664, %get3A_3665, %get3A_3666] {strides = array<i32>} : memref<4x120x16xf32, #tpu.memory_space<vmem>>, vector<1x1x16xf32>,
      %get3A_3668 = vector.shape_cast %get3A_3667 : vector<1x1x16xf32> to vector<16xf32>
      %add3A_3669 = arith.addf %add3A_3661, %get3A_3668 : vector<16xf32>
      %get3A_3670 = arith.constant 3 : i32
      %get3A_3671 = arith.constant 55 : i32
      %get3A_3672 = arith.index_cast %get3A_3670 : i32 to index
      %get3A_3673 = arith.index_cast %get3A_3671 : i32 to index
      %get3A_3674 = arith.constant 0 : index
      %get3A_3675 = tpu.vector_load %arg6[%get3A_3672, %get3A_3673, %get3A_3674] {strides = array<i32>} : memref<4x120x16xf32, #tpu.memory_space<vmem>>, vector<1x1x16xf32>,
      %get3A_3676 = vector.shape_cast %get3A_3675 : vector<1x1x16xf32> to vector<16xf32>
      %add3A_3677 = arith.addf %add3A_3669, %get3A_3676 : vector<16xf32>
      %get3A_3678 = arith.constant 3 : i32
      %get3A_3679 = arith.constant 56 : i32
      %get3A_3680 = arith.index_cast %get3A_3678 : i32 to index
      %get3A_3681 = arith.index_cast %get3A_3679 : i32 to index
      %get3A_3682 = arith.constant 0 : index
      %get3A_3683 = tpu.vector_load %arg6[%get3A_3680, %get3A_3681, %get3A_3682] {strides = array<i32>} : memref<4x120x16xf32, #tpu.memory_space<vmem>>, vector<1x1x16xf32>,
      %get3A_3684 = vector.shape_cast %get3A_3683 : vector<1x1x16xf32> to vector<16xf32>
      %add3A_3685 = arith.addf %add3A_3677, %get3A_3684 : vector<16xf32>
      %get3A_3686 = arith.constant 3 : i32
      %get3A_3687 = arith.constant 57 : i32
      %get3A_3688 = arith.index_cast %get3A_3686 : i32 to index
      %get3A_3689 = arith.index_cast %get3A_3687 : i32 to index
      %get3A_3690 = arith.constant 0 : index
      %get3A_3691 = tpu.vector_load %arg6[%get3A_3688, %get3A_3689, %get3A_3690] {strides = array<i32>} : memref<4x120x16xf32, #tpu.memory_space<vmem>>, vector<1x1x16xf32>,
      %get3A_3692 = vector.shape_cast %get3A_3691 : vector<1x1x16xf32> to vector<16xf32>
      %add3A_3693 = arith.addf %add3A_3685, %get3A_3692 : vector<16xf32>
      %get3A_3694 = arith.constant 3 : i32
      %get3A_3695 = arith.constant 58 : i32
      %get3A_3696 = arith.index_cast %get3A_3694 : i32 to index
      %get3A_3697 = arith.index_cast %get3A_3695 : i32 to index
      %get3A_3698 = arith.constant 0 : index
      %get3A_3699 = tpu.vector_load %arg6[%get3A_3696, %get3A_3697, %get3A_3698] {strides = array<i32>} : memref<4x120x16xf32, #tpu.memory_space<vmem>>, vector<1x1x16xf32>,
      %get3A_3700 = vector.shape_cast %get3A_3699 : vector<1x1x16xf32> to vector<16xf32>
      %add3A_3701 = arith.addf %add3A_3693, %get3A_3700 : vector<16xf32>
      %get3A_3702 = arith.constant 3 : i32
      %get3A_3703 = arith.constant 59 : i32
      %get3A_3704 = arith.index_cast %get3A_3702 : i32 to index
      %get3A_3705 = arith.index_cast %get3A_3703 : i32 to index
      %get3A_3706 = arith.constant 0 : index
      %get3A_3707 = tpu.vector_load %arg6[%get3A_3704, %get3A_3705, %get3A_3706] {strides = array<i32>} : memref<4x120x16xf32, #tpu.memory_space<vmem>>, vector<1x1x16xf32>,
      %get3A_3708 = vector.shape_cast %get3A_3707 : vector<1x1x16xf32> to vector<16xf32>
      %add3A_3709 = arith.addf %add3A_3701, %get3A_3708 : vector<16xf32>
      %mul3A_3710 = arith.constant 5.000000e-02 : f32
      %mul3A_3711 = vector.broadcast %mul3A_3710 : f32 to vector<16xf32>
      %mul3A_3712 = arith.mulf %add3A_3709, %mul3A_3711 : vector<16xf32>
      %mul3A_3713 = arith.constant 6 : i32
      %mul3A_3714 = arith.muli %add3A_3197, %mul3A_3713 : i32
      %add3A_3715 = arith.constant 2 : i32
      %add3A_3716 = arith.addi %mul3A_3714, %add3A_3715 : i32
      %swap3A_3717 = arith.index_cast %add3A_3716 : i32 to index
      %swap3A_3718 = arith.constant 0 : index
      %swap3A_3719 = tpu.vector_load %arg7[%swap3A_3717, %swap3A_3718] {strides = array<i32>} : memref<1056x16xf32, #tpu.memory_space<vmem>>, vector<1x16xf32>,
      %swap3A_3720 = vector.shape_cast %swap3A_3719 : vector<1x16xf32> to vector<16xf32>
      %swap3A_3721 = vector.shape_cast %mul3A_3712 : vector<16xf32> to vector<1x16xf32>
      tpu.vector_store %arg7[%swap3A_3717, %swap3A_3718], %swap3A_3721 {strides = array<i32>} : memref<1056x16xf32, #tpu.memory_space<vmem>>, vector<1x16xf32>,
      %get3A_3722 = arith.constant 3 : i32
      %get3A_3723 = arith.constant 60 : i32
      %get3A_3724 = arith.index_cast %get3A_3722 : i32 to index
      %get3A_3725 = arith.index_cast %get3A_3723 : i32 to index
      %get3A_3726 = arith.constant 0 : index
      %get3A_3727 = tpu.vector_load %arg6[%get3A_3724, %get3A_3725, %get3A_3726] {strides = array<i32>} : memref<4x120x16xf32, #tpu.memory_space<vmem>>, vector<1x1x16xf32>,
      %get3A_3728 = vector.shape_cast %get3A_3727 : vector<1x1x16xf32> to vector<16xf32>
      %get3A_3729 = arith.constant 3 : i32
      %get3A_3730 = arith.constant 61 : i32
      %get3A_3731 = arith.index_cast %get3A_3729 : i32 to index
      %get3A_3732 = arith.index_cast %get3A_3730 : i32 to index
      %get3A_3733 = arith.constant 0 : index
      %get3A_3734 = tpu.vector_load %arg6[%get3A_3731, %get3A_3732, %get3A_3733] {strides = array<i32>} : memref<4x120x16xf32, #tpu.memory_space<vmem>>, vector<1x1x16xf32>,
      %get3A_3735 = vector.shape_cast %get3A_3734 : vector<1x1x16xf32> to vector<16xf32>
      %add3A_3736 = arith.addf %get3A_3728, %get3A_3735 : vector<16xf32>
      %get3A_3737 = arith.constant 3 : i32
      %get3A_3738 = arith.constant 62 : i32
      %get3A_3739 = arith.index_cast %get3A_3737 : i32 to index
      %get3A_3740 = arith.index_cast %get3A_3738 : i32 to index
      %get3A_3741 = arith.constant 0 : index
      %get3A_3742 = tpu.vector_load %arg6[%get3A_3739, %get3A_3740, %get3A_3741] {strides = array<i32>} : memref<4x120x16xf32, #tpu.memory_space<vmem>>, vector<1x1x16xf32>,
      %get3A_3743 = vector.shape_cast %get3A_3742 : vector<1x1x16xf32> to vector<16xf32>
      %add3A_3744 = arith.addf %add3A_3736, %get3A_3743 : vector<16xf32>
      %get3A_3745 = arith.constant 3 : i32
      %get3A_3746 = arith.constant 63 : i32
      %get3A_3747 = arith.index_cast %get3A_3745 : i32 to index
      %get3A_3748 = arith.index_cast %get3A_3746 : i32 to index
      %get3A_3749 = arith.constant 0 : index
      %get3A_3750 = tpu.vector_load %arg6[%get3A_3747, %get3A_3748, %get3A_3749] {strides = array<i32>} : memref<4x120x16xf32, #tpu.memory_space<vmem>>, vector<1x1x16xf32>,
      %get3A_3751 = vector.shape_cast %get3A_3750 : vector<1x1x16xf32> to vector<16xf32>
      %add3A_3752 = arith.addf %add3A_3744, %get3A_3751 : vector<16xf32>
      %get3A_3753 = arith.constant 3 : i32
      %get3A_3754 = arith.constant 64 : i32
      %get3A_3755 = arith.index_cast %get3A_3753 : i32 to index
      %get3A_3756 = arith.index_cast %get3A_3754 : i32 to index
      %get3A_3757 = arith.constant 0 : index
      %get3A_3758 = tpu.vector_load %arg6[%get3A_3755, %get3A_3756, %get3A_3757] {strides = array<i32>} : memref<4x120x16xf32, #tpu.memory_space<vmem>>, vector<1x1x16xf32>,
      %get3A_3759 = vector.shape_cast %get3A_3758 : vector<1x1x16xf32> to vector<16xf32>
      %add3A_3760 = arith.addf %add3A_3752, %get3A_3759 : vector<16xf32>
      %get3A_3761 = arith.constant 3 : i32
      %get3A_3762 = arith.constant 65 : i32
      %get3A_3763 = arith.index_cast %get3A_3761 : i32 to index
      %get3A_3764 = arith.index_cast %get3A_3762 : i32 to index
      %get3A_3765 = arith.constant 0 : index
      %get3A_3766 = tpu.vector_load %arg6[%get3A_3763, %get3A_3764, %get3A_3765] {strides = array<i32>} : memref<4x120x16xf32, #tpu.memory_space<vmem>>, vector<1x1x16xf32>,
      %get3A_3767 = vector.shape_cast %get3A_3766 : vector<1x1x16xf32> to vector<16xf32>
      %add3A_3768 = arith.addf %add3A_3760, %get3A_3767 : vector<16xf32>
      %get3A_3769 = arith.constant 3 : i32
      %get3A_3770 = arith.constant 66 : i32
      %get3A_3771 = arith.index_cast %get3A_3769 : i32 to index
      %get3A_3772 = arith.index_cast %get3A_3770 : i32 to index
      %get3A_3773 = arith.constant 0 : index
      %get3A_3774 = tpu.vector_load %arg6[%get3A_3771, %get3A_3772, %get3A_3773] {strides = array<i32>} : memref<4x120x16xf32, #tpu.memory_space<vmem>>, vector<1x1x16xf32>,
      %get3A_3775 = vector.shape_cast %get3A_3774 : vector<1x1x16xf32> to vector<16xf32>
      %add3A_3776 = arith.addf %add3A_3768, %get3A_3775 : vector<16xf32>
      %get3A_3777 = arith.constant 3 : i32
      %get3A_3778 = arith.constant 67 : i32
      %get3A_3779 = arith.index_cast %get3A_3777 : i32 to index
      %get3A_3780 = arith.index_cast %get3A_3778 : i32 to index
      %get3A_3781 = arith.constant 0 : index
      %get3A_3782 = tpu.vector_load %arg6[%get3A_3779, %get3A_3780, %get3A_3781] {strides = array<i32>} : memref<4x120x16xf32, #tpu.memory_space<vmem>>, vector<1x1x16xf32>,
      %get3A_3783 = vector.shape_cast %get3A_3782 : vector<1x1x16xf32> to vector<16xf32>
      %add3A_3784 = arith.addf %add3A_3776, %get3A_3783 : vector<16xf32>
      %get3A_3785 = arith.constant 3 : i32
      %get3A_3786 = arith.constant 68 : i32
      %get3A_3787 = arith.index_cast %get3A_3785 : i32 to index
      %get3A_3788 = arith.index_cast %get3A_3786 : i32 to index
      %get3A_3789 = arith.constant 0 : index
      %get3A_3790 = tpu.vector_load %arg6[%get3A_3787, %get3A_3788, %get3A_3789] {strides = array<i32>} : memref<4x120x16xf32, #tpu.memory_space<vmem>>, vector<1x1x16xf32>,
      %get3A_3791 = vector.shape_cast %get3A_3790 : vector<1x1x16xf32> to vector<16xf32>
      %add3A_3792 = arith.addf %add3A_3784, %get3A_3791 : vector<16xf32>
      %get3A_3793 = arith.constant 3 : i32
      %get3A_3794 = arith.constant 69 : i32
      %get3A_3795 = arith.index_cast %get3A_3793 : i32 to index
      %get3A_3796 = arith.index_cast %get3A_3794 : i32 to index
      %get3A_3797 = arith.constant 0 : index
      %get3A_3798 = tpu.vector_load %arg6[%get3A_3795, %get3A_3796, %get3A_3797] {strides = array<i32>} : memref<4x120x16xf32, #tpu.memory_space<vmem>>, vector<1x1x16xf32>,
      %get3A_3799 = vector.shape_cast %get3A_3798 : vector<1x1x16xf32> to vector<16xf32>
      %add3A_3800 = arith.addf %add3A_3792, %get3A_3799 : vector<16xf32>
      %get3A_3801 = arith.constant 3 : i32
      %get3A_3802 = arith.constant 70 : i32
      %get3A_3803 = arith.index_cast %get3A_3801 : i32 to index
      %get3A_3804 = arith.index_cast %get3A_3802 : i32 to index
      %get3A_3805 = arith.constant 0 : index
      %get3A_3806 = tpu.vector_load %arg6[%get3A_3803, %get3A_3804, %get3A_3805] {strides = array<i32>} : memref<4x120x16xf32, #tpu.memory_space<vmem>>, vector<1x1x16xf32>,
      %get3A_3807 = vector.shape_cast %get3A_3806 : vector<1x1x16xf32> to vector<16xf32>
      %add3A_3808 = arith.addf %add3A_3800, %get3A_3807 : vector<16xf32>
      %get3A_3809 = arith.constant 3 : i32
      %get3A_3810 = arith.constant 71 : i32
      %get3A_3811 = arith.index_cast %get3A_3809 : i32 to index
      %get3A_3812 = arith.index_cast %get3A_3810 : i32 to index
      %get3A_3813 = arith.constant 0 : index
      %get3A_3814 = tpu.vector_load %arg6[%get3A_3811, %get3A_3812, %get3A_3813] {strides = array<i32>} : memref<4x120x16xf32, #tpu.memory_space<vmem>>, vector<1x1x16xf32>,
      %get3A_3815 = vector.shape_cast %get3A_3814 : vector<1x1x16xf32> to vector<16xf32>
      %add3A_3816 = arith.addf %add3A_3808, %get3A_3815 : vector<16xf32>
      %get3A_3817 = arith.constant 3 : i32
      %get3A_3818 = arith.constant 72 : i32
      %get3A_3819 = arith.index_cast %get3A_3817 : i32 to index
      %get3A_3820 = arith.index_cast %get3A_3818 : i32 to index
      %get3A_3821 = arith.constant 0 : index
      %get3A_3822 = tpu.vector_load %arg6[%get3A_3819, %get3A_3820, %get3A_3821] {strides = array<i32>} : memref<4x120x16xf32, #tpu.memory_space<vmem>>, vector<1x1x16xf32>,
      %get3A_3823 = vector.shape_cast %get3A_3822 : vector<1x1x16xf32> to vector<16xf32>
      %add3A_3824 = arith.addf %add3A_3816, %get3A_3823 : vector<16xf32>
      %get3A_3825 = arith.constant 3 : i32
      %get3A_3826 = arith.constant 73 : i32
      %get3A_3827 = arith.index_cast %get3A_3825 : i32 to index
      %get3A_3828 = arith.index_cast %get3A_3826 : i32 to index
      %get3A_3829 = arith.constant 0 : index
      %get3A_3830 = tpu.vector_load %arg6[%get3A_3827, %get3A_3828, %get3A_3829] {strides = array<i32>} : memref<4x120x16xf32, #tpu.memory_space<vmem>>, vector<1x1x16xf32>,
      %get3A_3831 = vector.shape_cast %get3A_3830 : vector<1x1x16xf32> to vector<16xf32>
      %add3A_3832 = arith.addf %add3A_3824, %get3A_3831 : vector<16xf32>
      %get3A_3833 = arith.constant 3 : i32
      %get3A_3834 = arith.constant 74 : i32
      %get3A_3835 = arith.index_cast %get3A_3833 : i32 to index
      %get3A_3836 = arith.index_cast %get3A_3834 : i32 to index
      %get3A_3837 = arith.constant 0 : index
      %get3A_3838 = tpu.vector_load %arg6[%get3A_3835, %get3A_3836, %get3A_3837] {strides = array<i32>} : memref<4x120x16xf32, #tpu.memory_space<vmem>>, vector<1x1x16xf32>,
      %get3A_3839 = vector.shape_cast %get3A_3838 : vector<1x1x16xf32> to vector<16xf32>
      %add3A_3840 = arith.addf %add3A_3832, %get3A_3839 : vector<16xf32>
      %get3A_3841 = arith.constant 3 : i32
      %get3A_3842 = arith.constant 75 : i32
      %get3A_3843 = arith.index_cast %get3A_3841 : i32 to index
      %get3A_3844 = arith.index_cast %get3A_3842 : i32 to index
      %get3A_3845 = arith.constant 0 : index
      %get3A_3846 = tpu.vector_load %arg6[%get3A_3843, %get3A_3844, %get3A_3845] {strides = array<i32>} : memref<4x120x16xf32, #tpu.memory_space<vmem>>, vector<1x1x16xf32>,
      %get3A_3847 = vector.shape_cast %get3A_3846 : vector<1x1x16xf32> to vector<16xf32>
      %add3A_3848 = arith.addf %add3A_3840, %get3A_3847 : vector<16xf32>
      %get3A_3849 = arith.constant 3 : i32
      %get3A_3850 = arith.constant 76 : i32
      %get3A_3851 = arith.index_cast %get3A_3849 : i32 to index
      %get3A_3852 = arith.index_cast %get3A_3850 : i32 to index
      %get3A_3853 = arith.constant 0 : index
      %get3A_3854 = tpu.vector_load %arg6[%get3A_3851, %get3A_3852, %get3A_3853] {strides = array<i32>} : memref<4x120x16xf32, #tpu.memory_space<vmem>>, vector<1x1x16xf32>,
      %get3A_3855 = vector.shape_cast %get3A_3854 : vector<1x1x16xf32> to vector<16xf32>
      %add3A_3856 = arith.addf %add3A_3848, %get3A_3855 : vector<16xf32>
      %get3A_3857 = arith.constant 3 : i32
      %get3A_3858 = arith.constant 77 : i32
      %get3A_3859 = arith.index_cast %get3A_3857 : i32 to index
      %get3A_3860 = arith.index_cast %get3A_3858 : i32 to index
      %get3A_3861 = arith.constant 0 : index
      %get3A_3862 = tpu.vector_load %arg6[%get3A_3859, %get3A_3860, %get3A_3861] {strides = array<i32>} : memref<4x120x16xf32, #tpu.memory_space<vmem>>, vector<1x1x16xf32>,
      %get3A_3863 = vector.shape_cast %get3A_3862 : vector<1x1x16xf32> to vector<16xf32>
      %add3A_3864 = arith.addf %add3A_3856, %get3A_3863 : vector<16xf32>
      %get3A_3865 = arith.constant 3 : i32
      %get3A_3866 = arith.constant 78 : i32
      %get3A_3867 = arith.index_cast %get3A_3865 : i32 to index
      %get3A_3868 = arith.index_cast %get3A_3866 : i32 to index
      %get3A_3869 = arith.constant 0 : index
      %get3A_3870 = tpu.vector_load %arg6[%get3A_3867, %get3A_3868, %get3A_3869] {strides = array<i32>} : memref<4x120x16xf32, #tpu.memory_space<vmem>>, vector<1x1x16xf32>,
      %get3A_3871 = vector.shape_cast %get3A_3870 : vector<1x1x16xf32> to vector<16xf32>
      %add3A_3872 = arith.addf %add3A_3864, %get3A_3871 : vector<16xf32>
      %get3A_3873 = arith.constant 3 : i32
      %get3A_3874 = arith.constant 79 : i32
      %get3A_3875 = arith.index_cast %get3A_3873 : i32 to index
      %get3A_3876 = arith.index_cast %get3A_3874 : i32 to index
      %get3A_3877 = arith.constant 0 : index
      %get3A_3878 = tpu.vector_load %arg6[%get3A_3875, %get3A_3876, %get3A_3877] {strides = array<i32>} : memref<4x120x16xf32, #tpu.memory_space<vmem>>, vector<1x1x16xf32>,
      %get3A_3879 = vector.shape_cast %get3A_3878 : vector<1x1x16xf32> to vector<16xf32>
      %add3A_3880 = arith.addf %add3A_3872, %get3A_3879 : vector<16xf32>
      %mul3A_3881 = arith.constant 5.000000e-02 : f32
      %mul3A_3882 = vector.broadcast %mul3A_3881 : f32 to vector<16xf32>
      %mul3A_3883 = arith.mulf %add3A_3880, %mul3A_3882 : vector<16xf32>
      %mul3A_3884 = arith.constant 6 : i32
      %mul3A_3885 = arith.muli %add3A_3197, %mul3A_3884 : i32
      %add3A_3886 = arith.constant 3 : i32
      %add3A_3887 = arith.addi %mul3A_3885, %add3A_3886 : i32
      %swap3A_3888 = arith.index_cast %add3A_3887 : i32 to index
      %swap3A_3889 = arith.constant 0 : index
      %swap3A_3890 = tpu.vector_load %arg7[%swap3A_3888, %swap3A_3889] {strides = array<i32>} : memref<1056x16xf32, #tpu.memory_space<vmem>>, vector<1x16xf32>,
      %swap3A_3891 = vector.shape_cast %swap3A_3890 : vector<1x16xf32> to vector<16xf32>
      %swap3A_3892 = vector.shape_cast %mul3A_3883 : vector<16xf32> to vector<1x16xf32>
      tpu.vector_store %arg7[%swap3A_3888, %swap3A_3889], %swap3A_3892 {strides = array<i32>} : memref<1056x16xf32, #tpu.memory_space<vmem>>, vector<1x16xf32>,
      %get3A_3893 = arith.constant 3 : i32
      %get3A_3894 = arith.constant 80 : i32
      %get3A_3895 = arith.index_cast %get3A_3893 : i32 to index
      %get3A_3896 = arith.index_cast %get3A_3894 : i32 to index
      %get3A_3897 = arith.constant 0 : index
      %get3A_3898 = tpu.vector_load %arg6[%get3A_3895, %get3A_3896, %get3A_3897] {strides = array<i32>} : memref<4x120x16xf32, #tpu.memory_space<vmem>>, vector<1x1x16xf32>,
      %get3A_3899 = vector.shape_cast %get3A_3898 : vector<1x1x16xf32> to vector<16xf32>
      %get3A_3900 = arith.constant 3 : i32
      %get3A_3901 = arith.constant 81 : i32
      %get3A_3902 = arith.index_cast %get3A_3900 : i32 to index
      %get3A_3903 = arith.index_cast %get3A_3901 : i32 to index
      %get3A_3904 = arith.constant 0 : index
      %get3A_3905 = tpu.vector_load %arg6[%get3A_3902, %get3A_3903, %get3A_3904] {strides = array<i32>} : memref<4x120x16xf32, #tpu.memory_space<vmem>>, vector<1x1x16xf32>,
      %get3A_3906 = vector.shape_cast %get3A_3905 : vector<1x1x16xf32> to vector<16xf32>
      %add3A_3907 = arith.addf %get3A_3899, %get3A_3906 : vector<16xf32>
      %get3A_3908 = arith.constant 3 : i32
      %get3A_3909 = arith.constant 82 : i32
      %get3A_3910 = arith.index_cast %get3A_3908 : i32 to index
      %get3A_3911 = arith.index_cast %get3A_3909 : i32 to index
      %get3A_3912 = arith.constant 0 : index
      %get3A_3913 = tpu.vector_load %arg6[%get3A_3910, %get3A_3911, %get3A_3912] {strides = array<i32>} : memref<4x120x16xf32, #tpu.memory_space<vmem>>, vector<1x1x16xf32>,
      %get3A_3914 = vector.shape_cast %get3A_3913 : vector<1x1x16xf32> to vector<16xf32>
      %add3A_3915 = arith.addf %add3A_3907, %get3A_3914 : vector<16xf32>
      %get3A_3916 = arith.constant 3 : i32
      %get3A_3917 = arith.constant 83 : i32
      %get3A_3918 = arith.index_cast %get3A_3916 : i32 to index
      %get3A_3919 = arith.index_cast %get3A_3917 : i32 to index
      %get3A_3920 = arith.constant 0 : index
      %get3A_3921 = tpu.vector_load %arg6[%get3A_3918, %get3A_3919, %get3A_3920] {strides = array<i32>} : memref<4x120x16xf32, #tpu.memory_space<vmem>>, vector<1x1x16xf32>,
      %get3A_3922 = vector.shape_cast %get3A_3921 : vector<1x1x16xf32> to vector<16xf32>
      %add3A_3923 = arith.addf %add3A_3915, %get3A_3922 : vector<16xf32>
      %get3A_3924 = arith.constant 3 : i32
      %get3A_3925 = arith.constant 84 : i32
      %get3A_3926 = arith.index_cast %get3A_3924 : i32 to index
      %get3A_3927 = arith.index_cast %get3A_3925 : i32 to index
      %get3A_3928 = arith.constant 0 : index
      %get3A_3929 = tpu.vector_load %arg6[%get3A_3926, %get3A_3927, %get3A_3928] {strides = array<i32>} : memref<4x120x16xf32, #tpu.memory_space<vmem>>, vector<1x1x16xf32>,
      %get3A_3930 = vector.shape_cast %get3A_3929 : vector<1x1x16xf32> to vector<16xf32>
      %add3A_3931 = arith.addf %add3A_3923, %get3A_3930 : vector<16xf32>
      %get3A_3932 = arith.constant 3 : i32
      %get3A_3933 = arith.constant 85 : i32
      %get3A_3934 = arith.index_cast %get3A_3932 : i32 to index
      %get3A_3935 = arith.index_cast %get3A_3933 : i32 to index
      %get3A_3936 = arith.constant 0 : index
      %get3A_3937 = tpu.vector_load %arg6[%get3A_3934, %get3A_3935, %get3A_3936] {strides = array<i32>} : memref<4x120x16xf32, #tpu.memory_space<vmem>>, vector<1x1x16xf32>,
      %get3A_3938 = vector.shape_cast %get3A_3937 : vector<1x1x16xf32> to vector<16xf32>
      %add3A_3939 = arith.addf %add3A_3931, %get3A_3938 : vector<16xf32>
      %get3A_3940 = arith.constant 3 : i32
      %get3A_3941 = arith.constant 86 : i32
      %get3A_3942 = arith.index_cast %get3A_3940 : i32 to index
      %get3A_3943 = arith.index_cast %get3A_3941 : i32 to index
      %get3A_3944 = arith.constant 0 : index
      %get3A_3945 = tpu.vector_load %arg6[%get3A_3942, %get3A_3943, %get3A_3944] {strides = array<i32>} : memref<4x120x16xf32, #tpu.memory_space<vmem>>, vector<1x1x16xf32>,
      %get3A_3946 = vector.shape_cast %get3A_3945 : vector<1x1x16xf32> to vector<16xf32>
      %add3A_3947 = arith.addf %add3A_3939, %get3A_3946 : vector<16xf32>
      %get3A_3948 = arith.constant 3 : i32
      %get3A_3949 = arith.constant 87 : i32
      %get3A_3950 = arith.index_cast %get3A_3948 : i32 to index
      %get3A_3951 = arith.index_cast %get3A_3949 : i32 to index
      %get3A_3952 = arith.constant 0 : index
      %get3A_3953 = tpu.vector_load %arg6[%get3A_3950, %get3A_3951, %get3A_3952] {strides = array<i32>} : memref<4x120x16xf32, #tpu.memory_space<vmem>>, vector<1x1x16xf32>,
      %get3A_3954 = vector.shape_cast %get3A_3953 : vector<1x1x16xf32> to vector<16xf32>
      %add3A_3955 = arith.addf %add3A_3947, %get3A_3954 : vector<16xf32>
      %get3A_3956 = arith.constant 3 : i32
      %get3A_3957 = arith.constant 88 : i32
      %get3A_3958 = arith.index_cast %get3A_3956 : i32 to index
      %get3A_3959 = arith.index_cast %get3A_3957 : i32 to index
      %get3A_3960 = arith.constant 0 : index
      %get3A_3961 = tpu.vector_load %arg6[%get3A_3958, %get3A_3959, %get3A_3960] {strides = array<i32>} : memref<4x120x16xf32, #tpu.memory_space<vmem>>, vector<1x1x16xf32>,
      %get3A_3962 = vector.shape_cast %get3A_3961 : vector<1x1x16xf32> to vector<16xf32>
      %add3A_3963 = arith.addf %add3A_3955, %get3A_3962 : vector<16xf32>
      %get3A_3964 = arith.constant 3 : i32
      %get3A_3965 = arith.constant 89 : i32
      %get3A_3966 = arith.index_cast %get3A_3964 : i32 to index
      %get3A_3967 = arith.index_cast %get3A_3965 : i32 to index
      %get3A_3968 = arith.constant 0 : index
      %get3A_3969 = tpu.vector_load %arg6[%get3A_3966, %get3A_3967, %get3A_3968] {strides = array<i32>} : memref<4x120x16xf32, #tpu.memory_space<vmem>>, vector<1x1x16xf32>,
      %get3A_3970 = vector.shape_cast %get3A_3969 : vector<1x1x16xf32> to vector<16xf32>
      %add3A_3971 = arith.addf %add3A_3963, %get3A_3970 : vector<16xf32>
      %get3A_3972 = arith.constant 3 : i32
      %get3A_3973 = arith.constant 90 : i32
      %get3A_3974 = arith.index_cast %get3A_3972 : i32 to index
      %get3A_3975 = arith.index_cast %get3A_3973 : i32 to index
      %get3A_3976 = arith.constant 0 : index
      %get3A_3977 = tpu.vector_load %arg6[%get3A_3974, %get3A_3975, %get3A_3976] {strides = array<i32>} : memref<4x120x16xf32, #tpu.memory_space<vmem>>, vector<1x1x16xf32>,
      %get3A_3978 = vector.shape_cast %get3A_3977 : vector<1x1x16xf32> to vector<16xf32>
      %add3A_3979 = arith.addf %add3A_3971, %get3A_3978 : vector<16xf32>
      %get3A_3980 = arith.constant 3 : i32
      %get3A_3981 = arith.constant 91 : i32
      %get3A_3982 = arith.index_cast %get3A_3980 : i32 to index
      %get3A_3983 = arith.index_cast %get3A_3981 : i32 to index
      %get3A_3984 = arith.constant 0 : index
      %get3A_3985 = tpu.vector_load %arg6[%get3A_3982, %get3A_3983, %get3A_3984] {strides = array<i32>} : memref<4x120x16xf32, #tpu.memory_space<vmem>>, vector<1x1x16xf32>,
      %get3A_3986 = vector.shape_cast %get3A_3985 : vector<1x1x16xf32> to vector<16xf32>
      %add3A_3987 = arith.addf %add3A_3979, %get3A_3986 : vector<16xf32>
      %get3A_3988 = arith.constant 3 : i32
      %get3A_3989 = arith.constant 92 : i32
      %get3A_3990 = arith.index_cast %get3A_3988 : i32 to index
      %get3A_3991 = arith.index_cast %get3A_3989 : i32 to index
      %get3A_3992 = arith.constant 0 : index
      %get3A_3993 = tpu.vector_load %arg6[%get3A_3990, %get3A_3991, %get3A_3992] {strides = array<i32>} : memref<4x120x16xf32, #tpu.memory_space<vmem>>, vector<1x1x16xf32>,
      %get3A_3994 = vector.shape_cast %get3A_3993 : vector<1x1x16xf32> to vector<16xf32>
      %add3A_3995 = arith.addf %add3A_3987, %get3A_3994 : vector<16xf32>
      %get3A_3996 = arith.constant 3 : i32
      %get3A_3997 = arith.constant 93 : i32
      %get3A_3998 = arith.index_cast %get3A_3996 : i32 to index
      %get3A_3999 = arith.index_cast %get3A_3997 : i32 to index
      %get3A_4000 = arith.constant 0 : index
      %get3A_4001 = tpu.vector_load %arg6[%get3A_3998, %get3A_3999, %get3A_4000] {strides = array<i32>} : memref<4x120x16xf32, #tpu.memory_space<vmem>>, vector<1x1x16xf32>,
      %get3A_4002 = vector.shape_cast %get3A_4001 : vector<1x1x16xf32> to vector<16xf32>
      %add3A_4003 = arith.addf %add3A_3995, %get3A_4002 : vector<16xf32>
      %get3A_4004 = arith.constant 3 : i32
      %get3A_4005 = arith.constant 94 : i32
      %get3A_4006 = arith.index_cast %get3A_4004 : i32 to index
      %get3A_4007 = arith.index_cast %get3A_4005 : i32 to index
      %get3A_4008 = arith.constant 0 : index
      %get3A_4009 = tpu.vector_load %arg6[%get3A_4006, %get3A_4007, %get3A_4008] {strides = array<i32>} : memref<4x120x16xf32, #tpu.memory_space<vmem>>, vector<1x1x16xf32>,
      %get3A_4010 = vector.shape_cast %get3A_4009 : vector<1x1x16xf32> to vector<16xf32>
      %add3A_4011 = arith.addf %add3A_4003, %get3A_4010 : vector<16xf32>
      %get3A_4012 = arith.constant 3 : i32
      %get3A_4013 = arith.constant 95 : i32
      %get3A_4014 = arith.index_cast %get3A_4012 : i32 to index
      %get3A_4015 = arith.index_cast %get3A_4013 : i32 to index
      %get3A_4016 = arith.constant 0 : index
      %get3A_4017 = tpu.vector_load %arg6[%get3A_4014, %get3A_4015, %get3A_4016] {strides = array<i32>} : memref<4x120x16xf32, #tpu.memory_space<vmem>>, vector<1x1x16xf32>,
      %get3A_4018 = vector.shape_cast %get3A_4017 : vector<1x1x16xf32> to vector<16xf32>
      %add3A_4019 = arith.addf %add3A_4011, %get3A_4018 : vector<16xf32>
      %get3A_4020 = arith.constant 3 : i32
      %get3A_4021 = arith.constant 96 : i32
      %get3A_4022 = arith.index_cast %get3A_4020 : i32 to index
      %get3A_4023 = arith.index_cast %get3A_4021 : i32 to index
      %get3A_4024 = arith.constant 0 : index
      %get3A_4025 = tpu.vector_load %arg6[%get3A_4022, %get3A_4023, %get3A_4024] {strides = array<i32>} : memref<4x120x16xf32, #tpu.memory_space<vmem>>, vector<1x1x16xf32>,
      %get3A_4026 = vector.shape_cast %get3A_4025 : vector<1x1x16xf32> to vector<16xf32>
      %add3A_4027 = arith.addf %add3A_4019, %get3A_4026 : vector<16xf32>
      %get3A_4028 = arith.constant 3 : i32
      %get3A_4029 = arith.constant 97 : i32
      %get3A_4030 = arith.index_cast %get3A_4028 : i32 to index
      %get3A_4031 = arith.index_cast %get3A_4029 : i32 to index
      %get3A_4032 = arith.constant 0 : index
      %get3A_4033 = tpu.vector_load %arg6[%get3A_4030, %get3A_4031, %get3A_4032] {strides = array<i32>} : memref<4x120x16xf32, #tpu.memory_space<vmem>>, vector<1x1x16xf32>,
      %get3A_4034 = vector.shape_cast %get3A_4033 : vector<1x1x16xf32> to vector<16xf32>
      %add3A_4035 = arith.addf %add3A_4027, %get3A_4034 : vector<16xf32>
      %get3A_4036 = arith.constant 3 : i32
      %get3A_4037 = arith.constant 98 : i32
      %get3A_4038 = arith.index_cast %get3A_4036 : i32 to index
      %get3A_4039 = arith.index_cast %get3A_4037 : i32 to index
      %get3A_4040 = arith.constant 0 : index
      %get3A_4041 = tpu.vector_load %arg6[%get3A_4038, %get3A_4039, %get3A_4040] {strides = array<i32>} : memref<4x120x16xf32, #tpu.memory_space<vmem>>, vector<1x1x16xf32>,
      %get3A_4042 = vector.shape_cast %get3A_4041 : vector<1x1x16xf32> to vector<16xf32>
      %add3A_4043 = arith.addf %add3A_4035, %get3A_4042 : vector<16xf32>
      %get3A_4044 = arith.constant 3 : i32
      %get3A_4045 = arith.constant 99 : i32
      %get3A_4046 = arith.index_cast %get3A_4044 : i32 to index
      %get3A_4047 = arith.index_cast %get3A_4045 : i32 to index
      %get3A_4048 = arith.constant 0 : index
      %get3A_4049 = tpu.vector_load %arg6[%get3A_4046, %get3A_4047, %get3A_4048] {strides = array<i32>} : memref<4x120x16xf32, #tpu.memory_space<vmem>>, vector<1x1x16xf32>,
      %get3A_4050 = vector.shape_cast %get3A_4049 : vector<1x1x16xf32> to vector<16xf32>
      %add3A_4051 = arith.addf %add3A_4043, %get3A_4050 : vector<16xf32>
      %mul3A_4052 = arith.constant 5.000000e-02 : f32
      %mul3A_4053 = vector.broadcast %mul3A_4052 : f32 to vector<16xf32>
      %mul3A_4054 = arith.mulf %add3A_4051, %mul3A_4053 : vector<16xf32>
      %mul3A_4055 = arith.constant 6 : i32
      %mul3A_4056 = arith.muli %add3A_3197, %mul3A_4055 : i32
      %add3A_4057 = arith.constant 4 : i32
      %add3A_4058 = arith.addi %mul3A_4056, %add3A_4057 : i32
      %swap3A_4059 = arith.index_cast %add3A_4058 : i32 to index
      %swap3A_4060 = arith.constant 0 : index
      %swap3A_4061 = tpu.vector_load %arg7[%swap3A_4059, %swap3A_4060] {strides = array<i32>} : memref<1056x16xf32, #tpu.memory_space<vmem>>, vector<1x16xf32>,
      %swap3A_4062 = vector.shape_cast %swap3A_4061 : vector<1x16xf32> to vector<16xf32>
      %swap3A_4063 = vector.shape_cast %mul3A_4054 : vector<16xf32> to vector<1x16xf32>
      tpu.vector_store %arg7[%swap3A_4059, %swap3A_4060], %swap3A_4063 {strides = array<i32>} : memref<1056x16xf32, #tpu.memory_space<vmem>>, vector<1x16xf32>,
      %get3A_4064 = arith.constant 3 : i32
      %get3A_4065 = arith.constant 100 : i32
      %get3A_4066 = arith.index_cast %get3A_4064 : i32 to index
      %get3A_4067 = arith.index_cast %get3A_4065 : i32 to index
      %get3A_4068 = arith.constant 0 : index
      %get3A_4069 = tpu.vector_load %arg6[%get3A_4066, %get3A_4067, %get3A_4068] {strides = array<i32>} : memref<4x120x16xf32, #tpu.memory_space<vmem>>, vector<1x1x16xf32>,
      %get3A_4070 = vector.shape_cast %get3A_4069 : vector<1x1x16xf32> to vector<16xf32>
      %get3A_4071 = arith.constant 3 : i32
      %get3A_4072 = arith.constant 101 : i32
      %get3A_4073 = arith.index_cast %get3A_4071 : i32 to index
      %get3A_4074 = arith.index_cast %get3A_4072 : i32 to index
      %get3A_4075 = arith.constant 0 : index
      %get3A_4076 = tpu.vector_load %arg6[%get3A_4073, %get3A_4074, %get3A_4075] {strides = array<i32>} : memref<4x120x16xf32, #tpu.memory_space<vmem>>, vector<1x1x16xf32>,
      %get3A_4077 = vector.shape_cast %get3A_4076 : vector<1x1x16xf32> to vector<16xf32>
      %add3A_4078 = arith.addf %get3A_4070, %get3A_4077 : vector<16xf32>
      %get3A_4079 = arith.constant 3 : i32
      %get3A_4080 = arith.constant 102 : i32
      %get3A_4081 = arith.index_cast %get3A_4079 : i32 to index
      %get3A_4082 = arith.index_cast %get3A_4080 : i32 to index
      %get3A_4083 = arith.constant 0 : index
      %get3A_4084 = tpu.vector_load %arg6[%get3A_4081, %get3A_4082, %get3A_4083] {strides = array<i32>} : memref<4x120x16xf32, #tpu.memory_space<vmem>>, vector<1x1x16xf32>,
      %get3A_4085 = vector.shape_cast %get3A_4084 : vector<1x1x16xf32> to vector<16xf32>
      %add3A_4086 = arith.addf %add3A_4078, %get3A_4085 : vector<16xf32>
      %get3A_4087 = arith.constant 3 : i32
      %get3A_4088 = arith.constant 103 : i32
      %get3A_4089 = arith.index_cast %get3A_4087 : i32 to index
      %get3A_4090 = arith.index_cast %get3A_4088 : i32 to index
      %get3A_4091 = arith.constant 0 : index
      %get3A_4092 = tpu.vector_load %arg6[%get3A_4089, %get3A_4090, %get3A_4091] {strides = array<i32>} : memref<4x120x16xf32, #tpu.memory_space<vmem>>, vector<1x1x16xf32>,
      %get3A_4093 = vector.shape_cast %get3A_4092 : vector<1x1x16xf32> to vector<16xf32>
      %add3A_4094 = arith.addf %add3A_4086, %get3A_4093 : vector<16xf32>
      %get3A_4095 = arith.constant 3 : i32
      %get3A_4096 = arith.constant 104 : i32
      %get3A_4097 = arith.index_cast %get3A_4095 : i32 to index
      %get3A_4098 = arith.index_cast %get3A_4096 : i32 to index
      %get3A_4099 = arith.constant 0 : index
      %get3A_4100 = tpu.vector_load %arg6[%get3A_4097, %get3A_4098, %get3A_4099] {strides = array<i32>} : memref<4x120x16xf32, #tpu.memory_space<vmem>>, vector<1x1x16xf32>,
      %get3A_4101 = vector.shape_cast %get3A_4100 : vector<1x1x16xf32> to vector<16xf32>
      %add3A_4102 = arith.addf %add3A_4094, %get3A_4101 : vector<16xf32>
      %get3A_4103 = arith.constant 3 : i32
      %get3A_4104 = arith.constant 105 : i32
      %get3A_4105 = arith.index_cast %get3A_4103 : i32 to index
      %get3A_4106 = arith.index_cast %get3A_4104 : i32 to index
      %get3A_4107 = arith.constant 0 : index
      %get3A_4108 = tpu.vector_load %arg6[%get3A_4105, %get3A_4106, %get3A_4107] {strides = array<i32>} : memref<4x120x16xf32, #tpu.memory_space<vmem>>, vector<1x1x16xf32>,
      %get3A_4109 = vector.shape_cast %get3A_4108 : vector<1x1x16xf32> to vector<16xf32>
      %add3A_4110 = arith.addf %add3A_4102, %get3A_4109 : vector<16xf32>
      %get3A_4111 = arith.constant 3 : i32
      %get3A_4112 = arith.constant 106 : i32
      %get3A_4113 = arith.index_cast %get3A_4111 : i32 to index
      %get3A_4114 = arith.index_cast %get3A_4112 : i32 to index
      %get3A_4115 = arith.constant 0 : index
      %get3A_4116 = tpu.vector_load %arg6[%get3A_4113, %get3A_4114, %get3A_4115] {strides = array<i32>} : memref<4x120x16xf32, #tpu.memory_space<vmem>>, vector<1x1x16xf32>,
      %get3A_4117 = vector.shape_cast %get3A_4116 : vector<1x1x16xf32> to vector<16xf32>
      %add3A_4118 = arith.addf %add3A_4110, %get3A_4117 : vector<16xf32>
      %get3A_4119 = arith.constant 3 : i32
      %get3A_4120 = arith.constant 107 : i32
      %get3A_4121 = arith.index_cast %get3A_4119 : i32 to index
      %get3A_4122 = arith.index_cast %get3A_4120 : i32 to index
      %get3A_4123 = arith.constant 0 : index
      %get3A_4124 = tpu.vector_load %arg6[%get3A_4121, %get3A_4122, %get3A_4123] {strides = array<i32>} : memref<4x120x16xf32, #tpu.memory_space<vmem>>, vector<1x1x16xf32>,
      %get3A_4125 = vector.shape_cast %get3A_4124 : vector<1x1x16xf32> to vector<16xf32>
      %add3A_4126 = arith.addf %add3A_4118, %get3A_4125 : vector<16xf32>
      %get3A_4127 = arith.constant 3 : i32
      %get3A_4128 = arith.constant 108 : i32
      %get3A_4129 = arith.index_cast %get3A_4127 : i32 to index
      %get3A_4130 = arith.index_cast %get3A_4128 : i32 to index
      %get3A_4131 = arith.constant 0 : index
      %get3A_4132 = tpu.vector_load %arg6[%get3A_4129, %get3A_4130, %get3A_4131] {strides = array<i32>} : memref<4x120x16xf32, #tpu.memory_space<vmem>>, vector<1x1x16xf32>,
      %get3A_4133 = vector.shape_cast %get3A_4132 : vector<1x1x16xf32> to vector<16xf32>
      %add3A_4134 = arith.addf %add3A_4126, %get3A_4133 : vector<16xf32>
      %get3A_4135 = arith.constant 3 : i32
      %get3A_4136 = arith.constant 109 : i32
      %get3A_4137 = arith.index_cast %get3A_4135 : i32 to index
      %get3A_4138 = arith.index_cast %get3A_4136 : i32 to index
      %get3A_4139 = arith.constant 0 : index
      %get3A_4140 = tpu.vector_load %arg6[%get3A_4137, %get3A_4138, %get3A_4139] {strides = array<i32>} : memref<4x120x16xf32, #tpu.memory_space<vmem>>, vector<1x1x16xf32>,
      %get3A_4141 = vector.shape_cast %get3A_4140 : vector<1x1x16xf32> to vector<16xf32>
      %add3A_4142 = arith.addf %add3A_4134, %get3A_4141 : vector<16xf32>
      %get3A_4143 = arith.constant 3 : i32
      %get3A_4144 = arith.constant 110 : i32
      %get3A_4145 = arith.index_cast %get3A_4143 : i32 to index
      %get3A_4146 = arith.index_cast %get3A_4144 : i32 to index
      %get3A_4147 = arith.constant 0 : index
      %get3A_4148 = tpu.vector_load %arg6[%get3A_4145, %get3A_4146, %get3A_4147] {strides = array<i32>} : memref<4x120x16xf32, #tpu.memory_space<vmem>>, vector<1x1x16xf32>,
      %get3A_4149 = vector.shape_cast %get3A_4148 : vector<1x1x16xf32> to vector<16xf32>
      %add3A_4150 = arith.addf %add3A_4142, %get3A_4149 : vector<16xf32>
      %get3A_4151 = arith.constant 3 : i32
      %get3A_4152 = arith.constant 111 : i32
      %get3A_4153 = arith.index_cast %get3A_4151 : i32 to index
      %get3A_4154 = arith.index_cast %get3A_4152 : i32 to index
      %get3A_4155 = arith.constant 0 : index
      %get3A_4156 = tpu.vector_load %arg6[%get3A_4153, %get3A_4154, %get3A_4155] {strides = array<i32>} : memref<4x120x16xf32, #tpu.memory_space<vmem>>, vector<1x1x16xf32>,
      %get3A_4157 = vector.shape_cast %get3A_4156 : vector<1x1x16xf32> to vector<16xf32>
      %add3A_4158 = arith.addf %add3A_4150, %get3A_4157 : vector<16xf32>
      %get3A_4159 = arith.constant 3 : i32
      %get3A_4160 = arith.constant 112 : i32
      %get3A_4161 = arith.index_cast %get3A_4159 : i32 to index
      %get3A_4162 = arith.index_cast %get3A_4160 : i32 to index
      %get3A_4163 = arith.constant 0 : index
      %get3A_4164 = tpu.vector_load %arg6[%get3A_4161, %get3A_4162, %get3A_4163] {strides = array<i32>} : memref<4x120x16xf32, #tpu.memory_space<vmem>>, vector<1x1x16xf32>,
      %get3A_4165 = vector.shape_cast %get3A_4164 : vector<1x1x16xf32> to vector<16xf32>
      %add3A_4166 = arith.addf %add3A_4158, %get3A_4165 : vector<16xf32>
      %get3A_4167 = arith.constant 3 : i32
      %get3A_4168 = arith.constant 113 : i32
      %get3A_4169 = arith.index_cast %get3A_4167 : i32 to index
      %get3A_4170 = arith.index_cast %get3A_4168 : i32 to index
      %get3A_4171 = arith.constant 0 : index
      %get3A_4172 = tpu.vector_load %arg6[%get3A_4169, %get3A_4170, %get3A_4171] {strides = array<i32>} : memref<4x120x16xf32, #tpu.memory_space<vmem>>, vector<1x1x16xf32>,
      %get3A_4173 = vector.shape_cast %get3A_4172 : vector<1x1x16xf32> to vector<16xf32>
      %add3A_4174 = arith.addf %add3A_4166, %get3A_4173 : vector<16xf32>
      %get3A_4175 = arith.constant 3 : i32
      %get3A_4176 = arith.constant 114 : i32
      %get3A_4177 = arith.index_cast %get3A_4175 : i32 to index
      %get3A_4178 = arith.index_cast %get3A_4176 : i32 to index
      %get3A_4179 = arith.constant 0 : index
      %get3A_4180 = tpu.vector_load %arg6[%get3A_4177, %get3A_4178, %get3A_4179] {strides = array<i32>} : memref<4x120x16xf32, #tpu.memory_space<vmem>>, vector<1x1x16xf32>,
      %get3A_4181 = vector.shape_cast %get3A_4180 : vector<1x1x16xf32> to vector<16xf32>
      %add3A_4182 = arith.addf %add3A_4174, %get3A_4181 : vector<16xf32>
      %get3A_4183 = arith.constant 3 : i32
      %get3A_4184 = arith.constant 115 : i32
      %get3A_4185 = arith.index_cast %get3A_4183 : i32 to index
      %get3A_4186 = arith.index_cast %get3A_4184 : i32 to index
      %get3A_4187 = arith.constant 0 : index
      %get3A_4188 = tpu.vector_load %arg6[%get3A_4185, %get3A_4186, %get3A_4187] {strides = array<i32>} : memref<4x120x16xf32, #tpu.memory_space<vmem>>, vector<1x1x16xf32>,
      %get3A_4189 = vector.shape_cast %get3A_4188 : vector<1x1x16xf32> to vector<16xf32>
      %add3A_4190 = arith.addf %add3A_4182, %get3A_4189 : vector<16xf32>
      %get3A_4191 = arith.constant 3 : i32
      %get3A_4192 = arith.constant 116 : i32
      %get3A_4193 = arith.index_cast %get3A_4191 : i32 to index
      %get3A_4194 = arith.index_cast %get3A_4192 : i32 to index
      %get3A_4195 = arith.constant 0 : index
      %get3A_4196 = tpu.vector_load %arg6[%get3A_4193, %get3A_4194, %get3A_4195] {strides = array<i32>} : memref<4x120x16xf32, #tpu.memory_space<vmem>>, vector<1x1x16xf32>,
      %get3A_4197 = vector.shape_cast %get3A_4196 : vector<1x1x16xf32> to vector<16xf32>
      %add3A_4198 = arith.addf %add3A_4190, %get3A_4197 : vector<16xf32>
      %get3A_4199 = arith.constant 3 : i32
      %get3A_4200 = arith.constant 117 : i32
      %get3A_4201 = arith.index_cast %get3A_4199 : i32 to index
      %get3A_4202 = arith.index_cast %get3A_4200 : i32 to index
      %get3A_4203 = arith.constant 0 : index
      %get3A_4204 = tpu.vector_load %arg6[%get3A_4201, %get3A_4202, %get3A_4203] {strides = array<i32>} : memref<4x120x16xf32, #tpu.memory_space<vmem>>, vector<1x1x16xf32>,
      %get3A_4205 = vector.shape_cast %get3A_4204 : vector<1x1x16xf32> to vector<16xf32>
      %add3A_4206 = arith.addf %add3A_4198, %get3A_4205 : vector<16xf32>
      %get3A_4207 = arith.constant 3 : i32
      %get3A_4208 = arith.constant 118 : i32
      %get3A_4209 = arith.index_cast %get3A_4207 : i32 to index
      %get3A_4210 = arith.index_cast %get3A_4208 : i32 to index
      %get3A_4211 = arith.constant 0 : index
      %get3A_4212 = tpu.vector_load %arg6[%get3A_4209, %get3A_4210, %get3A_4211] {strides = array<i32>} : memref<4x120x16xf32, #tpu.memory_space<vmem>>, vector<1x1x16xf32>,
      %get3A_4213 = vector.shape_cast %get3A_4212 : vector<1x1x16xf32> to vector<16xf32>
      %add3A_4214 = arith.addf %add3A_4206, %get3A_4213 : vector<16xf32>
      %get3A_4215 = arith.constant 3 : i32
      %get3A_4216 = arith.constant 119 : i32
      %get3A_4217 = arith.index_cast %get3A_4215 : i32 to index
      %get3A_4218 = arith.index_cast %get3A_4216 : i32 to index
      %get3A_4219 = arith.constant 0 : index
      %get3A_4220 = tpu.vector_load %arg6[%get3A_4217, %get3A_4218, %get3A_4219] {strides = array<i32>} : memref<4x120x16xf32, #tpu.memory_space<vmem>>, vector<1x1x16xf32>,
      %get3A_4221 = vector.shape_cast %get3A_4220 : vector<1x1x16xf32> to vector<16xf32>
      %add3A_4222 = arith.addf %add3A_4214, %get3A_4221 : vector<16xf32>
      %mul3A_4223 = arith.constant 5.000000e-02 : f32
      %mul3A_4224 = vector.broadcast %mul3A_4223 : f32 to vector<16xf32>
      %mul3A_4225 = arith.mulf %add3A_4222, %mul3A_4224 : vector<16xf32>
      %mul3A_4226 = arith.constant 6 : i32
      %mul3A_4227 = arith.muli %add3A_3197, %mul3A_4226 : i32
      %add3A_4228 = arith.constant 5 : i32
      %add3A_4229 = arith.addi %mul3A_4227, %add3A_4228 : i32
      %swap3A_4230 = arith.index_cast %add3A_4229 : i32 to index
      %swap3A_4231 = arith.constant 0 : index
      %swap3A_4232 = tpu.vector_load %arg7[%swap3A_4230, %swap3A_4231] {strides = array<i32>} : memref<1056x16xf32, #tpu.memory_space<vmem>>, vector<1x16xf32>,
      %swap3A_4233 = vector.shape_cast %swap3A_4232 : vector<1x16xf32> to vector<16xf32>
      %swap3A_4234 = vector.shape_cast %mul3A_4225 : vector<16xf32> to vector<1x16xf32>
      tpu.vector_store %arg7[%swap3A_4230, %swap3A_4231], %swap3A_4234 {strides = array<i32>} : memref<1056x16xf32, #tpu.memory_space<vmem>>, vector<1x16xf32>,
      %add3A_4235 = arith.constant 4 : i32
      %add3A_4236 = arith.addi %add3A_3197, %add3A_4235 : i32
      %lt3A_4237 = arith.constant 176 : i32
      %lt3A_4238 = arith.cmpi slt, %add3A_4236, %lt3A_4237 : i32
      %convert_element_type3A_4239 = arith.extui %lt3A_4238 : i1 to i32
      %cond3A_4240 = arith.constant 0 : i32
      %cond3A_4241 = arith.cmpi ne, %convert_element_type3A_4239, %cond3A_4240 : i32
      scf.if %cond3A_4241 {
        %dma_start3A_4242 = arith.constant 3 : i32
        %dma_start3A_4243 = arith.constant 0 : i32
        %dma_start3A_4244 = arith.constant 0 : i32
        %dma_start3A_4245 = tpu.memref_slice %arg6[%dma_start3A_4242, %dma_start3A_4243, %dma_start3A_4244] : memref<4x120x16xf32, #tpu.memory_space<vmem>> -> memref<1x120x16xf32, #tpu.memory_space<vmem>>
        %dma_start3A_4246 = tpu.memref_squeeze %dma_start3A_4245 : memref<1x120x16xf32, #tpu.memory_space<vmem>> -> memref<120x16xf32, #tpu.memory_space<vmem>>
        %dma_start3A_4247 = arith.constant 0 : i32
        %dma_start3A_4248 = tpu.memref_slice %arg5[%add3A_4236, %dma_start3A_4247] : memref<176x120xi32, #tpu.memory_space<vmem>> -> memref<1x120xi32, #tpu.memory_space<vmem>>
        %dma_start3A_4249 = tpu.memref_squeeze %dma_start3A_4248 : memref<1x120xi32, #tpu.memory_space<vmem>> -> memref<120xi32, #tpu.memory_space<vmem>>
        %dma_start3A_4250 = arith.constant 0 : i32
        %dma_start3A_4251 = arith.constant 0 : i32
        %dma_start3A_4252 = tpu.memref_slice %arg3[%dma_start3A_4250, %dma_start3A_4251] : memref<3784704x16xf32, #tpu.memory_space<hbm>> -> memref<3784704x16xf32, #tpu.memory_space<hbm>>
        tpu.enqueue_indirect_dma source(%dma_start3A_4252 : memref<3784704x16xf32, #tpu.memory_space<hbm>>) target(%dma_start3A_4246 : memref<120x16xf32, #tpu.memory_space<vmem>>) offsets(%dma_start3A_4249 : memref<120xi32, #tpu.memory_space<vmem>>) semaphore(%arg11 : memref<!tpu.dma_semaphore, #tpu.memory_space<semaphore_mem>>)
      } else {
      }
    }
    %scan3A_52 = arith.constant 44 : i32
    %mul3A_53 = arith.constant 1056 : i32
    %mul3A_54 = arith.muli %add3A, %mul3A_53 : i32
    "tpu.region"() ({
      %run_scoped3A = tpu.sem_alloc : memref<!tpu.dma_semaphore, #tpu.memory_space<semaphore_mem>>
      %dma_start3A_55 = arith.constant 0 : i32
      %dma_start3A_56 = tpu.memref_slice %arg4[%mul3A_54, %dma_start3A_55] : memref<33792x16xf32, #tpu.memory_space<hbm>> -> memref<1056x16xf32, #tpu.memory_space<hbm>>
      %dma_start3A_57 = arith.constant 0 : i32
      %dma_start3A_58 = tpu.memref_slice %arg4[%mul3A_54, %dma_start3A_57] : memref<33792x16xf32, #tpu.memory_space<hbm>> -> memref<1056x16xf32, #tpu.memory_space<hbm>>
      tpu.enqueue_dma source(%arg7 : memref<1056x16xf32, #tpu.memory_space<vmem>>) target(%dma_start3A_58 : memref<1056x16xf32, #tpu.memory_space<hbm>>) target_semaphore(%run_scoped3A : memref<!tpu.dma_semaphore, #tpu.memory_space<semaphore_mem>>)
      %dma_wait3A = arith.constant 0 : i32
      %dma_wait3A_59 = tpu.memref_slice %arg4[%mul3A_54, %dma_wait3A] : memref<33792x16xf32, #tpu.memory_space<hbm>> -> memref<1056x16xf32, #tpu.memory_space<hbm>>
      %dma_wait3A_60 = arith.constant 0 : i32
      %dma_wait3A_61 = tpu.memref_slice %arg4[%mul3A_54, %dma_wait3A_60] : memref<33792x16xf32, #tpu.memory_space<hbm>> -> memref<1056x16xf32, #tpu.memory_space<hbm>>
      tpu.wait_dma2 semaphore(%run_scoped3A : memref<!tpu.dma_semaphore, #tpu.memory_space<semaphore_mem>>) src(%arg7 : memref<1056x16xf32, #tpu.memory_space<vmem>>) dst(%dma_wait3A_61 : memref<1056x16xf32, #tpu.memory_space<hbm>>)
      tpu.yield
    }) : () -> ()
    return
  }
}

module attributes {stable_mosaic.version = 14 : i64} {
  func.func @_transpose_body(%arg0: i32, %arg1: i32, %arg2: memref<1x16x16384xf32, #tpu.memory_space<vmem>>, %arg3: memref<2048x128xf32, #tpu.memory_space<vmem>>) attributes {dimension_semantics = [#tpu.dimension_semantics<arbitrary>, #tpu.dimension_semantics<arbitrary>], iteration_bounds = array<i64: 33, 7>, scalar_prefetch = 0 : i64, scratch_operands = 0 : i64, tpu.core_type = #tpu.core_type<tc>, window_params = [{transform_indices = @transform_0, window_bounds = array<i64: 1, 16, 16384>}, {transform_indices = @transform_1, window_bounds = array<i64: 2048, 128>}]} {
    %get3A = arith.constant 0 : index
    %get3A_0 = arith.constant 0 : index
    %get3A_1 = arith.constant 0 : index
    %get3A_2 = vector.load %arg2[%get3A, %get3A_0, %get3A_1] : memref<1x16x16384xf32, #tpu.memory_space<vmem>>, vector<1x16x16384xf32>
    %get3A_3 = vector.shape_cast %get3A_2 : vector<1x16x16384xf32> to vector<16x16384xf32>
    %slice3A = vector.extract_strided_slice %get3A_3 {offsets = [0, 0], sizes = [16, 2048], strides = [1, 1]} : vector<16x16384xf32> to vector<16x2048xf32>
    %slice3A_4 = vector.extract_strided_slice %get3A_3 {offsets = [0, 2048], sizes = [16, 2048], strides = [1, 1]} : vector<16x16384xf32> to vector<16x2048xf32>
    %slice3A_5 = vector.extract_strided_slice %get3A_3 {offsets = [0, 4096], sizes = [16, 2048], strides = [1, 1]} : vector<16x16384xf32> to vector<16x2048xf32>
    %slice3A_6 = vector.extract_strided_slice %get3A_3 {offsets = [0, 6144], sizes = [16, 2048], strides = [1, 1]} : vector<16x16384xf32> to vector<16x2048xf32>
    %slice3A_7 = vector.extract_strided_slice %get3A_3 {offsets = [0, 8192], sizes = [16, 2048], strides = [1, 1]} : vector<16x16384xf32> to vector<16x2048xf32>
    %slice3A_8 = vector.extract_strided_slice %get3A_3 {offsets = [0, 10240], sizes = [16, 2048], strides = [1, 1]} : vector<16x16384xf32> to vector<16x2048xf32>
    %slice3A_9 = vector.extract_strided_slice %get3A_3 {offsets = [0, 12288], sizes = [16, 2048], strides = [1, 1]} : vector<16x16384xf32> to vector<16x2048xf32>
    %slice3A_10 = vector.extract_strided_slice %get3A_3 {offsets = [0, 14336], sizes = [16, 2048], strides = [1, 1]} : vector<16x16384xf32> to vector<16x2048xf32>
    %concatenate3A = tpu.concatenate %slice3A, %slice3A_4, %slice3A_5, %slice3A_6, %slice3A_7, %slice3A_8, %slice3A_9, %slice3A_10 in 0 : vector<16x2048xf32>, vector<16x2048xf32>, vector<16x2048xf32>, vector<16x2048xf32>, vector<16x2048xf32>, vector<16x2048xf32>, vector<16x2048xf32>, vector<16x2048xf32> -> vector<128x2048xf32>
    %transpose3A = tpu.transpose %concatenate3A, [1, 0] : vector<128x2048xf32> -> vector<2048x128xf32>
    %swap3A = arith.constant 0 : index
    %swap3A_11 = arith.constant 0 : index
    %swap3A_12 = vector.load %arg3[%swap3A, %swap3A_11] : memref<2048x128xf32, #tpu.memory_space<vmem>>, vector<2048x128xf32>
    tpu.vector_store %arg3[%swap3A, %swap3A_11], %transpose3A {strides = array<i32>} : memref<2048x128xf32, #tpu.memory_space<vmem>>, vector<2048x128xf32>,
    return
  }
  func.func @transform_0(%arg0: i32, %arg1: i32) -> (i32, i32, i32) {
    %c0_i32 = arith.constant 0 : i32
    %c0_i32_0 = arith.constant 0 : i32
    return %arg0, %c0_i32, %arg1 : i32, i32, i32
  }
  func.func @transform_1(%arg0: i32, %arg1: i32) -> (i32, i32) {
    %mul3A = arith.constant 7 : i32
    %mul3A_0 = arith.muli %arg0, %mul3A : i32
    %add3A = arith.addi %mul3A_0, %arg1 : i32
    %c0_i32 = arith.constant 0 : i32
    %c0_i32_1 = arith.constant 0 : i32
    return %add3A, %c0_i32 : i32, i32
  }
}

module attributes {stable_mosaic.version = 14 : i64} {
  func.func @_mlp_body(%arg0: memref<1024x3xf32, #tpu.memory_space<vmem>>, %arg1: memref<1024x528xf32, #tpu.memory_space<vmem>>, %arg2: memref<3x256xf32, #tpu.memory_space<vmem>>, %arg3: memref<528x256xf32, #tpu.memory_space<vmem>>, %arg4: memref<1x256xf32, #tpu.memory_space<vmem>>, %arg5: memref<1x256xf32, #tpu.memory_space<vmem>>, %arg6: memref<1x1xf32, #tpu.memory_space<vmem>>, %arg7: memref<1024x1xf32, #tpu.memory_space<vmem>>) attributes {dimension_semantics = [], scalar_prefetch = 0 : i64, scratch_operands = 0 : i64, tpu.core_type = #tpu.core_type<tc>} {
    %get3A = arith.constant 0 : index
    %get3A_0 = arith.constant 0 : index
    %get3A_1 = vector.load %arg1[%get3A, %get3A_0] : memref<1024x528xf32, #tpu.memory_space<vmem>>, vector<1024x528xf32>
    %get3A_2 = arith.constant 0 : index
    %get3A_3 = arith.constant 0 : index
    %get3A_4 = vector.load %arg3[%get3A_2, %get3A_3] : memref<528x256xf32, #tpu.memory_space<vmem>>, vector<528x256xf32>
    %dot_general3A = arith.constant dense<0.000000e+00> : vector<1024x256xf32>
    %dot_general3A_5 = tpu.matmul %get3A_1, %get3A_4, %dot_general3A {dimension_numbers = #tpu.dot_dimension_numbers<[1], [0], [0], [1], [0, 0, 1, 1], [], []>, precision = #tpu.contract_precision<fp32>, transpose_lhs_hint = false} : vector<1024x528xf32>, vector<528x256xf32>, vector<1024x256xf32> -> vector<1024x256xf32>
    %get3A_6 = arith.constant 0 : index
    %get3A_7 = arith.constant 0 : index
    %get3A_8 = vector.load %arg0[%get3A_6, %get3A_7] : memref<1024x3xf32, #tpu.memory_space<vmem>>, vector<1024x3xf32>
    %mul3A = arith.constant 1.600000e+01 : f32
    %mul3A_9 = vector.broadcast %mul3A : f32 to vector<1024x3xf32>
    %mul3A_10 = arith.mulf %get3A_8, %mul3A_9 : vector<1024x3xf32>
    %slice3A = vector.extract_strided_slice %mul3A_10 {offsets = [0, 0], sizes = [1024, 1], strides = [1, 1]} : vector<1024x3xf32> to vector<1024x1xf32>
    %get3A_11 = arith.constant 0 : index
    %get3A_12 = arith.constant 0 : index
    %get3A_13 = vector.load %arg2[%get3A_11, %get3A_12] : memref<3x256xf32, #tpu.memory_space<vmem>>, vector<1x256xf32>
    %mul3A_14 = vector.broadcast %slice3A : vector<1024x1xf32> to vector<1024x256xf32>
    %mul3A_15 = vector.broadcast %get3A_13 : vector<1x256xf32> to vector<1024x256xf32>
    %mul3A_16 = arith.mulf %mul3A_14, %mul3A_15 : vector<1024x256xf32>
    %add3A = arith.addf %dot_general3A_5, %mul3A_16 : vector<1024x256xf32>
    %slice3A_17 = vector.extract_strided_slice %mul3A_10 {offsets = [0, 1], sizes = [1024, 1], strides = [1, 1]} : vector<1024x3xf32> to vector<1024x1xf32>
    %get3A_18 = arith.constant 1 : index
    %get3A_19 = arith.constant 0 : index
    %get3A_20 = vector.load %arg2[%get3A_18, %get3A_19] : memref<3x256xf32, #tpu.memory_space<vmem>>, vector<1x256xf32>
    %mul3A_21 = vector.broadcast %slice3A_17 : vector<1024x1xf32> to vector<1024x256xf32>
    %mul3A_22 = vector.broadcast %get3A_20 : vector<1x256xf32> to vector<1024x256xf32>
    %mul3A_23 = arith.mulf %mul3A_21, %mul3A_22 : vector<1024x256xf32>
    %add3A_24 = arith.addf %add3A, %mul3A_23 : vector<1024x256xf32>
    %slice3A_25 = vector.extract_strided_slice %mul3A_10 {offsets = [0, 2], sizes = [1024, 1], strides = [1, 1]} : vector<1024x3xf32> to vector<1024x1xf32>
    %get3A_26 = arith.constant 2 : index
    %get3A_27 = arith.constant 0 : index
    %get3A_28 = vector.load %arg2[%get3A_26, %get3A_27] : memref<3x256xf32, #tpu.memory_space<vmem>>, vector<1x256xf32>
    %mul3A_29 = vector.broadcast %slice3A_25 : vector<1024x1xf32> to vector<1024x256xf32>
    %mul3A_30 = vector.broadcast %get3A_28 : vector<1x256xf32> to vector<1024x256xf32>
    %mul3A_31 = arith.mulf %mul3A_29, %mul3A_30 : vector<1024x256xf32>
    %add3A_32 = arith.addf %add3A_24, %mul3A_31 : vector<1024x256xf32>
    %get3A_33 = arith.constant 0 : index
    %get3A_34 = arith.constant 0 : index
    %get3A_35 = vector.load %arg4[%get3A_33, %get3A_34] : memref<1x256xf32, #tpu.memory_space<vmem>>, vector<1x256xf32>
    %add3A_36 = vector.broadcast %get3A_35 : vector<1x256xf32> to vector<1024x256xf32>
    %add3A_37 = arith.addf %add3A_32, %add3A_36 : vector<1024x256xf32>
    %max3A = arith.constant 0.000000e+00 : f32
    %max3A_38 = vector.broadcast %max3A : f32 to vector<1024x256xf32>
    %max3A_39 = arith.maximumf %add3A_37, %max3A_38 : vector<1024x256xf32>
    %get3A_40 = arith.constant 0 : index
    %get3A_41 = arith.constant 0 : index
    %get3A_42 = vector.load %arg5[%get3A_40, %get3A_41] : memref<1x256xf32, #tpu.memory_space<vmem>>, vector<1x256xf32>
    %mul3A_43 = vector.broadcast %get3A_42 : vector<1x256xf32> to vector<1024x256xf32>
    %mul3A_44 = arith.mulf %max3A_39, %mul3A_43 : vector<1024x256xf32>
    %reduce_sum3A = arith.constant dense<0.000000e+00> : vector<1024xf32>
    %reduce_sum3A_45 = vector.multi_reduction <add>, %mul3A_44, %reduce_sum3A [1] : vector<1024x256xf32> to vector<1024xf32>
    %broadcast_in_dim3A = vector.shape_cast %reduce_sum3A_45 : vector<1024xf32> to vector<1024x1xf32>
    %get3A_46 = arith.constant 0 : index
    %get3A_47 = arith.constant 0 : index
    %get3A_48 = vector.load %arg6[%get3A_46, %get3A_47] : memref<1x1xf32, #tpu.memory_space<vmem>>, vector<1x1xf32>
    %add3A_49 = vector.broadcast %get3A_48 : vector<1x1xf32> to vector<1024x1xf32>
    %add3A_50 = arith.addf %broadcast_in_dim3A, %add3A_49 : vector<1024x1xf32>
    %reduce_max3A = vector.shape_cast %add3A_50 : vector<1024x1xf32> to vector<1x1024x1xf32>
    %reduce_max3A_51 = arith.constant dense<0xFF800000> : vector<1xf32>
    %reduce_max3A_52 = vector.multi_reduction <maximumf>, %reduce_max3A, %reduce_max3A_51 [1, 2] : vector<1x1024x1xf32> to vector<1xf32>
    %reduce_max3A_53 = vector.shape_cast %reduce_max3A_52 : vector<1xf32> to vector<1x1x1xf32>
    %reduce_max3A_54 = vector.extract %reduce_max3A_53[0, 0, 0] : f32 from vector<1x1x1xf32>
    %sub3A = vector.broadcast %reduce_max3A_54 : f32 to vector<1024x1xf32>
    %sub3A_55 = arith.subf %add3A_50, %sub3A : vector<1024x1xf32>
    %exp3A = math.exp %sub3A_55 : vector<1024x1xf32>
    %reduce_sum3A_56 = vector.shape_cast %exp3A : vector<1024x1xf32> to vector<1x1024x1xf32>
    %reduce_sum3A_57 = arith.constant dense<0.000000e+00> : vector<1xf32>
    %reduce_sum3A_58 = vector.multi_reduction <add>, %reduce_sum3A_56, %reduce_sum3A_57 [1, 2] : vector<1x1024x1xf32> to vector<1xf32>
    %reduce_sum3A_59 = vector.shape_cast %reduce_sum3A_58 : vector<1xf32> to vector<1x1x1xf32>
    %reduce_sum3A_60 = vector.extract %reduce_sum3A_59[0, 0, 0] : f32 from vector<1x1x1xf32>
    %div3A = vector.broadcast %reduce_sum3A_60 : f32 to vector<1024x1xf32>
    %div3A_61 = arith.divf %exp3A, %div3A : vector<1024x1xf32>
    %swap3A = arith.constant 0 : index
    %swap3A_62 = arith.constant 0 : index
    %swap3A_63 = vector.load %arg7[%swap3A, %swap3A_62] : memref<1024x1xf32, #tpu.memory_space<vmem>>, vector<1024x1xf32>
    tpu.vector_store %arg7[%swap3A, %swap3A_62], %div3A_61 {strides = array<i32>} : memref<1024x1xf32, #tpu.memory_space<vmem>>, vector<1024x1xf32>,
    return
  }
}

</mosaic_0001>

<sc_bundles>
// kernel: kernel.5.cloned.1.call-start
scs
__scs_entry_jumppad:
0x0: {  	(pc) =	sbr.rel $0x88, $3  }
0x1: {  	(tag) =	ssettag $0x0;
	lr =	simm.s32 $0x1  }
0x2: {  	[smem:$0x3F9A] =	sst lr;
	_ =	strace $0xD0000000  }
0x3: {  	_ = 	snop  }
0x4: {  	_ = 	snop  }
0x5: {  	_ = 	snop  }
0x6: {  	_ = 	snop  }
0x7: {  	_ = 	snop  }
__scs_overlays_trampoline_lowered:
0x8: {  	[smem:$0x3FA9] =	sst s0  }
0x9: {  	[smem:$0x3FAA] =	sst s1  }
0xa: {  	[smem:$0x3FAB] =	sst s2  }
0xb: {  	[smem:$0x3FAC] =	sst s3  }
0xc: {  	[smem:$0x3FAD] =	sst s4  }
0xd: {  	[smem:$0x3FAE] =	sst s5  }
0xe: {  	[smem:$0x3FAF] =	sst s6  }
0xf: {  	[smem:$0x3FB0] =	sst s7  }
0x10: {  	[smem:$0x3FB1] =	sst s8  }
0x11: {  	[smem:$0x3FB2] =	sst s9;
	s0 =	simm.s32 @!p0 $0x0  }
0x12: {  	s1 =	sld [smem:$0x3F98];
	s0 =	simm.s32 @p0 $0x1  }
0x13: {  	[smem:$0x3FB3] =	sst s0;
	s0 =	simm.s32 @!p1 $0x0  }
0x14: {  	s2 =	sld [smem:$0x3F97];
	s0 =	simm.s32 @p1 $0x1  }
0x15: {  	[smem:$0x3FB4] =	sst s0;
	s0 =	simm.s32 @!p2 $0x0  }
0x16: {  	s3 =	sld [smem:$0x3FDB];
	s0 =	simm.s32 @p2 $0x1  }
0x17: {  	s4 =	simm.s32 $0x1BF5;
	[smem:$0x3FB6] =	sst s0  }
0x18: {  	s0 =	sld [smem:$0x3F99];
	_ =	swait.ge [sflag:s4], $0x0  }
0x19: {  	s7 =	sld [smem:$0x3F9A]  }
0x1a: {  	s8 =	sadd.s32 $0xFFFFE003, lr  }
0x1b: {  	s9 =	sadd.s32 $0xFFFFFEF7, lr;
	s5 =	simm.s32 $0xFFFFFFFF;
	p2 =	slt.u32 s8, $0xFFFFF086  }
0x1c: {  	p1 =	slt.u32 s9, $0xF7A;
	s5 =	simm.s32 @!p2 $0x0  }
0x1d: {  	s5 =	simm.s32 @p1 $0x1;
	p0 =	seq.s32 s7, s2  }
0x1e: {  	s7 =	smul.u32 @!p0 $0xF7A, s2;
	p2 =	seq.s32 @!p0 s5, $0x0  }
0x1f: {  	s9 =	smul.u32 $0xF7A, s1;
	s8 =	simm.s32 @!p0 $0x1BF5;
	p2 =	por !p2, p0  }
0x20: {  	[sflag:s8] =	ssyncset.s32 @!p0 $0xFFFFF086;
	s6 =	sadd.s32 @!p0 s3, s7;
	s7 =	simm.s32 @!p0 $0x108  }
0x21: {  	s3 =	sadd.s32 s3, s9;
	s6 =	sadd.s32 @!p0 $0x88, s6;
	s7 =	simm.s32 @p2 $0x1082  }
0x22: {  	[simem:s7], [sflag:s8] =	dma.local @!p0 [hbm:s6], $0xF7A  }
0x23: {  	s9 =	sor.u32 $0xD0000000, s2;
	s6 =	simm.s32 $0x108;
	_ =	swait.ge @!p0 [sflag:s8], $0x0  }
0x24: {  	s3 =	sadd.s32 $0x88, s3;
	s6 =	simm.s32 @!p1 $0x1082;
	[sflag:s4] =	ssyncset.s32 $0xFFFFF086  }
0x25: {  	[simem:s6], [sflag:s4] =	dma.local [hbm:s3], $0xF7A  }
0x26: {  	[smem:$0x3F9A] =	sst s1;
	(tag) =	ssettag s2;
	_ =	strace s9  }
0x27: {  	s1 =	sld [smem:$0x3FAA]  }
0x28: {  	s2 =	sld [smem:$0x3FAB]  }
0x29: {  	s4 =	sld [smem:$0x3FAD]  }
0x2a: {  	p0 =	seq.s32 s5, $0x0;
	s5 =	sld [smem:$0x3FAE]  }
0x2b: {  	s6 =	sld [smem:$0x3FAF]  }
0x2c: {  	s7 =	sld [smem:$0x3FB0]  }
0x2d: {  	s3 =	simm.s32 $0x108;
	s8 =	sld [smem:$0x3FB1]  }
0x2e: {  	s3 =	simm.s32 @!p0 $0x1082;
	s9 =	sld [smem:$0x3FB2]  }
0x2f: {  	lr =	sadd.s32 s0, s3;
	s0 =	sld [smem:$0x3FA9]  }
0x30: {  	s3 =	sld [smem:$0x3FAC]  }
0x31: {  	[smem:$0x3FB5] =	sst s10  }
0x32: {  	s10 =	sld [smem:$0x3FB3];
	_ =	sdelay $0x3  }
0x33: {  	p0 =	seq.s32 s10, $0x1;
	s10 =	sld [smem:$0x3FB5];
	_ =	sdelay $0x3  }
0x34: {  	[smem:$0x3FB5] =	sst s10  }
0x35: {  	s10 =	sld [smem:$0x3FB4];
	_ =	sdelay $0x3  }
0x36: {  	p1 =	seq.s32 s10, $0x1;
	s10 =	sld [smem:$0x3FB5];
	_ =	sdelay $0x3  }
0x37: {  	[smem:$0x3FB5] =	sst s10  }
0x38: {  	s10 =	sld [smem:$0x3FB6]  }
0x39: {  	_ = 	snop;
	(pc) =	sbr.ind lr, $3  }
0x3a: {  	_ = 	snop  }
0x3b: {  	_ = 	snop  }
0x3c: {  	p2 =	seq.s32 s10, $0x1;
	s10 =	sld [smem:$0x3FB5]  }
0x3d: {  	_ =	shalt  }
0x3e: {  	_ =	shalt  }
0x3f: {  	_ =	shalt  }
0x40: {  	_ =	shalt  }
0x41: {  	_ =	shalt  }
0x42: {  	_ =	shalt  }
0x43: {  	_ =	shalt  }
0x44: {  	_ =	shalt  }
0x45: {  	_ =	shalt  }
0x46: {  	_ =	shalt  }
0x47: {  	_ =	shalt  }
0x48: {  	_ =	shalt  }
0x49: {  	_ =	shalt  }
0x4a: {  	_ =	shalt  }
0x4b: {  	_ =	shalt  }
0x4c: {  	_ =	shalt  }
0x4d: {  	_ =	shalt  }
0x4e: {  	_ =	shalt  }
0x4f: {  	_ =	shalt  }
0x50: {  	_ =	shalt  }
0x51: {  	_ =	shalt  }
0x52: {  	_ =	shalt  }
0x53: {  	_ =	shalt  }
0x54: {  	_ =	shalt  }
0x55: {  	_ =	shalt  }
0x56: {  	_ =	shalt  }
0x57: {  	_ =	shalt  }
0x58: {  	_ =	shalt  }
0x59: {  	_ =	shalt  }
0x5a: {  	_ =	shalt  }
0x5b: {  	_ =	shalt  }
0x5c: {  	_ =	shalt  }
0x5d: {  	_ =	shalt  }
0x5e: {  	_ =	shalt  }
0x5f: {  	_ =	shalt  }
0x60: {  	_ =	shalt  }
0x61: {  	_ =	shalt  }
0x62: {  	_ =	shalt  }
0x63: {  	_ =	shalt  }
0x64: {  	_ =	shalt  }
0x65: {  	_ =	shalt  }
0x66: {  	_ =	shalt  }
0x67: {  	_ =	shalt  }
0x68: {  	_ =	shalt  }
0x69: {  	_ =	shalt  }
0x6a: {  	_ =	shalt  }
0x6b: {  	_ =	shalt  }
0x6c: {  	_ =	shalt  }
0x6d: {  	_ =	shalt  }
0x6e: {  	_ =	shalt  }
0x6f: {  	_ =	shalt  }
0x70: {  	_ =	shalt  }
0x71: {  	_ =	shalt  }
0x72: {  	_ =	shalt  }
0x73: {  	_ =	shalt  }
0x74: {  	_ =	shalt  }
0x75: {  	_ =	shalt  }
0x76: {  	_ =	shalt  }
0x77: {  	_ =	shalt  }
0x78: {  	_ =	shalt  }
0x79: {  	_ =	shalt  }
0x7a: {  	_ =	shalt  }
0x7b: {  	_ =	shalt  }
0x7c: {  	_ =	shalt  }
0x7d: {  	_ =	shalt  }
0x7e: {  	_ =	shalt  }
0x7f: {  	_ =	shalt  }
0x80: {  	_ =	shalt  }
0x81: {  	_ =	shalt  }
0x82: {  	_ =	shalt  }
0x83: {  	_ =	shalt  }
0x84: {  	_ =	shalt  }
0x85: {  	_ =	shalt  }
0x86: {  	_ =	shalt  }
0x87: {  	_ =	shalt  }
.Lfunc_end0:
.L_simem_size_0:
called_computation_lowered:
.L_overlay_start_0:
0x88: {  	s2 =	sld [smem:$0x3FD9]  }
0x89: {  	s3 =	sld [smem:$0x3FFE];
	_ =	sdelay $0x1  }
0x8a: {  	s1 =	srdreg.scid  }
0x8b: {  	s0 =	sand.u32 $0x1, s1  }
0x8c: {  	s16 =	sshll.u32 s0, $0xA;
	s2 =	sadd.s32 s3, s2  }
0x8d: {  	s2 =	sadd.s32 s2, s16  }
0x8e: {  	[smem:$0x3FC1] =	sst s2  }
0x8f: {  	_ = 	snop  }
0x90: {  	(tm) =	ssettm $0x1  }
0x91: {  	s17 =	sld [smem:$0x3FFB];
	_ =	sdelay $0x3  }
0x92: {  	_ =	strace s17  }
0x93: {  	s2 =	sld [smem:$0x3FFC];
	_ =	sdelay $0x3  }
0x94: {  	_ =	strace s2  }
0x95: {  	s2 =	sld [smem:$0x3FFD];
	_ =	sdelay $0x3  }
0x96: {  	_ =	strace s2  }
0x97: {  	_ =	strace $0x8FFFFFFF  }
0x98: {  	s18 =	sld [smem:$0x3FDB];
	_ =	sdelay $0x1  }
0x99: {  	s19 =	simm.s32 $_scs_section_size  }
0x9a: {  	s4 =	simm.s32 $_size__tile_overlayer_lowered;
	s5 =	simm.s32 $_tile_overlayer_lowered  }
0x9b: {  	s22 =	simm.s32 $0x1BFF;
	s21 =	sshll.u32 s5, $0x1;
	s2 =	sadd.s32 s19, s18  }
0x9c: {  	s6 =	simm.s32 $0x0;
	s20 =	sshll.u32 s4, $0x1;
	s4 =	sadd.s32 s21, s2  }
0x9d: {  	[timem:s6], [sflag:s22] =	dma.local [hbm:s4], s20  }
0x9e: {  	_ =	swait.ge [sflag:s22], s20  }
0x9f: {  	s3 =	ssub.s32 $0x0, s20;
	[sflag:s22] =	ssyncset.done $0x0  }
0xa0: {  	[sflag:s22] =	ssyncadd.s32 s3;
	_ =	sdelay $0x1  }
0xa1: {  	s23 =	simm.s32 $0x1B8B  }
0xa2: {  	_ =	swait.ge [sflag:s23], $0x1  }
0xa3: {  	[sflag:s23] =	ssyncset.done $0x0  }
0xa4: {  	s25 =	simm.s32 $0x1B8E;
	s24 =	sld [smem:$0x3FFE];
	[sflag:s23] =	ssyncadd.s32 $0xFFFFFFFF  }
0xa5: {  	s26 =	simm.s32 $execute0_lowered;
	[smem:$0x3FD2] =	sst s25  }
0xa6: {  	s4 =	sshll.u32 s26, $0x1;
	_ =	strace $0x80000046;
	[dreg:$0x1] =	wrdreg $0xFFFFFFFF  }
0xa7: {  	s28 =	simm.s32 $_size_execute0_lowered;
	s2 =	sadd.s32 s2, s4;
	[dreg:$0x0] =	wrdreg $0x0  }
0xa8: {  	s4 =	sshll.u32 s28, $0x1;
	[dreg:$0x2] =	wrdreg s2  }
0xa9: {  	[dreg:$0x3] =	wrdreg s4  }
0xaa: {  	[dreg:$0x4] =	wrdreg $0xC0  }
0xab: {  	_ =	task [dreg:s6], $0x5FFFF  }
0xac: {  	[dreg:$0x1] =	wrdreg $0xFFFFFFFF  }
0xad: {  	[dreg:$0x0] =	wrdreg $0x60  }
0xae: {  	[dreg:$0x2] =	wrdreg s24  }
0xaf: {  	[dreg:$0x3] =	wrdreg $0x9  }
0xb0: {  	_ =	task.clear_ibuf [dreg:s6], $0x4FFFF;
	_ =	strace $0x90000046  }
0xb1: {  	s29 =	simm.s32 $0x9;
	_ =	strace $0x80000048  }
0xb2: {  	_ =	swait.ge [sflag:s29], $0x1  }
0xb3: {  	[sflag:s29] =	ssyncadd.s32 $0xFFFFFFFF  }
0xb4: {  	_ =	strace $0x90000048  }
0xb5: {  	_ =	sfence  }
0xb6: {  	s30 =	sld [smem:$0x0];
	_ =	sdelay $0x2  }
0xb7: {  	s31 =	sshll.u32 s1, $0xD;
	s1 =	sshrl.u32 s1, $0x2  }
0xb8: {  	s3 =	sand.u32 $0x4000, s31;
	s1 =	sadd.s32 s1, s30  }
0xb9: {  	s0 =	sor.u32 s3, s0;
	s1 =	sshll.u32 s1, $0x11  }
0xba: {  	s0 =	sor.u32 s1, s0  }
0xbb: {  	s0 =	sadd.s32 $0x8F2B, s0  }
0xbc: {  	[sflag:s0] =	ssyncadd.remote.s32 $0x1  }
0xbd: {  	_ =	sfence.sel $0xFFFF  }
0xbe: {  	[dreg:$0x0] =	wrdreg $0xFFFFFFFF;
	(pc) =	sbr.abs _section_cstart, $3  }
0xbf: {  	[dreg:$0x1] =	wrdreg $0xFFFFFFFF  }
0xc0: {  	_ =	task.clear_ibuf [dreg:s6], $0x2FFFF;
	_ =	strace $0x9FFFFFFF  }
0xc1: {  	(tm) =	ssettm $0x7FFFFFFF  }
tec
execute0_lowered:
.L_overlay_start_1:
0x0: {  	(tag) =	ssettag $0x1  }
0x1: {  	s1 =	srdreg.scid  }
0x2: {  	s0 =	stileid.u32;
	s4 =	rddreg [dreg:$0x0]  }
0x3: {  	s2 =	simm.s32 $0x0;
	s8 =	simm.s32 $0x78;
	s9 =	simm.s32 $0x5280  }
0x4: {  	s10 =	simm.s32 $0x5A00;
	s11 =	simm.s32 $0xF0;
	s12 =	simm.s32 $0x6180  }
0x5: {  	s13 =	simm.s32 $0x168;
	s14 =	simm.s32 $0x6900;
	s15 =	simm.s32 $0x1  }
0x6: {  	s16 =	simm.s32 $0x2;
	s3 =	sand.u32 $0x1, s1;
	s30 =	sshll.u32 s0, $0x1  }
0x7: {  	s17 =	simm.s32 $0x3;
	s18 =	simm.s32 $0x4;
	s5 =	sor.u32 s3, s30  }
0x8: {  	s19 =	simm.s32 $0x7080;
	s1 =	rddreg [dreg:$0x1];
	s6 =	smul.u32 $0xA50, s5  }
.Ltmp0:
0x9: {  	s20 =	simm.s32 $0x0;
	[smem:$0x7FF] =	sst s2;
	(pc) =	sbr.rel .LBB2_1-.Ltmp0, $4  }
0xa: {  	_ =	strace $0x80000047;
	s7 =	ssub.s32 $0x2, s3;
	s5 =	smul.u32 $0x840, s5  }
0xb: {  	s3 =	sadd.s32 $0x15600, s4;
	s31 =	sshrl.u32 s7, $0x1;
	s6 =	sadd.s32 s6, s4  }
0xc: {  	s7 =	ssub.s32 s7, s31;
	s5 =	sadd.s32 s5, s4;
	s4 =	sadd.s32 $0xC00, s6  }
0xd: {  	s5 =	sadd.s32 $0x74D600, s5;
	s6 =	smax.u32 s7, $0x1;
	s7 =	simm.s32 $0x5  }
.LBB2_4:
0xe: {  	s20 =	sadd.s32 $0x1, s20  }
0xf: {  	p0 =	sne.s32 s20, s6  }
.Ltmp1:
0x10: {  	_ = 	snop;
	(pc) =	sbr.rel @!p0 .LBB2_5-.Ltmp1, $4  }
0x11: {  	[hbm4b:s5+s2] =	stream.linear.scatter [tilespmem:s19], [sflag:$0x5], $0x4200, $0x38;
	[tilespmem:$0xB280] =	vst v63  }
0x12: {  	_ =	swait.ge [sflag:s7], $0x4200  }
0x13: {  	[sflag:s7] =	ssyncset.done $0x0  }
0x14: {  	[sflag:s7] =	ssyncadd.s32 $0xFFFFBE00  }
.LBB2_1:
0x15: {  	[tilespmem:s2], [sflag:$0x5] =	stream.linear.gather [hbm4b:s4+s2], $0x5280, $0x38;
	[tilespmem:$0xB280] =	vst v63  }
0x16: {  	_ =	swait.ge [sflag:s7], $0x5280  }
0x17: {  	[sflag:s7] =	ssyncset.done $0x0  }
0x18: {  	[sflag:s7] =	ssyncadd.s32 $0xFFFFAD80  }
0x19: {  	[tilespmem:s9], [sflag:$0x1] =	stream.indirect.gather [hbm4b:s3+s8], $0x10, s2, s8, $0xb8;
	[tilespmem:$0xB280] =	vst v63  }
0x1a: {  	_ = 	snop  }
0x1b: {  	[tilespmem:s10], [sflag:$0x2] =	stream.indirect.gather [hbm4b:s3+s8], $0x10, s8, s8, $0xb8;
	[tilespmem:$0xB280] =	vst v63  }
0x1c: {  	_ = 	snop  }
0x1d: {  	[tilespmem:s12], [sflag:$0x3] =	stream.indirect.gather [hbm4b:s3+s8], $0x10, s11, s8, $0xb8;
	[tilespmem:$0xB280] =	vst v63  }
0x1e: {  	s21 =	simm.s32 $0xFFFEBD80;
	s22 =	simm.s32 $0x7140  }
0x1f: {  	[tilespmem:s14], [sflag:$0x4] =	stream.indirect.gather [hbm4b:s3+s8], $0x10, s13, s8, $0xb8;
	[tilespmem:$0xB280] =	vst v63  }
.LBB2_2:
0x20: {  	_ =	swait.ge [sflag:s15], $0x780  }
0x21: {  	[sflag:s15] =	ssyncset.done $0x0  }
0x22: {  	[sflag:s15] =	ssyncadd.s32 $0xFFFFF880  }
0x23: {  	v0 =	vld [tilespmem:$0x5280]  }
0x24: {  	v1 =	vld [tilespmem:$0x5290];
	_ =	sdelay $0x1  }
0x25: {  	v2 =	vld [tilespmem:$0x52A0];
	_ =	sdelay $0x1  }
0x26: {  	v3 =	vld [tilespmem:$0x52B0]  }
0x27: {  	v0 =	vadd.f32 v1, v0  }
0x28: {  	v14 =	vld [tilespmem:$0x52C0]  }
0x29: {  	v0 =	vadd.f32 v2, v0  }
0x2a: {  	v15 =	vld [tilespmem:$0x52D0]  }
0x2b: {  	v0 =	vadd.f32 v3, v0  }
0x2c: {  	v16 =	vld [tilespmem:$0x52E0]  }
0x2d: {  	v0 =	vadd.f32 v14, v0  }
0x2e: {  	v17 =	vld [tilespmem:$0x52F0]  }
0x2f: {  	v0 =	vadd.f32 v15, v0  }
0x30: {  	v18 =	vld [tilespmem:$0x5300]  }
0x31: {  	v0 =	vadd.f32 v16, v0  }
0x32: {  	v19 =	vld [tilespmem:$0x5310]  }
0x33: {  	v0 =	vadd.f32 v17, v0  }
0x34: {  	v20 =	vld [tilespmem:$0x5320]  }
0x35: {  	v0 =	vadd.f32 v18, v0  }
0x36: {  	v21 =	vld [tilespmem:$0x5330]  }
0x37: {  	v0 =	vadd.f32 v19, v0  }
0x38: {  	v22 =	vld [tilespmem:$0x5340]  }
0x39: {  	v0 =	vadd.f32 v20, v0  }
0x3a: {  	v23 =	vld [tilespmem:$0x5350]  }
0x3b: {  	v0 =	vadd.f32 v21, v0  }
0x3c: {  	v24 =	vld [tilespmem:$0x5360]  }
0x3d: {  	v0 =	vadd.f32 v22, v0  }
0x3e: {  	v25 =	vld [tilespmem:$0x5370]  }
0x3f: {  	v0 =	vadd.f32 v23, v0  }
0x40: {  	v26 =	vld [tilespmem:$0x5380]  }
0x41: {  	v0 =	vadd.f32 v24, v0  }
0x42: {  	v27 =	vld [tilespmem:$0x5390]  }
0x43: {  	v0 =	vadd.f32 v25, v0  }
0x44: {  	v28 =	vld [tilespmem:$0x53A0]  }
0x45: {  	v0 =	vadd.f32 v26, v0  }
0x46: {  	v29 =	vld [tilespmem:$0x53B0]  }
0x47: {  	v0 =	vadd.f32 v27, v0;
	_ =	sdelay $0x1  }
0x48: {  	v0 =	vadd.f32 v28, v0;
	_ =	sdelay $0x1  }
0x49: {  	v0 =	vadd.f32 v29, v0;
	_ =	sdelay $0x1  }
0x4a: {  	v0 =	vmul.f32 $5.000000070e-02, v0;
	_ =	sdelay $0x1  }
0x4b: {  	[tilespmem:s22+$0xFFFFFF40] =	vst v0  }
0x4c: {  	v0 =	vld [tilespmem:$0x53C0]  }
0x4d: {  	v30 =	vld [tilespmem:$0x53D0];
	_ =	sdelay $0x1  }
0x4e: {  	v31 =	vld [tilespmem:$0x53E0];
	_ =	sdelay $0x1  }
0x4f: {  	v32 =	vld [tilespmem:$0x53F0]  }
0x50: {  	v0 =	vadd.f32 v30, v0  }
0x51: {  	v33 =	vld [tilespmem:$0x5400]  }
0x52: {  	v0 =	vadd.f32 v31, v0  }
0x53: {  	v34 =	vld [tilespmem:$0x5410]  }
0x54: {  	v0 =	vadd.f32 v32, v0  }
0x55: {  	v35 =	vld [tilespmem:$0x5420]  }
0x56: {  	v0 =	vadd.f32 v33, v0  }
0x57: {  	v36 =	vld [tilespmem:$0x5430]  }
0x58: {  	v0 =	vadd.f32 v34, v0  }
0x59: {  	v37 =	vld [tilespmem:$0x5440]  }
0x5a: {  	v0 =	vadd.f32 v35, v0  }
0x5b: {  	v38 =	vld [tilespmem:$0x5450]  }
0x5c: {  	v0 =	vadd.f32 v36, v0  }
0x5d: {  	v39 =	vld [tilespmem:$0x5460]  }
0x5e: {  	v0 =	vadd.f32 v37, v0  }
0x5f: {  	v40 =	vld [tilespmem:$0x5470]  }
0x60: {  	v0 =	vadd.f32 v38, v0  }
0x61: {  	v41 =	vld [tilespmem:$0x5480]  }
0x62: {  	v0 =	vadd.f32 v39, v0  }
0x63: {  	v42 =	vld [tilespmem:$0x5490]  }
0x64: {  	v0 =	vadd.f32 v40, v0  }
0x65: {  	v43 =	vld [tilespmem:$0x54A0]  }
0x66: {  	v0 =	vadd.f32 v41, v0  }
0x67: {  	v44 =	vld [tilespmem:$0x54B0]  }
0x68: {  	v0 =	vadd.f32 v42, v0  }
0x69: {  	v45 =	vld [tilespmem:$0x54C0]  }
0x6a: {  	v0 =	vadd.f32 v43, v0  }
0x6b: {  	v46 =	vld [tilespmem:$0x54D0]  }
0x6c: {  	v0 =	vadd.f32 v44, v0  }
0x6d: {  	v47 =	vld [tilespmem:$0x54E0]  }
0x6e: {  	v0 =	vadd.f32 v45, v0  }
0x6f: {  	v48 =	vld [tilespmem:$0x54F0]  }
0x70: {  	v0 =	vadd.f32 v46, v0;
	_ =	sdelay $0x1  }
0x71: {  	v0 =	vadd.f32 v47, v0;
	_ =	sdelay $0x1  }
0x72: {  	v0 =	vadd.f32 v48, v0;
	_ =	sdelay $0x1  }
0x73: {  	v0 =	vmul.f32 $5.000000070e-02, v0;
	_ =	sdelay $0x1  }
0x74: {  	[tilespmem:s22+$0xFFFFFF50] =	vst v0  }
0x75: {  	v0 =	vld [tilespmem:$0x5500]  }
0x76: {  	v49 =	vld [tilespmem:$0x5510];
	_ =	sdelay $0x1  }
0x77: {  	v50 =	vld [tilespmem:$0x5520];
	_ =	sdelay $0x1  }
0x78: {  	v51 =	vld [tilespmem:$0x5530]  }
0x79: {  	v0 =	vadd.f32 v49, v0  }
0x7a: {  	v52 =	vld [tilespmem:$0x5540]  }
0x7b: {  	v0 =	vadd.f32 v50, v0  }
0x7c: {  	v53 =	vld [tilespmem:$0x5550]  }
0x7d: {  	v0 =	vadd.f32 v51, v0  }
0x7e: {  	v54 =	vld [tilespmem:$0x5560]  }
0x7f: {  	v0 =	vadd.f32 v52, v0  }
0x80: {  	v55 =	vld [tilespmem:$0x5570]  }
0x81: {  	v0 =	vadd.f32 v53, v0  }
0x82: {  	v56 =	vld [tilespmem:$0x5580]  }
0x83: {  	v0 =	vadd.f32 v54, v0  }
0x84: {  	v57 =	vld [tilespmem:$0x5590]  }
0x85: {  	v0 =	vadd.f32 v55, v0  }
0x86: {  	v58 =	vld [tilespmem:$0x55A0]  }
0x87: {  	v0 =	vadd.f32 v56, v0  }
0x88: {  	v59 =	vld [tilespmem:$0x55B0]  }
0x89: {  	v0 =	vadd.f32 v57, v0  }
0x8a: {  	v60 =	vld [tilespmem:$0x55C0]  }
0x8b: {  	v0 =	vadd.f32 v58, v0  }
0x8c: {  	v61 =	vld [tilespmem:$0x55D0]  }
0x8d: {  	v0 =	vadd.f32 v59, v0  }
0x8e: {  	v62 =	vld [tilespmem:$0x55E0]  }
0x8f: {  	v0 =	vadd.f32 v60, v0  }
0x90: {  	v63 =	vld [tilespmem:$0x55F0]  }
0x91: {  	v0 =	vadd.f32 v61, v0  }
0x92: {  	v6 =	vld [tilespmem:$0x5600]  }
0x93: {  	v0 =	vadd.f32 v62, v0  }
0x94: {  	v7 =	vld [tilespmem:$0x5610]  }
0x95: {  	v0 =	vadd.f32 v63, v0  }
0x96: {  	v8 =	vld [tilespmem:$0x5620]  }
0x97: {  	v0 =	vadd.f32 v6, v0  }
0x98: {  	v9 =	vld [tilespmem:$0x5630]  }
0x99: {  	v0 =	vadd.f32 v7, v0;
	_ =	sdelay $0x1  }
0x9a: {  	v0 =	vadd.f32 v8, v0;
	_ =	sdelay $0x1  }
0x9b: {  	v0 =	vadd.f32 v9, v0;
	_ =	sdelay $0x1  }
0x9c: {  	v0 =	vmul.f32 $5.000000070e-02, v0;
	_ =	sdelay $0x1  }
0x9d: {  	[tilespmem:s22+$0xFFFFFF60] =	vst v0  }
0x9e: {  	v0 =	vld [tilespmem:$0x5640]  }
0x9f: {  	v10 =	vld [tilespmem:$0x5650];
	_ =	sdelay $0x1  }
0xa0: {  	v11 =	vld [tilespmem:$0x5660];
	_ =	sdelay $0x1  }
0xa1: {  	v12 =	vld [tilespmem:$0x5670]  }
0xa2: {  	v0 =	vadd.f32 v10, v0  }
0xa3: {  	v13 =	vld [tilespmem:$0x5680]  }
0xa4: {  	v0 =	vadd.f32 v11, v0  }
0xa5: {  	v14 =	vld [tilespmem:$0x5690]  }
0xa6: {  	v0 =	vadd.f32 v12, v0  }
0xa7: {  	v15 =	vld [tilespmem:$0x56A0]  }
0xa8: {  	v0 =	vadd.f32 v13, v0  }
0xa9: {  	v16 =	vld [tilespmem:$0x56B0]  }
0xaa: {  	v0 =	vadd.f32 v14, v0  }
0xab: {  	v17 =	vld [tilespmem:$0x56C0]  }
0xac: {  	v0 =	vadd.f32 v15, v0  }
0xad: {  	v18 =	vld [tilespmem:$0x56D0]  }
0xae: {  	v0 =	vadd.f32 v16, v0  }
0xaf: {  	v19 =	vld [tilespmem:$0x56E0]  }
0xb0: {  	v0 =	vadd.f32 v17, v0  }
0xb1: {  	v20 =	vld [tilespmem:$0x56F0]  }
0xb2: {  	v0 =	vadd.f32 v18, v0  }
0xb3: {  	v21 =	vld [tilespmem:$0x5700]  }
0xb4: {  	v0 =	vadd.f32 v19, v0  }
0xb5: {  	v22 =	vld [tilespmem:$0x5710]  }
0xb6: {  	v0 =	vadd.f32 v20, v0  }
0xb7: {  	v23 =	vld [tilespmem:$0x5720]  }
0xb8: {  	v0 =	vadd.f32 v21, v0  }
0xb9: {  	v24 =	vld [tilespmem:$0x5730]  }
0xba: {  	v0 =	vadd.f32 v22, v0  }
0xbb: {  	v25 =	vld [tilespmem:$0x5740]  }
0xbc: {  	v0 =	vadd.f32 v23, v0  }
0xbd: {  	v26 =	vld [tilespmem:$0x5750]  }
0xbe: {  	v0 =	vadd.f32 v24, v0  }
0xbf: {  	v27 =	vld [tilespmem:$0x5760]  }
0xc0: {  	v0 =	vadd.f32 v25, v0  }
0xc1: {  	v28 =	vld [tilespmem:$0x5770]  }
0xc2: {  	v0 =	vadd.f32 v26, v0;
	_ =	sdelay $0x1  }
0xc3: {  	v0 =	vadd.f32 v27, v0;
	_ =	sdelay $0x1  }
0xc4: {  	v0 =	vadd.f32 v28, v0;
	_ =	sdelay $0x1  }
0xc5: {  	v0 =	vmul.f32 $5.000000070e-02, v0;
	_ =	sdelay $0x1  }
0xc6: {  	[tilespmem:s22+$0xFFFFFF70] =	vst v0  }
0xc7: {  	v0 =	vld [tilespmem:$0x5780]  }
0xc8: {  	v29 =	vld [tilespmem:$0x5790];
	_ =	sdelay $0x1  }
0xc9: {  	v30 =	vld [tilespmem:$0x57A0];
	_ =	sdelay $0x1  }
0xca: {  	v31 =	vld [tilespmem:$0x57B0]  }
0xcb: {  	v0 =	vadd.f32 v29, v0  }
0xcc: {  	v32 =	vld [tilespmem:$0x57C0]  }
0xcd: {  	v0 =	vadd.f32 v30, v0  }
0xce: {  	v33 =	vld [tilespmem:$0x57D0]  }
0xcf: {  	v0 =	vadd.f32 v31, v0  }
0xd0: {  	v34 =	vld [tilespmem:$0x57E0]  }
0xd1: {  	v0 =	vadd.f32 v32, v0  }
0xd2: {  	v35 =	vld [tilespmem:$0x57F0]  }
0xd3: {  	v0 =	vadd.f32 v33, v0  }
0xd4: {  	v36 =	vld [tilespmem:$0x5800]  }
0xd5: {  	v0 =	vadd.f32 v34, v0  }
0xd6: {  	v37 =	vld [tilespmem:$0x5810]  }
0xd7: {  	v0 =	vadd.f32 v35, v0  }
0xd8: {  	v38 =	vld [tilespmem:$0x5820]  }
0xd9: {  	v0 =	vadd.f32 v36, v0  }
0xda: {  	v39 =	vld [tilespmem:$0x5830]  }
0xdb: {  	v0 =	vadd.f32 v37, v0  }
0xdc: {  	v40 =	vld [tilespmem:$0x5840]  }
0xdd: {  	v0 =	vadd.f32 v38, v0  }
0xde: {  	v41 =	vld [tilespmem:$0x5850]  }
0xdf: {  	v0 =	vadd.f32 v39, v0  }
0xe0: {  	v42 =	vld [tilespmem:$0x5860]  }
0xe1: {  	v0 =	vadd.f32 v40, v0  }
0xe2: {  	v43 =	vld [tilespmem:$0x5870]  }
0xe3: {  	v0 =	vadd.f32 v41, v0  }
0xe4: {  	v44 =	vld [tilespmem:$0x5880]  }
0xe5: {  	v0 =	vadd.f32 v42, v0  }
0xe6: {  	v45 =	vld [tilespmem:$0x5890]  }
0xe7: {  	v0 =	vadd.f32 v43, v0  }
0xe8: {  	v46 =	vld [tilespmem:$0x58A0]  }
0xe9: {  	v0 =	vadd.f32 v44, v0  }
0xea: {  	v47 =	vld [tilespmem:$0x58B0]  }
0xeb: {  	v0 =	vadd.f32 v45, v0;
	_ =	sdelay $0x1  }
0xec: {  	v0 =	vadd.f32 v46, v0;
	_ =	sdelay $0x1  }
0xed: {  	v0 =	vadd.f32 v47, v0;
	_ =	sdelay $0x1  }
0xee: {  	v0 =	vmul.f32 $5.000000070e-02, v0;
	_ =	sdelay $0x1  }
0xef: {  	[tilespmem:s22+$0xFFFFFF80] =	vst v0  }
0xf0: {  	v0 =	vld [tilespmem:$0x58C0]  }
0xf1: {  	v48 =	vld [tilespmem:$0x58D0];
	_ =	sdelay $0x1  }
0xf2: {  	v49 =	vld [tilespmem:$0x58E0];
	_ =	sdelay $0x1  }
0xf3: {  	v50 =	vld [tilespmem:$0x58F0]  }
0xf4: {  	v0 =	vadd.f32 v48, v0  }
0xf5: {  	v51 =	vld [tilespmem:$0x5900]  }
0xf6: {  	v0 =	vadd.f32 v49, v0  }
0xf7: {  	v52 =	vld [tilespmem:$0x5910]  }
0xf8: {  	v0 =	vadd.f32 v50, v0  }
0xf9: {  	v53 =	vld [tilespmem:$0x5920]  }
0xfa: {  	v0 =	vadd.f32 v51, v0  }
0xfb: {  	v54 =	vld [tilespmem:$0x5930]  }
0xfc: {  	v0 =	vadd.f32 v52, v0  }
0xfd: {  	v55 =	vld [tilespmem:$0x5940]  }
0xfe: {  	v0 =	vadd.f32 v53, v0  }
0xff: {  	v56 =	vld [tilespmem:$0x5950]  }
0x100: {  	v0 =	vadd.f32 v54, v0  }
0x101: {  	v57 =	vld [tilespmem:$0x5960]  }
0x102: {  	v0 =	vadd.f32 v55, v0  }
0x103: {  	v58 =	vld [tilespmem:$0x5970]  }
0x104: {  	v0 =	vadd.f32 v56, v0  }
0x105: {  	v59 =	vld [tilespmem:$0x5980]  }
0x106: {  	v0 =	vadd.f32 v57, v0  }
0x107: {  	v60 =	vld [tilespmem:$0x5990]  }
0x108: {  	v0 =	vadd.f32 v58, v0  }
0x109: {  	v61 =	vld [tilespmem:$0x59A0]  }
0x10a: {  	v0 =	vadd.f32 v59, v0  }
0x10b: {  	v62 =	vld [tilespmem:$0x59B0]  }
0x10c: {  	v0 =	vadd.f32 v60, v0  }
0x10d: {  	v63 =	vld [tilespmem:$0x59C0]  }
0x10e: {  	v0 =	vadd.f32 v61, v0  }
0x10f: {  	v6 =	vld [tilespmem:$0x59D0]  }
0x110: {  	v0 =	vadd.f32 v62, v0  }
0x111: {  	v7 =	vld [tilespmem:$0x59E0]  }
0x112: {  	v0 =	vadd.f32 v63, v0  }
0x113: {  	v8 =	vld [tilespmem:$0x59F0]  }
0x114: {  	v0 =	vadd.f32 v6, v0;
	_ =	sdelay $0x1  }
0x115: {  	v0 =	vadd.f32 v7, v0;
	_ =	sdelay $0x1  }
0x116: {  	v0 =	vadd.f32 v8, v0;
	_ =	sdelay $0x1  }
0x117: {  	p0 =	seq.s32 s21, $0x0;
	v0 =	vmul.f32 $5.000000070e-02, v0  }
0x118: {  	s23 =	sshra.s32 @!p0 s21, $0x2  }
0x119: {  	s24 =	simm.s32 @!p0 $0x78;
	s26 =	simm.s32 @!p0 $0x5280;
	s25 =	sadd.s32 @!p0 $0x5280, s23;
	[tilespmem:s22+$0xFFFFFF90] =	vst v0  }
0x11a: {  	[tilespmem:s26], [sflag:$0x1] =	stream.indirect.gather @!p0 [hbm4b:s3+s24], $0x10, s25, s24, $0xb8;
	[tilespmem:$0xB280] =	vst v63  }
0x11b: {  	_ =	swait.ge [sflag:s16], $0x780  }
0x11c: {  	[sflag:s16] =	ssyncset.done $0x0  }
0x11d: {  	[sflag:s16] =	ssyncadd.s32 $0xFFFFF880  }
0x11e: {  	v9 =	vld [tilespmem:$0x5A00]  }
0x11f: {  	v10 =	vld [tilespmem:$0x5A10];
	_ =	sdelay $0x1  }
0x120: {  	v11 =	vld [tilespmem:$0x5A20];
	_ =	sdelay $0x1  }
0x121: {  	v12 =	vld [tilespmem:$0x5A30]  }
0x122: {  	v0 =	vadd.f32 v10, v9  }
0x123: {  	v13 =	vld [tilespmem:$0x5A40]  }
0x124: {  	v0 =	vadd.f32 v11, v0  }
0x125: {  	v14 =	vld [tilespmem:$0x5A50]  }
0x126: {  	v0 =	vadd.f32 v12, v0  }
0x127: {  	v15 =	vld [tilespmem:$0x5A60]  }
0x128: {  	v0 =	vadd.f32 v13, v0  }
0x129: {  	v16 =	vld [tilespmem:$0x5A70]  }
0x12a: {  	v0 =	vadd.f32 v14, v0  }
0x12b: {  	v17 =	vld [tilespmem:$0x5A80]  }
0x12c: {  	v0 =	vadd.f32 v15, v0  }
0x12d: {  	v18 =	vld [tilespmem:$0x5A90]  }
0x12e: {  	v0 =	vadd.f32 v16, v0  }
0x12f: {  	v19 =	vld [tilespmem:$0x5AA0]  }
0x130: {  	v0 =	vadd.f32 v17, v0  }
0x131: {  	v20 =	vld [tilespmem:$0x5AB0]  }
0x132: {  	v0 =	vadd.f32 v18, v0  }
0x133: {  	v21 =	vld [tilespmem:$0x5AC0]  }
0x134: {  	v0 =	vadd.f32 v19, v0  }
0x135: {  	v22 =	vld [tilespmem:$0x5AD0]  }
0x136: {  	v0 =	vadd.f32 v20, v0  }
0x137: {  	v23 =	vld [tilespmem:$0x5AE0]  }
0x138: {  	v0 =	vadd.f32 v21, v0  }
0x139: {  	v24 =	vld [tilespmem:$0x5AF0]  }
0x13a: {  	v0 =	vadd.f32 v22, v0  }
0x13b: {  	v25 =	vld [tilespmem:$0x5B00]  }
0x13c: {  	v0 =	vadd.f32 v23, v0  }
0x13d: {  	v26 =	vld [tilespmem:$0x5B10]  }
0x13e: {  	v0 =	vadd.f32 v24, v0  }
0x13f: {  	v27 =	vld [tilespmem:$0x5B20]  }
0x140: {  	v0 =	vadd.f32 v25, v0  }
0x141: {  	v28 =	vld [tilespmem:$0x5B30]  }
0x142: {  	v0 =	vadd.f32 v26, v0;
	_ =	sdelay $0x1  }
0x143: {  	v0 =	vadd.f32 v27, v0;
	_ =	sdelay $0x1  }
0x144: {  	v0 =	vadd.f32 v28, v0;
	_ =	sdelay $0x1  }
0x145: {  	v0 =	vmul.f32 $5.000000070e-02, v0;
	_ =	sdelay $0x1  }
0x146: {  	[tilespmem:s22+$0xFFFFFFA0] =	vst v0  }
0x147: {  	v0 =	vld [tilespmem:$0x5B40]  }
0x148: {  	v29 =	vld [tilespmem:$0x5B50];
	_ =	sdelay $0x1  }
0x149: {  	v30 =	vld [tilespmem:$0x5B60];
	_ =	sdelay $0x1  }
0x14a: {  	v31 =	vld [tilespmem:$0x5B70]  }
0x14b: {  	v0 =	vadd.f32 v29, v0  }
0x14c: {  	v32 =	vld [tilespmem:$0x5B80]  }
0x14d: {  	v0 =	vadd.f32 v30, v0  }
0x14e: {  	v33 =	vld [tilespmem:$0x5B90]  }
0x14f: {  	v0 =	vadd.f32 v31, v0  }
0x150: {  	v34 =	vld [tilespmem:$0x5BA0]  }
0x151: {  	v0 =	vadd.f32 v32, v0  }
0x152: {  	v35 =	vld [tilespmem:$0x5BB0]  }
0x153: {  	v0 =	vadd.f32 v33, v0  }
0x154: {  	v36 =	vld [tilespmem:$0x5BC0]  }
0x155: {  	v0 =	vadd.f32 v34, v0  }
0x156: {  	v37 =	vld [tilespmem:$0x5BD0]  }
0x157: {  	v0 =	vadd.f32 v35, v0  }
0x158: {  	v38 =	vld [tilespmem:$0x5BE0]  }
0x159: {  	v0 =	vadd.f32 v36, v0  }
0x15a: {  	v39 =	vld [tilespmem:$0x5BF0]  }
0x15b: {  	v0 =	vadd.f32 v37, v0  }
0x15c: {  	v40 =	vld [tilespmem:$0x5C00]  }
0x15d: {  	v0 =	vadd.f32 v38, v0  }
0x15e: {  	v41 =	vld [tilespmem:$0x5C10]  }
0x15f: {  	v0 =	vadd.f32 v39, v0  }
0x160: {  	v42 =	vld [tilespmem:$0x5C20]  }
0x161: {  	v0 =	vadd.f32 v40, v0  }
0x162: {  	v43 =	vld [tilespmem:$0x5C30]  }
0x163: {  	v0 =	vadd.f32 v41, v0  }
0x164: {  	v44 =	vld [tilespmem:$0x5C40]  }
0x165: {  	v0 =	vadd.f32 v42, v0  }
0x166: {  	v45 =	vld [tilespmem:$0x5C50]  }
0x167: {  	v0 =	vadd.f32 v43, v0  }
0x168: {  	v46 =	vld [tilespmem:$0x5C60]  }
0x169: {  	v0 =	vadd.f32 v44, v0  }
0x16a: {  	v47 =	vld [tilespmem:$0x5C70]  }
0x16b: {  	v0 =	vadd.f32 v45, v0;
	_ =	sdelay $0x1  }
0x16c: {  	v0 =	vadd.f32 v46, v0;
	_ =	sdelay $0x1  }
0x16d: {  	v0 =	vadd.f32 v47, v0;
	_ =	sdelay $0x1  }
0x16e: {  	v0 =	vmul.f32 $5.000000070e-02, v0;
	_ =	sdelay $0x1  }
0x16f: {  	[tilespmem:s22+$0xFFFFFFB0] =	vst v0  }
0x170: {  	v0 =	vld [tilespmem:$0x5C80]  }
0x171: {  	v48 =	vld [tilespmem:$0x5C90];
	_ =	sdelay $0x1  }
0x172: {  	v49 =	vld [tilespmem:$0x5CA0];
	_ =	sdelay $0x1  }
0x173: {  	v50 =	vld [tilespmem:$0x5CB0]  }
0x174: {  	v0 =	vadd.f32 v48, v0  }
0x175: {  	v51 =	vld [tilespmem:$0x5CC0]  }
0x176: {  	v0 =	vadd.f32 v49, v0  }
0x177: {  	v52 =	vld [tilespmem:$0x5CD0]  }
0x178: {  	v0 =	vadd.f32 v50, v0  }
0x179: {  	v53 =	vld [tilespmem:$0x5CE0]  }
0x17a: {  	v0 =	vadd.f32 v51, v0  }
0x17b: {  	v54 =	vld [tilespmem:$0x5CF0]  }
0x17c: {  	v0 =	vadd.f32 v52, v0  }
0x17d: {  	v55 =	vld [tilespmem:$0x5D00]  }
0x17e: {  	v0 =	vadd.f32 v53, v0  }
0x17f: {  	v56 =	vld [tilespmem:$0x5D10]  }
0x180: {  	v0 =	vadd.f32 v54, v0  }
0x181: {  	v57 =	vld [tilespmem:$0x5D20]  }
0x182: {  	v0 =	vadd.f32 v55, v0  }
0x183: {  	v58 =	vld [tilespmem:$0x5D30]  }
0x184: {  	v0 =	vadd.f32 v56, v0  }
0x185: {  	v59 =	vld [tilespmem:$0x5D40]  }
0x186: {  	v0 =	vadd.f32 v57, v0  }
0x187: {  	v60 =	vld [tilespmem:$0x5D50]  }
0x188: {  	v0 =	vadd.f32 v58, v0  }
0x189: {  	v61 =	vld [tilespmem:$0x5D60]  }
0x18a: {  	v0 =	vadd.f32 v59, v0  }
0x18b: {  	v62 =	vld [tilespmem:$0x5D70]  }
0x18c: {  	v0 =	vadd.f32 v60, v0  }
0x18d: {  	v63 =	vld [tilespmem:$0x5D80]  }
0x18e: {  	v0 =	vadd.f32 v61, v0  }
0x18f: {  	v6 =	vld [tilespmem:$0x5D90]  }
0x190: {  	v0 =	vadd.f32 v62, v0  }
0x191: {  	v7 =	vld [tilespmem:$0x5DA0]  }
0x192: {  	v0 =	vadd.f32 v63, v0  }
0x193: {  	v8 =	vld [tilespmem:$0x5DB0]  }
0x194: {  	v0 =	vadd.f32 v6, v0;
	_ =	sdelay $0x1  }
0x195: {  	v0 =	vadd.f32 v7, v0;
	_ =	sdelay $0x1  }
0x196: {  	v0 =	vadd.f32 v8, v0;
	_ =	sdelay $0x1  }
0x197: {  	v0 =	vmul.f32 $5.000000070e-02, v0;
	_ =	sdelay $0x1  }
0x198: {  	[tilespmem:s22+$0xFFFFFFC0] =	vst v0  }
0x199: {  	v0 =	vld [tilespmem:$0x5DC0]  }
0x19a: {  	v9 =	vld [tilespmem:$0x5DD0];
	_ =	sdelay $0x1  }
0x19b: {  	v10 =	vld [tilespmem:$0x5DE0];
	_ =	sdelay $0x1  }
0x19c: {  	v11 =	vld [tilespmem:$0x5DF0]  }
0x19d: {  	v0 =	vadd.f32 v9, v0  }
0x19e: {  	v12 =	vld [tilespmem:$0x5E00]  }
0x19f: {  	v0 =	vadd.f32 v10, v0  }
0x1a0: {  	v13 =	vld [tilespmem:$0x5E10]  }
0x1a1: {  	v0 =	vadd.f32 v11, v0  }
0x1a2: {  	v14 =	vld [tilespmem:$0x5E20]  }
0x1a3: {  	v0 =	vadd.f32 v12, v0  }
0x1a4: {  	v15 =	vld [tilespmem:$0x5E30]  }
0x1a5: {  	v0 =	vadd.f32 v13, v0  }
0x1a6: {  	v16 =	vld [tilespmem:$0x5E40]  }
0x1a7: {  	v0 =	vadd.f32 v14, v0  }
0x1a8: {  	v17 =	vld [tilespmem:$0x5E50]  }
0x1a9: {  	v0 =	vadd.f32 v15, v0  }
0x1aa: {  	v18 =	vld [tilespmem:$0x5E60]  }
0x1ab: {  	v0 =	vadd.f32 v16, v0  }
0x1ac: {  	v19 =	vld [tilespmem:$0x5E70]  }
0x1ad: {  	v0 =	vadd.f32 v17, v0  }
0x1ae: {  	v20 =	vld [tilespmem:$0x5E80]  }
0x1af: {  	v0 =	vadd.f32 v18, v0  }
0x1b0: {  	v21 =	vld [tilespmem:$0x5E90]  }
0x1b1: {  	v0 =	vadd.f32 v19, v0  }
0x1b2: {  	v22 =	vld [tilespmem:$0x5EA0]  }
0x1b3: {  	v0 =	vadd.f32 v20, v0  }
0x1b4: {  	v23 =	vld [tilespmem:$0x5EB0]  }
0x1b5: {  	v0 =	vadd.f32 v21, v0  }
0x1b6: {  	v24 =	vld [tilespmem:$0x5EC0]  }
0x1b7: {  	v0 =	vadd.f32 v22, v0  }
0x1b8: {  	v25 =	vld [tilespmem:$0x5ED0]  }
0x1b9: {  	v0 =	vadd.f32 v23, v0  }
0x1ba: {  	v26 =	vld [tilespmem:$0x5EE0]  }
0x1bb: {  	v0 =	vadd.f32 v24, v0  }
0x1bc: {  	v27 =	vld [tilespmem:$0x5EF0]  }
0x1bd: {  	v0 =	vadd.f32 v25, v0;
	_ =	sdelay $0x1  }
0x1be: {  	v0 =	vadd.f32 v26, v0;
	_ =	sdelay $0x1  }
0x1bf: {  	v0 =	vadd.f32 v27, v0;
	_ =	sdelay $0x1  }
0x1c0: {  	v0 =	vmul.f32 $5.000000070e-02, v0;
	_ =	sdelay $0x1  }
0x1c1: {  	[tilespmem:s22+$0xFFFFFFD0] =	vst v0  }
0x1c2: {  	v0 =	vld [tilespmem:$0x5F00]  }
0x1c3: {  	v28 =	vld [tilespmem:$0x5F10];
	_ =	sdelay $0x1  }
0x1c4: {  	v29 =	vld [tilespmem:$0x5F20];
	_ =	sdelay $0x1  }
0x1c5: {  	v30 =	vld [tilespmem:$0x5F30]  }
0x1c6: {  	v0 =	vadd.f32 v28, v0  }
0x1c7: {  	v31 =	vld [tilespmem:$0x5F40]  }
0x1c8: {  	v0 =	vadd.f32 v29, v0  }
0x1c9: {  	v32 =	vld [tilespmem:$0x5F50]  }
0x1ca: {  	v0 =	vadd.f32 v30, v0  }
0x1cb: {  	v33 =	vld [tilespmem:$0x5F60]  }
0x1cc: {  	v0 =	vadd.f32 v31, v0  }
0x1cd: {  	v34 =	vld [tilespmem:$0x5F70]  }
0x1ce: {  	v0 =	vadd.f32 v32, v0  }
0x1cf: {  	v35 =	vld [tilespmem:$0x5F80]  }
0x1d0: {  	v0 =	vadd.f32 v33, v0  }
0x1d1: {  	v36 =	vld [tilespmem:$0x5F90]  }
0x1d2: {  	v0 =	vadd.f32 v34, v0  }
0x1d3: {  	v37 =	vld [tilespmem:$0x5FA0]  }
0x1d4: {  	v0 =	vadd.f32 v35, v0  }
0x1d5: {  	v38 =	vld [tilespmem:$0x5FB0]  }
0x1d6: {  	v0 =	vadd.f32 v36, v0  }
0x1d7: {  	v39 =	vld [tilespmem:$0x5FC0]  }
0x1d8: {  	v0 =	vadd.f32 v37, v0  }
0x1d9: {  	v40 =	vld [tilespmem:$0x5FD0]  }
0x1da: {  	v0 =	vadd.f32 v38, v0  }
0x1db: {  	v41 =	vld [tilespmem:$0x5FE0]  }
0x1dc: {  	v0 =	vadd.f32 v39, v0  }
0x1dd: {  	v42 =	vld [tilespmem:$0x5FF0]  }
0x1de: {  	v0 =	vadd.f32 v40, v0  }
0x1df: {  	v43 =	vld [tilespmem:$0x6000]  }
0x1e0: {  	v0 =	vadd.f32 v41, v0  }
0x1e1: {  	v44 =	vld [tilespmem:$0x6010]  }
0x1e2: {  	v0 =	vadd.f32 v42, v0  }
0x1e3: {  	v45 =	vld [tilespmem:$0x6020]  }
0x1e4: {  	v0 =	vadd.f32 v43, v0  }
0x1e5: {  	v46 =	vld [tilespmem:$0x6030]  }
0x1e6: {  	v0 =	vadd.f32 v44, v0;
	_ =	sdelay $0x1  }
0x1e7: {  	v0 =	vadd.f32 v45, v0;
	_ =	sdelay $0x1  }
0x1e8: {  	v0 =	vadd.f32 v46, v0;
	_ =	sdelay $0x1  }
0x1e9: {  	v0 =	vmul.f32 $5.000000070e-02, v0;
	_ =	sdelay $0x1  }
0x1ea: {  	[tilespmem:s22+$0xFFFFFFE0] =	vst v0  }
0x1eb: {  	v0 =	vld [tilespmem:$0x6040]  }
0x1ec: {  	v47 =	vld [tilespmem:$0x6050];
	_ =	sdelay $0x1  }
0x1ed: {  	v48 =	vld [tilespmem:$0x6060];
	_ =	sdelay $0x1  }
0x1ee: {  	v49 =	vld [tilespmem:$0x6070]  }
0x1ef: {  	v0 =	vadd.f32 v47, v0  }
0x1f0: {  	v50 =	vld [tilespmem:$0x6080]  }
0x1f1: {  	v0 =	vadd.f32 v48, v0  }
0x1f2: {  	v51 =	vld [tilespmem:$0x6090]  }
0x1f3: {  	v0 =	vadd.f32 v49, v0  }
0x1f4: {  	v52 =	vld [tilespmem:$0x60A0]  }
0x1f5: {  	v0 =	vadd.f32 v50, v0  }
0x1f6: {  	v53 =	vld [tilespmem:$0x60B0]  }
0x1f7: {  	v0 =	vadd.f32 v51, v0  }
0x1f8: {  	v54 =	vld [tilespmem:$0x60C0]  }
0x1f9: {  	v0 =	vadd.f32 v52, v0  }
0x1fa: {  	v55 =	vld [tilespmem:$0x60D0]  }
0x1fb: {  	v0 =	vadd.f32 v53, v0  }
0x1fc: {  	v56 =	vld [tilespmem:$0x60E0]  }
0x1fd: {  	v0 =	vadd.f32 v54, v0  }
0x1fe: {  	v57 =	vld [tilespmem:$0x60F0]  }
0x1ff: {  	v0 =	vadd.f32 v55, v0  }
0x200: {  	v58 =	vld [tilespmem:$0x6100]  }
0x201: {  	v0 =	vadd.f32 v56, v0  }
0x202: {  	v59 =	vld [tilespmem:$0x6110]  }
0x203: {  	v0 =	vadd.f32 v57, v0  }
0x204: {  	v60 =	vld [tilespmem:$0x6120]  }
0x205: {  	v0 =	vadd.f32 v58, v0  }
0x206: {  	v61 =	vld [tilespmem:$0x6130]  }
0x207: {  	v0 =	vadd.f32 v59, v0  }
0x208: {  	v62 =	vld [tilespmem:$0x6140]  }
0x209: {  	v0 =	vadd.f32 v60, v0  }
0x20a: {  	v63 =	vld [tilespmem:$0x6150]  }
0x20b: {  	v0 =	vadd.f32 v61, v0  }
0x20c: {  	v6 =	vld [tilespmem:$0x6160]  }
0x20d: {  	v0 =	vadd.f32 v62, v0  }
0x20e: {  	v7 =	vld [tilespmem:$0x6170]  }
0x20f: {  	v0 =	vadd.f32 v63, v0;
	_ =	sdelay $0x1  }
0x210: {  	v0 =	vadd.f32 v6, v0;
	_ =	sdelay $0x1  }
0x211: {  	v0 =	vadd.f32 v7, v0;
	_ =	sdelay $0x1  }
0x212: {  	v0 =	vmul.f32 $5.000000070e-02, v0;
	_ =	sdelay $0x1  }
0x213: {  	s25 =	sadd.s32 @!p0 $0x52F8, s23;
	s26 =	simm.s32 @!p0 $0x5A00;
	[tilespmem:s22+$0xFFFFFFF0] =	vst v0  }
0x214: {  	[tilespmem:s26], [sflag:$0x2] =	stream.indirect.gather @!p0 [hbm4b:s3+s24], $0x10, s25, s24, $0xb8;
	[tilespmem:$0xB280] =	vst v63  }
0x215: {  	_ =	swait.ge [sflag:s17], $0x780  }
0x216: {  	[sflag:s17] =	ssyncset.done $0x0  }
0x217: {  	[sflag:s17] =	ssyncadd.s32 $0xFFFFF880  }
0x218: {  	v8 =	vld [tilespmem:$0x6180]  }
0x219: {  	v9 =	vld [tilespmem:$0x6190];
	_ =	sdelay $0x1  }
0x21a: {  	v10 =	vld [tilespmem:$0x61A0];
	_ =	sdelay $0x1  }
0x21b: {  	v11 =	vld [tilespmem:$0x61B0]  }
0x21c: {  	v0 =	vadd.f32 v9, v8  }
0x21d: {  	v12 =	vld [tilespmem:$0x61C0]  }
0x21e: {  	v0 =	vadd.f32 v10, v0  }
0x21f: {  	v13 =	vld [tilespmem:$0x61D0]  }
0x220: {  	v0 =	vadd.f32 v11, v0  }
0x221: {  	v14 =	vld [tilespmem:$0x61E0]  }
0x222: {  	v0 =	vadd.f32 v12, v0  }
0x223: {  	v15 =	vld [tilespmem:$0x61F0]  }
0x224: {  	v0 =	vadd.f32 v13, v0  }
0x225: {  	v16 =	vld [tilespmem:$0x6200]  }
0x226: {  	v0 =	vadd.f32 v14, v0  }
0x227: {  	v17 =	vld [tilespmem:$0x6210]  }
0x228: {  	v0 =	vadd.f32 v15, v0  }
0x229: {  	v18 =	vld [tilespmem:$0x6220]  }
0x22a: {  	v0 =	vadd.f32 v16, v0  }
0x22b: {  	v19 =	vld [tilespmem:$0x6230]  }
0x22c: {  	v0 =	vadd.f32 v17, v0  }
0x22d: {  	v20 =	vld [tilespmem:$0x6240]  }
0x22e: {  	v0 =	vadd.f32 v18, v0  }
0x22f: {  	v21 =	vld [tilespmem:$0x6250]  }
0x230: {  	v0 =	vadd.f32 v19, v0  }
0x231: {  	v22 =	vld [tilespmem:$0x6260]  }
0x232: {  	v0 =	vadd.f32 v20, v0  }
0x233: {  	v23 =	vld [tilespmem:$0x6270]  }
0x234: {  	v0 =	vadd.f32 v21, v0  }
0x235: {  	v24 =	vld [tilespmem:$0x6280]  }
0x236: {  	v0 =	vadd.f32 v22, v0  }
0x237: {  	v25 =	vld [tilespmem:$0x6290]  }
0x238: {  	v0 =	vadd.f32 v23, v0  }
0x239: {  	v26 =	vld [tilespmem:$0x62A0]  }
0x23a: {  	v0 =	vadd.f32 v24, v0  }
0x23b: {  	v27 =	vld [tilespmem:$0x62B0]  }
0x23c: {  	v0 =	vadd.f32 v25, v0;
	_ =	sdelay $0x1  }
0x23d: {  	v0 =	vadd.f32 v26, v0;
	_ =	sdelay $0x1  }
0x23e: {  	v0 =	vadd.f32 v27, v0;
	_ =	sdelay $0x1  }
0x23f: {  	v0 =	vmul.f32 $5.000000070e-02, v0;
	_ =	sdelay $0x1  }
0x240: {  	[tilespmem:s22+$0x0] =	vst v0  }
0x241: {  	v0 =	vld [tilespmem:$0x62C0]  }
0x242: {  	v28 =	vld [tilespmem:$0x62D0];
	_ =	sdelay $0x1  }
0x243: {  	v29 =	vld [tilespmem:$0x62E0];
	_ =	sdelay $0x1  }
0x244: {  	v30 =	vld [tilespmem:$0x62F0]  }
0x245: {  	v0 =	vadd.f32 v28, v0  }
0x246: {  	v31 =	vld [tilespmem:$0x6300]  }
0x247: {  	v0 =	vadd.f32 v29, v0  }
0x248: {  	v32 =	vld [tilespmem:$0x6310]  }
0x249: {  	v0 =	vadd.f32 v30, v0  }
0x24a: {  	v33 =	vld [tilespmem:$0x6320]  }
0x24b: {  	v0 =	vadd.f32 v31, v0  }
0x24c: {  	v34 =	vld [tilespmem:$0x6330]  }
0x24d: {  	v0 =	vadd.f32 v32, v0  }
0x24e: {  	v35 =	vld [tilespmem:$0x6340]  }
0x24f: {  	v0 =	vadd.f32 v33, v0  }
0x250: {  	v36 =	vld [tilespmem:$0x6350]  }
0x251: {  	v0 =	vadd.f32 v34, v0  }
0x252: {  	v37 =	vld [tilespmem:$0x6360]  }
0x253: {  	v0 =	vadd.f32 v35, v0  }
0x254: {  	v38 =	vld [tilespmem:$0x6370]  }
0x255: {  	v0 =	vadd.f32 v36, v0  }
0x256: {  	v39 =	vld [tilespmem:$0x6380]  }
0x257: {  	v0 =	vadd.f32 v37, v0  }
0x258: {  	v40 =	vld [tilespmem:$0x6390]  }
0x259: {  	v0 =	vadd.f32 v38, v0  }
0x25a: {  	v41 =	vld [tilespmem:$0x63A0]  }
0x25b: {  	v0 =	vadd.f32 v39, v0  }
0x25c: {  	v42 =	vld [tilespmem:$0x63B0]  }
0x25d: {  	v0 =	vadd.f32 v40, v0  }
0x25e: {  	v43 =	vld [tilespmem:$0x63C0]  }
0x25f: {  	v0 =	vadd.f32 v41, v0  }
0x260: {  	v44 =	vld [tilespmem:$0x63D0]  }
0x261: {  	v0 =	vadd.f32 v42, v0  }
0x262: {  	v45 =	vld [tilespmem:$0x63E0]  }
0x263: {  	v0 =	vadd.f32 v43, v0  }
0x264: {  	v46 =	vld [tilespmem:$0x63F0]  }
0x265: {  	v0 =	vadd.f32 v44, v0;
	_ =	sdelay $0x1  }
0x266: {  	v0 =	vadd.f32 v45, v0;
	_ =	sdelay $0x1  }
0x267: {  	v0 =	vadd.f32 v46, v0;
	_ =	sdelay $0x1  }
0x268: {  	v0 =	vmul.f32 $5.000000070e-02, v0;
	_ =	sdelay $0x1  }
0x269: {  	[tilespmem:s22+$0x10] =	vst v0  }
0x26a: {  	v0 =	vld [tilespmem:$0x6400]  }
0x26b: {  	v47 =	vld [tilespmem:$0x6410];
	_ =	sdelay $0x1  }
0x26c: {  	v48 =	vld [tilespmem:$0x6420];
	_ =	sdelay $0x1  }
0x26d: {  	v49 =	vld [tilespmem:$0x6430]  }
0x26e: {  	v0 =	vadd.f32 v47, v0  }
0x26f: {  	v50 =	vld [tilespmem:$0x6440]  }
0x270: {  	v0 =	vadd.f32 v48, v0  }
0x271: {  	v51 =	vld [tilespmem:$0x6450]  }
0x272: {  	v0 =	vadd.f32 v49, v0  }
0x273: {  	v52 =	vld [tilespmem:$0x6460]  }
0x274: {  	v0 =	vadd.f32 v50, v0  }
0x275: {  	v53 =	vld [tilespmem:$0x6470]  }
0x276: {  	v0 =	vadd.f32 v51, v0  }
0x277: {  	v54 =	vld [tilespmem:$0x6480]  }
0x278: {  	v0 =	vadd.f32 v52, v0  }
0x279: {  	v55 =	vld [tilespmem:$0x6490]  }
0x27a: {  	v0 =	vadd.f32 v53, v0  }
0x27b: {  	v56 =	vld [tilespmem:$0x64A0]  }
0x27c: {  	v0 =	vadd.f32 v54, v0  }
0x27d: {  	v57 =	vld [tilespmem:$0x64B0]  }
0x27e: {  	v0 =	vadd.f32 v55, v0  }
0x27f: {  	v58 =	vld [tilespmem:$0x64C0]  }
0x280: {  	v0 =	vadd.f32 v56, v0  }
0x281: {  	v59 =	vld [tilespmem:$0x64D0]  }
0x282: {  	v0 =	vadd.f32 v57, v0  }
0x283: {  	v60 =	vld [tilespmem:$0x64E0]  }
0x284: {  	v0 =	vadd.f32 v58, v0  }
0x285: {  	v61 =	vld [tilespmem:$0x64F0]  }
0x286: {  	v0 =	vadd.f32 v59, v0  }
0x287: {  	v62 =	vld [tilespmem:$0x6500]  }
0x288: {  	v0 =	vadd.f32 v60, v0  }
0x289: {  	v63 =	vld [tilespmem:$0x6510]  }
0x28a: {  	v0 =	vadd.f32 v61, v0  }
0x28b: {  	v6 =	vld [tilespmem:$0x6520]  }
0x28c: {  	v0 =	vadd.f32 v62, v0  }
0x28d: {  	v7 =	vld [tilespmem:$0x6530]  }
0x28e: {  	v0 =	vadd.f32 v63, v0;
	_ =	sdelay $0x1  }
0x28f: {  	v0 =	vadd.f32 v6, v0;
	_ =	sdelay $0x1  }
0x290: {  	v0 =	vadd.f32 v7, v0;
	_ =	sdelay $0x1  }
0x291: {  	v0 =	vmul.f32 $5.000000070e-02, v0;
	_ =	sdelay $0x1  }
0x292: {  	[tilespmem:s22+$0x20] =	vst v0  }
0x293: {  	v0 =	vld [tilespmem:$0x6540]  }
0x294: {  	v8 =	vld [tilespmem:$0x6550];
	_ =	sdelay $0x1  }
0x295: {  	v9 =	vld [tilespmem:$0x6560];
	_ =	sdelay $0x1  }
0x296: {  	v10 =	vld [tilespmem:$0x6570]  }
0x297: {  	v0 =	vadd.f32 v8, v0  }
0x298: {  	v11 =	vld [tilespmem:$0x6580]  }
0x299: {  	v0 =	vadd.f32 v9, v0  }
0x29a: {  	v12 =	vld [tilespmem:$0x6590]  }
0x29b: {  	v0 =	vadd.f32 v10, v0  }
0x29c: {  	v13 =	vld [tilespmem:$0x65A0]  }
0x29d: {  	v0 =	vadd.f32 v11, v0  }
0x29e: {  	v14 =	vld [tilespmem:$0x65B0]  }
0x29f: {  	v0 =	vadd.f32 v12, v0  }
0x2a0: {  	v15 =	vld [tilespmem:$0x65C0]  }
0x2a1: {  	v0 =	vadd.f32 v13, v0  }
0x2a2: {  	v16 =	vld [tilespmem:$0x65D0]  }
0x2a3: {  	v0 =	vadd.f32 v14, v0  }
0x2a4: {  	v17 =	vld [tilespmem:$0x65E0]  }
0x2a5: {  	v0 =	vadd.f32 v15, v0  }
0x2a6: {  	v18 =	vld [tilespmem:$0x65F0]  }
0x2a7: {  	v0 =	vadd.f32 v16, v0  }
0x2a8: {  	v19 =	vld [tilespmem:$0x6600]  }
0x2a9: {  	v0 =	vadd.f32 v17, v0  }
0x2aa: {  	v20 =	vld [tilespmem:$0x6610]  }
0x2ab: {  	v0 =	vadd.f32 v18, v0  }
0x2ac: {  	v21 =	vld [tilespmem:$0x6620]  }
0x2ad: {  	v0 =	vadd.f32 v19, v0  }
0x2ae: {  	v22 =	vld [tilespmem:$0x6630]  }
0x2af: {  	v0 =	vadd.f32 v20, v0  }
0x2b0: {  	v23 =	vld [tilespmem:$0x6640]  }
0x2b1: {  	v0 =	vadd.f32 v21, v0  }
0x2b2: {  	v24 =	vld [tilespmem:$0x6650]  }
0x2b3: {  	v0 =	vadd.f32 v22, v0  }
0x2b4: {  	v25 =	vld [tilespmem:$0x6660]  }
0x2b5: {  	v0 =	vadd.f32 v23, v0  }
0x2b6: {  	v26 =	vld [tilespmem:$0x6670]  }
0x2b7: {  	v0 =	vadd.f32 v24, v0;
	_ =	sdelay $0x1  }
0x2b8: {  	v0 =	vadd.f32 v25, v0;
	_ =	sdelay $0x1  }
0x2b9: {  	v0 =	vadd.f32 v26, v0;
	_ =	sdelay $0x1  }
0x2ba: {  	v0 =	vmul.f32 $5.000000070e-02, v0;
	_ =	sdelay $0x1  }
0x2bb: {  	[tilespmem:s22+$0x30] =	vst v0  }
0x2bc: {  	v0 =	vld [tilespmem:$0x6680]  }
0x2bd: {  	v27 =	vld [tilespmem:$0x6690];
	_ =	sdelay $0x1  }
0x2be: {  	v28 =	vld [tilespmem:$0x66A0];
	_ =	sdelay $0x1  }
0x2bf: {  	v29 =	vld [tilespmem:$0x66B0]  }
0x2c0: {  	v0 =	vadd.f32 v27, v0  }
0x2c1: {  	v30 =	vld [tilespmem:$0x66C0]  }
0x2c2: {  	v0 =	vadd.f32 v28, v0  }
0x2c3: {  	v31 =	vld [tilespmem:$0x66D0]  }
0x2c4: {  	v0 =	vadd.f32 v29, v0  }
0x2c5: {  	v32 =	vld [tilespmem:$0x66E0]  }
0x2c6: {  	v0 =	vadd.f32 v30, v0  }
0x2c7: {  	v33 =	vld [tilespmem:$0x66F0]  }
0x2c8: {  	v0 =	vadd.f32 v31, v0  }
0x2c9: {  	v34 =	vld [tilespmem:$0x6700]  }
0x2ca: {  	v0 =	vadd.f32 v32, v0  }
0x2cb: {  	v35 =	vld [tilespmem:$0x6710]  }
0x2cc: {  	v0 =	vadd.f32 v33, v0  }
0x2cd: {  	v36 =	vld [tilespmem:$0x6720]  }
0x2ce: {  	v0 =	vadd.f32 v34, v0  }
0x2cf: {  	v37 =	vld [tilespmem:$0x6730]  }
0x2d0: {  	v0 =	vadd.f32 v35, v0  }
0x2d1: {  	v38 =	vld [tilespmem:$0x6740]  }
0x2d2: {  	v0 =	vadd.f32 v36, v0  }
0x2d3: {  	v39 =	vld [tilespmem:$0x6750]  }
0x2d4: {  	v0 =	vadd.f32 v37, v0  }
0x2d5: {  	v40 =	vld [tilespmem:$0x6760]  }
0x2d6: {  	v0 =	vadd.f32 v38, v0  }
0x2d7: {  	v41 =	vld [tilespmem:$0x6770]  }
0x2d8: {  	v0 =	vadd.f32 v39, v0  }
0x2d9: {  	v42 =	vld [tilespmem:$0x6780]  }
0x2da: {  	v0 =	vadd.f32 v40, v0  }
0x2db: {  	v43 =	vld [tilespmem:$0x6790]  }
0x2dc: {  	v0 =	vadd.f32 v41, v0  }
0x2dd: {  	v44 =	vld [tilespmem:$0x67A0]  }
0x2de: {  	v0 =	vadd.f32 v42, v0  }
0x2df: {  	v45 =	vld [tilespmem:$0x67B0]  }
0x2e0: {  	v0 =	vadd.f32 v43, v0;
	_ =	sdelay $0x1  }
0x2e1: {  	v0 =	vadd.f32 v44, v0;
	_ =	sdelay $0x1  }
0x2e2: {  	v0 =	vadd.f32 v45, v0;
	_ =	sdelay $0x1  }
0x2e3: {  	v0 =	vmul.f32 $5.000000070e-02, v0;
	_ =	sdelay $0x1  }
0x2e4: {  	[tilespmem:s22+$0x40] =	vst v0  }
0x2e5: {  	v0 =	vld [tilespmem:$0x67C0]  }
0x2e6: {  	v46 =	vld [tilespmem:$0x67D0];
	_ =	sdelay $0x1  }
0x2e7: {  	v47 =	vld [tilespmem:$0x67E0];
	_ =	sdelay $0x1  }
0x2e8: {  	v48 =	vld [tilespmem:$0x67F0]  }
0x2e9: {  	v0 =	vadd.f32 v46, v0  }
0x2ea: {  	v49 =	vld [tilespmem:$0x6800]  }
0x2eb: {  	v0 =	vadd.f32 v47, v0  }
0x2ec: {  	v50 =	vld [tilespmem:$0x6810]  }
0x2ed: {  	v0 =	vadd.f32 v48, v0  }
0x2ee: {  	v51 =	vld [tilespmem:$0x6820]  }
0x2ef: {  	v0 =	vadd.f32 v49, v0  }
0x2f0: {  	v52 =	vld [tilespmem:$0x6830]  }
0x2f1: {  	v0 =	vadd.f32 v50, v0  }
0x2f2: {  	v53 =	vld [tilespmem:$0x6840]  }
0x2f3: {  	v0 =	vadd.f32 v51, v0  }
0x2f4: {  	v54 =	vld [tilespmem:$0x6850]  }
0x2f5: {  	v0 =	vadd.f32 v52, v0  }
0x2f6: {  	v55 =	vld [tilespmem:$0x6860]  }
0x2f7: {  	v0 =	vadd.f32 v53, v0  }
0x2f8: {  	v56 =	vld [tilespmem:$0x6870]  }
0x2f9: {  	v0 =	vadd.f32 v54, v0  }
0x2fa: {  	v57 =	vld [tilespmem:$0x6880]  }
0x2fb: {  	v0 =	vadd.f32 v55, v0  }
0x2fc: {  	v58 =	vld [tilespmem:$0x6890]  }
0x2fd: {  	v0 =	vadd.f32 v56, v0  }
0x2fe: {  	v59 =	vld [tilespmem:$0x68A0]  }
0x2ff: {  	v0 =	vadd.f32 v57, v0  }
0x300: {  	v60 =	vld [tilespmem:$0x68B0]  }
0x301: {  	v0 =	vadd.f32 v58, v0  }
0x302: {  	v61 =	vld [tilespmem:$0x68C0]  }
0x303: {  	v0 =	vadd.f32 v59, v0  }
0x304: {  	v62 =	vld [tilespmem:$0x68D0]  }
0x305: {  	v0 =	vadd.f32 v60, v0  }
0x306: {  	v63 =	vld [tilespmem:$0x68E0]  }
0x307: {  	v0 =	vadd.f32 v61, v0  }
0x308: {  	v6 =	vld [tilespmem:$0x68F0]  }
0x309: {  	v0 =	vadd.f32 v62, v0;
	_ =	sdelay $0x1  }
0x30a: {  	v0 =	vadd.f32 v63, v0;
	_ =	sdelay $0x1  }
0x30b: {  	v0 =	vadd.f32 v6, v0;
	_ =	sdelay $0x1  }
0x30c: {  	v0 =	vmul.f32 $5.000000070e-02, v0;
	_ =	sdelay $0x1  }
0x30d: {  	s23 =	sadd.s32 @!p0 $0x5370, s23;
	s25 =	simm.s32 @!p0 $0x6180;
	[tilespmem:s22+$0x50] =	vst v0  }
0x30e: {  	[tilespmem:s25], [sflag:$0x3] =	stream.indirect.gather @!p0 [hbm4b:s3+s24], $0x10, s23, s24, $0xb8;
	[tilespmem:$0xB280] =	vst v63  }
0x30f: {  	_ =	swait.ge [sflag:s18], $0x780  }
0x310: {  	[sflag:s18] =	ssyncset.done $0x0  }
0x311: {  	[sflag:s18] =	ssyncadd.s32 $0xFFFFF880  }
0x312: {  	v7 =	vld [tilespmem:$0x6900]  }
0x313: {  	v8 =	vld [tilespmem:$0x6910];
	_ =	sdelay $0x1  }
0x314: {  	v9 =	vld [tilespmem:$0x6920];
	_ =	sdelay $0x1  }
0x315: {  	v10 =	vld [tilespmem:$0x6930]  }
0x316: {  	v0 =	vadd.f32 v8, v7  }
0x317: {  	v11 =	vld [tilespmem:$0x6940]  }
0x318: {  	v0 =	vadd.f32 v9, v0  }
0x319: {  	v12 =	vld [tilespmem:$0x6950]  }
0x31a: {  	v0 =	vadd.f32 v10, v0  }
0x31b: {  	v13 =	vld [tilespmem:$0x6960]  }
0x31c: {  	v0 =	vadd.f32 v11, v0  }
0x31d: {  	v14 =	vld [tilespmem:$0x6970]  }
0x31e: {  	v0 =	vadd.f32 v12, v0  }
0x31f: {  	v15 =	vld [tilespmem:$0x6980]  }
0x320: {  	v0 =	vadd.f32 v13, v0  }
0x321: {  	v16 =	vld [tilespmem:$0x6990]  }
0x322: {  	v0 =	vadd.f32 v14, v0  }
0x323: {  	v17 =	vld [tilespmem:$0x69A0]  }
0x324: {  	v0 =	vadd.f32 v15, v0  }
0x325: {  	v18 =	vld [tilespmem:$0x69B0]  }
0x326: {  	v0 =	vadd.f32 v16, v0  }
0x327: {  	v19 =	vld [tilespmem:$0x69C0]  }
0x328: {  	v0 =	vadd.f32 v17, v0  }
0x329: {  	v20 =	vld [tilespmem:$0x69D0]  }
0x32a: {  	v0 =	vadd.f32 v18, v0  }
0x32b: {  	v21 =	vld [tilespmem:$0x69E0]  }
0x32c: {  	v0 =	vadd.f32 v19, v0  }
0x32d: {  	v22 =	vld [tilespmem:$0x69F0]  }
0x32e: {  	v0 =	vadd.f32 v20, v0  }
0x32f: {  	v23 =	vld [tilespmem:$0x6A00]  }
0x330: {  	v0 =	vadd.f32 v21, v0  }
0x331: {  	v24 =	vld [tilespmem:$0x6A10]  }
0x332: {  	v0 =	vadd.f32 v22, v0  }
0x333: {  	v25 =	vld [tilespmem:$0x6A20]  }
0x334: {  	v0 =	vadd.f32 v23, v0  }
0x335: {  	v26 =	vld [tilespmem:$0x6A30]  }
0x336: {  	v0 =	vadd.f32 v24, v0;
	_ =	sdelay $0x1  }
0x337: {  	v0 =	vadd.f32 v25, v0;
	_ =	sdelay $0x1  }
0x338: {  	v0 =	vadd.f32 v26, v0;
	_ =	sdelay $0x1  }
0x339: {  	v0 =	vmul.f32 $5.000000070e-02, v0;
	_ =	sdelay $0x1  }
0x33a: {  	[tilespmem:s22+$0x60] =	vst v0  }
0x33b: {  	v0 =	vld [tilespmem:$0x6A40]  }
0x33c: {  	v27 =	vld [tilespmem:$0x6A50];
	_ =	sdelay $0x1  }
0x33d: {  	v28 =	vld [tilespmem:$0x6A60];
	_ =	sdelay $0x1  }
0x33e: {  	v29 =	vld [tilespmem:$0x6A70]  }
0x33f: {  	v0 =	vadd.f32 v27, v0  }
0x340: {  	v30 =	vld [tilespmem:$0x6A80]  }
0x341: {  	v0 =	vadd.f32 v28, v0  }
0x342: {  	v31 =	vld [tilespmem:$0x6A90]  }
0x343: {  	v0 =	vadd.f32 v29, v0  }
0x344: {  	v32 =	vld [tilespmem:$0x6AA0]  }
0x345: {  	v0 =	vadd.f32 v30, v0  }
0x346: {  	v33 =	vld [tilespmem:$0x6AB0]  }
0x347: {  	v0 =	vadd.f32 v31, v0  }
0x348: {  	v34 =	vld [tilespmem:$0x6AC0]  }
0x349: {  	v0 =	vadd.f32 v32, v0  }
0x34a: {  	v35 =	vld [tilespmem:$0x6AD0]  }
0x34b: {  	v0 =	vadd.f32 v33, v0  }
0x34c: {  	v36 =	vld [tilespmem:$0x6AE0]  }
0x34d: {  	v0 =	vadd.f32 v34, v0  }
0x34e: {  	v37 =	vld [tilespmem:$0x6AF0]  }
0x34f: {  	v0 =	vadd.f32 v35, v0  }
0x350: {  	v38 =	vld [tilespmem:$0x6B00]  }
0x351: {  	v0 =	vadd.f32 v36, v0  }
0x352: {  	v39 =	vld [tilespmem:$0x6B10]  }
0x353: {  	v0 =	vadd.f32 v37, v0  }
0x354: {  	v40 =	vld [tilespmem:$0x6B20]  }
0x355: {  	v0 =	vadd.f32 v38, v0  }
0x356: {  	v41 =	vld [tilespmem:$0x6B30]  }
0x357: {  	v0 =	vadd.f32 v39, v0  }
0x358: {  	v42 =	vld [tilespmem:$0x6B40]  }
0x359: {  	v0 =	vadd.f32 v40, v0  }
0x35a: {  	v43 =	vld [tilespmem:$0x6B50]  }
0x35b: {  	v0 =	vadd.f32 v41, v0  }
0x35c: {  	v44 =	vld [tilespmem:$0x6B60]  }
0x35d: {  	v0 =	vadd.f32 v42, v0  }
0x35e: {  	v45 =	vld [tilespmem:$0x6B70]  }
0x35f: {  	v0 =	vadd.f32 v43, v0;
	_ =	sdelay $0x1  }
0x360: {  	v0 =	vadd.f32 v44, v0;
	_ =	sdelay $0x1  }
0x361: {  	v0 =	vadd.f32 v45, v0;
	_ =	sdelay $0x1  }
0x362: {  	v0 =	vmul.f32 $5.000000070e-02, v0;
	_ =	sdelay $0x1  }
0x363: {  	[tilespmem:s22+$0x70] =	vst v0  }
0x364: {  	v0 =	vld [tilespmem:$0x6B80]  }
0x365: {  	v46 =	vld [tilespmem:$0x6B90];
	_ =	sdelay $0x1  }
0x366: {  	v47 =	vld [tilespmem:$0x6BA0];
	_ =	sdelay $0x1  }
0x367: {  	v48 =	vld [tilespmem:$0x6BB0]  }
0x368: {  	v0 =	vadd.f32 v46, v0  }
0x369: {  	v49 =	vld [tilespmem:$0x6BC0]  }
0x36a: {  	v0 =	vadd.f32 v47, v0  }
0x36b: {  	v50 =	vld [tilespmem:$0x6BD0]  }
0x36c: {  	v0 =	vadd.f32 v48, v0  }
0x36d: {  	v51 =	vld [tilespmem:$0x6BE0]  }
0x36e: {  	v0 =	vadd.f32 v49, v0  }
0x36f: {  	v52 =	vld [tilespmem:$0x6BF0]  }
0x370: {  	v0 =	vadd.f32 v50, v0  }
0x371: {  	v53 =	vld [tilespmem:$0x6C00]  }
0x372: {  	v0 =	vadd.f32 v51, v0  }
0x373: {  	v54 =	vld [tilespmem:$0x6C10]  }
0x374: {  	v0 =	vadd.f32 v52, v0  }
0x375: {  	v55 =	vld [tilespmem:$0x6C20]  }
0x376: {  	v0 =	vadd.f32 v53, v0  }
0x377: {  	v56 =	vld [tilespmem:$0x6C30]  }
0x378: {  	v0 =	vadd.f32 v54, v0  }
0x379: {  	v57 =	vld [tilespmem:$0x6C40]  }
0x37a: {  	v0 =	vadd.f32 v55, v0  }
0x37b: {  	v58 =	vld [tilespmem:$0x6C50]  }
0x37c: {  	v0 =	vadd.f32 v56, v0  }
0x37d: {  	v59 =	vld [tilespmem:$0x6C60]  }
0x37e: {  	v0 =	vadd.f32 v57, v0  }
0x37f: {  	v60 =	vld [tilespmem:$0x6C70]  }
0x380: {  	v0 =	vadd.f32 v58, v0  }
0x381: {  	v61 =	vld [tilespmem:$0x6C80]  }
0x382: {  	v0 =	vadd.f32 v59, v0  }
0x383: {  	v62 =	vld [tilespmem:$0x6C90]  }
0x384: {  	v0 =	vadd.f32 v60, v0  }
0x385: {  	v63 =	vld [tilespmem:$0x6CA0]  }
0x386: {  	v0 =	vadd.f32 v61, v0  }
0x387: {  	v6 =	vld [tilespmem:$0x6CB0]  }
0x388: {  	v0 =	vadd.f32 v62, v0;
	_ =	sdelay $0x1  }
0x389: {  	v0 =	vadd.f32 v63, v0;
	_ =	sdelay $0x1  }
0x38a: {  	v0 =	vadd.f32 v6, v0;
	_ =	sdelay $0x1  }
0x38b: {  	v0 =	vmul.f32 $5.000000070e-02, v0;
	_ =	sdelay $0x1  }
0x38c: {  	[tilespmem:s22+$0x80] =	vst v0  }
0x38d: {  	v0 =	vld [tilespmem:$0x6CC0]  }
0x38e: {  	v7 =	vld [tilespmem:$0x6CD0];
	_ =	sdelay $0x1  }
0x38f: {  	v8 =	vld [tilespmem:$0x6CE0];
	_ =	sdelay $0x1  }
0x390: {  	v9 =	vld [tilespmem:$0x6CF0]  }
0x391: {  	v0 =	vadd.f32 v7, v0  }
0x392: {  	v10 =	vld [tilespmem:$0x6D00]  }
0x393: {  	v0 =	vadd.f32 v8, v0  }
0x394: {  	v11 =	vld [tilespmem:$0x6D10]  }
0x395: {  	v0 =	vadd.f32 v9, v0  }
0x396: {  	v12 =	vld [tilespmem:$0x6D20]  }
0x397: {  	v0 =	vadd.f32 v10, v0  }
0x398: {  	v13 =	vld [tilespmem:$0x6D30]  }
0x399: {  	v0 =	vadd.f32 v11, v0  }
0x39a: {  	v14 =	vld [tilespmem:$0x6D40]  }
0x39b: {  	v0 =	vadd.f32 v12, v0  }
0x39c: {  	v15 =	vld [tilespmem:$0x6D50]  }
0x39d: {  	v0 =	vadd.f32 v13, v0  }
0x39e: {  	v16 =	vld [tilespmem:$0x6D60]  }
0x39f: {  	v0 =	vadd.f32 v14, v0  }
0x3a0: {  	v17 =	vld [tilespmem:$0x6D70]  }
0x3a1: {  	v0 =	vadd.f32 v15, v0  }
0x3a2: {  	v18 =	vld [tilespmem:$0x6D80]  }
0x3a3: {  	v0 =	vadd.f32 v16, v0  }
0x3a4: {  	v19 =	vld [tilespmem:$0x6D90]  }
0x3a5: {  	v0 =	vadd.f32 v17, v0  }
0x3a6: {  	v20 =	vld [tilespmem:$0x6DA0]  }
0x3a7: {  	v0 =	vadd.f32 v18, v0  }
0x3a8: {  	v21 =	vld [tilespmem:$0x6DB0]  }
0x3a9: {  	v0 =	vadd.f32 v19, v0  }
0x3aa: {  	v22 =	vld [tilespmem:$0x6DC0]  }
0x3ab: {  	v0 =	vadd.f32 v20, v0  }
0x3ac: {  	v23 =	vld [tilespmem:$0x6DD0]  }
0x3ad: {  	v0 =	vadd.f32 v21, v0  }
0x3ae: {  	v24 =	vld [tilespmem:$0x6DE0]  }
0x3af: {  	v0 =	vadd.f32 v22, v0  }
0x3b0: {  	v25 =	vld [tilespmem:$0x6DF0]  }
0x3b1: {  	v0 =	vadd.f32 v23, v0;
	_ =	sdelay $0x1  }
0x3b2: {  	v0 =	vadd.f32 v24, v0;
	_ =	sdelay $0x1  }
0x3b3: {  	v0 =	vadd.f32 v25, v0;
	_ =	sdelay $0x1  }
0x3b4: {  	v0 =	vmul.f32 $5.000000070e-02, v0;
	_ =	sdelay $0x1  }
0x3b5: {  	[tilespmem:s22+$0x90] =	vst v0  }
0x3b6: {  	v0 =	vld [tilespmem:$0x6E00]  }
0x3b7: {  	v26 =	vld [tilespmem:$0x6E10];
	_ =	sdelay $0x1  }
0x3b8: {  	v27 =	vld [tilespmem:$0x6E20];
	_ =	sdelay $0x1  }
0x3b9: {  	v28 =	vld [tilespmem:$0x6E30]  }
0x3ba: {  	v0 =	vadd.f32 v26, v0  }
0x3bb: {  	v29 =	vld [tilespmem:$0x6E40]  }
0x3bc: {  	v0 =	vadd.f32 v27, v0  }
0x3bd: {  	v30 =	vld [tilespmem:$0x6E50]  }
0x3be: {  	v0 =	vadd.f32 v28, v0  }
0x3bf: {  	v31 =	vld [tilespmem:$0x6E60]  }
0x3c0: {  	v0 =	vadd.f32 v29, v0  }
0x3c1: {  	v32 =	vld [tilespmem:$0x6E70]  }
0x3c2: {  	v0 =	vadd.f32 v30, v0  }
0x3c3: {  	v33 =	vld [tilespmem:$0x6E80]  }
0x3c4: {  	v0 =	vadd.f32 v31, v0  }
0x3c5: {  	v34 =	vld [tilespmem:$0x6E90]  }
0x3c6: {  	v0 =	vadd.f32 v32, v0  }
0x3c7: {  	v35 =	vld [tilespmem:$0x6EA0]  }
0x3c8: {  	v0 =	vadd.f32 v33, v0  }
0x3c9: {  	v36 =	vld [tilespmem:$0x6EB0]  }
0x3ca: {  	v0 =	vadd.f32 v34, v0  }
0x3cb: {  	v37 =	vld [tilespmem:$0x6EC0]  }
0x3cc: {  	v0 =	vadd.f32 v35, v0  }
0x3cd: {  	v38 =	vld [tilespmem:$0x6ED0]  }
0x3ce: {  	v0 =	vadd.f32 v36, v0  }
0x3cf: {  	v39 =	vld [tilespmem:$0x6EE0]  }
0x3d0: {  	v0 =	vadd.f32 v37, v0  }
0x3d1: {  	v40 =	vld [tilespmem:$0x6EF0]  }
0x3d2: {  	v0 =	vadd.f32 v38, v0  }
0x3d3: {  	v41 =	vld [tilespmem:$0x6F00]  }
0x3d4: {  	v0 =	vadd.f32 v39, v0  }
0x3d5: {  	v42 =	vld [tilespmem:$0x6F10]  }
0x3d6: {  	v0 =	vadd.f32 v40, v0  }
0x3d7: {  	v43 =	vld [tilespmem:$0x6F20]  }
0x3d8: {  	v0 =	vadd.f32 v41, v0  }
0x3d9: {  	v44 =	vld [tilespmem:$0x6F30]  }
0x3da: {  	v0 =	vadd.f32 v42, v0;
	_ =	sdelay $0x1  }
0x3db: {  	v0 =	vadd.f32 v43, v0;
	_ =	sdelay $0x1  }
0x3dc: {  	v0 =	vadd.f32 v44, v0;
	_ =	sdelay $0x1  }
0x3dd: {  	v0 =	vmul.f32 $5.000000070e-02, v0;
	_ =	sdelay $0x1  }
0x3de: {  	[tilespmem:s22+$0xA0] =	vst v0  }
0x3df: {  	v0 =	vld [tilespmem:$0x6F40]  }
0x3e0: {  	v45 =	vld [tilespmem:$0x6F50];
	_ =	sdelay $0x1  }
0x3e1: {  	v46 =	vld [tilespmem:$0x6F60];
	_ =	sdelay $0x1  }
0x3e2: {  	v47 =	vld [tilespmem:$0x6F70]  }
0x3e3: {  	v0 =	vadd.f32 v45, v0  }
0x3e4: {  	v48 =	vld [tilespmem:$0x6F80]  }
0x3e5: {  	v0 =	vadd.f32 v46, v0  }
0x3e6: {  	v49 =	vld [tilespmem:$0x6F90]  }
0x3e7: {  	v0 =	vadd.f32 v47, v0  }
0x3e8: {  	v50 =	vld [tilespmem:$0x6FA0]  }
0x3e9: {  	v0 =	vadd.f32 v48, v0  }
0x3ea: {  	v51 =	vld [tilespmem:$0x6FB0]  }
0x3eb: {  	v0 =	vadd.f32 v49, v0  }
0x3ec: {  	v52 =	vld [tilespmem:$0x6FC0]  }
0x3ed: {  	v0 =	vadd.f32 v50, v0  }
0x3ee: {  	v53 =	vld [tilespmem:$0x6FD0]  }
0x3ef: {  	v0 =	vadd.f32 v51, v0  }
0x3f0: {  	v54 =	vld [tilespmem:$0x6FE0]  }
0x3f1: {  	v0 =	vadd.f32 v52, v0  }
0x3f2: {  	v55 =	vld [tilespmem:$0x6FF0]  }
0x3f3: {  	v0 =	vadd.f32 v53, v0  }
0x3f4: {  	v56 =	vld [tilespmem:$0x7000]  }
0x3f5: {  	v0 =	vadd.f32 v54, v0  }
0x3f6: {  	v57 =	vld [tilespmem:$0x7010]  }
0x3f7: {  	v0 =	vadd.f32 v55, v0  }
0x3f8: {  	v58 =	vld [tilespmem:$0x7020]  }
0x3f9: {  	v0 =	vadd.f32 v56, v0  }
0x3fa: {  	v59 =	vld [tilespmem:$0x7030]  }
0x3fb: {  	v0 =	vadd.f32 v57, v0  }
0x3fc: {  	v60 =	vld [tilespmem:$0x7040]  }
0x3fd: {  	v0 =	vadd.f32 v58, v0  }
0x3fe: {  	v61 =	vld [tilespmem:$0x7050]  }
0x3ff: {  	v0 =	vadd.f32 v59, v0  }
0x400: {  	v62 =	vld [tilespmem:$0x7060]  }
0x401: {  	v0 =	vadd.f32 v60, v0  }
0x402: {  	v63 =	vld [tilespmem:$0x7070]  }
0x403: {  	v0 =	vadd.f32 v61, v0;
	_ =	sdelay $0x1  }
0x404: {  	v0 =	vadd.f32 v62, v0;
	_ =	sdelay $0x1  }
.Ltmp2:
0x405: {  	v0 =	vadd.f32 v63, v0;
	(pc) =	sbr.rel @p0 .LBB2_4-.Ltmp2, $3  }
0x406: {  	_ = 	snop  }
0x407: {  	v0 =	vmul.f32 $5.000000070e-02, v0;
	_ =	sdelay $0x1  }
0x408: {  	[tilespmem:s22+$0xB0] =	vst v0  }
.Ltmp3:
0x409: {  	(pc) =	sbr.rel .LBB2_2-.Ltmp3, $4  }
0x40a: {  	_ = 	snop  }
0x40b: {  	s23 =	sshra.s32 s21, $0x2  }
0x40c: {  	s21 =	sadd.s32 $0x780, s21;
	s22 =	sadd.s32 $0x180, s22;
	s23 =	sadd.s32 $0x53E8, s23  }
0x40d: {  	[tilespmem:s14], [sflag:$0x4] =	stream.indirect.gather [hbm4b:s3+s8], $0x10, s23, s8, $0xb8;
	[tilespmem:$0xB280] =	vst v63  }
.LBB2_5:
0x40e: {  	_ =	sfence.sel $0x180000  }
0x40f: {  	[bflag:$0x0] =	sbarrier.arrive $0xFFFF  }
0x410: {  	p0 =	sne.s32 s0, $0x0;
	_ =	strace $0x90000047  }
0x411: {  	s0 =	sadd.s32 @!p0 $0x100000, s1;
	[bflag:$0x2] =	sbarrier.arrive $0xFFFF  }
0x412: {  	[sflag:s0] =	ssyncadd.tile.s32 @!p0 $0x1;
	_ =	shalt  }
.Lfunc_end2:
_tile_overlayer_lowered:
.L_overlay_start_2:
0x413: {  	(tag) =	ssettag $0x2  }
0x414: {  	s0 =	rddreg [dreg:$0x0];
	s2 =	stileid.u32  }
0x415: {  	s1 =	rddreg [dreg:$0x1];
	p0 =	sne.s32 s2, $0x0  }
0x416: {  	s3 =	rddreg [dreg:$0x2];
	[bflag:$0x3] =	sbarrier.arrive $0xFFFF;
	s2 =	simm.s32 @!p0 $0x1C05  }
0x417: {  	[timem:s3], [sflag:s2] =	dma.local @!p0 [hbm:s0], s1  }
0x418: {  	s0 =	simm.s32 @!p0 $0x5  }
0x419: {  	_ =	swait.ge @!p0 [sflag:s0], s1  }
0x41a: {  	s1 =	ssub.s32 @!p0 $0x0, s1;
	[sflag:s0] =	ssyncset.done @!p0 $0x0  }
0x41b: {  	[sflag:s0] =	ssyncadd.s32 @!p0 s1  }
0x41c: {  	[bflag:$0x3] =	sbarrier.arrive $0xFFFF  }
0x41d: {  	_ =	shalt  }

</sc_bundles>
